<compile_context>
chip_gen: v7x
topology: tpu7x:2x2x1
jax: 0.10.2.dev20260603
libtpu: 0.0.44.dev20260713+nightly
codegen_flags: <defaults>
</compile_context>

<pallas_src>
import jax
import jax.numpy as jnp
from jax import lax
from jax.experimental import pallas as pl
from jax.experimental.pallas import tpu as pltpu
from jax.experimental.pallas import tpu_sc as plsc

N = 1048576
NUM_TILES = 16
CHUNK = N // NUM_TILES
SUB = 32768
NSUB = CHUNK // SUB
VREGS = SUB // 16
MAX_ENTS = 4096 + 16

NEG = float("-inf")


def _sc_body(x_hbm, b_hbm, thr_hbm, out_hbm, shf_hbm, shi_hbm,
             x_buf, b_buf, ent_i, ent_v, thr_buf, rowf_buf, rowi_buf, val16,
             macc, tbl_i, tbl_f, sem):
    tid = lax.axis_index("s")
    iota = lax.iota(jnp.int32, 16)
    zeros16 = jnp.zeros((16,), jnp.int32)
    full15 = jnp.full((16,), 15, jnp.int32)
    shift_idx = [jnp.maximum(iota - k, 0) for k in (1, 2, 4, 8)]

    pltpu.sync_copy(thr_hbm, thr_buf)
    thr_vec = thr_buf[...]

    def step(off, gbase, carry):
        cb, cv, ci, cm = carry
        v = x_buf[pl.ds(off, 16)]
        b = b_buf[pl.ds(off, 16)]
        bt = b_buf[pl.ds(off + 1, 16)]
        gidx = iota + (gbase + off)
        fv, fi = v, gidx
        for k in range(4):
            sv = fv[shift_idx[k]]
            si = fi[shift_idx[k]]
            sb = b[shift_idx[k]]
            same = b == sb
            cvk = jnp.where(same, sv, NEG)
            fi = jnp.where(fv >= cvk, fi, si)
            fv = jnp.maximum(fv, cvk)
        same_c = b == cb
        cvv = jnp.where(same_c, cv, NEG)
        fi = jnp.where(fv >= cvv, fi, ci)
        fv = jnp.maximum(fv, cvv)
        mend = b != bt
        csum = plsc.cumsum(jnp.where(mend, 1, 0))
        dest = cm + csum
        plsc.store_scatter(ent_i, [dest], fi, mask=mend)
        plsc.store_scatter(ent_v, [dest], fv, mask=mend)
        npop = jnp.max(csum)
        x_buf[pl.ds(off, 16)] = jnp.maximum(v - thr_vec, 0.0)
        return (b[full15], fv[full15], fi[full15], cm + npop)

    HALF = VREGS // 16

    def body(j, carry):
        sidx = j // HALF
        jj = j - sidx * HALF
        gbase = tid * CHUNK + sidx * SUB

        @pl.when(jj == 0)
        def _():
            pltpu.sync_copy(x_hbm.at[pl.ds(gbase, SUB)],
                            x_buf.at[pl.ds(0, SUB)])
            pltpu.sync_copy(b_hbm.at[pl.ds(gbase, SUB)],
                            b_buf.at[pl.ds(0, SUB)])
            @pl.when(sidx == NSUB - 1)
            def _():
                b_buf[pl.ds(SUB, 16)] = jnp.full((16,), -1, jnp.int32)

            @pl.when(sidx != NSUB - 1)
            def _():
                pltpu.sync_copy(b_hbm.at[pl.ds(gbase + SUB, 16)],
                                b_buf.at[pl.ds(SUB, 16)])

        off = jj * 256
        for u in range(16):
            carry = step(off + 16 * u, gbase, carry)

        @pl.when(jj == HALF - 1)
        def _():
            pltpu.sync_copy(x_buf.at[pl.ds(0, SUB)],
                            out_hbm.at[pl.ds(gbase, SUB)])

        return carry

    _, _, _, cm_f = lax.fori_loop(
        0, NSUB * HALF, body,
        (jnp.full((16,), -1, jnp.int32), jnp.full((16,), NEG, jnp.float32),
         jnp.full((16,), -1, jnp.int32), jnp.int32(-1)))
    cnt = cm_f + 1

    pltpu.sync_copy(b_hbm.at[pl.ds(tid * CHUNK, 16)], b_buf.at[pl.ds(0, 16)])
    b_first = b_buf[pl.ds(0, 16)][zeros16]
    pltpu.sync_copy(b_hbm.at[pl.ds((tid + 1) * CHUNK - 16, 16)],
                    b_buf.at[pl.ds(16, 16)])
    blast = b_buf[pl.ds(16, 16)][full15]
    nbase = jnp.where(tid == NUM_TILES - 1, 0, (tid + 1) * CHUNK)
    pltpu.sync_copy(b_hbm.at[pl.ds(nbase, 16)], b_buf.at[pl.ds(32, 16)])
    bnext = b_buf[pl.ds(32, 16)][zeros16]

    last_ix = jnp.broadcast_to(cnt - 1, (16,))
    mtv = plsc.load_gather(ent_v, [last_ix])
    mti = plsc.load_gather(ent_i, [last_ix])
    e0v = ent_v[pl.ds(0, 16)][zeros16]
    cnt_v = jnp.broadcast_to(cnt, (16,))
    macc[...] = jnp.full((16,), NEG, jnp.float32)

    def emax(g, _):
        base = g * 16
        ev = ent_v[pl.ds(base, 16)]
        ok = (iota + base) < cnt_v
        macc[...] = jnp.maximum(macc[...], jnp.where(ok, ev, NEG))
        return 0

    lax.fori_loop(0, (cnt + 15) // 16, emax, 0)
    cmax = jnp.broadcast_to(jnp.max(macc[...]), (16,))

    cnt_b = jnp.broadcast_to(cnt, (16,))
    row_i = jnp.where(iota == 0, b_first,
            jnp.where(iota == 1, blast,
            jnp.where(iota == 2, mti, cnt_b)))
    row_f = jnp.where(iota == 0, mtv,
            jnp.where(iota == 1, cmax, e0v))
    rowf_buf[...] = row_f
    rowi_buf[...] = plsc.bitcast(row_i, jnp.float32)
    plsc.subcore_barrier()
    pltpu.sync_copy(rowf_buf, shf_hbm.at[tid])
    pltpu.sync_copy(rowi_buf, shi_hbm.at[tid])

    plsc.subcore_barrier()

    pltpu.sync_copy(shi_hbm, tbl_i)
    pltpu.sync_copy(shf_hbm, tbl_f)
    lane = iota
    blast_col = plsc.bitcast(
        plsc.load_gather(tbl_i, [lane, jnp.full((16,), 1, jnp.int32)]),
        jnp.int32)
    mti_col = plsc.bitcast(
        plsc.load_gather(tbl_i, [lane, jnp.full((16,), 2, jnp.int32)]),
        jnp.int32)
    mtv_col = plsc.load_gather(tbl_f, [lane, zeros16])
    cmax_col = plsc.load_gather(tbl_f, [lane, jnp.full((16,), 1, jnp.int32)])

    gmax = jnp.max(cmax_col)
    thr_s = jnp.max(thr_buf[...])
    max_value = jnp.maximum(jnp.maximum(gmax - thr_s, 0.0), jnp.float32(1.0))
    val16[...] = jnp.broadcast_to(max_value, (16,))

    real_end = jnp.logical_or(tid == NUM_TILES - 1,
                              jnp.max(blast) != jnp.max(bnext))
    scnt = cnt - 1 + jnp.where(real_end, jnp.int32(1), jnp.int32(0))

    m = (blast_col == b_first) & (lane < tid)
    Cv = jnp.max(jnp.where(m, mtv_col, NEG))
    Ci = jnp.max(jnp.where(m & (mtv_col == Cv), mti_col, -1))
    e0v_s = jnp.max(e0v)

    @pl.when((scnt > 0) & (Cv > e0v_s))
    def _():
        e0 = ent_i[pl.ds(0, 16)]
        ent_i[pl.ds(0, 16)] = jnp.where(iota == 0,
                                        jnp.broadcast_to(Ci, (16,)), e0)

    ngroups = (scnt + 15) // 16

    def scat(g, _):
        base = g * 16
        idxv = ent_i[pl.ds(base, 16)]
        li = jnp.minimum(iota, scnt - base - 1)
        idxv = idxv[li]
        pltpu.async_copy(val16, out_hbm.at[idxv], sem).wait()
        return 0

    lax.fori_loop(0, ngroups, scat, 0)


def kernel(x, batch, threshold):
    mesh = plsc.VectorSubcoreMesh(core_axis_name="c", subcore_axis_name="s",
                                  num_cores=1, num_subcores=NUM_TILES)
    f = pl.kernel(
        _sc_body,
        out_type=(jax.ShapeDtypeStruct((N,), jnp.float32),
                  jax.ShapeDtypeStruct((16, 16), jnp.float32),
                  jax.ShapeDtypeStruct((16, 16), jnp.float32)),
        mesh=mesh,
        compiler_params=pltpu.CompilerParams(needs_layout_passes=False),
        scratch_types=[
            pltpu.VMEM((SUB,), jnp.float32),
            pltpu.VMEM((SUB + 16,), jnp.int32),
            pltpu.VMEM((MAX_ENTS,), jnp.int32),
            pltpu.VMEM((MAX_ENTS,), jnp.float32),
            pltpu.VMEM((16,), jnp.float32),
            pltpu.VMEM((16,), jnp.float32),
            pltpu.VMEM((16,), jnp.float32),
            pltpu.VMEM((16,), jnp.float32),
            pltpu.VMEM((16,), jnp.float32),
            pltpu.VMEM((16, 16), jnp.float32),
            pltpu.VMEM((16, 16), jnp.float32),
            pltpu.SemaphoreType.DMA,
        ],
    )
    out, _, _ = f(x, batch.astype(jnp.int32),
                  jnp.broadcast_to(threshold.astype(jnp.float32), (16,)))
    return out

# --- scband reference (transcript-rebuilt; emitter-appended) ---
"""Pipeline reference for scband-sparse-activate-31413390803092 (READ-ONLY COPY).

The authoritative reference and input builder live on the scoring server;
editing this copy changes nothing except your own understanding.
"""

import jax, jax.numpy as jnp
import numpy as np

N = 1048576
NUM_SEGMENTS = 4096


def setup_inputs(seed: int = 0) -> dict:
    key = jax.random.key(seed)
    k1, k2 = jax.random.split(key)
    x = jax.random.normal(k1, (N,), dtype=jnp.float32)
    batch = jnp.sort(jax.random.randint(k2, (N,), 0, NUM_SEGMENTS)).astype(jnp.int64)
    threshold = jnp.array([-0.99], dtype=jnp.float32)
    return {"x": x, "batch": batch, "threshold": threshold}


def _scatter_max_with_argmax(x, batch, num_segments):
    # emulate torch_scatter.scatter_max: per-segment max value and one argmax index
    seg_max = jax.ops.segment_max(x, batch, num_segments=num_segments)
    idx = jnp.arange(x.shape[0], dtype=jnp.int64)
    cand = jnp.where(x == seg_max[batch], idx, jnp.int64(-1))
    argmax = jax.ops.segment_max(cand, batch, num_segments=num_segments)
    return seg_max, argmax


def reference(x, batch, threshold):
    tmp, argmax = _scatter_max_with_argmax(x, batch, NUM_SEGMENTS)
    # max_value = zeros(N); max_value[argmax] = 1  (skip empty segments safely)
    valid = (argmax >= 0)
    safe_idx = jnp.where(valid, argmax, 0)
    max_flag = jnp.zeros(x.shape[0], dtype=jnp.float32).at[safe_idx].max(valid.astype(jnp.float32))
    max_mask = max_flag.astype(bool)
    # value = ReLU(x - threshold)
    value = jax.nn.relu(x - threshold[0])
    # max_value = max(max(value), 1.0)
    max_value = jnp.maximum(jnp.max(value), jnp.float32(1.0))
    merged_value = value * (~max_mask) + max_value * max_mask
    return merged_value

if __name__ == "__main__":
    import jax
    _d = setup_inputs()
    print(jax.jit(kernel)(*tuple(_d.values())))

</pallas_src>

<mosaic_0001>
#map = affine_map<(d0, d1) -> (0)>
#map1 = affine_map<(d0, d1) -> (0, 0)>
module attributes {stable_mosaic.version = 14 : i64} {
  func.func @_sc_body(%arg0: i32, %arg1: i32, %arg2: memref<1048576xf32, #tpu.memory_space<hbm>>, %arg3: memref<1048576xi32, #tpu.memory_space<hbm>>, %arg4: memref<16xf32, #tpu.memory_space<hbm>>, %arg5: memref<1048576xf32, #tpu.memory_space<hbm>>, %arg6: memref<16x16xf32, #tpu.memory_space<hbm>>, %arg7: memref<16x16xf32, #tpu.memory_space<hbm>>, %arg8: memref<32768xf32, #tpu.memory_space<vmem>>, %arg9: memref<32784xi32, #tpu.memory_space<vmem>>, %arg10: memref<4112xi32, #tpu.memory_space<vmem>>, %arg11: memref<4112xf32, #tpu.memory_space<vmem>>, %arg12: memref<16xf32, #tpu.memory_space<vmem>>, %arg13: memref<16xf32, #tpu.memory_space<vmem>>, %arg14: memref<16xf32, #tpu.memory_space<vmem>>, %arg15: memref<16xf32, #tpu.memory_space<vmem>>, %arg16: memref<16xf32, #tpu.memory_space<vmem>>, %arg17: memref<16x16xf32, #tpu.memory_space<vmem>>, %arg18: memref<16x16xf32, #tpu.memory_space<vmem>>, %arg19: memref<!tpu.dma_semaphore, #tpu.memory_space<semaphore_mem>>) attributes {dimension_semantics = [#tpu.dimension_semantics<core_parallel>, #tpu.dimension_semantics<subcore_parallel>], iteration_bounds = array<i64: 1, 16>, scalar_prefetch = 0 : i64, scratch_operands = 12 : i64, tpu.core_type = #tpu.core_type<sc_vector_subcore>, window_params = [{transform_indices = #map}, {transform_indices = #map}, {transform_indices = #map}, {transform_indices = #map}, {transform_indices = #map1}, {transform_indices = #map1}]} {
    %iota3A = tpu.iota {dimensions = array<i32: 0>} : vector<16xi32>
    %broadcast_in_dim3A = arith.constant 0 : i32
    %broadcast_in_dim3A_0 = vector.broadcast %broadcast_in_dim3A : i32 to vector<16xi32>
    %broadcast_in_dim3A_1 = arith.constant 15 : i32
    %broadcast_in_dim3A_2 = vector.broadcast %broadcast_in_dim3A_1 : i32 to vector<16xi32>
    %sub3A = arith.constant 1 : i32
    %sub3A_3 = vector.broadcast %sub3A : i32 to vector<16xi32>
    %sub3A_4 = arith.subi %iota3A, %sub3A_3 : vector<16xi32>
    %max3A = arith.constant 0 : i32
    %max3A_5 = vector.broadcast %max3A : i32 to vector<16xi32>
    %max3A_6 = arith.maxsi %sub3A_4, %max3A_5 : vector<16xi32>
    %sub3A_7 = arith.constant 2 : i32
    %sub3A_8 = vector.broadcast %sub3A_7 : i32 to vector<16xi32>
    %sub3A_9 = arith.subi %iota3A, %sub3A_8 : vector<16xi32>
    %max3A_10 = arith.constant 0 : i32
    %max3A_11 = vector.broadcast %max3A_10 : i32 to vector<16xi32>
    %max3A_12 = arith.maxsi %sub3A_9, %max3A_11 : vector<16xi32>
    %sub3A_13 = arith.constant 4 : i32
    %sub3A_14 = vector.broadcast %sub3A_13 : i32 to vector<16xi32>
    %sub3A_15 = arith.subi %iota3A, %sub3A_14 : vector<16xi32>
    %max3A_16 = arith.constant 0 : i32
    %max3A_17 = vector.broadcast %max3A_16 : i32 to vector<16xi32>
    %max3A_18 = arith.maxsi %sub3A_15, %max3A_17 : vector<16xi32>
    %sub3A_19 = arith.constant 8 : i32
    %sub3A_20 = vector.broadcast %sub3A_19 : i32 to vector<16xi32>
    %sub3A_21 = arith.subi %iota3A, %sub3A_20 : vector<16xi32>
    %max3A_22 = arith.constant 0 : i32
    %max3A_23 = vector.broadcast %max3A_22 : i32 to vector<16xi32>
    %max3A_24 = arith.maxsi %sub3A_21, %max3A_23 : vector<16xi32>
    "tpu.region"() ({
      %run_scoped3A = tpu.sem_alloc : memref<!tpu.dma_semaphore, #tpu.memory_space<semaphore_mem>>
      tpu.enqueue_dma source(%arg4 : memref<16xf32, #tpu.memory_space<hbm>>) target(%arg12 : memref<16xf32, #tpu.memory_space<vmem>>) target_semaphore(%run_scoped3A : memref<!tpu.dma_semaphore, #tpu.memory_space<semaphore_mem>>)
      tpu.wait_dma2 semaphore(%run_scoped3A : memref<!tpu.dma_semaphore, #tpu.memory_space<semaphore_mem>>) src(%arg4 : memref<16xf32, #tpu.memory_space<hbm>>) dst(%arg12 : memref<16xf32, #tpu.memory_space<vmem>>)
      tpu.yield
    }) : () -> ()
    %get3A = arith.constant 0 : index
    %get3A_25 = tpu.vector_load %arg12[%get3A] {strides = array<i32>} : memref<16xf32, #tpu.memory_space<vmem>>, vector<16xf32>,
    %broadcast_in_dim3A_26 = arith.constant -1 : i32
    %broadcast_in_dim3A_27 = vector.broadcast %broadcast_in_dim3A_26 : i32 to vector<16xi32>
    %broadcast_in_dim3A_28 = arith.constant 0xFF800000 : f32
    %broadcast_in_dim3A_29 = vector.broadcast %broadcast_in_dim3A_28 : f32 to vector<16xf32>
    %broadcast_in_dim3A_30 = arith.constant -1 : i32
    %broadcast_in_dim3A_31 = vector.broadcast %broadcast_in_dim3A_30 : i32 to vector<16xi32>
    %scan3A = arith.constant -1 : i32
    %scan3A_32 = arith.constant 0 : i32
    %scan3A_33 = arith.constant 256 : i32
    %scan3A_34 = arith.addi %scan3A_32, %scan3A_33 : i32
    %scan3A_35 = arith.constant 1 : i32
    %scan3A_36:4 = scf.for %scan3A_296 = %scan3A_32 to %scan3A_34 step %scan3A_35 iter_args(%scan3A_297 = %broadcast_in_dim3A_27, %scan3A_298 = %broadcast_in_dim3A_29, %scan3A_299 = %broadcast_in_dim3A_31, %scan3A_300 = %scan3A) -> (vector<16xi32>, vector<16xf32>, vector<16xi32>, i32)  : i32 {
      %jit3A_301 = arith.constant 128 : i32
      %div3A_302 = arith.divsi %scan3A_296, %jit3A_301 : i32
      %sign3A_303 = arith.constant 0 : i32
      %sign3A_304 = arith.cmpi sgt, %scan3A_296, %sign3A_303 : i32
      %sign3A_305 = arith.extui %sign3A_304 : i1 to i32
      %sign3A_306 = arith.constant 0 : i32
      %sign3A_307 = arith.cmpi slt, %scan3A_296, %sign3A_306 : i32
      %sign3A_308 = arith.extui %sign3A_307 : i1 to i32
      %sign3A_309 = arith.subi %sign3A_305, %sign3A_308 : i32
      %sign3A_310 = arith.constant 0 : i32
      %sign3A_311 = arith.cmpi sgt, %jit3A_301, %sign3A_310 : i32
      %sign3A_312 = arith.extui %sign3A_311 : i1 to i32
      %sign3A_313 = arith.constant 0 : i32
      %sign3A_314 = arith.cmpi slt, %jit3A_301, %sign3A_313 : i32
      %sign3A_315 = arith.extui %sign3A_314 : i1 to i32
      %sign3A_316 = arith.subi %sign3A_312, %sign3A_315 : i32
      %ne3A_317 = arith.cmpi ne, %sign3A_309, %sign3A_316 : i32
      %rem3A_318 = arith.remsi %scan3A_296, %jit3A_301 : i32
      %ne3A_319 = arith.constant 0 : i32
      %ne3A_320 = arith.cmpi ne, %rem3A_318, %ne3A_319 : i32
      %and3A_321 = arith.andi %ne3A_317, %ne3A_320 : i1
      %sub3A_322 = arith.constant 1 : i32
      %sub3A_323 = arith.subi %div3A_302, %sub3A_322 : i32
      %select_n3A_324 = arith.select %and3A_321, %sub3A_323, %div3A_302 : i32
      %mul3A_325 = arith.constant 128 : i32
      %mul3A_326 = arith.muli %select_n3A_324, %mul3A_325 : i32
      %sub3A_327 = arith.subi %scan3A_296, %mul3A_326 : i32
      %mul3A_328 = arith.constant 65536 : i32
      %mul3A_329 = arith.muli %arg1, %mul3A_328 : i32
      %mul3A_330 = arith.constant 32768 : i32
      %mul3A_331 = arith.muli %select_n3A_324, %mul3A_330 : i32
      %add3A_332 = arith.addi %mul3A_329, %mul3A_331 : i32
      %eq3A_333 = arith.constant 0 : i32
      %eq3A_334 = arith.cmpi eq, %sub3A_327, %eq3A_333 : i32
      %convert_element_type3A_335 = arith.extui %eq3A_334 : i1 to i32
      %cond3A_336 = arith.constant 0 : i32
      %cond3A_337 = arith.cmpi ne, %convert_element_type3A_335, %cond3A_336 : i32
      scf.if %cond3A_337 {
        "tpu.region"() ({
          %run_scoped3A = tpu.sem_alloc : memref<!tpu.dma_semaphore, #tpu.memory_space<semaphore_mem>>
          %dma_start3A = arith.constant 0 : i32
          %dma_start3A_3937 = tpu.memref_slice %arg8[%dma_start3A] : memref<32768xf32, #tpu.memory_space<vmem>> -> memref<32768xf32, #tpu.memory_space<vmem>>
          %dma_start3A_3938 = tpu.memref_slice %arg2[%add3A_332] : memref<1048576xf32, #tpu.memory_space<hbm>> -> memref<32768xf32, #tpu.memory_space<hbm>>
          %dma_start3A_3939 = arith.constant 0 : i32
          %dma_start3A_3940 = tpu.memref_slice %arg8[%dma_start3A_3939] : memref<32768xf32, #tpu.memory_space<vmem>> -> memref<32768xf32, #tpu.memory_space<vmem>>
          %dma_start3A_3941 = tpu.memref_slice %arg2[%add3A_332] : memref<1048576xf32, #tpu.memory_space<hbm>> -> memref<32768xf32, #tpu.memory_space<hbm>>
          tpu.enqueue_dma source(%dma_start3A_3941 : memref<32768xf32, #tpu.memory_space<hbm>>) target(%dma_start3A_3940 : memref<32768xf32, #tpu.memory_space<vmem>>) target_semaphore(%run_scoped3A : memref<!tpu.dma_semaphore, #tpu.memory_space<semaphore_mem>>)
          %dma_wait3A = arith.constant 0 : i32
          %dma_wait3A_3942 = tpu.memref_slice %arg8[%dma_wait3A] : memref<32768xf32, #tpu.memory_space<vmem>> -> memref<32768xf32, #tpu.memory_space<vmem>>
          %dma_wait3A_3943 = tpu.memref_slice %arg2[%add3A_332] : memref<1048576xf32, #tpu.memory_space<hbm>> -> memref<32768xf32, #tpu.memory_space<hbm>>
          %dma_wait3A_3944 = arith.constant 0 : i32
          %dma_wait3A_3945 = tpu.memref_slice %arg8[%dma_wait3A_3944] : memref<32768xf32, #tpu.memory_space<vmem>> -> memref<32768xf32, #tpu.memory_space<vmem>>
          %dma_wait3A_3946 = tpu.memref_slice %arg2[%add3A_332] : memref<1048576xf32, #tpu.memory_space<hbm>> -> memref<32768xf32, #tpu.memory_space<hbm>>
          tpu.wait_dma2 semaphore(%run_scoped3A : memref<!tpu.dma_semaphore, #tpu.memory_space<semaphore_mem>>) src(%dma_wait3A_3946 : memref<32768xf32, #tpu.memory_space<hbm>>) dst(%dma_wait3A_3945 : memref<32768xf32, #tpu.memory_space<vmem>>)
          tpu.yield
        }) : () -> ()
        "tpu.region"() ({
          %run_scoped3A = tpu.sem_alloc : memref<!tpu.dma_semaphore, #tpu.memory_space<semaphore_mem>>
          %dma_start3A = arith.constant 0 : i32
          %dma_start3A_3937 = tpu.memref_slice %arg9[%dma_start3A] : memref<32784xi32, #tpu.memory_space<vmem>> -> memref<32768xi32, #tpu.memory_space<vmem>>
          %dma_start3A_3938 = tpu.memref_slice %arg3[%add3A_332] : memref<1048576xi32, #tpu.memory_space<hbm>> -> memref<32768xi32, #tpu.memory_space<hbm>>
          %dma_start3A_3939 = arith.constant 0 : i32
          %dma_start3A_3940 = tpu.memref_slice %arg9[%dma_start3A_3939] : memref<32784xi32, #tpu.memory_space<vmem>> -> memref<32768xi32, #tpu.memory_space<vmem>>
          %dma_start3A_3941 = tpu.memref_slice %arg3[%add3A_332] : memref<1048576xi32, #tpu.memory_space<hbm>> -> memref<32768xi32, #tpu.memory_space<hbm>>
          tpu.enqueue_dma source(%dma_start3A_3941 : memref<32768xi32, #tpu.memory_space<hbm>>) target(%dma_start3A_3940 : memref<32768xi32, #tpu.memory_space<vmem>>) target_semaphore(%run_scoped3A : memref<!tpu.dma_semaphore, #tpu.memory_space<semaphore_mem>>)
          %dma_wait3A = arith.constant 0 : i32
          %dma_wait3A_3942 = tpu.memref_slice %arg9[%dma_wait3A] : memref<32784xi32, #tpu.memory_space<vmem>> -> memref<32768xi32, #tpu.memory_space<vmem>>
          %dma_wait3A_3943 = tpu.memref_slice %arg3[%add3A_332] : memref<1048576xi32, #tpu.memory_space<hbm>> -> memref<32768xi32, #tpu.memory_space<hbm>>
          %dma_wait3A_3944 = arith.constant 0 : i32
          %dma_wait3A_3945 = tpu.memref_slice %arg9[%dma_wait3A_3944] : memref<32784xi32, #tpu.memory_space<vmem>> -> memref<32768xi32, #tpu.memory_space<vmem>>
          %dma_wait3A_3946 = tpu.memref_slice %arg3[%add3A_332] : memref<1048576xi32, #tpu.memory_space<hbm>> -> memref<32768xi32, #tpu.memory_space<hbm>>
          tpu.wait_dma2 semaphore(%run_scoped3A : memref<!tpu.dma_semaphore, #tpu.memory_space<semaphore_mem>>) src(%dma_wait3A_3946 : memref<32768xi32, #tpu.memory_space<hbm>>) dst(%dma_wait3A_3945 : memref<32768xi32, #tpu.memory_space<vmem>>)
          tpu.yield
        }) : () -> ()
        %eq3A_3927 = arith.constant 1 : i32
        %eq3A_3928 = arith.cmpi eq, %select_n3A_324, %eq3A_3927 : i32
        %convert_element_type3A_3929 = arith.extui %eq3A_3928 : i1 to i32
        %cond3A_3930 = arith.constant 0 : i32
        %cond3A_3931 = arith.cmpi ne, %convert_element_type3A_3929, %cond3A_3930 : i32
        scf.if %cond3A_3931 {
          %broadcast_in_dim3A_3937 = arith.constant -1 : i32
          %broadcast_in_dim3A_3938 = vector.broadcast %broadcast_in_dim3A_3937 : i32 to vector<16xi32>
          %swap3A_3939 = arith.constant 32768 : index
          %swap3A_3940 = tpu.vector_load %arg9[%swap3A_3939] {strides = array<i32>} : memref<32784xi32, #tpu.memory_space<vmem>>, vector<16xi32>,
          tpu.vector_store %arg9[%swap3A_3939], %broadcast_in_dim3A_3938 {strides = array<i32>} : memref<32784xi32, #tpu.memory_space<vmem>>, vector<16xi32>,
        } else {
        }
        %ne3A_3932 = arith.constant 1 : i32
        %ne3A_3933 = arith.cmpi ne, %select_n3A_324, %ne3A_3932 : i32
        %convert_element_type3A_3934 = arith.extui %ne3A_3933 : i1 to i32
        %cond3A_3935 = arith.constant 0 : i32
        %cond3A_3936 = arith.cmpi ne, %convert_element_type3A_3934, %cond3A_3935 : i32
        scf.if %cond3A_3936 {
          %add3A_3937 = arith.constant 32768 : i32
          %add3A_3938 = arith.addi %add3A_332, %add3A_3937 : i32
          "tpu.region"() ({
            %run_scoped3A = tpu.sem_alloc : memref<!tpu.dma_semaphore, #tpu.memory_space<semaphore_mem>>
            %dma_start3A = arith.constant 32768 : i32
            %dma_start3A_3939 = tpu.memref_slice %arg9[%dma_start3A] : memref<32784xi32, #tpu.memory_space<vmem>> -> memref<16xi32, #tpu.memory_space<vmem>>
            %dma_start3A_3940 = tpu.memref_slice %arg3[%add3A_3938] : memref<1048576xi32, #tpu.memory_space<hbm>> -> memref<16xi32, #tpu.memory_space<hbm>>
            %dma_start3A_3941 = arith.constant 32768 : i32
            %dma_start3A_3942 = tpu.memref_slice %arg9[%dma_start3A_3941] : memref<32784xi32, #tpu.memory_space<vmem>> -> memref<16xi32, #tpu.memory_space<vmem>>
            %dma_start3A_3943 = tpu.memref_slice %arg3[%add3A_3938] : memref<1048576xi32, #tpu.memory_space<hbm>> -> memref<16xi32, #tpu.memory_space<hbm>>
            tpu.enqueue_dma source(%dma_start3A_3943 : memref<16xi32, #tpu.memory_space<hbm>>) target(%dma_start3A_3942 : memref<16xi32, #tpu.memory_space<vmem>>) target_semaphore(%run_scoped3A : memref<!tpu.dma_semaphore, #tpu.memory_space<semaphore_mem>>)
            %dma_wait3A = arith.constant 32768 : i32
            %dma_wait3A_3944 = tpu.memref_slice %arg9[%dma_wait3A] : memref<32784xi32, #tpu.memory_space<vmem>> -> memref<16xi32, #tpu.memory_space<vmem>>
            %dma_wait3A_3945 = tpu.memref_slice %arg3[%add3A_3938] : memref<1048576xi32, #tpu.memory_space<hbm>> -> memref<16xi32, #tpu.memory_space<hbm>>
            %dma_wait3A_3946 = arith.constant 32768 : i32
            %dma_wait3A_3947 = tpu.memref_slice %arg9[%dma_wait3A_3946] : memref<32784xi32, #tpu.memory_space<vmem>> -> memref<16xi32, #tpu.memory_space<vmem>>
            %dma_wait3A_3948 = tpu.memref_slice %arg3[%add3A_3938] : memref<1048576xi32, #tpu.memory_space<hbm>> -> memref<16xi32, #tpu.memory_space<hbm>>
            tpu.wait_dma2 semaphore(%run_scoped3A : memref<!tpu.dma_semaphore, #tpu.memory_space<semaphore_mem>>) src(%dma_wait3A_3948 : memref<16xi32, #tpu.memory_space<hbm>>) dst(%dma_wait3A_3947 : memref<16xi32, #tpu.memory_space<vmem>>)
            tpu.yield
          }) : () -> ()
        } else {
        }
      } else {
      }
      %mul3A_338 = arith.constant 256 : i32
      %mul3A_339 = arith.muli %sub3A_327, %mul3A_338 : i32
      %add3A_340 = arith.constant 0 : i32
      %add3A_341 = arith.addi %mul3A_339, %add3A_340 : i32
      %get3A_342 = arith.index_cast %add3A_341 : i32 to index
      %get3A_343 = tpu.vector_load %arg8[%get3A_342] {strides = array<i32>} : memref<32768xf32, #tpu.memory_space<vmem>>, vector<16xf32>,
      %get3A_344 = arith.index_cast %add3A_341 : i32 to index
      %get3A_345 = tpu.vector_load %arg9[%get3A_344] {strides = array<i32>} : memref<32784xi32, #tpu.memory_space<vmem>>, vector<16xi32>,
      %add3A_346 = arith.constant 1 : i32
      %add3A_347 = arith.addi %add3A_341, %add3A_346 : i32
      %get3A_348 = arith.index_cast %add3A_347 : i32 to index
      %get3A_349 = tpu.vector_load %arg9[%get3A_348] {strides = array<i32>} : memref<32784xi32, #tpu.memory_space<vmem>>, vector<16xi32>,
      %add3A_350 = arith.addi %add3A_332, %add3A_341 : i32
      %add3A_351 = vector.broadcast %add3A_350 : i32 to vector<16xi32>
      %add3A_352 = arith.addi %iota3A, %add3A_351 : vector<16xi32>
      %lt3A_353 = arith.constant 0 : i32
      %lt3A_354 = vector.broadcast %lt3A_353 : i32 to vector<16xi32>
      %lt3A_355 = arith.cmpi slt, %max3A_6, %lt3A_354 : vector<16xi32>
      %add3A_356 = arith.constant 16 : i32
      %add3A_357 = vector.broadcast %add3A_356 : i32 to vector<16xi32>
      %add3A_358 = arith.addi %max3A_6, %add3A_357 : vector<16xi32>
      %select_n3A_359 = arith.select %lt3A_355, %add3A_358, %max3A_6 : vector<16xi1>, vector<16xi32>
      %broadcast_in_dim3A_360 = vector.shape_cast %select_n3A_359 : vector<16xi32> to vector<16x1xi32>
      %gather3A_361 = vector.shape_cast %broadcast_in_dim3A_360 : vector<16x1xi32> to vector<16xi32>
      %gather3A_362 = tpu.dynamic_gather %get3A_343[%gather3A_361] in [0] : vector<16xf32>, vector<16xi32> -> vector<16xf32>
      %lt3A_363 = arith.constant 0 : i32
      %lt3A_364 = vector.broadcast %lt3A_363 : i32 to vector<16xi32>
      %lt3A_365 = arith.cmpi slt, %max3A_6, %lt3A_364 : vector<16xi32>
      %add3A_366 = arith.constant 16 : i32
      %add3A_367 = vector.broadcast %add3A_366 : i32 to vector<16xi32>
      %add3A_368 = arith.addi %max3A_6, %add3A_367 : vector<16xi32>
      %select_n3A_369 = arith.select %lt3A_365, %add3A_368, %max3A_6 : vector<16xi1>, vector<16xi32>
      %broadcast_in_dim3A_370 = vector.shape_cast %select_n3A_369 : vector<16xi32> to vector<16x1xi32>
      %gather3A_371 = vector.shape_cast %broadcast_in_dim3A_370 : vector<16x1xi32> to vector<16xi32>
      %gather3A_372 = tpu.dynamic_gather %add3A_352[%gather3A_371] in [0] : vector<16xi32>, vector<16xi32> -> vector<16xi32>
      %lt3A_373 = arith.constant 0 : i32
      %lt3A_374 = vector.broadcast %lt3A_373 : i32 to vector<16xi32>
      %lt3A_375 = arith.cmpi slt, %max3A_6, %lt3A_374 : vector<16xi32>
      %add3A_376 = arith.constant 16 : i32
      %add3A_377 = vector.broadcast %add3A_376 : i32 to vector<16xi32>
      %add3A_378 = arith.addi %max3A_6, %add3A_377 : vector<16xi32>
      %select_n3A_379 = arith.select %lt3A_375, %add3A_378, %max3A_6 : vector<16xi1>, vector<16xi32>
      %broadcast_in_dim3A_380 = vector.shape_cast %select_n3A_379 : vector<16xi32> to vector<16x1xi32>
      %gather3A_381 = vector.shape_cast %broadcast_in_dim3A_380 : vector<16x1xi32> to vector<16xi32>
      %gather3A_382 = tpu.dynamic_gather %get3A_345[%gather3A_381] in [0] : vector<16xi32>, vector<16xi32> -> vector<16xi32>
      %eq3A_383 = arith.cmpi eq, %get3A_345, %gather3A_382 : vector<16xi32>
      %jit3A_384 = arith.constant 0xFF800000 : f32
      %broadcast_in_dim3A_385 = vector.broadcast %jit3A_384 : f32 to vector<16xf32>
      %select_n3A_386 = arith.select %eq3A_383, %gather3A_362, %broadcast_in_dim3A_385 : vector<16xi1>, vector<16xf32>
      %ge3A = arith.cmpf oge, %get3A_343, %select_n3A_386 : vector<16xf32>
      %select_n3A_387 = arith.select %ge3A, %add3A_352, %gather3A_372 : vector<16xi1>, vector<16xi32>
      %max3A_388 = arith.maximumf %get3A_343, %select_n3A_386 : vector<16xf32>
      %lt3A_389 = arith.constant 0 : i32
      %lt3A_390 = vector.broadcast %lt3A_389 : i32 to vector<16xi32>
      %lt3A_391 = arith.cmpi slt, %max3A_12, %lt3A_390 : vector<16xi32>
      %add3A_392 = arith.constant 16 : i32
      %add3A_393 = vector.broadcast %add3A_392 : i32 to vector<16xi32>
      %add3A_394 = arith.addi %max3A_12, %add3A_393 : vector<16xi32>
      %select_n3A_395 = arith.select %lt3A_391, %add3A_394, %max3A_12 : vector<16xi1>, vector<16xi32>
      %broadcast_in_dim3A_396 = vector.shape_cast %select_n3A_395 : vector<16xi32> to vector<16x1xi32>
      %gather3A_397 = vector.shape_cast %broadcast_in_dim3A_396 : vector<16x1xi32> to vector<16xi32>
      %gather3A_398 = tpu.dynamic_gather %max3A_388[%gather3A_397] in [0] : vector<16xf32>, vector<16xi32> -> vector<16xf32>
      %lt3A_399 = arith.constant 0 : i32
      %lt3A_400 = vector.broadcast %lt3A_399 : i32 to vector<16xi32>
      %lt3A_401 = arith.cmpi slt, %max3A_12, %lt3A_400 : vector<16xi32>
      %add3A_402 = arith.constant 16 : i32
      %add3A_403 = vector.broadcast %add3A_402 : i32 to vector<16xi32>
      %add3A_404 = arith.addi %max3A_12, %add3A_403 : vector<16xi32>
      %select_n3A_405 = arith.select %lt3A_401, %add3A_404, %max3A_12 : vector<16xi1>, vector<16xi32>
      %broadcast_in_dim3A_406 = vector.shape_cast %select_n3A_405 : vector<16xi32> to vector<16x1xi32>
      %gather3A_407 = vector.shape_cast %broadcast_in_dim3A_406 : vector<16x1xi32> to vector<16xi32>
      %gather3A_408 = tpu.dynamic_gather %select_n3A_387[%gather3A_407] in [0] : vector<16xi32>, vector<16xi32> -> vector<16xi32>
      %lt3A_409 = arith.constant 0 : i32
      %lt3A_410 = vector.broadcast %lt3A_409 : i32 to vector<16xi32>
      %lt3A_411 = arith.cmpi slt, %max3A_12, %lt3A_410 : vector<16xi32>
      %add3A_412 = arith.constant 16 : i32
      %add3A_413 = vector.broadcast %add3A_412 : i32 to vector<16xi32>
      %add3A_414 = arith.addi %max3A_12, %add3A_413 : vector<16xi32>
      %select_n3A_415 = arith.select %lt3A_411, %add3A_414, %max3A_12 : vector<16xi1>, vector<16xi32>
      %broadcast_in_dim3A_416 = vector.shape_cast %select_n3A_415 : vector<16xi32> to vector<16x1xi32>
      %gather3A_417 = vector.shape_cast %broadcast_in_dim3A_416 : vector<16x1xi32> to vector<16xi32>
      %gather3A_418 = tpu.dynamic_gather %get3A_345[%gather3A_417] in [0] : vector<16xi32>, vector<16xi32> -> vector<16xi32>
      %eq3A_419 = arith.cmpi eq, %get3A_345, %gather3A_418 : vector<16xi32>
      %jit3A_420 = arith.constant 0xFF800000 : f32
      %broadcast_in_dim3A_421 = vector.broadcast %jit3A_420 : f32 to vector<16xf32>
      %select_n3A_422 = arith.select %eq3A_419, %gather3A_398, %broadcast_in_dim3A_421 : vector<16xi1>, vector<16xf32>
      %ge3A_423 = arith.cmpf oge, %max3A_388, %select_n3A_422 : vector<16xf32>
      %select_n3A_424 = arith.select %ge3A_423, %select_n3A_387, %gather3A_408 : vector<16xi1>, vector<16xi32>
      %max3A_425 = arith.maximumf %max3A_388, %select_n3A_422 : vector<16xf32>
      %lt3A_426 = arith.constant 0 : i32
      %lt3A_427 = vector.broadcast %lt3A_426 : i32 to vector<16xi32>
      %lt3A_428 = arith.cmpi slt, %max3A_18, %lt3A_427 : vector<16xi32>
      %add3A_429 = arith.constant 16 : i32
      %add3A_430 = vector.broadcast %add3A_429 : i32 to vector<16xi32>
      %add3A_431 = arith.addi %max3A_18, %add3A_430 : vector<16xi32>
      %select_n3A_432 = arith.select %lt3A_428, %add3A_431, %max3A_18 : vector<16xi1>, vector<16xi32>
      %broadcast_in_dim3A_433 = vector.shape_cast %select_n3A_432 : vector<16xi32> to vector<16x1xi32>
      %gather3A_434 = vector.shape_cast %broadcast_in_dim3A_433 : vector<16x1xi32> to vector<16xi32>
      %gather3A_435 = tpu.dynamic_gather %max3A_425[%gather3A_434] in [0] : vector<16xf32>, vector<16xi32> -> vector<16xf32>
      %lt3A_436 = arith.constant 0 : i32
      %lt3A_437 = vector.broadcast %lt3A_436 : i32 to vector<16xi32>
      %lt3A_438 = arith.cmpi slt, %max3A_18, %lt3A_437 : vector<16xi32>
      %add3A_439 = arith.constant 16 : i32
      %add3A_440 = vector.broadcast %add3A_439 : i32 to vector<16xi32>
      %add3A_441 = arith.addi %max3A_18, %add3A_440 : vector<16xi32>
      %select_n3A_442 = arith.select %lt3A_438, %add3A_441, %max3A_18 : vector<16xi1>, vector<16xi32>
      %broadcast_in_dim3A_443 = vector.shape_cast %select_n3A_442 : vector<16xi32> to vector<16x1xi32>
      %gather3A_444 = vector.shape_cast %broadcast_in_dim3A_443 : vector<16x1xi32> to vector<16xi32>
      %gather3A_445 = tpu.dynamic_gather %select_n3A_424[%gather3A_444] in [0] : vector<16xi32>, vector<16xi32> -> vector<16xi32>
      %lt3A_446 = arith.constant 0 : i32
      %lt3A_447 = vector.broadcast %lt3A_446 : i32 to vector<16xi32>
      %lt3A_448 = arith.cmpi slt, %max3A_18, %lt3A_447 : vector<16xi32>
      %add3A_449 = arith.constant 16 : i32
      %add3A_450 = vector.broadcast %add3A_449 : i32 to vector<16xi32>
      %add3A_451 = arith.addi %max3A_18, %add3A_450 : vector<16xi32>
      %select_n3A_452 = arith.select %lt3A_448, %add3A_451, %max3A_18 : vector<16xi1>, vector<16xi32>
      %broadcast_in_dim3A_453 = vector.shape_cast %select_n3A_452 : vector<16xi32> to vector<16x1xi32>
      %gather3A_454 = vector.shape_cast %broadcast_in_dim3A_453 : vector<16x1xi32> to vector<16xi32>
      %gather3A_455 = tpu.dynamic_gather %get3A_345[%gather3A_454] in [0] : vector<16xi32>, vector<16xi32> -> vector<16xi32>
      %eq3A_456 = arith.cmpi eq, %get3A_345, %gather3A_455 : vector<16xi32>
      %jit3A_457 = arith.constant 0xFF800000 : f32
      %broadcast_in_dim3A_458 = vector.broadcast %jit3A_457 : f32 to vector<16xf32>
      %select_n3A_459 = arith.select %eq3A_456, %gather3A_435, %broadcast_in_dim3A_458 : vector<16xi1>, vector<16xf32>
      %ge3A_460 = arith.cmpf oge, %max3A_425, %select_n3A_459 : vector<16xf32>
      %select_n3A_461 = arith.select %ge3A_460, %select_n3A_424, %gather3A_445 : vector<16xi1>, vector<16xi32>
      %max3A_462 = arith.maximumf %max3A_425, %select_n3A_459 : vector<16xf32>
      %lt3A_463 = arith.constant 0 : i32
      %lt3A_464 = vector.broadcast %lt3A_463 : i32 to vector<16xi32>
      %lt3A_465 = arith.cmpi slt, %max3A_24, %lt3A_464 : vector<16xi32>
      %add3A_466 = arith.constant 16 : i32
      %add3A_467 = vector.broadcast %add3A_466 : i32 to vector<16xi32>
      %add3A_468 = arith.addi %max3A_24, %add3A_467 : vector<16xi32>
      %select_n3A_469 = arith.select %lt3A_465, %add3A_468, %max3A_24 : vector<16xi1>, vector<16xi32>
      %broadcast_in_dim3A_470 = vector.shape_cast %select_n3A_469 : vector<16xi32> to vector<16x1xi32>
      %gather3A_471 = vector.shape_cast %broadcast_in_dim3A_470 : vector<16x1xi32> to vector<16xi32>
      %gather3A_472 = tpu.dynamic_gather %max3A_462[%gather3A_471] in [0] : vector<16xf32>, vector<16xi32> -> vector<16xf32>
      %lt3A_473 = arith.constant 0 : i32
      %lt3A_474 = vector.broadcast %lt3A_473 : i32 to vector<16xi32>
      %lt3A_475 = arith.cmpi slt, %max3A_24, %lt3A_474 : vector<16xi32>
      %add3A_476 = arith.constant 16 : i32
      %add3A_477 = vector.broadcast %add3A_476 : i32 to vector<16xi32>
      %add3A_478 = arith.addi %max3A_24, %add3A_477 : vector<16xi32>
      %select_n3A_479 = arith.select %lt3A_475, %add3A_478, %max3A_24 : vector<16xi1>, vector<16xi32>
      %broadcast_in_dim3A_480 = vector.shape_cast %select_n3A_479 : vector<16xi32> to vector<16x1xi32>
      %gather3A_481 = vector.shape_cast %broadcast_in_dim3A_480 : vector<16x1xi32> to vector<16xi32>
      %gather3A_482 = tpu.dynamic_gather %select_n3A_461[%gather3A_481] in [0] : vector<16xi32>, vector<16xi32> -> vector<16xi32>
      %lt3A_483 = arith.constant 0 : i32
      %lt3A_484 = vector.broadcast %lt3A_483 : i32 to vector<16xi32>
      %lt3A_485 = arith.cmpi slt, %max3A_24, %lt3A_484 : vector<16xi32>
      %add3A_486 = arith.constant 16 : i32
      %add3A_487 = vector.broadcast %add3A_486 : i32 to vector<16xi32>
      %add3A_488 = arith.addi %max3A_24, %add3A_487 : vector<16xi32>
      %select_n3A_489 = arith.select %lt3A_485, %add3A_488, %max3A_24 : vector<16xi1>, vector<16xi32>
      %broadcast_in_dim3A_490 = vector.shape_cast %select_n3A_489 : vector<16xi32> to vector<16x1xi32>
      %gather3A_491 = vector.shape_cast %broadcast_in_dim3A_490 : vector<16x1xi32> to vector<16xi32>
      %gather3A_492 = tpu.dynamic_gather %get3A_345[%gather3A_491] in [0] : vector<16xi32>, vector<16xi32> -> vector<16xi32>
      %eq3A_493 = arith.cmpi eq, %get3A_345, %gather3A_492 : vector<16xi32>
      %jit3A_494 = arith.constant 0xFF800000 : f32
      %broadcast_in_dim3A_495 = vector.broadcast %jit3A_494 : f32 to vector<16xf32>
      %select_n3A_496 = arith.select %eq3A_493, %gather3A_472, %broadcast_in_dim3A_495 : vector<16xi1>, vector<16xf32>
      %ge3A_497 = arith.cmpf oge, %max3A_462, %select_n3A_496 : vector<16xf32>
      %select_n3A_498 = arith.select %ge3A_497, %select_n3A_461, %gather3A_482 : vector<16xi1>, vector<16xi32>
      %max3A_499 = arith.maximumf %max3A_462, %select_n3A_496 : vector<16xf32>
      %eq3A_500 = arith.cmpi eq, %get3A_345, %scan3A_297 : vector<16xi32>
      %jit3A_501 = arith.constant 0xFF800000 : f32
      %broadcast_in_dim3A_502 = vector.broadcast %jit3A_501 : f32 to vector<16xf32>
      %select_n3A_503 = arith.select %eq3A_500, %scan3A_298, %broadcast_in_dim3A_502 : vector<16xi1>, vector<16xf32>
      %ge3A_504 = arith.cmpf oge, %max3A_499, %select_n3A_503 : vector<16xf32>
      %select_n3A_505 = arith.select %ge3A_504, %select_n3A_498, %scan3A_299 : vector<16xi1>, vector<16xi32>
      %max3A_506 = arith.maximumf %max3A_499, %select_n3A_503 : vector<16xf32>
      %ne3A_507 = arith.cmpi ne, %get3A_345, %get3A_349 : vector<16xi32>
      %jit3A_508 = arith.constant 1 : i32
      %jit3A_509 = arith.constant 0 : i32
      %broadcast_in_dim3A_510 = vector.broadcast %jit3A_508 : i32 to vector<16xi32>
      %broadcast_in_dim3A_511 = vector.broadcast %jit3A_509 : i32 to vector<16xi32>
      %select_n3A_512 = arith.select %ne3A_507, %broadcast_in_dim3A_510, %broadcast_in_dim3A_511 : vector<16xi1>, vector<16xi32>
      %broadcast_in_dim3A_513 = arith.constant true
      %broadcast_in_dim3A_514 = vector.broadcast %broadcast_in_dim3A_513 : i1 to vector<16xi1>
      %masked_cumsum3A = tpu.scan <sum>, %select_n3A_512 masked %broadcast_in_dim3A_514 : vector<16xi32>, vector<16xi1> -> vector<16xi32>
      %add3A_515 = vector.broadcast %scan3A_300 : i32 to vector<16xi32>
      %add3A_516 = arith.addi %add3A_515, %masked_cumsum3A : vector<16xi32>
      tpu.vector_store_idx %arg10[%add3A_516], %select_n3A_505 masked %ne3A_507 : memref<4112xi32, #tpu.memory_space<vmem>>[vector<16xi32>], vector<16xi32>, vector<16xi1>
      tpu.vector_store_idx %arg11[%add3A_516], %max3A_506 masked %ne3A_507 : memref<4112xf32, #tpu.memory_space<vmem>>[vector<16xi32>], vector<16xf32>, vector<16xi1>
      %reduce_max3A_517 = arith.constant true
      %reduce_max3A_518 = vector.broadcast %reduce_max3A_517 : i1 to vector<16xi1>
      %reduce_max3A_519 = arith.constant -2147483648 : i32
      %reduce_max3A_520 = vector.broadcast %reduce_max3A_519 : i32 to vector<16xi32>
      %reduce_max3A_521 = arith.xori %masked_cumsum3A, %reduce_max3A_520 : vector<16xi32>
      %reduce_max3A_522 = tpu.scan <max>, %reduce_max3A_521 masked %reduce_max3A_518 : vector<16xi32>, vector<16xi1> -> vector<16xi32>
      %reduce_max3A_523 = arith.xori %reduce_max3A_522, %reduce_max3A_520 : vector<16xi32>
      %reduce_max3A_524 = vector.extract %reduce_max3A_523[15] : i32 from vector<16xi32>
      %sub3A_525 = arith.subf %get3A_343, %get3A_25 : vector<16xf32>
      %max3A_526 = arith.constant 0.000000e+00 : f32
      %max3A_527 = vector.broadcast %max3A_526 : f32 to vector<16xf32>
      %max3A_528 = arith.maximumf %sub3A_525, %max3A_527 : vector<16xf32>
      %swap3A_529 = arith.index_cast %add3A_341 : i32 to index
      %swap3A_530 = tpu.vector_load %arg8[%swap3A_529] {strides = array<i32>} : memref<32768xf32, #tpu.memory_space<vmem>>, vector<16xf32>,
      tpu.vector_store %arg8[%swap3A_529], %max3A_528 {strides = array<i32>} : memref<32768xf32, #tpu.memory_space<vmem>>, vector<16xf32>,
      %lt3A_531 = arith.constant 0 : i32
      %lt3A_532 = vector.broadcast %lt3A_531 : i32 to vector<16xi32>
      %lt3A_533 = arith.cmpi slt, %broadcast_in_dim3A_2, %lt3A_532 : vector<16xi32>
      %add3A_534 = arith.constant 16 : i32
      %add3A_535 = vector.broadcast %add3A_534 : i32 to vector<16xi32>
      %add3A_536 = arith.addi %broadcast_in_dim3A_2, %add3A_535 : vector<16xi32>
      %select_n3A_537 = arith.select %lt3A_533, %add3A_536, %broadcast_in_dim3A_2 : vector<16xi1>, vector<16xi32>
      %broadcast_in_dim3A_538 = vector.shape_cast %select_n3A_537 : vector<16xi32> to vector<16x1xi32>
      %gather3A_539 = vector.shape_cast %broadcast_in_dim3A_538 : vector<16x1xi32> to vector<16xi32>
      %gather3A_540 = tpu.dynamic_gather %get3A_345[%gather3A_539] in [0] : vector<16xi32>, vector<16xi32> -> vector<16xi32>
      %lt3A_541 = arith.constant 0 : i32
      %lt3A_542 = vector.broadcast %lt3A_541 : i32 to vector<16xi32>
      %lt3A_543 = arith.cmpi slt, %broadcast_in_dim3A_2, %lt3A_542 : vector<16xi32>
      %add3A_544 = arith.constant 16 : i32
      %add3A_545 = vector.broadcast %add3A_544 : i32 to vector<16xi32>
      %add3A_546 = arith.addi %broadcast_in_dim3A_2, %add3A_545 : vector<16xi32>
      %select_n3A_547 = arith.select %lt3A_543, %add3A_546, %broadcast_in_dim3A_2 : vector<16xi1>, vector<16xi32>
      %broadcast_in_dim3A_548 = vector.shape_cast %select_n3A_547 : vector<16xi32> to vector<16x1xi32>
      %gather3A_549 = vector.shape_cast %broadcast_in_dim3A_548 : vector<16x1xi32> to vector<16xi32>
      %gather3A_550 = tpu.dynamic_gather %max3A_506[%gather3A_549] in [0] : vector<16xf32>, vector<16xi32> -> vector<16xf32>
      %lt3A_551 = arith.constant 0 : i32
      %lt3A_552 = vector.broadcast %lt3A_551 : i32 to vector<16xi32>
      %lt3A_553 = arith.cmpi slt, %broadcast_in_dim3A_2, %lt3A_552 : vector<16xi32>
      %add3A_554 = arith.constant 16 : i32
      %add3A_555 = vector.broadcast %add3A_554 : i32 to vector<16xi32>
      %add3A_556 = arith.addi %broadcast_in_dim3A_2, %add3A_555 : vector<16xi32>
      %select_n3A_557 = arith.select %lt3A_553, %add3A_556, %broadcast_in_dim3A_2 : vector<16xi1>, vector<16xi32>
      %broadcast_in_dim3A_558 = vector.shape_cast %select_n3A_557 : vector<16xi32> to vector<16x1xi32>
      %gather3A_559 = vector.shape_cast %broadcast_in_dim3A_558 : vector<16x1xi32> to vector<16xi32>
      %gather3A_560 = tpu.dynamic_gather %select_n3A_505[%gather3A_559] in [0] : vector<16xi32>, vector<16xi32> -> vector<16xi32>
      %add3A_561 = arith.addi %scan3A_300, %reduce_max3A_524 : i32
      %add3A_562 = arith.constant 16 : i32
      %add3A_563 = arith.addi %mul3A_339, %add3A_562 : i32
      %get3A_564 = arith.index_cast %add3A_563 : i32 to index
      %get3A_565 = tpu.vector_load %arg8[%get3A_564] {strides = array<i32>} : memref<32768xf32, #tpu.memory_space<vmem>>, vector<16xf32>,
      %get3A_566 = arith.index_cast %add3A_563 : i32 to index
      %get3A_567 = tpu.vector_load %arg9[%get3A_566] {strides = array<i32>} : memref<32784xi32, #tpu.memory_space<vmem>>, vector<16xi32>,
      %add3A_568 = arith.constant 1 : i32
      %add3A_569 = arith.addi %add3A_563, %add3A_568 : i32
      %get3A_570 = arith.index_cast %add3A_569 : i32 to index
      %get3A_571 = tpu.vector_load %arg9[%get3A_570] {strides = array<i32>} : memref<32784xi32, #tpu.memory_space<vmem>>, vector<16xi32>,
      %add3A_572 = arith.addi %add3A_332, %add3A_563 : i32
      %add3A_573 = vector.broadcast %add3A_572 : i32 to vector<16xi32>
      %add3A_574 = arith.addi %iota3A, %add3A_573 : vector<16xi32>
      %lt3A_575 = arith.constant 0 : i32
      %lt3A_576 = vector.broadcast %lt3A_575 : i32 to vector<16xi32>
      %lt3A_577 = arith.cmpi slt, %max3A_6, %lt3A_576 : vector<16xi32>
      %add3A_578 = arith.constant 16 : i32
      %add3A_579 = vector.broadcast %add3A_578 : i32 to vector<16xi32>
      %add3A_580 = arith.addi %max3A_6, %add3A_579 : vector<16xi32>
      %select_n3A_581 = arith.select %lt3A_577, %add3A_580, %max3A_6 : vector<16xi1>, vector<16xi32>
      %broadcast_in_dim3A_582 = vector.shape_cast %select_n3A_581 : vector<16xi32> to vector<16x1xi32>
      %gather3A_583 = vector.shape_cast %broadcast_in_dim3A_582 : vector<16x1xi32> to vector<16xi32>
      %gather3A_584 = tpu.dynamic_gather %get3A_565[%gather3A_583] in [0] : vector<16xf32>, vector<16xi32> -> vector<16xf32>
      %lt3A_585 = arith.constant 0 : i32
      %lt3A_586 = vector.broadcast %lt3A_585 : i32 to vector<16xi32>
      %lt3A_587 = arith.cmpi slt, %max3A_6, %lt3A_586 : vector<16xi32>
      %add3A_588 = arith.constant 16 : i32
      %add3A_589 = vector.broadcast %add3A_588 : i32 to vector<16xi32>
      %add3A_590 = arith.addi %max3A_6, %add3A_589 : vector<16xi32>
      %select_n3A_591 = arith.select %lt3A_587, %add3A_590, %max3A_6 : vector<16xi1>, vector<16xi32>
      %broadcast_in_dim3A_592 = vector.shape_cast %select_n3A_591 : vector<16xi32> to vector<16x1xi32>
      %gather3A_593 = vector.shape_cast %broadcast_in_dim3A_592 : vector<16x1xi32> to vector<16xi32>
      %gather3A_594 = tpu.dynamic_gather %add3A_574[%gather3A_593] in [0] : vector<16xi32>, vector<16xi32> -> vector<16xi32>
      %lt3A_595 = arith.constant 0 : i32
      %lt3A_596 = vector.broadcast %lt3A_595 : i32 to vector<16xi32>
      %lt3A_597 = arith.cmpi slt, %max3A_6, %lt3A_596 : vector<16xi32>
      %add3A_598 = arith.constant 16 : i32
      %add3A_599 = vector.broadcast %add3A_598 : i32 to vector<16xi32>
      %add3A_600 = arith.addi %max3A_6, %add3A_599 : vector<16xi32>
      %select_n3A_601 = arith.select %lt3A_597, %add3A_600, %max3A_6 : vector<16xi1>, vector<16xi32>
      %broadcast_in_dim3A_602 = vector.shape_cast %select_n3A_601 : vector<16xi32> to vector<16x1xi32>
      %gather3A_603 = vector.shape_cast %broadcast_in_dim3A_602 : vector<16x1xi32> to vector<16xi32>
      %gather3A_604 = tpu.dynamic_gather %get3A_567[%gather3A_603] in [0] : vector<16xi32>, vector<16xi32> -> vector<16xi32>
      %eq3A_605 = arith.cmpi eq, %get3A_567, %gather3A_604 : vector<16xi32>
      %jit3A_606 = arith.constant 0xFF800000 : f32
      %broadcast_in_dim3A_607 = vector.broadcast %jit3A_606 : f32 to vector<16xf32>
      %select_n3A_608 = arith.select %eq3A_605, %gather3A_584, %broadcast_in_dim3A_607 : vector<16xi1>, vector<16xf32>
      %ge3A_609 = arith.cmpf oge, %get3A_565, %select_n3A_608 : vector<16xf32>
      %select_n3A_610 = arith.select %ge3A_609, %add3A_574, %gather3A_594 : vector<16xi1>, vector<16xi32>
      %max3A_611 = arith.maximumf %get3A_565, %select_n3A_608 : vector<16xf32>
      %lt3A_612 = arith.constant 0 : i32
      %lt3A_613 = vector.broadcast %lt3A_612 : i32 to vector<16xi32>
      %lt3A_614 = arith.cmpi slt, %max3A_12, %lt3A_613 : vector<16xi32>
      %add3A_615 = arith.constant 16 : i32
      %add3A_616 = vector.broadcast %add3A_615 : i32 to vector<16xi32>
      %add3A_617 = arith.addi %max3A_12, %add3A_616 : vector<16xi32>
      %select_n3A_618 = arith.select %lt3A_614, %add3A_617, %max3A_12 : vector<16xi1>, vector<16xi32>
      %broadcast_in_dim3A_619 = vector.shape_cast %select_n3A_618 : vector<16xi32> to vector<16x1xi32>
      %gather3A_620 = vector.shape_cast %broadcast_in_dim3A_619 : vector<16x1xi32> to vector<16xi32>
      %gather3A_621 = tpu.dynamic_gather %max3A_611[%gather3A_620] in [0] : vector<16xf32>, vector<16xi32> -> vector<16xf32>
      %lt3A_622 = arith.constant 0 : i32
      %lt3A_623 = vector.broadcast %lt3A_622 : i32 to vector<16xi32>
      %lt3A_624 = arith.cmpi slt, %max3A_12, %lt3A_623 : vector<16xi32>
      %add3A_625 = arith.constant 16 : i32
      %add3A_626 = vector.broadcast %add3A_625 : i32 to vector<16xi32>
      %add3A_627 = arith.addi %max3A_12, %add3A_626 : vector<16xi32>
      %select_n3A_628 = arith.select %lt3A_624, %add3A_627, %max3A_12 : vector<16xi1>, vector<16xi32>
      %broadcast_in_dim3A_629 = vector.shape_cast %select_n3A_628 : vector<16xi32> to vector<16x1xi32>
      %gather3A_630 = vector.shape_cast %broadcast_in_dim3A_629 : vector<16x1xi32> to vector<16xi32>
      %gather3A_631 = tpu.dynamic_gather %select_n3A_610[%gather3A_630] in [0] : vector<16xi32>, vector<16xi32> -> vector<16xi32>
      %lt3A_632 = arith.constant 0 : i32
      %lt3A_633 = vector.broadcast %lt3A_632 : i32 to vector<16xi32>
      %lt3A_634 = arith.cmpi slt, %max3A_12, %lt3A_633 : vector<16xi32>
      %add3A_635 = arith.constant 16 : i32
      %add3A_636 = vector.broadcast %add3A_635 : i32 to vector<16xi32>
      %add3A_637 = arith.addi %max3A_12, %add3A_636 : vector<16xi32>
      %select_n3A_638 = arith.select %lt3A_634, %add3A_637, %max3A_12 : vector<16xi1>, vector<16xi32>
      %broadcast_in_dim3A_639 = vector.shape_cast %select_n3A_638 : vector<16xi32> to vector<16x1xi32>
      %gather3A_640 = vector.shape_cast %broadcast_in_dim3A_639 : vector<16x1xi32> to vector<16xi32>
      %gather3A_641 = tpu.dynamic_gather %get3A_567[%gather3A_640] in [0] : vector<16xi32>, vector<16xi32> -> vector<16xi32>
      %eq3A_642 = arith.cmpi eq, %get3A_567, %gather3A_641 : vector<16xi32>
      %jit3A_643 = arith.constant 0xFF800000 : f32
      %broadcast_in_dim3A_644 = vector.broadcast %jit3A_643 : f32 to vector<16xf32>
      %select_n3A_645 = arith.select %eq3A_642, %gather3A_621, %broadcast_in_dim3A_644 : vector<16xi1>, vector<16xf32>
      %ge3A_646 = arith.cmpf oge, %max3A_611, %select_n3A_645 : vector<16xf32>
      %select_n3A_647 = arith.select %ge3A_646, %select_n3A_610, %gather3A_631 : vector<16xi1>, vector<16xi32>
      %max3A_648 = arith.maximumf %max3A_611, %select_n3A_645 : vector<16xf32>
      %lt3A_649 = arith.constant 0 : i32
      %lt3A_650 = vector.broadcast %lt3A_649 : i32 to vector<16xi32>
      %lt3A_651 = arith.cmpi slt, %max3A_18, %lt3A_650 : vector<16xi32>
      %add3A_652 = arith.constant 16 : i32
      %add3A_653 = vector.broadcast %add3A_652 : i32 to vector<16xi32>
      %add3A_654 = arith.addi %max3A_18, %add3A_653 : vector<16xi32>
      %select_n3A_655 = arith.select %lt3A_651, %add3A_654, %max3A_18 : vector<16xi1>, vector<16xi32>
      %broadcast_in_dim3A_656 = vector.shape_cast %select_n3A_655 : vector<16xi32> to vector<16x1xi32>
      %gather3A_657 = vector.shape_cast %broadcast_in_dim3A_656 : vector<16x1xi32> to vector<16xi32>
      %gather3A_658 = tpu.dynamic_gather %max3A_648[%gather3A_657] in [0] : vector<16xf32>, vector<16xi32> -> vector<16xf32>
      %lt3A_659 = arith.constant 0 : i32
      %lt3A_660 = vector.broadcast %lt3A_659 : i32 to vector<16xi32>
      %lt3A_661 = arith.cmpi slt, %max3A_18, %lt3A_660 : vector<16xi32>
      %add3A_662 = arith.constant 16 : i32
      %add3A_663 = vector.broadcast %add3A_662 : i32 to vector<16xi32>
      %add3A_664 = arith.addi %max3A_18, %add3A_663 : vector<16xi32>
      %select_n3A_665 = arith.select %lt3A_661, %add3A_664, %max3A_18 : vector<16xi1>, vector<16xi32>
      %broadcast_in_dim3A_666 = vector.shape_cast %select_n3A_665 : vector<16xi32> to vector<16x1xi32>
      %gather3A_667 = vector.shape_cast %broadcast_in_dim3A_666 : vector<16x1xi32> to vector<16xi32>
      %gather3A_668 = tpu.dynamic_gather %select_n3A_647[%gather3A_667] in [0] : vector<16xi32>, vector<16xi32> -> vector<16xi32>
      %lt3A_669 = arith.constant 0 : i32
      %lt3A_670 = vector.broadcast %lt3A_669 : i32 to vector<16xi32>
      %lt3A_671 = arith.cmpi slt, %max3A_18, %lt3A_670 : vector<16xi32>
      %add3A_672 = arith.constant 16 : i32
      %add3A_673 = vector.broadcast %add3A_672 : i32 to vector<16xi32>
      %add3A_674 = arith.addi %max3A_18, %add3A_673 : vector<16xi32>
      %select_n3A_675 = arith.select %lt3A_671, %add3A_674, %max3A_18 : vector<16xi1>, vector<16xi32>
      %broadcast_in_dim3A_676 = vector.shape_cast %select_n3A_675 : vector<16xi32> to vector<16x1xi32>
      %gather3A_677 = vector.shape_cast %broadcast_in_dim3A_676 : vector<16x1xi32> to vector<16xi32>
      %gather3A_678 = tpu.dynamic_gather %get3A_567[%gather3A_677] in [0] : vector<16xi32>, vector<16xi32> -> vector<16xi32>
      %eq3A_679 = arith.cmpi eq, %get3A_567, %gather3A_678 : vector<16xi32>
      %jit3A_680 = arith.constant 0xFF800000 : f32
      %broadcast_in_dim3A_681 = vector.broadcast %jit3A_680 : f32 to vector<16xf32>
      %select_n3A_682 = arith.select %eq3A_679, %gather3A_658, %broadcast_in_dim3A_681 : vector<16xi1>, vector<16xf32>
      %ge3A_683 = arith.cmpf oge, %max3A_648, %select_n3A_682 : vector<16xf32>
      %select_n3A_684 = arith.select %ge3A_683, %select_n3A_647, %gather3A_668 : vector<16xi1>, vector<16xi32>
      %max3A_685 = arith.maximumf %max3A_648, %select_n3A_682 : vector<16xf32>
      %lt3A_686 = arith.constant 0 : i32
      %lt3A_687 = vector.broadcast %lt3A_686 : i32 to vector<16xi32>
      %lt3A_688 = arith.cmpi slt, %max3A_24, %lt3A_687 : vector<16xi32>
      %add3A_689 = arith.constant 16 : i32
      %add3A_690 = vector.broadcast %add3A_689 : i32 to vector<16xi32>
      %add3A_691 = arith.addi %max3A_24, %add3A_690 : vector<16xi32>
      %select_n3A_692 = arith.select %lt3A_688, %add3A_691, %max3A_24 : vector<16xi1>, vector<16xi32>
      %broadcast_in_dim3A_693 = vector.shape_cast %select_n3A_692 : vector<16xi32> to vector<16x1xi32>
      %gather3A_694 = vector.shape_cast %broadcast_in_dim3A_693 : vector<16x1xi32> to vector<16xi32>
      %gather3A_695 = tpu.dynamic_gather %max3A_685[%gather3A_694] in [0] : vector<16xf32>, vector<16xi32> -> vector<16xf32>
      %lt3A_696 = arith.constant 0 : i32
      %lt3A_697 = vector.broadcast %lt3A_696 : i32 to vector<16xi32>
      %lt3A_698 = arith.cmpi slt, %max3A_24, %lt3A_697 : vector<16xi32>
      %add3A_699 = arith.constant 16 : i32
      %add3A_700 = vector.broadcast %add3A_699 : i32 to vector<16xi32>
      %add3A_701 = arith.addi %max3A_24, %add3A_700 : vector<16xi32>
      %select_n3A_702 = arith.select %lt3A_698, %add3A_701, %max3A_24 : vector<16xi1>, vector<16xi32>
      %broadcast_in_dim3A_703 = vector.shape_cast %select_n3A_702 : vector<16xi32> to vector<16x1xi32>
      %gather3A_704 = vector.shape_cast %broadcast_in_dim3A_703 : vector<16x1xi32> to vector<16xi32>
      %gather3A_705 = tpu.dynamic_gather %select_n3A_684[%gather3A_704] in [0] : vector<16xi32>, vector<16xi32> -> vector<16xi32>
      %lt3A_706 = arith.constant 0 : i32
      %lt3A_707 = vector.broadcast %lt3A_706 : i32 to vector<16xi32>
      %lt3A_708 = arith.cmpi slt, %max3A_24, %lt3A_707 : vector<16xi32>
      %add3A_709 = arith.constant 16 : i32
      %add3A_710 = vector.broadcast %add3A_709 : i32 to vector<16xi32>
      %add3A_711 = arith.addi %max3A_24, %add3A_710 : vector<16xi32>
      %select_n3A_712 = arith.select %lt3A_708, %add3A_711, %max3A_24 : vector<16xi1>, vector<16xi32>
      %broadcast_in_dim3A_713 = vector.shape_cast %select_n3A_712 : vector<16xi32> to vector<16x1xi32>
      %gather3A_714 = vector.shape_cast %broadcast_in_dim3A_713 : vector<16x1xi32> to vector<16xi32>
      %gather3A_715 = tpu.dynamic_gather %get3A_567[%gather3A_714] in [0] : vector<16xi32>, vector<16xi32> -> vector<16xi32>
      %eq3A_716 = arith.cmpi eq, %get3A_567, %gather3A_715 : vector<16xi32>
      %jit3A_717 = arith.constant 0xFF800000 : f32
      %broadcast_in_dim3A_718 = vector.broadcast %jit3A_717 : f32 to vector<16xf32>
      %select_n3A_719 = arith.select %eq3A_716, %gather3A_695, %broadcast_in_dim3A_718 : vector<16xi1>, vector<16xf32>
      %ge3A_720 = arith.cmpf oge, %max3A_685, %select_n3A_719 : vector<16xf32>
      %select_n3A_721 = arith.select %ge3A_720, %select_n3A_684, %gather3A_705 : vector<16xi1>, vector<16xi32>
      %max3A_722 = arith.maximumf %max3A_685, %select_n3A_719 : vector<16xf32>
      %eq3A_723 = arith.cmpi eq, %get3A_567, %gather3A_540 : vector<16xi32>
      %jit3A_724 = arith.constant 0xFF800000 : f32
      %broadcast_in_dim3A_725 = vector.broadcast %jit3A_724 : f32 to vector<16xf32>
      %select_n3A_726 = arith.select %eq3A_723, %gather3A_550, %broadcast_in_dim3A_725 : vector<16xi1>, vector<16xf32>
      %ge3A_727 = arith.cmpf oge, %max3A_722, %select_n3A_726 : vector<16xf32>
      %select_n3A_728 = arith.select %ge3A_727, %select_n3A_721, %gather3A_560 : vector<16xi1>, vector<16xi32>
      %max3A_729 = arith.maximumf %max3A_722, %select_n3A_726 : vector<16xf32>
      %ne3A_730 = arith.cmpi ne, %get3A_567, %get3A_571 : vector<16xi32>
      %jit3A_731 = arith.constant 1 : i32
      %jit3A_732 = arith.constant 0 : i32
      %broadcast_in_dim3A_733 = vector.broadcast %jit3A_731 : i32 to vector<16xi32>
      %broadcast_in_dim3A_734 = vector.broadcast %jit3A_732 : i32 to vector<16xi32>
      %select_n3A_735 = arith.select %ne3A_730, %broadcast_in_dim3A_733, %broadcast_in_dim3A_734 : vector<16xi1>, vector<16xi32>
      %broadcast_in_dim3A_736 = arith.constant true
      %broadcast_in_dim3A_737 = vector.broadcast %broadcast_in_dim3A_736 : i1 to vector<16xi1>
      %masked_cumsum3A_738 = tpu.scan <sum>, %select_n3A_735 masked %broadcast_in_dim3A_737 : vector<16xi32>, vector<16xi1> -> vector<16xi32>
      %add3A_739 = vector.broadcast %add3A_561 : i32 to vector<16xi32>
      %add3A_740 = arith.addi %add3A_739, %masked_cumsum3A_738 : vector<16xi32>
      tpu.vector_store_idx %arg10[%add3A_740], %select_n3A_728 masked %ne3A_730 : memref<4112xi32, #tpu.memory_space<vmem>>[vector<16xi32>], vector<16xi32>, vector<16xi1>
      tpu.vector_store_idx %arg11[%add3A_740], %max3A_729 masked %ne3A_730 : memref<4112xf32, #tpu.memory_space<vmem>>[vector<16xi32>], vector<16xf32>, vector<16xi1>
      %reduce_max3A_741 = arith.constant true
      %reduce_max3A_742 = vector.broadcast %reduce_max3A_741 : i1 to vector<16xi1>
      %reduce_max3A_743 = arith.constant -2147483648 : i32
      %reduce_max3A_744 = vector.broadcast %reduce_max3A_743 : i32 to vector<16xi32>
      %reduce_max3A_745 = arith.xori %masked_cumsum3A_738, %reduce_max3A_744 : vector<16xi32>
      %reduce_max3A_746 = tpu.scan <max>, %reduce_max3A_745 masked %reduce_max3A_742 : vector<16xi32>, vector<16xi1> -> vector<16xi32>
      %reduce_max3A_747 = arith.xori %reduce_max3A_746, %reduce_max3A_744 : vector<16xi32>
      %reduce_max3A_748 = vector.extract %reduce_max3A_747[15] : i32 from vector<16xi32>
      %sub3A_749 = arith.subf %get3A_565, %get3A_25 : vector<16xf32>
      %max3A_750 = arith.constant 0.000000e+00 : f32
      %max3A_751 = vector.broadcast %max3A_750 : f32 to vector<16xf32>
      %max3A_752 = arith.maximumf %sub3A_749, %max3A_751 : vector<16xf32>
      %swap3A_753 = arith.index_cast %add3A_563 : i32 to index
      %swap3A_754 = tpu.vector_load %arg8[%swap3A_753] {strides = array<i32>} : memref<32768xf32, #tpu.memory_space<vmem>>, vector<16xf32>,
      tpu.vector_store %arg8[%swap3A_753], %max3A_752 {strides = array<i32>} : memref<32768xf32, #tpu.memory_space<vmem>>, vector<16xf32>,
      %lt3A_755 = arith.constant 0 : i32
      %lt3A_756 = vector.broadcast %lt3A_755 : i32 to vector<16xi32>
      %lt3A_757 = arith.cmpi slt, %broadcast_in_dim3A_2, %lt3A_756 : vector<16xi32>
      %add3A_758 = arith.constant 16 : i32
      %add3A_759 = vector.broadcast %add3A_758 : i32 to vector<16xi32>
      %add3A_760 = arith.addi %broadcast_in_dim3A_2, %add3A_759 : vector<16xi32>
      %select_n3A_761 = arith.select %lt3A_757, %add3A_760, %broadcast_in_dim3A_2 : vector<16xi1>, vector<16xi32>
      %broadcast_in_dim3A_762 = vector.shape_cast %select_n3A_761 : vector<16xi32> to vector<16x1xi32>
      %gather3A_763 = vector.shape_cast %broadcast_in_dim3A_762 : vector<16x1xi32> to vector<16xi32>
      %gather3A_764 = tpu.dynamic_gather %get3A_567[%gather3A_763] in [0] : vector<16xi32>, vector<16xi32> -> vector<16xi32>
      %lt3A_765 = arith.constant 0 : i32
      %lt3A_766 = vector.broadcast %lt3A_765 : i32 to vector<16xi32>
      %lt3A_767 = arith.cmpi slt, %broadcast_in_dim3A_2, %lt3A_766 : vector<16xi32>
      %add3A_768 = arith.constant 16 : i32
      %add3A_769 = vector.broadcast %add3A_768 : i32 to vector<16xi32>
      %add3A_770 = arith.addi %broadcast_in_dim3A_2, %add3A_769 : vector<16xi32>
      %select_n3A_771 = arith.select %lt3A_767, %add3A_770, %broadcast_in_dim3A_2 : vector<16xi1>, vector<16xi32>
      %broadcast_in_dim3A_772 = vector.shape_cast %select_n3A_771 : vector<16xi32> to vector<16x1xi32>
      %gather3A_773 = vector.shape_cast %broadcast_in_dim3A_772 : vector<16x1xi32> to vector<16xi32>
      %gather3A_774 = tpu.dynamic_gather %max3A_729[%gather3A_773] in [0] : vector<16xf32>, vector<16xi32> -> vector<16xf32>
      %lt3A_775 = arith.constant 0 : i32
      %lt3A_776 = vector.broadcast %lt3A_775 : i32 to vector<16xi32>
      %lt3A_777 = arith.cmpi slt, %broadcast_in_dim3A_2, %lt3A_776 : vector<16xi32>
      %add3A_778 = arith.constant 16 : i32
      %add3A_779 = vector.broadcast %add3A_778 : i32 to vector<16xi32>
      %add3A_780 = arith.addi %broadcast_in_dim3A_2, %add3A_779 : vector<16xi32>
      %select_n3A_781 = arith.select %lt3A_777, %add3A_780, %broadcast_in_dim3A_2 : vector<16xi1>, vector<16xi32>
      %broadcast_in_dim3A_782 = vector.shape_cast %select_n3A_781 : vector<16xi32> to vector<16x1xi32>
      %gather3A_783 = vector.shape_cast %broadcast_in_dim3A_782 : vector<16x1xi32> to vector<16xi32>
      %gather3A_784 = tpu.dynamic_gather %select_n3A_728[%gather3A_783] in [0] : vector<16xi32>, vector<16xi32> -> vector<16xi32>
      %add3A_785 = arith.addi %add3A_561, %reduce_max3A_748 : i32
      %add3A_786 = arith.constant 32 : i32
      %add3A_787 = arith.addi %mul3A_339, %add3A_786 : i32
      %get3A_788 = arith.index_cast %add3A_787 : i32 to index
      %get3A_789 = tpu.vector_load %arg8[%get3A_788] {strides = array<i32>} : memref<32768xf32, #tpu.memory_space<vmem>>, vector<16xf32>,
      %get3A_790 = arith.index_cast %add3A_787 : i32 to index
      %get3A_791 = tpu.vector_load %arg9[%get3A_790] {strides = array<i32>} : memref<32784xi32, #tpu.memory_space<vmem>>, vector<16xi32>,
      %add3A_792 = arith.constant 1 : i32
      %add3A_793 = arith.addi %add3A_787, %add3A_792 : i32
      %get3A_794 = arith.index_cast %add3A_793 : i32 to index
      %get3A_795 = tpu.vector_load %arg9[%get3A_794] {strides = array<i32>} : memref<32784xi32, #tpu.memory_space<vmem>>, vector<16xi32>,
      %add3A_796 = arith.addi %add3A_332, %add3A_787 : i32
      %add3A_797 = vector.broadcast %add3A_796 : i32 to vector<16xi32>
      %add3A_798 = arith.addi %iota3A, %add3A_797 : vector<16xi32>
      %lt3A_799 = arith.constant 0 : i32
      %lt3A_800 = vector.broadcast %lt3A_799 : i32 to vector<16xi32>
      %lt3A_801 = arith.cmpi slt, %max3A_6, %lt3A_800 : vector<16xi32>
      %add3A_802 = arith.constant 16 : i32
      %add3A_803 = vector.broadcast %add3A_802 : i32 to vector<16xi32>
      %add3A_804 = arith.addi %max3A_6, %add3A_803 : vector<16xi32>
      %select_n3A_805 = arith.select %lt3A_801, %add3A_804, %max3A_6 : vector<16xi1>, vector<16xi32>
      %broadcast_in_dim3A_806 = vector.shape_cast %select_n3A_805 : vector<16xi32> to vector<16x1xi32>
      %gather3A_807 = vector.shape_cast %broadcast_in_dim3A_806 : vector<16x1xi32> to vector<16xi32>
      %gather3A_808 = tpu.dynamic_gather %get3A_789[%gather3A_807] in [0] : vector<16xf32>, vector<16xi32> -> vector<16xf32>
      %lt3A_809 = arith.constant 0 : i32
      %lt3A_810 = vector.broadcast %lt3A_809 : i32 to vector<16xi32>
      %lt3A_811 = arith.cmpi slt, %max3A_6, %lt3A_810 : vector<16xi32>
      %add3A_812 = arith.constant 16 : i32
      %add3A_813 = vector.broadcast %add3A_812 : i32 to vector<16xi32>
      %add3A_814 = arith.addi %max3A_6, %add3A_813 : vector<16xi32>
      %select_n3A_815 = arith.select %lt3A_811, %add3A_814, %max3A_6 : vector<16xi1>, vector<16xi32>
      %broadcast_in_dim3A_816 = vector.shape_cast %select_n3A_815 : vector<16xi32> to vector<16x1xi32>
      %gather3A_817 = vector.shape_cast %broadcast_in_dim3A_816 : vector<16x1xi32> to vector<16xi32>
      %gather3A_818 = tpu.dynamic_gather %add3A_798[%gather3A_817] in [0] : vector<16xi32>, vector<16xi32> -> vector<16xi32>
      %lt3A_819 = arith.constant 0 : i32
      %lt3A_820 = vector.broadcast %lt3A_819 : i32 to vector<16xi32>
      %lt3A_821 = arith.cmpi slt, %max3A_6, %lt3A_820 : vector<16xi32>
      %add3A_822 = arith.constant 16 : i32
      %add3A_823 = vector.broadcast %add3A_822 : i32 to vector<16xi32>
      %add3A_824 = arith.addi %max3A_6, %add3A_823 : vector<16xi32>
      %select_n3A_825 = arith.select %lt3A_821, %add3A_824, %max3A_6 : vector<16xi1>, vector<16xi32>
      %broadcast_in_dim3A_826 = vector.shape_cast %select_n3A_825 : vector<16xi32> to vector<16x1xi32>
      %gather3A_827 = vector.shape_cast %broadcast_in_dim3A_826 : vector<16x1xi32> to vector<16xi32>
      %gather3A_828 = tpu.dynamic_gather %get3A_791[%gather3A_827] in [0] : vector<16xi32>, vector<16xi32> -> vector<16xi32>
      %eq3A_829 = arith.cmpi eq, %get3A_791, %gather3A_828 : vector<16xi32>
      %jit3A_830 = arith.constant 0xFF800000 : f32
      %broadcast_in_dim3A_831 = vector.broadcast %jit3A_830 : f32 to vector<16xf32>
      %select_n3A_832 = arith.select %eq3A_829, %gather3A_808, %broadcast_in_dim3A_831 : vector<16xi1>, vector<16xf32>
      %ge3A_833 = arith.cmpf oge, %get3A_789, %select_n3A_832 : vector<16xf32>
      %select_n3A_834 = arith.select %ge3A_833, %add3A_798, %gather3A_818 : vector<16xi1>, vector<16xi32>
      %max3A_835 = arith.maximumf %get3A_789, %select_n3A_832 : vector<16xf32>
      %lt3A_836 = arith.constant 0 : i32
      %lt3A_837 = vector.broadcast %lt3A_836 : i32 to vector<16xi32>
      %lt3A_838 = arith.cmpi slt, %max3A_12, %lt3A_837 : vector<16xi32>
      %add3A_839 = arith.constant 16 : i32
      %add3A_840 = vector.broadcast %add3A_839 : i32 to vector<16xi32>
      %add3A_841 = arith.addi %max3A_12, %add3A_840 : vector<16xi32>
      %select_n3A_842 = arith.select %lt3A_838, %add3A_841, %max3A_12 : vector<16xi1>, vector<16xi32>
      %broadcast_in_dim3A_843 = vector.shape_cast %select_n3A_842 : vector<16xi32> to vector<16x1xi32>
      %gather3A_844 = vector.shape_cast %broadcast_in_dim3A_843 : vector<16x1xi32> to vector<16xi32>
      %gather3A_845 = tpu.dynamic_gather %max3A_835[%gather3A_844] in [0] : vector<16xf32>, vector<16xi32> -> vector<16xf32>
      %lt3A_846 = arith.constant 0 : i32
      %lt3A_847 = vector.broadcast %lt3A_846 : i32 to vector<16xi32>
      %lt3A_848 = arith.cmpi slt, %max3A_12, %lt3A_847 : vector<16xi32>
      %add3A_849 = arith.constant 16 : i32
      %add3A_850 = vector.broadcast %add3A_849 : i32 to vector<16xi32>
      %add3A_851 = arith.addi %max3A_12, %add3A_850 : vector<16xi32>
      %select_n3A_852 = arith.select %lt3A_848, %add3A_851, %max3A_12 : vector<16xi1>, vector<16xi32>
      %broadcast_in_dim3A_853 = vector.shape_cast %select_n3A_852 : vector<16xi32> to vector<16x1xi32>
      %gather3A_854 = vector.shape_cast %broadcast_in_dim3A_853 : vector<16x1xi32> to vector<16xi32>
      %gather3A_855 = tpu.dynamic_gather %select_n3A_834[%gather3A_854] in [0] : vector<16xi32>, vector<16xi32> -> vector<16xi32>
      %lt3A_856 = arith.constant 0 : i32
      %lt3A_857 = vector.broadcast %lt3A_856 : i32 to vector<16xi32>
      %lt3A_858 = arith.cmpi slt, %max3A_12, %lt3A_857 : vector<16xi32>
      %add3A_859 = arith.constant 16 : i32
      %add3A_860 = vector.broadcast %add3A_859 : i32 to vector<16xi32>
      %add3A_861 = arith.addi %max3A_12, %add3A_860 : vector<16xi32>
      %select_n3A_862 = arith.select %lt3A_858, %add3A_861, %max3A_12 : vector<16xi1>, vector<16xi32>
      %broadcast_in_dim3A_863 = vector.shape_cast %select_n3A_862 : vector<16xi32> to vector<16x1xi32>
      %gather3A_864 = vector.shape_cast %broadcast_in_dim3A_863 : vector<16x1xi32> to vector<16xi32>
      %gather3A_865 = tpu.dynamic_gather %get3A_791[%gather3A_864] in [0] : vector<16xi32>, vector<16xi32> -> vector<16xi32>
      %eq3A_866 = arith.cmpi eq, %get3A_791, %gather3A_865 : vector<16xi32>
      %jit3A_867 = arith.constant 0xFF800000 : f32
      %broadcast_in_dim3A_868 = vector.broadcast %jit3A_867 : f32 to vector<16xf32>
      %select_n3A_869 = arith.select %eq3A_866, %gather3A_845, %broadcast_in_dim3A_868 : vector<16xi1>, vector<16xf32>
      %ge3A_870 = arith.cmpf oge, %max3A_835, %select_n3A_869 : vector<16xf32>
      %select_n3A_871 = arith.select %ge3A_870, %select_n3A_834, %gather3A_855 : vector<16xi1>, vector<16xi32>
      %max3A_872 = arith.maximumf %max3A_835, %select_n3A_869 : vector<16xf32>
      %lt3A_873 = arith.constant 0 : i32
      %lt3A_874 = vector.broadcast %lt3A_873 : i32 to vector<16xi32>
      %lt3A_875 = arith.cmpi slt, %max3A_18, %lt3A_874 : vector<16xi32>
      %add3A_876 = arith.constant 16 : i32
      %add3A_877 = vector.broadcast %add3A_876 : i32 to vector<16xi32>
      %add3A_878 = arith.addi %max3A_18, %add3A_877 : vector<16xi32>
      %select_n3A_879 = arith.select %lt3A_875, %add3A_878, %max3A_18 : vector<16xi1>, vector<16xi32>
      %broadcast_in_dim3A_880 = vector.shape_cast %select_n3A_879 : vector<16xi32> to vector<16x1xi32>
      %gather3A_881 = vector.shape_cast %broadcast_in_dim3A_880 : vector<16x1xi32> to vector<16xi32>
      %gather3A_882 = tpu.dynamic_gather %max3A_872[%gather3A_881] in [0] : vector<16xf32>, vector<16xi32> -> vector<16xf32>
      %lt3A_883 = arith.constant 0 : i32
      %lt3A_884 = vector.broadcast %lt3A_883 : i32 to vector<16xi32>
      %lt3A_885 = arith.cmpi slt, %max3A_18, %lt3A_884 : vector<16xi32>
      %add3A_886 = arith.constant 16 : i32
      %add3A_887 = vector.broadcast %add3A_886 : i32 to vector<16xi32>
      %add3A_888 = arith.addi %max3A_18, %add3A_887 : vector<16xi32>
      %select_n3A_889 = arith.select %lt3A_885, %add3A_888, %max3A_18 : vector<16xi1>, vector<16xi32>
      %broadcast_in_dim3A_890 = vector.shape_cast %select_n3A_889 : vector<16xi32> to vector<16x1xi32>
      %gather3A_891 = vector.shape_cast %broadcast_in_dim3A_890 : vector<16x1xi32> to vector<16xi32>
      %gather3A_892 = tpu.dynamic_gather %select_n3A_871[%gather3A_891] in [0] : vector<16xi32>, vector<16xi32> -> vector<16xi32>
      %lt3A_893 = arith.constant 0 : i32
      %lt3A_894 = vector.broadcast %lt3A_893 : i32 to vector<16xi32>
      %lt3A_895 = arith.cmpi slt, %max3A_18, %lt3A_894 : vector<16xi32>
      %add3A_896 = arith.constant 16 : i32
      %add3A_897 = vector.broadcast %add3A_896 : i32 to vector<16xi32>
      %add3A_898 = arith.addi %max3A_18, %add3A_897 : vector<16xi32>
      %select_n3A_899 = arith.select %lt3A_895, %add3A_898, %max3A_18 : vector<16xi1>, vector<16xi32>
      %broadcast_in_dim3A_900 = vector.shape_cast %select_n3A_899 : vector<16xi32> to vector<16x1xi32>
      %gather3A_901 = vector.shape_cast %broadcast_in_dim3A_900 : vector<16x1xi32> to vector<16xi32>
      %gather3A_902 = tpu.dynamic_gather %get3A_791[%gather3A_901] in [0] : vector<16xi32>, vector<16xi32> -> vector<16xi32>
      %eq3A_903 = arith.cmpi eq, %get3A_791, %gather3A_902 : vector<16xi32>
      %jit3A_904 = arith.constant 0xFF800000 : f32
      %broadcast_in_dim3A_905 = vector.broadcast %jit3A_904 : f32 to vector<16xf32>
      %select_n3A_906 = arith.select %eq3A_903, %gather3A_882, %broadcast_in_dim3A_905 : vector<16xi1>, vector<16xf32>
      %ge3A_907 = arith.cmpf oge, %max3A_872, %select_n3A_906 : vector<16xf32>
      %select_n3A_908 = arith.select %ge3A_907, %select_n3A_871, %gather3A_892 : vector<16xi1>, vector<16xi32>
      %max3A_909 = arith.maximumf %max3A_872, %select_n3A_906 : vector<16xf32>
      %lt3A_910 = arith.constant 0 : i32
      %lt3A_911 = vector.broadcast %lt3A_910 : i32 to vector<16xi32>
      %lt3A_912 = arith.cmpi slt, %max3A_24, %lt3A_911 : vector<16xi32>
      %add3A_913 = arith.constant 16 : i32
      %add3A_914 = vector.broadcast %add3A_913 : i32 to vector<16xi32>
      %add3A_915 = arith.addi %max3A_24, %add3A_914 : vector<16xi32>
      %select_n3A_916 = arith.select %lt3A_912, %add3A_915, %max3A_24 : vector<16xi1>, vector<16xi32>
      %broadcast_in_dim3A_917 = vector.shape_cast %select_n3A_916 : vector<16xi32> to vector<16x1xi32>
      %gather3A_918 = vector.shape_cast %broadcast_in_dim3A_917 : vector<16x1xi32> to vector<16xi32>
      %gather3A_919 = tpu.dynamic_gather %max3A_909[%gather3A_918] in [0] : vector<16xf32>, vector<16xi32> -> vector<16xf32>
      %lt3A_920 = arith.constant 0 : i32
      %lt3A_921 = vector.broadcast %lt3A_920 : i32 to vector<16xi32>
      %lt3A_922 = arith.cmpi slt, %max3A_24, %lt3A_921 : vector<16xi32>
      %add3A_923 = arith.constant 16 : i32
      %add3A_924 = vector.broadcast %add3A_923 : i32 to vector<16xi32>
      %add3A_925 = arith.addi %max3A_24, %add3A_924 : vector<16xi32>
      %select_n3A_926 = arith.select %lt3A_922, %add3A_925, %max3A_24 : vector<16xi1>, vector<16xi32>
      %broadcast_in_dim3A_927 = vector.shape_cast %select_n3A_926 : vector<16xi32> to vector<16x1xi32>
      %gather3A_928 = vector.shape_cast %broadcast_in_dim3A_927 : vector<16x1xi32> to vector<16xi32>
      %gather3A_929 = tpu.dynamic_gather %select_n3A_908[%gather3A_928] in [0] : vector<16xi32>, vector<16xi32> -> vector<16xi32>
      %lt3A_930 = arith.constant 0 : i32
      %lt3A_931 = vector.broadcast %lt3A_930 : i32 to vector<16xi32>
      %lt3A_932 = arith.cmpi slt, %max3A_24, %lt3A_931 : vector<16xi32>
      %add3A_933 = arith.constant 16 : i32
      %add3A_934 = vector.broadcast %add3A_933 : i32 to vector<16xi32>
      %add3A_935 = arith.addi %max3A_24, %add3A_934 : vector<16xi32>
      %select_n3A_936 = arith.select %lt3A_932, %add3A_935, %max3A_24 : vector<16xi1>, vector<16xi32>
      %broadcast_in_dim3A_937 = vector.shape_cast %select_n3A_936 : vector<16xi32> to vector<16x1xi32>
      %gather3A_938 = vector.shape_cast %broadcast_in_dim3A_937 : vector<16x1xi32> to vector<16xi32>
      %gather3A_939 = tpu.dynamic_gather %get3A_791[%gather3A_938] in [0] : vector<16xi32>, vector<16xi32> -> vector<16xi32>
      %eq3A_940 = arith.cmpi eq, %get3A_791, %gather3A_939 : vector<16xi32>
      %jit3A_941 = arith.constant 0xFF800000 : f32
      %broadcast_in_dim3A_942 = vector.broadcast %jit3A_941 : f32 to vector<16xf32>
      %select_n3A_943 = arith.select %eq3A_940, %gather3A_919, %broadcast_in_dim3A_942 : vector<16xi1>, vector<16xf32>
      %ge3A_944 = arith.cmpf oge, %max3A_909, %select_n3A_943 : vector<16xf32>
      %select_n3A_945 = arith.select %ge3A_944, %select_n3A_908, %gather3A_929 : vector<16xi1>, vector<16xi32>
      %max3A_946 = arith.maximumf %max3A_909, %select_n3A_943 : vector<16xf32>
      %eq3A_947 = arith.cmpi eq, %get3A_791, %gather3A_764 : vector<16xi32>
      %jit3A_948 = arith.constant 0xFF800000 : f32
      %broadcast_in_dim3A_949 = vector.broadcast %jit3A_948 : f32 to vector<16xf32>
      %select_n3A_950 = arith.select %eq3A_947, %gather3A_774, %broadcast_in_dim3A_949 : vector<16xi1>, vector<16xf32>
      %ge3A_951 = arith.cmpf oge, %max3A_946, %select_n3A_950 : vector<16xf32>
      %select_n3A_952 = arith.select %ge3A_951, %select_n3A_945, %gather3A_784 : vector<16xi1>, vector<16xi32>
      %max3A_953 = arith.maximumf %max3A_946, %select_n3A_950 : vector<16xf32>
      %ne3A_954 = arith.cmpi ne, %get3A_791, %get3A_795 : vector<16xi32>
      %jit3A_955 = arith.constant 1 : i32
      %jit3A_956 = arith.constant 0 : i32
      %broadcast_in_dim3A_957 = vector.broadcast %jit3A_955 : i32 to vector<16xi32>
      %broadcast_in_dim3A_958 = vector.broadcast %jit3A_956 : i32 to vector<16xi32>
      %select_n3A_959 = arith.select %ne3A_954, %broadcast_in_dim3A_957, %broadcast_in_dim3A_958 : vector<16xi1>, vector<16xi32>
      %broadcast_in_dim3A_960 = arith.constant true
      %broadcast_in_dim3A_961 = vector.broadcast %broadcast_in_dim3A_960 : i1 to vector<16xi1>
      %masked_cumsum3A_962 = tpu.scan <sum>, %select_n3A_959 masked %broadcast_in_dim3A_961 : vector<16xi32>, vector<16xi1> -> vector<16xi32>
      %add3A_963 = vector.broadcast %add3A_785 : i32 to vector<16xi32>
      %add3A_964 = arith.addi %add3A_963, %masked_cumsum3A_962 : vector<16xi32>
      tpu.vector_store_idx %arg10[%add3A_964], %select_n3A_952 masked %ne3A_954 : memref<4112xi32, #tpu.memory_space<vmem>>[vector<16xi32>], vector<16xi32>, vector<16xi1>
      tpu.vector_store_idx %arg11[%add3A_964], %max3A_953 masked %ne3A_954 : memref<4112xf32, #tpu.memory_space<vmem>>[vector<16xi32>], vector<16xf32>, vector<16xi1>
      %reduce_max3A_965 = arith.constant true
      %reduce_max3A_966 = vector.broadcast %reduce_max3A_965 : i1 to vector<16xi1>
      %reduce_max3A_967 = arith.constant -2147483648 : i32
      %reduce_max3A_968 = vector.broadcast %reduce_max3A_967 : i32 to vector<16xi32>
      %reduce_max3A_969 = arith.xori %masked_cumsum3A_962, %reduce_max3A_968 : vector<16xi32>
      %reduce_max3A_970 = tpu.scan <max>, %reduce_max3A_969 masked %reduce_max3A_966 : vector<16xi32>, vector<16xi1> -> vector<16xi32>
      %reduce_max3A_971 = arith.xori %reduce_max3A_970, %reduce_max3A_968 : vector<16xi32>
      %reduce_max3A_972 = vector.extract %reduce_max3A_971[15] : i32 from vector<16xi32>
      %sub3A_973 = arith.subf %get3A_789, %get3A_25 : vector<16xf32>
      %max3A_974 = arith.constant 0.000000e+00 : f32
      %max3A_975 = vector.broadcast %max3A_974 : f32 to vector<16xf32>
      %max3A_976 = arith.maximumf %sub3A_973, %max3A_975 : vector<16xf32>
      %swap3A_977 = arith.index_cast %add3A_787 : i32 to index
      %swap3A_978 = tpu.vector_load %arg8[%swap3A_977] {strides = array<i32>} : memref<32768xf32, #tpu.memory_space<vmem>>, vector<16xf32>,
      tpu.vector_store %arg8[%swap3A_977], %max3A_976 {strides = array<i32>} : memref<32768xf32, #tpu.memory_space<vmem>>, vector<16xf32>,
      %lt3A_979 = arith.constant 0 : i32
      %lt3A_980 = vector.broadcast %lt3A_979 : i32 to vector<16xi32>
      %lt3A_981 = arith.cmpi slt, %broadcast_in_dim3A_2, %lt3A_980 : vector<16xi32>
      %add3A_982 = arith.constant 16 : i32
      %add3A_983 = vector.broadcast %add3A_982 : i32 to vector<16xi32>
      %add3A_984 = arith.addi %broadcast_in_dim3A_2, %add3A_983 : vector<16xi32>
      %select_n3A_985 = arith.select %lt3A_981, %add3A_984, %broadcast_in_dim3A_2 : vector<16xi1>, vector<16xi32>
      %broadcast_in_dim3A_986 = vector.shape_cast %select_n3A_985 : vector<16xi32> to vector<16x1xi32>
      %gather3A_987 = vector.shape_cast %broadcast_in_dim3A_986 : vector<16x1xi32> to vector<16xi32>
      %gather3A_988 = tpu.dynamic_gather %get3A_791[%gather3A_987] in [0] : vector<16xi32>, vector<16xi32> -> vector<16xi32>
      %lt3A_989 = arith.constant 0 : i32
      %lt3A_990 = vector.broadcast %lt3A_989 : i32 to vector<16xi32>
      %lt3A_991 = arith.cmpi slt, %broadcast_in_dim3A_2, %lt3A_990 : vector<16xi32>
      %add3A_992 = arith.constant 16 : i32
      %add3A_993 = vector.broadcast %add3A_992 : i32 to vector<16xi32>
      %add3A_994 = arith.addi %broadcast_in_dim3A_2, %add3A_993 : vector<16xi32>
      %select_n3A_995 = arith.select %lt3A_991, %add3A_994, %broadcast_in_dim3A_2 : vector<16xi1>, vector<16xi32>
      %broadcast_in_dim3A_996 = vector.shape_cast %select_n3A_995 : vector<16xi32> to vector<16x1xi32>
      %gather3A_997 = vector.shape_cast %broadcast_in_dim3A_996 : vector<16x1xi32> to vector<16xi32>
      %gather3A_998 = tpu.dynamic_gather %max3A_953[%gather3A_997] in [0] : vector<16xf32>, vector<16xi32> -> vector<16xf32>
      %lt3A_999 = arith.constant 0 : i32
      %lt3A_1000 = vector.broadcast %lt3A_999 : i32 to vector<16xi32>
      %lt3A_1001 = arith.cmpi slt, %broadcast_in_dim3A_2, %lt3A_1000 : vector<16xi32>
      %add3A_1002 = arith.constant 16 : i32
      %add3A_1003 = vector.broadcast %add3A_1002 : i32 to vector<16xi32>
      %add3A_1004 = arith.addi %broadcast_in_dim3A_2, %add3A_1003 : vector<16xi32>
      %select_n3A_1005 = arith.select %lt3A_1001, %add3A_1004, %broadcast_in_dim3A_2 : vector<16xi1>, vector<16xi32>
      %broadcast_in_dim3A_1006 = vector.shape_cast %select_n3A_1005 : vector<16xi32> to vector<16x1xi32>
      %gather3A_1007 = vector.shape_cast %broadcast_in_dim3A_1006 : vector<16x1xi32> to vector<16xi32>
      %gather3A_1008 = tpu.dynamic_gather %select_n3A_952[%gather3A_1007] in [0] : vector<16xi32>, vector<16xi32> -> vector<16xi32>
      %add3A_1009 = arith.addi %add3A_785, %reduce_max3A_972 : i32
      %add3A_1010 = arith.constant 48 : i32
      %add3A_1011 = arith.addi %mul3A_339, %add3A_1010 : i32
      %get3A_1012 = arith.index_cast %add3A_1011 : i32 to index
      %get3A_1013 = tpu.vector_load %arg8[%get3A_1012] {strides = array<i32>} : memref<32768xf32, #tpu.memory_space<vmem>>, vector<16xf32>,
      %get3A_1014 = arith.index_cast %add3A_1011 : i32 to index
      %get3A_1015 = tpu.vector_load %arg9[%get3A_1014] {strides = array<i32>} : memref<32784xi32, #tpu.memory_space<vmem>>, vector<16xi32>,
      %add3A_1016 = arith.constant 1 : i32
      %add3A_1017 = arith.addi %add3A_1011, %add3A_1016 : i32
      %get3A_1018 = arith.index_cast %add3A_1017 : i32 to index
      %get3A_1019 = tpu.vector_load %arg9[%get3A_1018] {strides = array<i32>} : memref<32784xi32, #tpu.memory_space<vmem>>, vector<16xi32>,
      %add3A_1020 = arith.addi %add3A_332, %add3A_1011 : i32
      %add3A_1021 = vector.broadcast %add3A_1020 : i32 to vector<16xi32>
      %add3A_1022 = arith.addi %iota3A, %add3A_1021 : vector<16xi32>
      %lt3A_1023 = arith.constant 0 : i32
      %lt3A_1024 = vector.broadcast %lt3A_1023 : i32 to vector<16xi32>
      %lt3A_1025 = arith.cmpi slt, %max3A_6, %lt3A_1024 : vector<16xi32>
      %add3A_1026 = arith.constant 16 : i32
      %add3A_1027 = vector.broadcast %add3A_1026 : i32 to vector<16xi32>
      %add3A_1028 = arith.addi %max3A_6, %add3A_1027 : vector<16xi32>
      %select_n3A_1029 = arith.select %lt3A_1025, %add3A_1028, %max3A_6 : vector<16xi1>, vector<16xi32>
      %broadcast_in_dim3A_1030 = vector.shape_cast %select_n3A_1029 : vector<16xi32> to vector<16x1xi32>
      %gather3A_1031 = vector.shape_cast %broadcast_in_dim3A_1030 : vector<16x1xi32> to vector<16xi32>
      %gather3A_1032 = tpu.dynamic_gather %get3A_1013[%gather3A_1031] in [0] : vector<16xf32>, vector<16xi32> -> vector<16xf32>
      %lt3A_1033 = arith.constant 0 : i32
      %lt3A_1034 = vector.broadcast %lt3A_1033 : i32 to vector<16xi32>
      %lt3A_1035 = arith.cmpi slt, %max3A_6, %lt3A_1034 : vector<16xi32>
      %add3A_1036 = arith.constant 16 : i32
      %add3A_1037 = vector.broadcast %add3A_1036 : i32 to vector<16xi32>
      %add3A_1038 = arith.addi %max3A_6, %add3A_1037 : vector<16xi32>
      %select_n3A_1039 = arith.select %lt3A_1035, %add3A_1038, %max3A_6 : vector<16xi1>, vector<16xi32>
      %broadcast_in_dim3A_1040 = vector.shape_cast %select_n3A_1039 : vector<16xi32> to vector<16x1xi32>
      %gather3A_1041 = vector.shape_cast %broadcast_in_dim3A_1040 : vector<16x1xi32> to vector<16xi32>
      %gather3A_1042 = tpu.dynamic_gather %add3A_1022[%gather3A_1041] in [0] : vector<16xi32>, vector<16xi32> -> vector<16xi32>
      %lt3A_1043 = arith.constant 0 : i32
      %lt3A_1044 = vector.broadcast %lt3A_1043 : i32 to vector<16xi32>
      %lt3A_1045 = arith.cmpi slt, %max3A_6, %lt3A_1044 : vector<16xi32>
      %add3A_1046 = arith.constant 16 : i32
      %add3A_1047 = vector.broadcast %add3A_1046 : i32 to vector<16xi32>
      %add3A_1048 = arith.addi %max3A_6, %add3A_1047 : vector<16xi32>
      %select_n3A_1049 = arith.select %lt3A_1045, %add3A_1048, %max3A_6 : vector<16xi1>, vector<16xi32>
      %broadcast_in_dim3A_1050 = vector.shape_cast %select_n3A_1049 : vector<16xi32> to vector<16x1xi32>
      %gather3A_1051 = vector.shape_cast %broadcast_in_dim3A_1050 : vector<16x1xi32> to vector<16xi32>
      %gather3A_1052 = tpu.dynamic_gather %get3A_1015[%gather3A_1051] in [0] : vector<16xi32>, vector<16xi32> -> vector<16xi32>
      %eq3A_1053 = arith.cmpi eq, %get3A_1015, %gather3A_1052 : vector<16xi32>
      %jit3A_1054 = arith.constant 0xFF800000 : f32
      %broadcast_in_dim3A_1055 = vector.broadcast %jit3A_1054 : f32 to vector<16xf32>
      %select_n3A_1056 = arith.select %eq3A_1053, %gather3A_1032, %broadcast_in_dim3A_1055 : vector<16xi1>, vector<16xf32>
      %ge3A_1057 = arith.cmpf oge, %get3A_1013, %select_n3A_1056 : vector<16xf32>
      %select_n3A_1058 = arith.select %ge3A_1057, %add3A_1022, %gather3A_1042 : vector<16xi1>, vector<16xi32>
      %max3A_1059 = arith.maximumf %get3A_1013, %select_n3A_1056 : vector<16xf32>
      %lt3A_1060 = arith.constant 0 : i32
      %lt3A_1061 = vector.broadcast %lt3A_1060 : i32 to vector<16xi32>
      %lt3A_1062 = arith.cmpi slt, %max3A_12, %lt3A_1061 : vector<16xi32>
      %add3A_1063 = arith.constant 16 : i32
      %add3A_1064 = vector.broadcast %add3A_1063 : i32 to vector<16xi32>
      %add3A_1065 = arith.addi %max3A_12, %add3A_1064 : vector<16xi32>
      %select_n3A_1066 = arith.select %lt3A_1062, %add3A_1065, %max3A_12 : vector<16xi1>, vector<16xi32>
      %broadcast_in_dim3A_1067 = vector.shape_cast %select_n3A_1066 : vector<16xi32> to vector<16x1xi32>
      %gather3A_1068 = vector.shape_cast %broadcast_in_dim3A_1067 : vector<16x1xi32> to vector<16xi32>
      %gather3A_1069 = tpu.dynamic_gather %max3A_1059[%gather3A_1068] in [0] : vector<16xf32>, vector<16xi32> -> vector<16xf32>
      %lt3A_1070 = arith.constant 0 : i32
      %lt3A_1071 = vector.broadcast %lt3A_1070 : i32 to vector<16xi32>
      %lt3A_1072 = arith.cmpi slt, %max3A_12, %lt3A_1071 : vector<16xi32>
      %add3A_1073 = arith.constant 16 : i32
      %add3A_1074 = vector.broadcast %add3A_1073 : i32 to vector<16xi32>
      %add3A_1075 = arith.addi %max3A_12, %add3A_1074 : vector<16xi32>
      %select_n3A_1076 = arith.select %lt3A_1072, %add3A_1075, %max3A_12 : vector<16xi1>, vector<16xi32>
      %broadcast_in_dim3A_1077 = vector.shape_cast %select_n3A_1076 : vector<16xi32> to vector<16x1xi32>
      %gather3A_1078 = vector.shape_cast %broadcast_in_dim3A_1077 : vector<16x1xi32> to vector<16xi32>
      %gather3A_1079 = tpu.dynamic_gather %select_n3A_1058[%gather3A_1078] in [0] : vector<16xi32>, vector<16xi32> -> vector<16xi32>
      %lt3A_1080 = arith.constant 0 : i32
      %lt3A_1081 = vector.broadcast %lt3A_1080 : i32 to vector<16xi32>
      %lt3A_1082 = arith.cmpi slt, %max3A_12, %lt3A_1081 : vector<16xi32>
      %add3A_1083 = arith.constant 16 : i32
      %add3A_1084 = vector.broadcast %add3A_1083 : i32 to vector<16xi32>
      %add3A_1085 = arith.addi %max3A_12, %add3A_1084 : vector<16xi32>
      %select_n3A_1086 = arith.select %lt3A_1082, %add3A_1085, %max3A_12 : vector<16xi1>, vector<16xi32>
      %broadcast_in_dim3A_1087 = vector.shape_cast %select_n3A_1086 : vector<16xi32> to vector<16x1xi32>
      %gather3A_1088 = vector.shape_cast %broadcast_in_dim3A_1087 : vector<16x1xi32> to vector<16xi32>
      %gather3A_1089 = tpu.dynamic_gather %get3A_1015[%gather3A_1088] in [0] : vector<16xi32>, vector<16xi32> -> vector<16xi32>
      %eq3A_1090 = arith.cmpi eq, %get3A_1015, %gather3A_1089 : vector<16xi32>
      %jit3A_1091 = arith.constant 0xFF800000 : f32
      %broadcast_in_dim3A_1092 = vector.broadcast %jit3A_1091 : f32 to vector<16xf32>
      %select_n3A_1093 = arith.select %eq3A_1090, %gather3A_1069, %broadcast_in_dim3A_1092 : vector<16xi1>, vector<16xf32>
      %ge3A_1094 = arith.cmpf oge, %max3A_1059, %select_n3A_1093 : vector<16xf32>
      %select_n3A_1095 = arith.select %ge3A_1094, %select_n3A_1058, %gather3A_1079 : vector<16xi1>, vector<16xi32>
      %max3A_1096 = arith.maximumf %max3A_1059, %select_n3A_1093 : vector<16xf32>
      %lt3A_1097 = arith.constant 0 : i32
      %lt3A_1098 = vector.broadcast %lt3A_1097 : i32 to vector<16xi32>
      %lt3A_1099 = arith.cmpi slt, %max3A_18, %lt3A_1098 : vector<16xi32>
      %add3A_1100 = arith.constant 16 : i32
      %add3A_1101 = vector.broadcast %add3A_1100 : i32 to vector<16xi32>
      %add3A_1102 = arith.addi %max3A_18, %add3A_1101 : vector<16xi32>
      %select_n3A_1103 = arith.select %lt3A_1099, %add3A_1102, %max3A_18 : vector<16xi1>, vector<16xi32>
      %broadcast_in_dim3A_1104 = vector.shape_cast %select_n3A_1103 : vector<16xi32> to vector<16x1xi32>
      %gather3A_1105 = vector.shape_cast %broadcast_in_dim3A_1104 : vector<16x1xi32> to vector<16xi32>
      %gather3A_1106 = tpu.dynamic_gather %max3A_1096[%gather3A_1105] in [0] : vector<16xf32>, vector<16xi32> -> vector<16xf32>
      %lt3A_1107 = arith.constant 0 : i32
      %lt3A_1108 = vector.broadcast %lt3A_1107 : i32 to vector<16xi32>
      %lt3A_1109 = arith.cmpi slt, %max3A_18, %lt3A_1108 : vector<16xi32>
      %add3A_1110 = arith.constant 16 : i32
      %add3A_1111 = vector.broadcast %add3A_1110 : i32 to vector<16xi32>
      %add3A_1112 = arith.addi %max3A_18, %add3A_1111 : vector<16xi32>
      %select_n3A_1113 = arith.select %lt3A_1109, %add3A_1112, %max3A_18 : vector<16xi1>, vector<16xi32>
      %broadcast_in_dim3A_1114 = vector.shape_cast %select_n3A_1113 : vector<16xi32> to vector<16x1xi32>
      %gather3A_1115 = vector.shape_cast %broadcast_in_dim3A_1114 : vector<16x1xi32> to vector<16xi32>
      %gather3A_1116 = tpu.dynamic_gather %select_n3A_1095[%gather3A_1115] in [0] : vector<16xi32>, vector<16xi32> -> vector<16xi32>
      %lt3A_1117 = arith.constant 0 : i32
      %lt3A_1118 = vector.broadcast %lt3A_1117 : i32 to vector<16xi32>
      %lt3A_1119 = arith.cmpi slt, %max3A_18, %lt3A_1118 : vector<16xi32>
      %add3A_1120 = arith.constant 16 : i32
      %add3A_1121 = vector.broadcast %add3A_1120 : i32 to vector<16xi32>
      %add3A_1122 = arith.addi %max3A_18, %add3A_1121 : vector<16xi32>
      %select_n3A_1123 = arith.select %lt3A_1119, %add3A_1122, %max3A_18 : vector<16xi1>, vector<16xi32>
      %broadcast_in_dim3A_1124 = vector.shape_cast %select_n3A_1123 : vector<16xi32> to vector<16x1xi32>
      %gather3A_1125 = vector.shape_cast %broadcast_in_dim3A_1124 : vector<16x1xi32> to vector<16xi32>
      %gather3A_1126 = tpu.dynamic_gather %get3A_1015[%gather3A_1125] in [0] : vector<16xi32>, vector<16xi32> -> vector<16xi32>
      %eq3A_1127 = arith.cmpi eq, %get3A_1015, %gather3A_1126 : vector<16xi32>
      %jit3A_1128 = arith.constant 0xFF800000 : f32
      %broadcast_in_dim3A_1129 = vector.broadcast %jit3A_1128 : f32 to vector<16xf32>
      %select_n3A_1130 = arith.select %eq3A_1127, %gather3A_1106, %broadcast_in_dim3A_1129 : vector<16xi1>, vector<16xf32>
      %ge3A_1131 = arith.cmpf oge, %max3A_1096, %select_n3A_1130 : vector<16xf32>
      %select_n3A_1132 = arith.select %ge3A_1131, %select_n3A_1095, %gather3A_1116 : vector<16xi1>, vector<16xi32>
      %max3A_1133 = arith.maximumf %max3A_1096, %select_n3A_1130 : vector<16xf32>
      %lt3A_1134 = arith.constant 0 : i32
      %lt3A_1135 = vector.broadcast %lt3A_1134 : i32 to vector<16xi32>
      %lt3A_1136 = arith.cmpi slt, %max3A_24, %lt3A_1135 : vector<16xi32>
      %add3A_1137 = arith.constant 16 : i32
      %add3A_1138 = vector.broadcast %add3A_1137 : i32 to vector<16xi32>
      %add3A_1139 = arith.addi %max3A_24, %add3A_1138 : vector<16xi32>
      %select_n3A_1140 = arith.select %lt3A_1136, %add3A_1139, %max3A_24 : vector<16xi1>, vector<16xi32>
      %broadcast_in_dim3A_1141 = vector.shape_cast %select_n3A_1140 : vector<16xi32> to vector<16x1xi32>
      %gather3A_1142 = vector.shape_cast %broadcast_in_dim3A_1141 : vector<16x1xi32> to vector<16xi32>
      %gather3A_1143 = tpu.dynamic_gather %max3A_1133[%gather3A_1142] in [0] : vector<16xf32>, vector<16xi32> -> vector<16xf32>
      %lt3A_1144 = arith.constant 0 : i32
      %lt3A_1145 = vector.broadcast %lt3A_1144 : i32 to vector<16xi32>
      %lt3A_1146 = arith.cmpi slt, %max3A_24, %lt3A_1145 : vector<16xi32>
      %add3A_1147 = arith.constant 16 : i32
      %add3A_1148 = vector.broadcast %add3A_1147 : i32 to vector<16xi32>
      %add3A_1149 = arith.addi %max3A_24, %add3A_1148 : vector<16xi32>
      %select_n3A_1150 = arith.select %lt3A_1146, %add3A_1149, %max3A_24 : vector<16xi1>, vector<16xi32>
      %broadcast_in_dim3A_1151 = vector.shape_cast %select_n3A_1150 : vector<16xi32> to vector<16x1xi32>
      %gather3A_1152 = vector.shape_cast %broadcast_in_dim3A_1151 : vector<16x1xi32> to vector<16xi32>
      %gather3A_1153 = tpu.dynamic_gather %select_n3A_1132[%gather3A_1152] in [0] : vector<16xi32>, vector<16xi32> -> vector<16xi32>
      %lt3A_1154 = arith.constant 0 : i32
      %lt3A_1155 = vector.broadcast %lt3A_1154 : i32 to vector<16xi32>
      %lt3A_1156 = arith.cmpi slt, %max3A_24, %lt3A_1155 : vector<16xi32>
      %add3A_1157 = arith.constant 16 : i32
      %add3A_1158 = vector.broadcast %add3A_1157 : i32 to vector<16xi32>
      %add3A_1159 = arith.addi %max3A_24, %add3A_1158 : vector<16xi32>
      %select_n3A_1160 = arith.select %lt3A_1156, %add3A_1159, %max3A_24 : vector<16xi1>, vector<16xi32>
      %broadcast_in_dim3A_1161 = vector.shape_cast %select_n3A_1160 : vector<16xi32> to vector<16x1xi32>
      %gather3A_1162 = vector.shape_cast %broadcast_in_dim3A_1161 : vector<16x1xi32> to vector<16xi32>
      %gather3A_1163 = tpu.dynamic_gather %get3A_1015[%gather3A_1162] in [0] : vector<16xi32>, vector<16xi32> -> vector<16xi32>
      %eq3A_1164 = arith.cmpi eq, %get3A_1015, %gather3A_1163 : vector<16xi32>
      %jit3A_1165 = arith.constant 0xFF800000 : f32
      %broadcast_in_dim3A_1166 = vector.broadcast %jit3A_1165 : f32 to vector<16xf32>
      %select_n3A_1167 = arith.select %eq3A_1164, %gather3A_1143, %broadcast_in_dim3A_1166 : vector<16xi1>, vector<16xf32>
      %ge3A_1168 = arith.cmpf oge, %max3A_1133, %select_n3A_1167 : vector<16xf32>
      %select_n3A_1169 = arith.select %ge3A_1168, %select_n3A_1132, %gather3A_1153 : vector<16xi1>, vector<16xi32>
      %max3A_1170 = arith.maximumf %max3A_1133, %select_n3A_1167 : vector<16xf32>
      %eq3A_1171 = arith.cmpi eq, %get3A_1015, %gather3A_988 : vector<16xi32>
      %jit3A_1172 = arith.constant 0xFF800000 : f32
      %broadcast_in_dim3A_1173 = vector.broadcast %jit3A_1172 : f32 to vector<16xf32>
      %select_n3A_1174 = arith.select %eq3A_1171, %gather3A_998, %broadcast_in_dim3A_1173 : vector<16xi1>, vector<16xf32>
      %ge3A_1175 = arith.cmpf oge, %max3A_1170, %select_n3A_1174 : vector<16xf32>
      %select_n3A_1176 = arith.select %ge3A_1175, %select_n3A_1169, %gather3A_1008 : vector<16xi1>, vector<16xi32>
      %max3A_1177 = arith.maximumf %max3A_1170, %select_n3A_1174 : vector<16xf32>
      %ne3A_1178 = arith.cmpi ne, %get3A_1015, %get3A_1019 : vector<16xi32>
      %jit3A_1179 = arith.constant 1 : i32
      %jit3A_1180 = arith.constant 0 : i32
      %broadcast_in_dim3A_1181 = vector.broadcast %jit3A_1179 : i32 to vector<16xi32>
      %broadcast_in_dim3A_1182 = vector.broadcast %jit3A_1180 : i32 to vector<16xi32>
      %select_n3A_1183 = arith.select %ne3A_1178, %broadcast_in_dim3A_1181, %broadcast_in_dim3A_1182 : vector<16xi1>, vector<16xi32>
      %broadcast_in_dim3A_1184 = arith.constant true
      %broadcast_in_dim3A_1185 = vector.broadcast %broadcast_in_dim3A_1184 : i1 to vector<16xi1>
      %masked_cumsum3A_1186 = tpu.scan <sum>, %select_n3A_1183 masked %broadcast_in_dim3A_1185 : vector<16xi32>, vector<16xi1> -> vector<16xi32>
      %add3A_1187 = vector.broadcast %add3A_1009 : i32 to vector<16xi32>
      %add3A_1188 = arith.addi %add3A_1187, %masked_cumsum3A_1186 : vector<16xi32>
      tpu.vector_store_idx %arg10[%add3A_1188], %select_n3A_1176 masked %ne3A_1178 : memref<4112xi32, #tpu.memory_space<vmem>>[vector<16xi32>], vector<16xi32>, vector<16xi1>
      tpu.vector_store_idx %arg11[%add3A_1188], %max3A_1177 masked %ne3A_1178 : memref<4112xf32, #tpu.memory_space<vmem>>[vector<16xi32>], vector<16xf32>, vector<16xi1>
      %reduce_max3A_1189 = arith.constant true
      %reduce_max3A_1190 = vector.broadcast %reduce_max3A_1189 : i1 to vector<16xi1>
      %reduce_max3A_1191 = arith.constant -2147483648 : i32
      %reduce_max3A_1192 = vector.broadcast %reduce_max3A_1191 : i32 to vector<16xi32>
      %reduce_max3A_1193 = arith.xori %masked_cumsum3A_1186, %reduce_max3A_1192 : vector<16xi32>
      %reduce_max3A_1194 = tpu.scan <max>, %reduce_max3A_1193 masked %reduce_max3A_1190 : vector<16xi32>, vector<16xi1> -> vector<16xi32>
      %reduce_max3A_1195 = arith.xori %reduce_max3A_1194, %reduce_max3A_1192 : vector<16xi32>
      %reduce_max3A_1196 = vector.extract %reduce_max3A_1195[15] : i32 from vector<16xi32>
      %sub3A_1197 = arith.subf %get3A_1013, %get3A_25 : vector<16xf32>
      %max3A_1198 = arith.constant 0.000000e+00 : f32
      %max3A_1199 = vector.broadcast %max3A_1198 : f32 to vector<16xf32>
      %max3A_1200 = arith.maximumf %sub3A_1197, %max3A_1199 : vector<16xf32>
      %swap3A_1201 = arith.index_cast %add3A_1011 : i32 to index
      %swap3A_1202 = tpu.vector_load %arg8[%swap3A_1201] {strides = array<i32>} : memref<32768xf32, #tpu.memory_space<vmem>>, vector<16xf32>,
      tpu.vector_store %arg8[%swap3A_1201], %max3A_1200 {strides = array<i32>} : memref<32768xf32, #tpu.memory_space<vmem>>, vector<16xf32>,
      %lt3A_1203 = arith.constant 0 : i32
      %lt3A_1204 = vector.broadcast %lt3A_1203 : i32 to vector<16xi32>
      %lt3A_1205 = arith.cmpi slt, %broadcast_in_dim3A_2, %lt3A_1204 : vector<16xi32>
      %add3A_1206 = arith.constant 16 : i32
      %add3A_1207 = vector.broadcast %add3A_1206 : i32 to vector<16xi32>
      %add3A_1208 = arith.addi %broadcast_in_dim3A_2, %add3A_1207 : vector<16xi32>
      %select_n3A_1209 = arith.select %lt3A_1205, %add3A_1208, %broadcast_in_dim3A_2 : vector<16xi1>, vector<16xi32>
      %broadcast_in_dim3A_1210 = vector.shape_cast %select_n3A_1209 : vector<16xi32> to vector<16x1xi32>
      %gather3A_1211 = vector.shape_cast %broadcast_in_dim3A_1210 : vector<16x1xi32> to vector<16xi32>
      %gather3A_1212 = tpu.dynamic_gather %get3A_1015[%gather3A_1211] in [0] : vector<16xi32>, vector<16xi32> -> vector<16xi32>
      %lt3A_1213 = arith.constant 0 : i32
      %lt3A_1214 = vector.broadcast %lt3A_1213 : i32 to vector<16xi32>
      %lt3A_1215 = arith.cmpi slt, %broadcast_in_dim3A_2, %lt3A_1214 : vector<16xi32>
      %add3A_1216 = arith.constant 16 : i32
      %add3A_1217 = vector.broadcast %add3A_1216 : i32 to vector<16xi32>
      %add3A_1218 = arith.addi %broadcast_in_dim3A_2, %add3A_1217 : vector<16xi32>
      %select_n3A_1219 = arith.select %lt3A_1215, %add3A_1218, %broadcast_in_dim3A_2 : vector<16xi1>, vector<16xi32>
      %broadcast_in_dim3A_1220 = vector.shape_cast %select_n3A_1219 : vector<16xi32> to vector<16x1xi32>
      %gather3A_1221 = vector.shape_cast %broadcast_in_dim3A_1220 : vector<16x1xi32> to vector<16xi32>
      %gather3A_1222 = tpu.dynamic_gather %max3A_1177[%gather3A_1221] in [0] : vector<16xf32>, vector<16xi32> -> vector<16xf32>
      %lt3A_1223 = arith.constant 0 : i32
      %lt3A_1224 = vector.broadcast %lt3A_1223 : i32 to vector<16xi32>
      %lt3A_1225 = arith.cmpi slt, %broadcast_in_dim3A_2, %lt3A_1224 : vector<16xi32>
      %add3A_1226 = arith.constant 16 : i32
      %add3A_1227 = vector.broadcast %add3A_1226 : i32 to vector<16xi32>
      %add3A_1228 = arith.addi %broadcast_in_dim3A_2, %add3A_1227 : vector<16xi32>
      %select_n3A_1229 = arith.select %lt3A_1225, %add3A_1228, %broadcast_in_dim3A_2 : vector<16xi1>, vector<16xi32>
      %broadcast_in_dim3A_1230 = vector.shape_cast %select_n3A_1229 : vector<16xi32> to vector<16x1xi32>
      %gather3A_1231 = vector.shape_cast %broadcast_in_dim3A_1230 : vector<16x1xi32> to vector<16xi32>
      %gather3A_1232 = tpu.dynamic_gather %select_n3A_1176[%gather3A_1231] in [0] : vector<16xi32>, vector<16xi32> -> vector<16xi32>
      %add3A_1233 = arith.addi %add3A_1009, %reduce_max3A_1196 : i32
      %add3A_1234 = arith.constant 64 : i32
      %add3A_1235 = arith.addi %mul3A_339, %add3A_1234 : i32
      %get3A_1236 = arith.index_cast %add3A_1235 : i32 to index
      %get3A_1237 = tpu.vector_load %arg8[%get3A_1236] {strides = array<i32>} : memref<32768xf32, #tpu.memory_space<vmem>>, vector<16xf32>,
      %get3A_1238 = arith.index_cast %add3A_1235 : i32 to index
      %get3A_1239 = tpu.vector_load %arg9[%get3A_1238] {strides = array<i32>} : memref<32784xi32, #tpu.memory_space<vmem>>, vector<16xi32>,
      %add3A_1240 = arith.constant 1 : i32
      %add3A_1241 = arith.addi %add3A_1235, %add3A_1240 : i32
      %get3A_1242 = arith.index_cast %add3A_1241 : i32 to index
      %get3A_1243 = tpu.vector_load %arg9[%get3A_1242] {strides = array<i32>} : memref<32784xi32, #tpu.memory_space<vmem>>, vector<16xi32>,
      %add3A_1244 = arith.addi %add3A_332, %add3A_1235 : i32
      %add3A_1245 = vector.broadcast %add3A_1244 : i32 to vector<16xi32>
      %add3A_1246 = arith.addi %iota3A, %add3A_1245 : vector<16xi32>
      %lt3A_1247 = arith.constant 0 : i32
      %lt3A_1248 = vector.broadcast %lt3A_1247 : i32 to vector<16xi32>
      %lt3A_1249 = arith.cmpi slt, %max3A_6, %lt3A_1248 : vector<16xi32>
      %add3A_1250 = arith.constant 16 : i32
      %add3A_1251 = vector.broadcast %add3A_1250 : i32 to vector<16xi32>
      %add3A_1252 = arith.addi %max3A_6, %add3A_1251 : vector<16xi32>
      %select_n3A_1253 = arith.select %lt3A_1249, %add3A_1252, %max3A_6 : vector<16xi1>, vector<16xi32>
      %broadcast_in_dim3A_1254 = vector.shape_cast %select_n3A_1253 : vector<16xi32> to vector<16x1xi32>
      %gather3A_1255 = vector.shape_cast %broadcast_in_dim3A_1254 : vector<16x1xi32> to vector<16xi32>
      %gather3A_1256 = tpu.dynamic_gather %get3A_1237[%gather3A_1255] in [0] : vector<16xf32>, vector<16xi32> -> vector<16xf32>
      %lt3A_1257 = arith.constant 0 : i32
      %lt3A_1258 = vector.broadcast %lt3A_1257 : i32 to vector<16xi32>
      %lt3A_1259 = arith.cmpi slt, %max3A_6, %lt3A_1258 : vector<16xi32>
      %add3A_1260 = arith.constant 16 : i32
      %add3A_1261 = vector.broadcast %add3A_1260 : i32 to vector<16xi32>
      %add3A_1262 = arith.addi %max3A_6, %add3A_1261 : vector<16xi32>
      %select_n3A_1263 = arith.select %lt3A_1259, %add3A_1262, %max3A_6 : vector<16xi1>, vector<16xi32>
      %broadcast_in_dim3A_1264 = vector.shape_cast %select_n3A_1263 : vector<16xi32> to vector<16x1xi32>
      %gather3A_1265 = vector.shape_cast %broadcast_in_dim3A_1264 : vector<16x1xi32> to vector<16xi32>
      %gather3A_1266 = tpu.dynamic_gather %add3A_1246[%gather3A_1265] in [0] : vector<16xi32>, vector<16xi32> -> vector<16xi32>
      %lt3A_1267 = arith.constant 0 : i32
      %lt3A_1268 = vector.broadcast %lt3A_1267 : i32 to vector<16xi32>
      %lt3A_1269 = arith.cmpi slt, %max3A_6, %lt3A_1268 : vector<16xi32>
      %add3A_1270 = arith.constant 16 : i32
      %add3A_1271 = vector.broadcast %add3A_1270 : i32 to vector<16xi32>
      %add3A_1272 = arith.addi %max3A_6, %add3A_1271 : vector<16xi32>
      %select_n3A_1273 = arith.select %lt3A_1269, %add3A_1272, %max3A_6 : vector<16xi1>, vector<16xi32>
      %broadcast_in_dim3A_1274 = vector.shape_cast %select_n3A_1273 : vector<16xi32> to vector<16x1xi32>
      %gather3A_1275 = vector.shape_cast %broadcast_in_dim3A_1274 : vector<16x1xi32> to vector<16xi32>
      %gather3A_1276 = tpu.dynamic_gather %get3A_1239[%gather3A_1275] in [0] : vector<16xi32>, vector<16xi32> -> vector<16xi32>
      %eq3A_1277 = arith.cmpi eq, %get3A_1239, %gather3A_1276 : vector<16xi32>
      %jit3A_1278 = arith.constant 0xFF800000 : f32
      %broadcast_in_dim3A_1279 = vector.broadcast %jit3A_1278 : f32 to vector<16xf32>
      %select_n3A_1280 = arith.select %eq3A_1277, %gather3A_1256, %broadcast_in_dim3A_1279 : vector<16xi1>, vector<16xf32>
      %ge3A_1281 = arith.cmpf oge, %get3A_1237, %select_n3A_1280 : vector<16xf32>
      %select_n3A_1282 = arith.select %ge3A_1281, %add3A_1246, %gather3A_1266 : vector<16xi1>, vector<16xi32>
      %max3A_1283 = arith.maximumf %get3A_1237, %select_n3A_1280 : vector<16xf32>
      %lt3A_1284 = arith.constant 0 : i32
      %lt3A_1285 = vector.broadcast %lt3A_1284 : i32 to vector<16xi32>
      %lt3A_1286 = arith.cmpi slt, %max3A_12, %lt3A_1285 : vector<16xi32>
      %add3A_1287 = arith.constant 16 : i32
      %add3A_1288 = vector.broadcast %add3A_1287 : i32 to vector<16xi32>
      %add3A_1289 = arith.addi %max3A_12, %add3A_1288 : vector<16xi32>
      %select_n3A_1290 = arith.select %lt3A_1286, %add3A_1289, %max3A_12 : vector<16xi1>, vector<16xi32>
      %broadcast_in_dim3A_1291 = vector.shape_cast %select_n3A_1290 : vector<16xi32> to vector<16x1xi32>
      %gather3A_1292 = vector.shape_cast %broadcast_in_dim3A_1291 : vector<16x1xi32> to vector<16xi32>
      %gather3A_1293 = tpu.dynamic_gather %max3A_1283[%gather3A_1292] in [0] : vector<16xf32>, vector<16xi32> -> vector<16xf32>
      %lt3A_1294 = arith.constant 0 : i32
      %lt3A_1295 = vector.broadcast %lt3A_1294 : i32 to vector<16xi32>
      %lt3A_1296 = arith.cmpi slt, %max3A_12, %lt3A_1295 : vector<16xi32>
      %add3A_1297 = arith.constant 16 : i32
      %add3A_1298 = vector.broadcast %add3A_1297 : i32 to vector<16xi32>
      %add3A_1299 = arith.addi %max3A_12, %add3A_1298 : vector<16xi32>
      %select_n3A_1300 = arith.select %lt3A_1296, %add3A_1299, %max3A_12 : vector<16xi1>, vector<16xi32>
      %broadcast_in_dim3A_1301 = vector.shape_cast %select_n3A_1300 : vector<16xi32> to vector<16x1xi32>
      %gather3A_1302 = vector.shape_cast %broadcast_in_dim3A_1301 : vector<16x1xi32> to vector<16xi32>
      %gather3A_1303 = tpu.dynamic_gather %select_n3A_1282[%gather3A_1302] in [0] : vector<16xi32>, vector<16xi32> -> vector<16xi32>
      %lt3A_1304 = arith.constant 0 : i32
      %lt3A_1305 = vector.broadcast %lt3A_1304 : i32 to vector<16xi32>
      %lt3A_1306 = arith.cmpi slt, %max3A_12, %lt3A_1305 : vector<16xi32>
      %add3A_1307 = arith.constant 16 : i32
      %add3A_1308 = vector.broadcast %add3A_1307 : i32 to vector<16xi32>
      %add3A_1309 = arith.addi %max3A_12, %add3A_1308 : vector<16xi32>
      %select_n3A_1310 = arith.select %lt3A_1306, %add3A_1309, %max3A_12 : vector<16xi1>, vector<16xi32>
      %broadcast_in_dim3A_1311 = vector.shape_cast %select_n3A_1310 : vector<16xi32> to vector<16x1xi32>
      %gather3A_1312 = vector.shape_cast %broadcast_in_dim3A_1311 : vector<16x1xi32> to vector<16xi32>
      %gather3A_1313 = tpu.dynamic_gather %get3A_1239[%gather3A_1312] in [0] : vector<16xi32>, vector<16xi32> -> vector<16xi32>
      %eq3A_1314 = arith.cmpi eq, %get3A_1239, %gather3A_1313 : vector<16xi32>
      %jit3A_1315 = arith.constant 0xFF800000 : f32
      %broadcast_in_dim3A_1316 = vector.broadcast %jit3A_1315 : f32 to vector<16xf32>
      %select_n3A_1317 = arith.select %eq3A_1314, %gather3A_1293, %broadcast_in_dim3A_1316 : vector<16xi1>, vector<16xf32>
      %ge3A_1318 = arith.cmpf oge, %max3A_1283, %select_n3A_1317 : vector<16xf32>
      %select_n3A_1319 = arith.select %ge3A_1318, %select_n3A_1282, %gather3A_1303 : vector<16xi1>, vector<16xi32>
      %max3A_1320 = arith.maximumf %max3A_1283, %select_n3A_1317 : vector<16xf32>
      %lt3A_1321 = arith.constant 0 : i32
      %lt3A_1322 = vector.broadcast %lt3A_1321 : i32 to vector<16xi32>
      %lt3A_1323 = arith.cmpi slt, %max3A_18, %lt3A_1322 : vector<16xi32>
      %add3A_1324 = arith.constant 16 : i32
      %add3A_1325 = vector.broadcast %add3A_1324 : i32 to vector<16xi32>
      %add3A_1326 = arith.addi %max3A_18, %add3A_1325 : vector<16xi32>
      %select_n3A_1327 = arith.select %lt3A_1323, %add3A_1326, %max3A_18 : vector<16xi1>, vector<16xi32>
      %broadcast_in_dim3A_1328 = vector.shape_cast %select_n3A_1327 : vector<16xi32> to vector<16x1xi32>
      %gather3A_1329 = vector.shape_cast %broadcast_in_dim3A_1328 : vector<16x1xi32> to vector<16xi32>
      %gather3A_1330 = tpu.dynamic_gather %max3A_1320[%gather3A_1329] in [0] : vector<16xf32>, vector<16xi32> -> vector<16xf32>
      %lt3A_1331 = arith.constant 0 : i32
      %lt3A_1332 = vector.broadcast %lt3A_1331 : i32 to vector<16xi32>
      %lt3A_1333 = arith.cmpi slt, %max3A_18, %lt3A_1332 : vector<16xi32>
      %add3A_1334 = arith.constant 16 : i32
      %add3A_1335 = vector.broadcast %add3A_1334 : i32 to vector<16xi32>
      %add3A_1336 = arith.addi %max3A_18, %add3A_1335 : vector<16xi32>
      %select_n3A_1337 = arith.select %lt3A_1333, %add3A_1336, %max3A_18 : vector<16xi1>, vector<16xi32>
      %broadcast_in_dim3A_1338 = vector.shape_cast %select_n3A_1337 : vector<16xi32> to vector<16x1xi32>
      %gather3A_1339 = vector.shape_cast %broadcast_in_dim3A_1338 : vector<16x1xi32> to vector<16xi32>
      %gather3A_1340 = tpu.dynamic_gather %select_n3A_1319[%gather3A_1339] in [0] : vector<16xi32>, vector<16xi32> -> vector<16xi32>
      %lt3A_1341 = arith.constant 0 : i32
      %lt3A_1342 = vector.broadcast %lt3A_1341 : i32 to vector<16xi32>
      %lt3A_1343 = arith.cmpi slt, %max3A_18, %lt3A_1342 : vector<16xi32>
      %add3A_1344 = arith.constant 16 : i32
      %add3A_1345 = vector.broadcast %add3A_1344 : i32 to vector<16xi32>
      %add3A_1346 = arith.addi %max3A_18, %add3A_1345 : vector<16xi32>
      %select_n3A_1347 = arith.select %lt3A_1343, %add3A_1346, %max3A_18 : vector<16xi1>, vector<16xi32>
      %broadcast_in_dim3A_1348 = vector.shape_cast %select_n3A_1347 : vector<16xi32> to vector<16x1xi32>
      %gather3A_1349 = vector.shape_cast %broadcast_in_dim3A_1348 : vector<16x1xi32> to vector<16xi32>
      %gather3A_1350 = tpu.dynamic_gather %get3A_1239[%gather3A_1349] in [0] : vector<16xi32>, vector<16xi32> -> vector<16xi32>
      %eq3A_1351 = arith.cmpi eq, %get3A_1239, %gather3A_1350 : vector<16xi32>
      %jit3A_1352 = arith.constant 0xFF800000 : f32
      %broadcast_in_dim3A_1353 = vector.broadcast %jit3A_1352 : f32 to vector<16xf32>
      %select_n3A_1354 = arith.select %eq3A_1351, %gather3A_1330, %broadcast_in_dim3A_1353 : vector<16xi1>, vector<16xf32>
      %ge3A_1355 = arith.cmpf oge, %max3A_1320, %select_n3A_1354 : vector<16xf32>
      %select_n3A_1356 = arith.select %ge3A_1355, %select_n3A_1319, %gather3A_1340 : vector<16xi1>, vector<16xi32>
      %max3A_1357 = arith.maximumf %max3A_1320, %select_n3A_1354 : vector<16xf32>
      %lt3A_1358 = arith.constant 0 : i32
      %lt3A_1359 = vector.broadcast %lt3A_1358 : i32 to vector<16xi32>
      %lt3A_1360 = arith.cmpi slt, %max3A_24, %lt3A_1359 : vector<16xi32>
      %add3A_1361 = arith.constant 16 : i32
      %add3A_1362 = vector.broadcast %add3A_1361 : i32 to vector<16xi32>
      %add3A_1363 = arith.addi %max3A_24, %add3A_1362 : vector<16xi32>
      %select_n3A_1364 = arith.select %lt3A_1360, %add3A_1363, %max3A_24 : vector<16xi1>, vector<16xi32>
      %broadcast_in_dim3A_1365 = vector.shape_cast %select_n3A_1364 : vector<16xi32> to vector<16x1xi32>
      %gather3A_1366 = vector.shape_cast %broadcast_in_dim3A_1365 : vector<16x1xi32> to vector<16xi32>
      %gather3A_1367 = tpu.dynamic_gather %max3A_1357[%gather3A_1366] in [0] : vector<16xf32>, vector<16xi32> -> vector<16xf32>
      %lt3A_1368 = arith.constant 0 : i32
      %lt3A_1369 = vector.broadcast %lt3A_1368 : i32 to vector<16xi32>
      %lt3A_1370 = arith.cmpi slt, %max3A_24, %lt3A_1369 : vector<16xi32>
      %add3A_1371 = arith.constant 16 : i32
      %add3A_1372 = vector.broadcast %add3A_1371 : i32 to vector<16xi32>
      %add3A_1373 = arith.addi %max3A_24, %add3A_1372 : vector<16xi32>
      %select_n3A_1374 = arith.select %lt3A_1370, %add3A_1373, %max3A_24 : vector<16xi1>, vector<16xi32>
      %broadcast_in_dim3A_1375 = vector.shape_cast %select_n3A_1374 : vector<16xi32> to vector<16x1xi32>
      %gather3A_1376 = vector.shape_cast %broadcast_in_dim3A_1375 : vector<16x1xi32> to vector<16xi32>
      %gather3A_1377 = tpu.dynamic_gather %select_n3A_1356[%gather3A_1376] in [0] : vector<16xi32>, vector<16xi32> -> vector<16xi32>
      %lt3A_1378 = arith.constant 0 : i32
      %lt3A_1379 = vector.broadcast %lt3A_1378 : i32 to vector<16xi32>
      %lt3A_1380 = arith.cmpi slt, %max3A_24, %lt3A_1379 : vector<16xi32>
      %add3A_1381 = arith.constant 16 : i32
      %add3A_1382 = vector.broadcast %add3A_1381 : i32 to vector<16xi32>
      %add3A_1383 = arith.addi %max3A_24, %add3A_1382 : vector<16xi32>
      %select_n3A_1384 = arith.select %lt3A_1380, %add3A_1383, %max3A_24 : vector<16xi1>, vector<16xi32>
      %broadcast_in_dim3A_1385 = vector.shape_cast %select_n3A_1384 : vector<16xi32> to vector<16x1xi32>
      %gather3A_1386 = vector.shape_cast %broadcast_in_dim3A_1385 : vector<16x1xi32> to vector<16xi32>
      %gather3A_1387 = tpu.dynamic_gather %get3A_1239[%gather3A_1386] in [0] : vector<16xi32>, vector<16xi32> -> vector<16xi32>
      %eq3A_1388 = arith.cmpi eq, %get3A_1239, %gather3A_1387 : vector<16xi32>
      %jit3A_1389 = arith.constant 0xFF800000 : f32
      %broadcast_in_dim3A_1390 = vector.broadcast %jit3A_1389 : f32 to vector<16xf32>
      %select_n3A_1391 = arith.select %eq3A_1388, %gather3A_1367, %broadcast_in_dim3A_1390 : vector<16xi1>, vector<16xf32>
      %ge3A_1392 = arith.cmpf oge, %max3A_1357, %select_n3A_1391 : vector<16xf32>
      %select_n3A_1393 = arith.select %ge3A_1392, %select_n3A_1356, %gather3A_1377 : vector<16xi1>, vector<16xi32>
      %max3A_1394 = arith.maximumf %max3A_1357, %select_n3A_1391 : vector<16xf32>
      %eq3A_1395 = arith.cmpi eq, %get3A_1239, %gather3A_1212 : vector<16xi32>
      %jit3A_1396 = arith.constant 0xFF800000 : f32
      %broadcast_in_dim3A_1397 = vector.broadcast %jit3A_1396 : f32 to vector<16xf32>
      %select_n3A_1398 = arith.select %eq3A_1395, %gather3A_1222, %broadcast_in_dim3A_1397 : vector<16xi1>, vector<16xf32>
      %ge3A_1399 = arith.cmpf oge, %max3A_1394, %select_n3A_1398 : vector<16xf32>
      %select_n3A_1400 = arith.select %ge3A_1399, %select_n3A_1393, %gather3A_1232 : vector<16xi1>, vector<16xi32>
      %max3A_1401 = arith.maximumf %max3A_1394, %select_n3A_1398 : vector<16xf32>
      %ne3A_1402 = arith.cmpi ne, %get3A_1239, %get3A_1243 : vector<16xi32>
      %jit3A_1403 = arith.constant 1 : i32
      %jit3A_1404 = arith.constant 0 : i32
      %broadcast_in_dim3A_1405 = vector.broadcast %jit3A_1403 : i32 to vector<16xi32>
      %broadcast_in_dim3A_1406 = vector.broadcast %jit3A_1404 : i32 to vector<16xi32>
      %select_n3A_1407 = arith.select %ne3A_1402, %broadcast_in_dim3A_1405, %broadcast_in_dim3A_1406 : vector<16xi1>, vector<16xi32>
      %broadcast_in_dim3A_1408 = arith.constant true
      %broadcast_in_dim3A_1409 = vector.broadcast %broadcast_in_dim3A_1408 : i1 to vector<16xi1>
      %masked_cumsum3A_1410 = tpu.scan <sum>, %select_n3A_1407 masked %broadcast_in_dim3A_1409 : vector<16xi32>, vector<16xi1> -> vector<16xi32>
      %add3A_1411 = vector.broadcast %add3A_1233 : i32 to vector<16xi32>
      %add3A_1412 = arith.addi %add3A_1411, %masked_cumsum3A_1410 : vector<16xi32>
      tpu.vector_store_idx %arg10[%add3A_1412], %select_n3A_1400 masked %ne3A_1402 : memref<4112xi32, #tpu.memory_space<vmem>>[vector<16xi32>], vector<16xi32>, vector<16xi1>
      tpu.vector_store_idx %arg11[%add3A_1412], %max3A_1401 masked %ne3A_1402 : memref<4112xf32, #tpu.memory_space<vmem>>[vector<16xi32>], vector<16xf32>, vector<16xi1>
      %reduce_max3A_1413 = arith.constant true
      %reduce_max3A_1414 = vector.broadcast %reduce_max3A_1413 : i1 to vector<16xi1>
      %reduce_max3A_1415 = arith.constant -2147483648 : i32
      %reduce_max3A_1416 = vector.broadcast %reduce_max3A_1415 : i32 to vector<16xi32>
      %reduce_max3A_1417 = arith.xori %masked_cumsum3A_1410, %reduce_max3A_1416 : vector<16xi32>
      %reduce_max3A_1418 = tpu.scan <max>, %reduce_max3A_1417 masked %reduce_max3A_1414 : vector<16xi32>, vector<16xi1> -> vector<16xi32>
      %reduce_max3A_1419 = arith.xori %reduce_max3A_1418, %reduce_max3A_1416 : vector<16xi32>
      %reduce_max3A_1420 = vector.extract %reduce_max3A_1419[15] : i32 from vector<16xi32>
      %sub3A_1421 = arith.subf %get3A_1237, %get3A_25 : vector<16xf32>
      %max3A_1422 = arith.constant 0.000000e+00 : f32
      %max3A_1423 = vector.broadcast %max3A_1422 : f32 to vector<16xf32>
      %max3A_1424 = arith.maximumf %sub3A_1421, %max3A_1423 : vector<16xf32>
      %swap3A_1425 = arith.index_cast %add3A_1235 : i32 to index
      %swap3A_1426 = tpu.vector_load %arg8[%swap3A_1425] {strides = array<i32>} : memref<32768xf32, #tpu.memory_space<vmem>>, vector<16xf32>,
      tpu.vector_store %arg8[%swap3A_1425], %max3A_1424 {strides = array<i32>} : memref<32768xf32, #tpu.memory_space<vmem>>, vector<16xf32>,
      %lt3A_1427 = arith.constant 0 : i32
      %lt3A_1428 = vector.broadcast %lt3A_1427 : i32 to vector<16xi32>
      %lt3A_1429 = arith.cmpi slt, %broadcast_in_dim3A_2, %lt3A_1428 : vector<16xi32>
      %add3A_1430 = arith.constant 16 : i32
      %add3A_1431 = vector.broadcast %add3A_1430 : i32 to vector<16xi32>
      %add3A_1432 = arith.addi %broadcast_in_dim3A_2, %add3A_1431 : vector<16xi32>
      %select_n3A_1433 = arith.select %lt3A_1429, %add3A_1432, %broadcast_in_dim3A_2 : vector<16xi1>, vector<16xi32>
      %broadcast_in_dim3A_1434 = vector.shape_cast %select_n3A_1433 : vector<16xi32> to vector<16x1xi32>
      %gather3A_1435 = vector.shape_cast %broadcast_in_dim3A_1434 : vector<16x1xi32> to vector<16xi32>
      %gather3A_1436 = tpu.dynamic_gather %get3A_1239[%gather3A_1435] in [0] : vector<16xi32>, vector<16xi32> -> vector<16xi32>
      %lt3A_1437 = arith.constant 0 : i32
      %lt3A_1438 = vector.broadcast %lt3A_1437 : i32 to vector<16xi32>
      %lt3A_1439 = arith.cmpi slt, %broadcast_in_dim3A_2, %lt3A_1438 : vector<16xi32>
      %add3A_1440 = arith.constant 16 : i32
      %add3A_1441 = vector.broadcast %add3A_1440 : i32 to vector<16xi32>
      %add3A_1442 = arith.addi %broadcast_in_dim3A_2, %add3A_1441 : vector<16xi32>
      %select_n3A_1443 = arith.select %lt3A_1439, %add3A_1442, %broadcast_in_dim3A_2 : vector<16xi1>, vector<16xi32>
      %broadcast_in_dim3A_1444 = vector.shape_cast %select_n3A_1443 : vector<16xi32> to vector<16x1xi32>
      %gather3A_1445 = vector.shape_cast %broadcast_in_dim3A_1444 : vector<16x1xi32> to vector<16xi32>
      %gather3A_1446 = tpu.dynamic_gather %max3A_1401[%gather3A_1445] in [0] : vector<16xf32>, vector<16xi32> -> vector<16xf32>
      %lt3A_1447 = arith.constant 0 : i32
      %lt3A_1448 = vector.broadcast %lt3A_1447 : i32 to vector<16xi32>
      %lt3A_1449 = arith.cmpi slt, %broadcast_in_dim3A_2, %lt3A_1448 : vector<16xi32>
      %add3A_1450 = arith.constant 16 : i32
      %add3A_1451 = vector.broadcast %add3A_1450 : i32 to vector<16xi32>
      %add3A_1452 = arith.addi %broadcast_in_dim3A_2, %add3A_1451 : vector<16xi32>
      %select_n3A_1453 = arith.select %lt3A_1449, %add3A_1452, %broadcast_in_dim3A_2 : vector<16xi1>, vector<16xi32>
      %broadcast_in_dim3A_1454 = vector.shape_cast %select_n3A_1453 : vector<16xi32> to vector<16x1xi32>
      %gather3A_1455 = vector.shape_cast %broadcast_in_dim3A_1454 : vector<16x1xi32> to vector<16xi32>
      %gather3A_1456 = tpu.dynamic_gather %select_n3A_1400[%gather3A_1455] in [0] : vector<16xi32>, vector<16xi32> -> vector<16xi32>
      %add3A_1457 = arith.addi %add3A_1233, %reduce_max3A_1420 : i32
      %add3A_1458 = arith.constant 80 : i32
      %add3A_1459 = arith.addi %mul3A_339, %add3A_1458 : i32
      %get3A_1460 = arith.index_cast %add3A_1459 : i32 to index
      %get3A_1461 = tpu.vector_load %arg8[%get3A_1460] {strides = array<i32>} : memref<32768xf32, #tpu.memory_space<vmem>>, vector<16xf32>,
      %get3A_1462 = arith.index_cast %add3A_1459 : i32 to index
      %get3A_1463 = tpu.vector_load %arg9[%get3A_1462] {strides = array<i32>} : memref<32784xi32, #tpu.memory_space<vmem>>, vector<16xi32>,
      %add3A_1464 = arith.constant 1 : i32
      %add3A_1465 = arith.addi %add3A_1459, %add3A_1464 : i32
      %get3A_1466 = arith.index_cast %add3A_1465 : i32 to index
      %get3A_1467 = tpu.vector_load %arg9[%get3A_1466] {strides = array<i32>} : memref<32784xi32, #tpu.memory_space<vmem>>, vector<16xi32>,
      %add3A_1468 = arith.addi %add3A_332, %add3A_1459 : i32
      %add3A_1469 = vector.broadcast %add3A_1468 : i32 to vector<16xi32>
      %add3A_1470 = arith.addi %iota3A, %add3A_1469 : vector<16xi32>
      %lt3A_1471 = arith.constant 0 : i32
      %lt3A_1472 = vector.broadcast %lt3A_1471 : i32 to vector<16xi32>
      %lt3A_1473 = arith.cmpi slt, %max3A_6, %lt3A_1472 : vector<16xi32>
      %add3A_1474 = arith.constant 16 : i32
      %add3A_1475 = vector.broadcast %add3A_1474 : i32 to vector<16xi32>
      %add3A_1476 = arith.addi %max3A_6, %add3A_1475 : vector<16xi32>
      %select_n3A_1477 = arith.select %lt3A_1473, %add3A_1476, %max3A_6 : vector<16xi1>, vector<16xi32>
      %broadcast_in_dim3A_1478 = vector.shape_cast %select_n3A_1477 : vector<16xi32> to vector<16x1xi32>
      %gather3A_1479 = vector.shape_cast %broadcast_in_dim3A_1478 : vector<16x1xi32> to vector<16xi32>
      %gather3A_1480 = tpu.dynamic_gather %get3A_1461[%gather3A_1479] in [0] : vector<16xf32>, vector<16xi32> -> vector<16xf32>
      %lt3A_1481 = arith.constant 0 : i32
      %lt3A_1482 = vector.broadcast %lt3A_1481 : i32 to vector<16xi32>
      %lt3A_1483 = arith.cmpi slt, %max3A_6, %lt3A_1482 : vector<16xi32>
      %add3A_1484 = arith.constant 16 : i32
      %add3A_1485 = vector.broadcast %add3A_1484 : i32 to vector<16xi32>
      %add3A_1486 = arith.addi %max3A_6, %add3A_1485 : vector<16xi32>
      %select_n3A_1487 = arith.select %lt3A_1483, %add3A_1486, %max3A_6 : vector<16xi1>, vector<16xi32>
      %broadcast_in_dim3A_1488 = vector.shape_cast %select_n3A_1487 : vector<16xi32> to vector<16x1xi32>
      %gather3A_1489 = vector.shape_cast %broadcast_in_dim3A_1488 : vector<16x1xi32> to vector<16xi32>
      %gather3A_1490 = tpu.dynamic_gather %add3A_1470[%gather3A_1489] in [0] : vector<16xi32>, vector<16xi32> -> vector<16xi32>
      %lt3A_1491 = arith.constant 0 : i32
      %lt3A_1492 = vector.broadcast %lt3A_1491 : i32 to vector<16xi32>
      %lt3A_1493 = arith.cmpi slt, %max3A_6, %lt3A_1492 : vector<16xi32>
      %add3A_1494 = arith.constant 16 : i32
      %add3A_1495 = vector.broadcast %add3A_1494 : i32 to vector<16xi32>
      %add3A_1496 = arith.addi %max3A_6, %add3A_1495 : vector<16xi32>
      %select_n3A_1497 = arith.select %lt3A_1493, %add3A_1496, %max3A_6 : vector<16xi1>, vector<16xi32>
      %broadcast_in_dim3A_1498 = vector.shape_cast %select_n3A_1497 : vector<16xi32> to vector<16x1xi32>
      %gather3A_1499 = vector.shape_cast %broadcast_in_dim3A_1498 : vector<16x1xi32> to vector<16xi32>
      %gather3A_1500 = tpu.dynamic_gather %get3A_1463[%gather3A_1499] in [0] : vector<16xi32>, vector<16xi32> -> vector<16xi32>
      %eq3A_1501 = arith.cmpi eq, %get3A_1463, %gather3A_1500 : vector<16xi32>
      %jit3A_1502 = arith.constant 0xFF800000 : f32
      %broadcast_in_dim3A_1503 = vector.broadcast %jit3A_1502 : f32 to vector<16xf32>
      %select_n3A_1504 = arith.select %eq3A_1501, %gather3A_1480, %broadcast_in_dim3A_1503 : vector<16xi1>, vector<16xf32>
      %ge3A_1505 = arith.cmpf oge, %get3A_1461, %select_n3A_1504 : vector<16xf32>
      %select_n3A_1506 = arith.select %ge3A_1505, %add3A_1470, %gather3A_1490 : vector<16xi1>, vector<16xi32>
      %max3A_1507 = arith.maximumf %get3A_1461, %select_n3A_1504 : vector<16xf32>
      %lt3A_1508 = arith.constant 0 : i32
      %lt3A_1509 = vector.broadcast %lt3A_1508 : i32 to vector<16xi32>
      %lt3A_1510 = arith.cmpi slt, %max3A_12, %lt3A_1509 : vector<16xi32>
      %add3A_1511 = arith.constant 16 : i32
      %add3A_1512 = vector.broadcast %add3A_1511 : i32 to vector<16xi32>
      %add3A_1513 = arith.addi %max3A_12, %add3A_1512 : vector<16xi32>
      %select_n3A_1514 = arith.select %lt3A_1510, %add3A_1513, %max3A_12 : vector<16xi1>, vector<16xi32>
      %broadcast_in_dim3A_1515 = vector.shape_cast %select_n3A_1514 : vector<16xi32> to vector<16x1xi32>
      %gather3A_1516 = vector.shape_cast %broadcast_in_dim3A_1515 : vector<16x1xi32> to vector<16xi32>
      %gather3A_1517 = tpu.dynamic_gather %max3A_1507[%gather3A_1516] in [0] : vector<16xf32>, vector<16xi32> -> vector<16xf32>
      %lt3A_1518 = arith.constant 0 : i32
      %lt3A_1519 = vector.broadcast %lt3A_1518 : i32 to vector<16xi32>
      %lt3A_1520 = arith.cmpi slt, %max3A_12, %lt3A_1519 : vector<16xi32>
      %add3A_1521 = arith.constant 16 : i32
      %add3A_1522 = vector.broadcast %add3A_1521 : i32 to vector<16xi32>
      %add3A_1523 = arith.addi %max3A_12, %add3A_1522 : vector<16xi32>
      %select_n3A_1524 = arith.select %lt3A_1520, %add3A_1523, %max3A_12 : vector<16xi1>, vector<16xi32>
      %broadcast_in_dim3A_1525 = vector.shape_cast %select_n3A_1524 : vector<16xi32> to vector<16x1xi32>
      %gather3A_1526 = vector.shape_cast %broadcast_in_dim3A_1525 : vector<16x1xi32> to vector<16xi32>
      %gather3A_1527 = tpu.dynamic_gather %select_n3A_1506[%gather3A_1526] in [0] : vector<16xi32>, vector<16xi32> -> vector<16xi32>
      %lt3A_1528 = arith.constant 0 : i32
      %lt3A_1529 = vector.broadcast %lt3A_1528 : i32 to vector<16xi32>
      %lt3A_1530 = arith.cmpi slt, %max3A_12, %lt3A_1529 : vector<16xi32>
      %add3A_1531 = arith.constant 16 : i32
      %add3A_1532 = vector.broadcast %add3A_1531 : i32 to vector<16xi32>
      %add3A_1533 = arith.addi %max3A_12, %add3A_1532 : vector<16xi32>
      %select_n3A_1534 = arith.select %lt3A_1530, %add3A_1533, %max3A_12 : vector<16xi1>, vector<16xi32>
      %broadcast_in_dim3A_1535 = vector.shape_cast %select_n3A_1534 : vector<16xi32> to vector<16x1xi32>
      %gather3A_1536 = vector.shape_cast %broadcast_in_dim3A_1535 : vector<16x1xi32> to vector<16xi32>
      %gather3A_1537 = tpu.dynamic_gather %get3A_1463[%gather3A_1536] in [0] : vector<16xi32>, vector<16xi32> -> vector<16xi32>
      %eq3A_1538 = arith.cmpi eq, %get3A_1463, %gather3A_1537 : vector<16xi32>
      %jit3A_1539 = arith.constant 0xFF800000 : f32
      %broadcast_in_dim3A_1540 = vector.broadcast %jit3A_1539 : f32 to vector<16xf32>
      %select_n3A_1541 = arith.select %eq3A_1538, %gather3A_1517, %broadcast_in_dim3A_1540 : vector<16xi1>, vector<16xf32>
      %ge3A_1542 = arith.cmpf oge, %max3A_1507, %select_n3A_1541 : vector<16xf32>
      %select_n3A_1543 = arith.select %ge3A_1542, %select_n3A_1506, %gather3A_1527 : vector<16xi1>, vector<16xi32>
      %max3A_1544 = arith.maximumf %max3A_1507, %select_n3A_1541 : vector<16xf32>
      %lt3A_1545 = arith.constant 0 : i32
      %lt3A_1546 = vector.broadcast %lt3A_1545 : i32 to vector<16xi32>
      %lt3A_1547 = arith.cmpi slt, %max3A_18, %lt3A_1546 : vector<16xi32>
      %add3A_1548 = arith.constant 16 : i32
      %add3A_1549 = vector.broadcast %add3A_1548 : i32 to vector<16xi32>
      %add3A_1550 = arith.addi %max3A_18, %add3A_1549 : vector<16xi32>
      %select_n3A_1551 = arith.select %lt3A_1547, %add3A_1550, %max3A_18 : vector<16xi1>, vector<16xi32>
      %broadcast_in_dim3A_1552 = vector.shape_cast %select_n3A_1551 : vector<16xi32> to vector<16x1xi32>
      %gather3A_1553 = vector.shape_cast %broadcast_in_dim3A_1552 : vector<16x1xi32> to vector<16xi32>
      %gather3A_1554 = tpu.dynamic_gather %max3A_1544[%gather3A_1553] in [0] : vector<16xf32>, vector<16xi32> -> vector<16xf32>
      %lt3A_1555 = arith.constant 0 : i32
      %lt3A_1556 = vector.broadcast %lt3A_1555 : i32 to vector<16xi32>
      %lt3A_1557 = arith.cmpi slt, %max3A_18, %lt3A_1556 : vector<16xi32>
      %add3A_1558 = arith.constant 16 : i32
      %add3A_1559 = vector.broadcast %add3A_1558 : i32 to vector<16xi32>
      %add3A_1560 = arith.addi %max3A_18, %add3A_1559 : vector<16xi32>
      %select_n3A_1561 = arith.select %lt3A_1557, %add3A_1560, %max3A_18 : vector<16xi1>, vector<16xi32>
      %broadcast_in_dim3A_1562 = vector.shape_cast %select_n3A_1561 : vector<16xi32> to vector<16x1xi32>
      %gather3A_1563 = vector.shape_cast %broadcast_in_dim3A_1562 : vector<16x1xi32> to vector<16xi32>
      %gather3A_1564 = tpu.dynamic_gather %select_n3A_1543[%gather3A_1563] in [0] : vector<16xi32>, vector<16xi32> -> vector<16xi32>
      %lt3A_1565 = arith.constant 0 : i32
      %lt3A_1566 = vector.broadcast %lt3A_1565 : i32 to vector<16xi32>
      %lt3A_1567 = arith.cmpi slt, %max3A_18, %lt3A_1566 : vector<16xi32>
      %add3A_1568 = arith.constant 16 : i32
      %add3A_1569 = vector.broadcast %add3A_1568 : i32 to vector<16xi32>
      %add3A_1570 = arith.addi %max3A_18, %add3A_1569 : vector<16xi32>
      %select_n3A_1571 = arith.select %lt3A_1567, %add3A_1570, %max3A_18 : vector<16xi1>, vector<16xi32>
      %broadcast_in_dim3A_1572 = vector.shape_cast %select_n3A_1571 : vector<16xi32> to vector<16x1xi32>
      %gather3A_1573 = vector.shape_cast %broadcast_in_dim3A_1572 : vector<16x1xi32> to vector<16xi32>
      %gather3A_1574 = tpu.dynamic_gather %get3A_1463[%gather3A_1573] in [0] : vector<16xi32>, vector<16xi32> -> vector<16xi32>
      %eq3A_1575 = arith.cmpi eq, %get3A_1463, %gather3A_1574 : vector<16xi32>
      %jit3A_1576 = arith.constant 0xFF800000 : f32
      %broadcast_in_dim3A_1577 = vector.broadcast %jit3A_1576 : f32 to vector<16xf32>
      %select_n3A_1578 = arith.select %eq3A_1575, %gather3A_1554, %broadcast_in_dim3A_1577 : vector<16xi1>, vector<16xf32>
      %ge3A_1579 = arith.cmpf oge, %max3A_1544, %select_n3A_1578 : vector<16xf32>
      %select_n3A_1580 = arith.select %ge3A_1579, %select_n3A_1543, %gather3A_1564 : vector<16xi1>, vector<16xi32>
      %max3A_1581 = arith.maximumf %max3A_1544, %select_n3A_1578 : vector<16xf32>
      %lt3A_1582 = arith.constant 0 : i32
      %lt3A_1583 = vector.broadcast %lt3A_1582 : i32 to vector<16xi32>
      %lt3A_1584 = arith.cmpi slt, %max3A_24, %lt3A_1583 : vector<16xi32>
      %add3A_1585 = arith.constant 16 : i32
      %add3A_1586 = vector.broadcast %add3A_1585 : i32 to vector<16xi32>
      %add3A_1587 = arith.addi %max3A_24, %add3A_1586 : vector<16xi32>
      %select_n3A_1588 = arith.select %lt3A_1584, %add3A_1587, %max3A_24 : vector<16xi1>, vector<16xi32>
      %broadcast_in_dim3A_1589 = vector.shape_cast %select_n3A_1588 : vector<16xi32> to vector<16x1xi32>
      %gather3A_1590 = vector.shape_cast %broadcast_in_dim3A_1589 : vector<16x1xi32> to vector<16xi32>
      %gather3A_1591 = tpu.dynamic_gather %max3A_1581[%gather3A_1590] in [0] : vector<16xf32>, vector<16xi32> -> vector<16xf32>
      %lt3A_1592 = arith.constant 0 : i32
      %lt3A_1593 = vector.broadcast %lt3A_1592 : i32 to vector<16xi32>
      %lt3A_1594 = arith.cmpi slt, %max3A_24, %lt3A_1593 : vector<16xi32>
      %add3A_1595 = arith.constant 16 : i32
      %add3A_1596 = vector.broadcast %add3A_1595 : i32 to vector<16xi32>
      %add3A_1597 = arith.addi %max3A_24, %add3A_1596 : vector<16xi32>
      %select_n3A_1598 = arith.select %lt3A_1594, %add3A_1597, %max3A_24 : vector<16xi1>, vector<16xi32>
      %broadcast_in_dim3A_1599 = vector.shape_cast %select_n3A_1598 : vector<16xi32> to vector<16x1xi32>
      %gather3A_1600 = vector.shape_cast %broadcast_in_dim3A_1599 : vector<16x1xi32> to vector<16xi32>
      %gather3A_1601 = tpu.dynamic_gather %select_n3A_1580[%gather3A_1600] in [0] : vector<16xi32>, vector<16xi32> -> vector<16xi32>
      %lt3A_1602 = arith.constant 0 : i32
      %lt3A_1603 = vector.broadcast %lt3A_1602 : i32 to vector<16xi32>
      %lt3A_1604 = arith.cmpi slt, %max3A_24, %lt3A_1603 : vector<16xi32>
      %add3A_1605 = arith.constant 16 : i32
      %add3A_1606 = vector.broadcast %add3A_1605 : i32 to vector<16xi32>
      %add3A_1607 = arith.addi %max3A_24, %add3A_1606 : vector<16xi32>
      %select_n3A_1608 = arith.select %lt3A_1604, %add3A_1607, %max3A_24 : vector<16xi1>, vector<16xi32>
      %broadcast_in_dim3A_1609 = vector.shape_cast %select_n3A_1608 : vector<16xi32> to vector<16x1xi32>
      %gather3A_1610 = vector.shape_cast %broadcast_in_dim3A_1609 : vector<16x1xi32> to vector<16xi32>
      %gather3A_1611 = tpu.dynamic_gather %get3A_1463[%gather3A_1610] in [0] : vector<16xi32>, vector<16xi32> -> vector<16xi32>
      %eq3A_1612 = arith.cmpi eq, %get3A_1463, %gather3A_1611 : vector<16xi32>
      %jit3A_1613 = arith.constant 0xFF800000 : f32
      %broadcast_in_dim3A_1614 = vector.broadcast %jit3A_1613 : f32 to vector<16xf32>
      %select_n3A_1615 = arith.select %eq3A_1612, %gather3A_1591, %broadcast_in_dim3A_1614 : vector<16xi1>, vector<16xf32>
      %ge3A_1616 = arith.cmpf oge, %max3A_1581, %select_n3A_1615 : vector<16xf32>
      %select_n3A_1617 = arith.select %ge3A_1616, %select_n3A_1580, %gather3A_1601 : vector<16xi1>, vector<16xi32>
      %max3A_1618 = arith.maximumf %max3A_1581, %select_n3A_1615 : vector<16xf32>
      %eq3A_1619 = arith.cmpi eq, %get3A_1463, %gather3A_1436 : vector<16xi32>
      %jit3A_1620 = arith.constant 0xFF800000 : f32
      %broadcast_in_dim3A_1621 = vector.broadcast %jit3A_1620 : f32 to vector<16xf32>
      %select_n3A_1622 = arith.select %eq3A_1619, %gather3A_1446, %broadcast_in_dim3A_1621 : vector<16xi1>, vector<16xf32>
      %ge3A_1623 = arith.cmpf oge, %max3A_1618, %select_n3A_1622 : vector<16xf32>
      %select_n3A_1624 = arith.select %ge3A_1623, %select_n3A_1617, %gather3A_1456 : vector<16xi1>, vector<16xi32>
      %max3A_1625 = arith.maximumf %max3A_1618, %select_n3A_1622 : vector<16xf32>
      %ne3A_1626 = arith.cmpi ne, %get3A_1463, %get3A_1467 : vector<16xi32>
      %jit3A_1627 = arith.constant 1 : i32
      %jit3A_1628 = arith.constant 0 : i32
      %broadcast_in_dim3A_1629 = vector.broadcast %jit3A_1627 : i32 to vector<16xi32>
      %broadcast_in_dim3A_1630 = vector.broadcast %jit3A_1628 : i32 to vector<16xi32>
      %select_n3A_1631 = arith.select %ne3A_1626, %broadcast_in_dim3A_1629, %broadcast_in_dim3A_1630 : vector<16xi1>, vector<16xi32>
      %broadcast_in_dim3A_1632 = arith.constant true
      %broadcast_in_dim3A_1633 = vector.broadcast %broadcast_in_dim3A_1632 : i1 to vector<16xi1>
      %masked_cumsum3A_1634 = tpu.scan <sum>, %select_n3A_1631 masked %broadcast_in_dim3A_1633 : vector<16xi32>, vector<16xi1> -> vector<16xi32>
      %add3A_1635 = vector.broadcast %add3A_1457 : i32 to vector<16xi32>
      %add3A_1636 = arith.addi %add3A_1635, %masked_cumsum3A_1634 : vector<16xi32>
      tpu.vector_store_idx %arg10[%add3A_1636], %select_n3A_1624 masked %ne3A_1626 : memref<4112xi32, #tpu.memory_space<vmem>>[vector<16xi32>], vector<16xi32>, vector<16xi1>
      tpu.vector_store_idx %arg11[%add3A_1636], %max3A_1625 masked %ne3A_1626 : memref<4112xf32, #tpu.memory_space<vmem>>[vector<16xi32>], vector<16xf32>, vector<16xi1>
      %reduce_max3A_1637 = arith.constant true
      %reduce_max3A_1638 = vector.broadcast %reduce_max3A_1637 : i1 to vector<16xi1>
      %reduce_max3A_1639 = arith.constant -2147483648 : i32
      %reduce_max3A_1640 = vector.broadcast %reduce_max3A_1639 : i32 to vector<16xi32>
      %reduce_max3A_1641 = arith.xori %masked_cumsum3A_1634, %reduce_max3A_1640 : vector<16xi32>
      %reduce_max3A_1642 = tpu.scan <max>, %reduce_max3A_1641 masked %reduce_max3A_1638 : vector<16xi32>, vector<16xi1> -> vector<16xi32>
      %reduce_max3A_1643 = arith.xori %reduce_max3A_1642, %reduce_max3A_1640 : vector<16xi32>
      %reduce_max3A_1644 = vector.extract %reduce_max3A_1643[15] : i32 from vector<16xi32>
      %sub3A_1645 = arith.subf %get3A_1461, %get3A_25 : vector<16xf32>
      %max3A_1646 = arith.constant 0.000000e+00 : f32
      %max3A_1647 = vector.broadcast %max3A_1646 : f32 to vector<16xf32>
      %max3A_1648 = arith.maximumf %sub3A_1645, %max3A_1647 : vector<16xf32>
      %swap3A_1649 = arith.index_cast %add3A_1459 : i32 to index
      %swap3A_1650 = tpu.vector_load %arg8[%swap3A_1649] {strides = array<i32>} : memref<32768xf32, #tpu.memory_space<vmem>>, vector<16xf32>,
      tpu.vector_store %arg8[%swap3A_1649], %max3A_1648 {strides = array<i32>} : memref<32768xf32, #tpu.memory_space<vmem>>, vector<16xf32>,
      %lt3A_1651 = arith.constant 0 : i32
      %lt3A_1652 = vector.broadcast %lt3A_1651 : i32 to vector<16xi32>
      %lt3A_1653 = arith.cmpi slt, %broadcast_in_dim3A_2, %lt3A_1652 : vector<16xi32>
      %add3A_1654 = arith.constant 16 : i32
      %add3A_1655 = vector.broadcast %add3A_1654 : i32 to vector<16xi32>
      %add3A_1656 = arith.addi %broadcast_in_dim3A_2, %add3A_1655 : vector<16xi32>
      %select_n3A_1657 = arith.select %lt3A_1653, %add3A_1656, %broadcast_in_dim3A_2 : vector<16xi1>, vector<16xi32>
      %broadcast_in_dim3A_1658 = vector.shape_cast %select_n3A_1657 : vector<16xi32> to vector<16x1xi32>
      %gather3A_1659 = vector.shape_cast %broadcast_in_dim3A_1658 : vector<16x1xi32> to vector<16xi32>
      %gather3A_1660 = tpu.dynamic_gather %get3A_1463[%gather3A_1659] in [0] : vector<16xi32>, vector<16xi32> -> vector<16xi32>
      %lt3A_1661 = arith.constant 0 : i32
      %lt3A_1662 = vector.broadcast %lt3A_1661 : i32 to vector<16xi32>
      %lt3A_1663 = arith.cmpi slt, %broadcast_in_dim3A_2, %lt3A_1662 : vector<16xi32>
      %add3A_1664 = arith.constant 16 : i32
      %add3A_1665 = vector.broadcast %add3A_1664 : i32 to vector<16xi32>
      %add3A_1666 = arith.addi %broadcast_in_dim3A_2, %add3A_1665 : vector<16xi32>
      %select_n3A_1667 = arith.select %lt3A_1663, %add3A_1666, %broadcast_in_dim3A_2 : vector<16xi1>, vector<16xi32>
      %broadcast_in_dim3A_1668 = vector.shape_cast %select_n3A_1667 : vector<16xi32> to vector<16x1xi32>
      %gather3A_1669 = vector.shape_cast %broadcast_in_dim3A_1668 : vector<16x1xi32> to vector<16xi32>
      %gather3A_1670 = tpu.dynamic_gather %max3A_1625[%gather3A_1669] in [0] : vector<16xf32>, vector<16xi32> -> vector<16xf32>
      %lt3A_1671 = arith.constant 0 : i32
      %lt3A_1672 = vector.broadcast %lt3A_1671 : i32 to vector<16xi32>
      %lt3A_1673 = arith.cmpi slt, %broadcast_in_dim3A_2, %lt3A_1672 : vector<16xi32>
      %add3A_1674 = arith.constant 16 : i32
      %add3A_1675 = vector.broadcast %add3A_1674 : i32 to vector<16xi32>
      %add3A_1676 = arith.addi %broadcast_in_dim3A_2, %add3A_1675 : vector<16xi32>
      %select_n3A_1677 = arith.select %lt3A_1673, %add3A_1676, %broadcast_in_dim3A_2 : vector<16xi1>, vector<16xi32>
      %broadcast_in_dim3A_1678 = vector.shape_cast %select_n3A_1677 : vector<16xi32> to vector<16x1xi32>
      %gather3A_1679 = vector.shape_cast %broadcast_in_dim3A_1678 : vector<16x1xi32> to vector<16xi32>
      %gather3A_1680 = tpu.dynamic_gather %select_n3A_1624[%gather3A_1679] in [0] : vector<16xi32>, vector<16xi32> -> vector<16xi32>
      %add3A_1681 = arith.addi %add3A_1457, %reduce_max3A_1644 : i32
      %add3A_1682 = arith.constant 96 : i32
      %add3A_1683 = arith.addi %mul3A_339, %add3A_1682 : i32
      %get3A_1684 = arith.index_cast %add3A_1683 : i32 to index
      %get3A_1685 = tpu.vector_load %arg8[%get3A_1684] {strides = array<i32>} : memref<32768xf32, #tpu.memory_space<vmem>>, vector<16xf32>,
      %get3A_1686 = arith.index_cast %add3A_1683 : i32 to index
      %get3A_1687 = tpu.vector_load %arg9[%get3A_1686] {strides = array<i32>} : memref<32784xi32, #tpu.memory_space<vmem>>, vector<16xi32>,
      %add3A_1688 = arith.constant 1 : i32
      %add3A_1689 = arith.addi %add3A_1683, %add3A_1688 : i32
      %get3A_1690 = arith.index_cast %add3A_1689 : i32 to index
      %get3A_1691 = tpu.vector_load %arg9[%get3A_1690] {strides = array<i32>} : memref<32784xi32, #tpu.memory_space<vmem>>, vector<16xi32>,
      %add3A_1692 = arith.addi %add3A_332, %add3A_1683 : i32
      %add3A_1693 = vector.broadcast %add3A_1692 : i32 to vector<16xi32>
      %add3A_1694 = arith.addi %iota3A, %add3A_1693 : vector<16xi32>
      %lt3A_1695 = arith.constant 0 : i32
      %lt3A_1696 = vector.broadcast %lt3A_1695 : i32 to vector<16xi32>
      %lt3A_1697 = arith.cmpi slt, %max3A_6, %lt3A_1696 : vector<16xi32>
      %add3A_1698 = arith.constant 16 : i32
      %add3A_1699 = vector.broadcast %add3A_1698 : i32 to vector<16xi32>
      %add3A_1700 = arith.addi %max3A_6, %add3A_1699 : vector<16xi32>
      %select_n3A_1701 = arith.select %lt3A_1697, %add3A_1700, %max3A_6 : vector<16xi1>, vector<16xi32>
      %broadcast_in_dim3A_1702 = vector.shape_cast %select_n3A_1701 : vector<16xi32> to vector<16x1xi32>
      %gather3A_1703 = vector.shape_cast %broadcast_in_dim3A_1702 : vector<16x1xi32> to vector<16xi32>
      %gather3A_1704 = tpu.dynamic_gather %get3A_1685[%gather3A_1703] in [0] : vector<16xf32>, vector<16xi32> -> vector<16xf32>
      %lt3A_1705 = arith.constant 0 : i32
      %lt3A_1706 = vector.broadcast %lt3A_1705 : i32 to vector<16xi32>
      %lt3A_1707 = arith.cmpi slt, %max3A_6, %lt3A_1706 : vector<16xi32>
      %add3A_1708 = arith.constant 16 : i32
      %add3A_1709 = vector.broadcast %add3A_1708 : i32 to vector<16xi32>
      %add3A_1710 = arith.addi %max3A_6, %add3A_1709 : vector<16xi32>
      %select_n3A_1711 = arith.select %lt3A_1707, %add3A_1710, %max3A_6 : vector<16xi1>, vector<16xi32>
      %broadcast_in_dim3A_1712 = vector.shape_cast %select_n3A_1711 : vector<16xi32> to vector<16x1xi32>
      %gather3A_1713 = vector.shape_cast %broadcast_in_dim3A_1712 : vector<16x1xi32> to vector<16xi32>
      %gather3A_1714 = tpu.dynamic_gather %add3A_1694[%gather3A_1713] in [0] : vector<16xi32>, vector<16xi32> -> vector<16xi32>
      %lt3A_1715 = arith.constant 0 : i32
      %lt3A_1716 = vector.broadcast %lt3A_1715 : i32 to vector<16xi32>
      %lt3A_1717 = arith.cmpi slt, %max3A_6, %lt3A_1716 : vector<16xi32>
      %add3A_1718 = arith.constant 16 : i32
      %add3A_1719 = vector.broadcast %add3A_1718 : i32 to vector<16xi32>
      %add3A_1720 = arith.addi %max3A_6, %add3A_1719 : vector<16xi32>
      %select_n3A_1721 = arith.select %lt3A_1717, %add3A_1720, %max3A_6 : vector<16xi1>, vector<16xi32>
      %broadcast_in_dim3A_1722 = vector.shape_cast %select_n3A_1721 : vector<16xi32> to vector<16x1xi32>
      %gather3A_1723 = vector.shape_cast %broadcast_in_dim3A_1722 : vector<16x1xi32> to vector<16xi32>
      %gather3A_1724 = tpu.dynamic_gather %get3A_1687[%gather3A_1723] in [0] : vector<16xi32>, vector<16xi32> -> vector<16xi32>
      %eq3A_1725 = arith.cmpi eq, %get3A_1687, %gather3A_1724 : vector<16xi32>
      %jit3A_1726 = arith.constant 0xFF800000 : f32
      %broadcast_in_dim3A_1727 = vector.broadcast %jit3A_1726 : f32 to vector<16xf32>
      %select_n3A_1728 = arith.select %eq3A_1725, %gather3A_1704, %broadcast_in_dim3A_1727 : vector<16xi1>, vector<16xf32>
      %ge3A_1729 = arith.cmpf oge, %get3A_1685, %select_n3A_1728 : vector<16xf32>
      %select_n3A_1730 = arith.select %ge3A_1729, %add3A_1694, %gather3A_1714 : vector<16xi1>, vector<16xi32>
      %max3A_1731 = arith.maximumf %get3A_1685, %select_n3A_1728 : vector<16xf32>
      %lt3A_1732 = arith.constant 0 : i32
      %lt3A_1733 = vector.broadcast %lt3A_1732 : i32 to vector<16xi32>
      %lt3A_1734 = arith.cmpi slt, %max3A_12, %lt3A_1733 : vector<16xi32>
      %add3A_1735 = arith.constant 16 : i32
      %add3A_1736 = vector.broadcast %add3A_1735 : i32 to vector<16xi32>
      %add3A_1737 = arith.addi %max3A_12, %add3A_1736 : vector<16xi32>
      %select_n3A_1738 = arith.select %lt3A_1734, %add3A_1737, %max3A_12 : vector<16xi1>, vector<16xi32>
      %broadcast_in_dim3A_1739 = vector.shape_cast %select_n3A_1738 : vector<16xi32> to vector<16x1xi32>
      %gather3A_1740 = vector.shape_cast %broadcast_in_dim3A_1739 : vector<16x1xi32> to vector<16xi32>
      %gather3A_1741 = tpu.dynamic_gather %max3A_1731[%gather3A_1740] in [0] : vector<16xf32>, vector<16xi32> -> vector<16xf32>
      %lt3A_1742 = arith.constant 0 : i32
      %lt3A_1743 = vector.broadcast %lt3A_1742 : i32 to vector<16xi32>
      %lt3A_1744 = arith.cmpi slt, %max3A_12, %lt3A_1743 : vector<16xi32>
      %add3A_1745 = arith.constant 16 : i32
      %add3A_1746 = vector.broadcast %add3A_1745 : i32 to vector<16xi32>
      %add3A_1747 = arith.addi %max3A_12, %add3A_1746 : vector<16xi32>
      %select_n3A_1748 = arith.select %lt3A_1744, %add3A_1747, %max3A_12 : vector<16xi1>, vector<16xi32>
      %broadcast_in_dim3A_1749 = vector.shape_cast %select_n3A_1748 : vector<16xi32> to vector<16x1xi32>
      %gather3A_1750 = vector.shape_cast %broadcast_in_dim3A_1749 : vector<16x1xi32> to vector<16xi32>
      %gather3A_1751 = tpu.dynamic_gather %select_n3A_1730[%gather3A_1750] in [0] : vector<16xi32>, vector<16xi32> -> vector<16xi32>
      %lt3A_1752 = arith.constant 0 : i32
      %lt3A_1753 = vector.broadcast %lt3A_1752 : i32 to vector<16xi32>
      %lt3A_1754 = arith.cmpi slt, %max3A_12, %lt3A_1753 : vector<16xi32>
      %add3A_1755 = arith.constant 16 : i32
      %add3A_1756 = vector.broadcast %add3A_1755 : i32 to vector<16xi32>
      %add3A_1757 = arith.addi %max3A_12, %add3A_1756 : vector<16xi32>
      %select_n3A_1758 = arith.select %lt3A_1754, %add3A_1757, %max3A_12 : vector<16xi1>, vector<16xi32>
      %broadcast_in_dim3A_1759 = vector.shape_cast %select_n3A_1758 : vector<16xi32> to vector<16x1xi32>
      %gather3A_1760 = vector.shape_cast %broadcast_in_dim3A_1759 : vector<16x1xi32> to vector<16xi32>
      %gather3A_1761 = tpu.dynamic_gather %get3A_1687[%gather3A_1760] in [0] : vector<16xi32>, vector<16xi32> -> vector<16xi32>
      %eq3A_1762 = arith.cmpi eq, %get3A_1687, %gather3A_1761 : vector<16xi32>
      %jit3A_1763 = arith.constant 0xFF800000 : f32
      %broadcast_in_dim3A_1764 = vector.broadcast %jit3A_1763 : f32 to vector<16xf32>
      %select_n3A_1765 = arith.select %eq3A_1762, %gather3A_1741, %broadcast_in_dim3A_1764 : vector<16xi1>, vector<16xf32>
      %ge3A_1766 = arith.cmpf oge, %max3A_1731, %select_n3A_1765 : vector<16xf32>
      %select_n3A_1767 = arith.select %ge3A_1766, %select_n3A_1730, %gather3A_1751 : vector<16xi1>, vector<16xi32>
      %max3A_1768 = arith.maximumf %max3A_1731, %select_n3A_1765 : vector<16xf32>
      %lt3A_1769 = arith.constant 0 : i32
      %lt3A_1770 = vector.broadcast %lt3A_1769 : i32 to vector<16xi32>
      %lt3A_1771 = arith.cmpi slt, %max3A_18, %lt3A_1770 : vector<16xi32>
      %add3A_1772 = arith.constant 16 : i32
      %add3A_1773 = vector.broadcast %add3A_1772 : i32 to vector<16xi32>
      %add3A_1774 = arith.addi %max3A_18, %add3A_1773 : vector<16xi32>
      %select_n3A_1775 = arith.select %lt3A_1771, %add3A_1774, %max3A_18 : vector<16xi1>, vector<16xi32>
      %broadcast_in_dim3A_1776 = vector.shape_cast %select_n3A_1775 : vector<16xi32> to vector<16x1xi32>
      %gather3A_1777 = vector.shape_cast %broadcast_in_dim3A_1776 : vector<16x1xi32> to vector<16xi32>
      %gather3A_1778 = tpu.dynamic_gather %max3A_1768[%gather3A_1777] in [0] : vector<16xf32>, vector<16xi32> -> vector<16xf32>
      %lt3A_1779 = arith.constant 0 : i32
      %lt3A_1780 = vector.broadcast %lt3A_1779 : i32 to vector<16xi32>
      %lt3A_1781 = arith.cmpi slt, %max3A_18, %lt3A_1780 : vector<16xi32>
      %add3A_1782 = arith.constant 16 : i32
      %add3A_1783 = vector.broadcast %add3A_1782 : i32 to vector<16xi32>
      %add3A_1784 = arith.addi %max3A_18, %add3A_1783 : vector<16xi32>
      %select_n3A_1785 = arith.select %lt3A_1781, %add3A_1784, %max3A_18 : vector<16xi1>, vector<16xi32>
      %broadcast_in_dim3A_1786 = vector.shape_cast %select_n3A_1785 : vector<16xi32> to vector<16x1xi32>
      %gather3A_1787 = vector.shape_cast %broadcast_in_dim3A_1786 : vector<16x1xi32> to vector<16xi32>
      %gather3A_1788 = tpu.dynamic_gather %select_n3A_1767[%gather3A_1787] in [0] : vector<16xi32>, vector<16xi32> -> vector<16xi32>
      %lt3A_1789 = arith.constant 0 : i32
      %lt3A_1790 = vector.broadcast %lt3A_1789 : i32 to vector<16xi32>
      %lt3A_1791 = arith.cmpi slt, %max3A_18, %lt3A_1790 : vector<16xi32>
      %add3A_1792 = arith.constant 16 : i32
      %add3A_1793 = vector.broadcast %add3A_1792 : i32 to vector<16xi32>
      %add3A_1794 = arith.addi %max3A_18, %add3A_1793 : vector<16xi32>
      %select_n3A_1795 = arith.select %lt3A_1791, %add3A_1794, %max3A_18 : vector<16xi1>, vector<16xi32>
      %broadcast_in_dim3A_1796 = vector.shape_cast %select_n3A_1795 : vector<16xi32> to vector<16x1xi32>
      %gather3A_1797 = vector.shape_cast %broadcast_in_dim3A_1796 : vector<16x1xi32> to vector<16xi32>
      %gather3A_1798 = tpu.dynamic_gather %get3A_1687[%gather3A_1797] in [0] : vector<16xi32>, vector<16xi32> -> vector<16xi32>
      %eq3A_1799 = arith.cmpi eq, %get3A_1687, %gather3A_1798 : vector<16xi32>
      %jit3A_1800 = arith.constant 0xFF800000 : f32
      %broadcast_in_dim3A_1801 = vector.broadcast %jit3A_1800 : f32 to vector<16xf32>
      %select_n3A_1802 = arith.select %eq3A_1799, %gather3A_1778, %broadcast_in_dim3A_1801 : vector<16xi1>, vector<16xf32>
      %ge3A_1803 = arith.cmpf oge, %max3A_1768, %select_n3A_1802 : vector<16xf32>
      %select_n3A_1804 = arith.select %ge3A_1803, %select_n3A_1767, %gather3A_1788 : vector<16xi1>, vector<16xi32>
      %max3A_1805 = arith.maximumf %max3A_1768, %select_n3A_1802 : vector<16xf32>
      %lt3A_1806 = arith.constant 0 : i32
      %lt3A_1807 = vector.broadcast %lt3A_1806 : i32 to vector<16xi32>
      %lt3A_1808 = arith.cmpi slt, %max3A_24, %lt3A_1807 : vector<16xi32>
      %add3A_1809 = arith.constant 16 : i32
      %add3A_1810 = vector.broadcast %add3A_1809 : i32 to vector<16xi32>
      %add3A_1811 = arith.addi %max3A_24, %add3A_1810 : vector<16xi32>
      %select_n3A_1812 = arith.select %lt3A_1808, %add3A_1811, %max3A_24 : vector<16xi1>, vector<16xi32>
      %broadcast_in_dim3A_1813 = vector.shape_cast %select_n3A_1812 : vector<16xi32> to vector<16x1xi32>
      %gather3A_1814 = vector.shape_cast %broadcast_in_dim3A_1813 : vector<16x1xi32> to vector<16xi32>
      %gather3A_1815 = tpu.dynamic_gather %max3A_1805[%gather3A_1814] in [0] : vector<16xf32>, vector<16xi32> -> vector<16xf32>
      %lt3A_1816 = arith.constant 0 : i32
      %lt3A_1817 = vector.broadcast %lt3A_1816 : i32 to vector<16xi32>
      %lt3A_1818 = arith.cmpi slt, %max3A_24, %lt3A_1817 : vector<16xi32>
      %add3A_1819 = arith.constant 16 : i32
      %add3A_1820 = vector.broadcast %add3A_1819 : i32 to vector<16xi32>
      %add3A_1821 = arith.addi %max3A_24, %add3A_1820 : vector<16xi32>
      %select_n3A_1822 = arith.select %lt3A_1818, %add3A_1821, %max3A_24 : vector<16xi1>, vector<16xi32>
      %broadcast_in_dim3A_1823 = vector.shape_cast %select_n3A_1822 : vector<16xi32> to vector<16x1xi32>
      %gather3A_1824 = vector.shape_cast %broadcast_in_dim3A_1823 : vector<16x1xi32> to vector<16xi32>
      %gather3A_1825 = tpu.dynamic_gather %select_n3A_1804[%gather3A_1824] in [0] : vector<16xi32>, vector<16xi32> -> vector<16xi32>
      %lt3A_1826 = arith.constant 0 : i32
      %lt3A_1827 = vector.broadcast %lt3A_1826 : i32 to vector<16xi32>
      %lt3A_1828 = arith.cmpi slt, %max3A_24, %lt3A_1827 : vector<16xi32>
      %add3A_1829 = arith.constant 16 : i32
      %add3A_1830 = vector.broadcast %add3A_1829 : i32 to vector<16xi32>
      %add3A_1831 = arith.addi %max3A_24, %add3A_1830 : vector<16xi32>
      %select_n3A_1832 = arith.select %lt3A_1828, %add3A_1831, %max3A_24 : vector<16xi1>, vector<16xi32>
      %broadcast_in_dim3A_1833 = vector.shape_cast %select_n3A_1832 : vector<16xi32> to vector<16x1xi32>
      %gather3A_1834 = vector.shape_cast %broadcast_in_dim3A_1833 : vector<16x1xi32> to vector<16xi32>
      %gather3A_1835 = tpu.dynamic_gather %get3A_1687[%gather3A_1834] in [0] : vector<16xi32>, vector<16xi32> -> vector<16xi32>
      %eq3A_1836 = arith.cmpi eq, %get3A_1687, %gather3A_1835 : vector<16xi32>
      %jit3A_1837 = arith.constant 0xFF800000 : f32
      %broadcast_in_dim3A_1838 = vector.broadcast %jit3A_1837 : f32 to vector<16xf32>
      %select_n3A_1839 = arith.select %eq3A_1836, %gather3A_1815, %broadcast_in_dim3A_1838 : vector<16xi1>, vector<16xf32>
      %ge3A_1840 = arith.cmpf oge, %max3A_1805, %select_n3A_1839 : vector<16xf32>
      %select_n3A_1841 = arith.select %ge3A_1840, %select_n3A_1804, %gather3A_1825 : vector<16xi1>, vector<16xi32>
      %max3A_1842 = arith.maximumf %max3A_1805, %select_n3A_1839 : vector<16xf32>
      %eq3A_1843 = arith.cmpi eq, %get3A_1687, %gather3A_1660 : vector<16xi32>
      %jit3A_1844 = arith.constant 0xFF800000 : f32
      %broadcast_in_dim3A_1845 = vector.broadcast %jit3A_1844 : f32 to vector<16xf32>
      %select_n3A_1846 = arith.select %eq3A_1843, %gather3A_1670, %broadcast_in_dim3A_1845 : vector<16xi1>, vector<16xf32>
      %ge3A_1847 = arith.cmpf oge, %max3A_1842, %select_n3A_1846 : vector<16xf32>
      %select_n3A_1848 = arith.select %ge3A_1847, %select_n3A_1841, %gather3A_1680 : vector<16xi1>, vector<16xi32>
      %max3A_1849 = arith.maximumf %max3A_1842, %select_n3A_1846 : vector<16xf32>
      %ne3A_1850 = arith.cmpi ne, %get3A_1687, %get3A_1691 : vector<16xi32>
      %jit3A_1851 = arith.constant 1 : i32
      %jit3A_1852 = arith.constant 0 : i32
      %broadcast_in_dim3A_1853 = vector.broadcast %jit3A_1851 : i32 to vector<16xi32>
      %broadcast_in_dim3A_1854 = vector.broadcast %jit3A_1852 : i32 to vector<16xi32>
      %select_n3A_1855 = arith.select %ne3A_1850, %broadcast_in_dim3A_1853, %broadcast_in_dim3A_1854 : vector<16xi1>, vector<16xi32>
      %broadcast_in_dim3A_1856 = arith.constant true
      %broadcast_in_dim3A_1857 = vector.broadcast %broadcast_in_dim3A_1856 : i1 to vector<16xi1>
      %masked_cumsum3A_1858 = tpu.scan <sum>, %select_n3A_1855 masked %broadcast_in_dim3A_1857 : vector<16xi32>, vector<16xi1> -> vector<16xi32>
      %add3A_1859 = vector.broadcast %add3A_1681 : i32 to vector<16xi32>
      %add3A_1860 = arith.addi %add3A_1859, %masked_cumsum3A_1858 : vector<16xi32>
      tpu.vector_store_idx %arg10[%add3A_1860], %select_n3A_1848 masked %ne3A_1850 : memref<4112xi32, #tpu.memory_space<vmem>>[vector<16xi32>], vector<16xi32>, vector<16xi1>
      tpu.vector_store_idx %arg11[%add3A_1860], %max3A_1849 masked %ne3A_1850 : memref<4112xf32, #tpu.memory_space<vmem>>[vector<16xi32>], vector<16xf32>, vector<16xi1>
      %reduce_max3A_1861 = arith.constant true
      %reduce_max3A_1862 = vector.broadcast %reduce_max3A_1861 : i1 to vector<16xi1>
      %reduce_max3A_1863 = arith.constant -2147483648 : i32
      %reduce_max3A_1864 = vector.broadcast %reduce_max3A_1863 : i32 to vector<16xi32>
      %reduce_max3A_1865 = arith.xori %masked_cumsum3A_1858, %reduce_max3A_1864 : vector<16xi32>
      %reduce_max3A_1866 = tpu.scan <max>, %reduce_max3A_1865 masked %reduce_max3A_1862 : vector<16xi32>, vector<16xi1> -> vector<16xi32>
      %reduce_max3A_1867 = arith.xori %reduce_max3A_1866, %reduce_max3A_1864 : vector<16xi32>
      %reduce_max3A_1868 = vector.extract %reduce_max3A_1867[15] : i32 from vector<16xi32>
      %sub3A_1869 = arith.subf %get3A_1685, %get3A_25 : vector<16xf32>
      %max3A_1870 = arith.constant 0.000000e+00 : f32
      %max3A_1871 = vector.broadcast %max3A_1870 : f32 to vector<16xf32>
      %max3A_1872 = arith.maximumf %sub3A_1869, %max3A_1871 : vector<16xf32>
      %swap3A_1873 = arith.index_cast %add3A_1683 : i32 to index
      %swap3A_1874 = tpu.vector_load %arg8[%swap3A_1873] {strides = array<i32>} : memref<32768xf32, #tpu.memory_space<vmem>>, vector<16xf32>,
      tpu.vector_store %arg8[%swap3A_1873], %max3A_1872 {strides = array<i32>} : memref<32768xf32, #tpu.memory_space<vmem>>, vector<16xf32>,
      %lt3A_1875 = arith.constant 0 : i32
      %lt3A_1876 = vector.broadcast %lt3A_1875 : i32 to vector<16xi32>
      %lt3A_1877 = arith.cmpi slt, %broadcast_in_dim3A_2, %lt3A_1876 : vector<16xi32>
      %add3A_1878 = arith.constant 16 : i32
      %add3A_1879 = vector.broadcast %add3A_1878 : i32 to vector<16xi32>
      %add3A_1880 = arith.addi %broadcast_in_dim3A_2, %add3A_1879 : vector<16xi32>
      %select_n3A_1881 = arith.select %lt3A_1877, %add3A_1880, %broadcast_in_dim3A_2 : vector<16xi1>, vector<16xi32>
      %broadcast_in_dim3A_1882 = vector.shape_cast %select_n3A_1881 : vector<16xi32> to vector<16x1xi32>
      %gather3A_1883 = vector.shape_cast %broadcast_in_dim3A_1882 : vector<16x1xi32> to vector<16xi32>
      %gather3A_1884 = tpu.dynamic_gather %get3A_1687[%gather3A_1883] in [0] : vector<16xi32>, vector<16xi32> -> vector<16xi32>
      %lt3A_1885 = arith.constant 0 : i32
      %lt3A_1886 = vector.broadcast %lt3A_1885 : i32 to vector<16xi32>
      %lt3A_1887 = arith.cmpi slt, %broadcast_in_dim3A_2, %lt3A_1886 : vector<16xi32>
      %add3A_1888 = arith.constant 16 : i32
      %add3A_1889 = vector.broadcast %add3A_1888 : i32 to vector<16xi32>
      %add3A_1890 = arith.addi %broadcast_in_dim3A_2, %add3A_1889 : vector<16xi32>
      %select_n3A_1891 = arith.select %lt3A_1887, %add3A_1890, %broadcast_in_dim3A_2 : vector<16xi1>, vector<16xi32>
      %broadcast_in_dim3A_1892 = vector.shape_cast %select_n3A_1891 : vector<16xi32> to vector<16x1xi32>
      %gather3A_1893 = vector.shape_cast %broadcast_in_dim3A_1892 : vector<16x1xi32> to vector<16xi32>
      %gather3A_1894 = tpu.dynamic_gather %max3A_1849[%gather3A_1893] in [0] : vector<16xf32>, vector<16xi32> -> vector<16xf32>
      %lt3A_1895 = arith.constant 0 : i32
      %lt3A_1896 = vector.broadcast %lt3A_1895 : i32 to vector<16xi32>
      %lt3A_1897 = arith.cmpi slt, %broadcast_in_dim3A_2, %lt3A_1896 : vector<16xi32>
      %add3A_1898 = arith.constant 16 : i32
      %add3A_1899 = vector.broadcast %add3A_1898 : i32 to vector<16xi32>
      %add3A_1900 = arith.addi %broadcast_in_dim3A_2, %add3A_1899 : vector<16xi32>
      %select_n3A_1901 = arith.select %lt3A_1897, %add3A_1900, %broadcast_in_dim3A_2 : vector<16xi1>, vector<16xi32>
      %broadcast_in_dim3A_1902 = vector.shape_cast %select_n3A_1901 : vector<16xi32> to vector<16x1xi32>
      %gather3A_1903 = vector.shape_cast %broadcast_in_dim3A_1902 : vector<16x1xi32> to vector<16xi32>
      %gather3A_1904 = tpu.dynamic_gather %select_n3A_1848[%gather3A_1903] in [0] : vector<16xi32>, vector<16xi32> -> vector<16xi32>
      %add3A_1905 = arith.addi %add3A_1681, %reduce_max3A_1868 : i32
      %add3A_1906 = arith.constant 112 : i32
      %add3A_1907 = arith.addi %mul3A_339, %add3A_1906 : i32
      %get3A_1908 = arith.index_cast %add3A_1907 : i32 to index
      %get3A_1909 = tpu.vector_load %arg8[%get3A_1908] {strides = array<i32>} : memref<32768xf32, #tpu.memory_space<vmem>>, vector<16xf32>,
      %get3A_1910 = arith.index_cast %add3A_1907 : i32 to index
      %get3A_1911 = tpu.vector_load %arg9[%get3A_1910] {strides = array<i32>} : memref<32784xi32, #tpu.memory_space<vmem>>, vector<16xi32>,
      %add3A_1912 = arith.constant 1 : i32
      %add3A_1913 = arith.addi %add3A_1907, %add3A_1912 : i32
      %get3A_1914 = arith.index_cast %add3A_1913 : i32 to index
      %get3A_1915 = tpu.vector_load %arg9[%get3A_1914] {strides = array<i32>} : memref<32784xi32, #tpu.memory_space<vmem>>, vector<16xi32>,
      %add3A_1916 = arith.addi %add3A_332, %add3A_1907 : i32
      %add3A_1917 = vector.broadcast %add3A_1916 : i32 to vector<16xi32>
      %add3A_1918 = arith.addi %iota3A, %add3A_1917 : vector<16xi32>
      %lt3A_1919 = arith.constant 0 : i32
      %lt3A_1920 = vector.broadcast %lt3A_1919 : i32 to vector<16xi32>
      %lt3A_1921 = arith.cmpi slt, %max3A_6, %lt3A_1920 : vector<16xi32>
      %add3A_1922 = arith.constant 16 : i32
      %add3A_1923 = vector.broadcast %add3A_1922 : i32 to vector<16xi32>
      %add3A_1924 = arith.addi %max3A_6, %add3A_1923 : vector<16xi32>
      %select_n3A_1925 = arith.select %lt3A_1921, %add3A_1924, %max3A_6 : vector<16xi1>, vector<16xi32>
      %broadcast_in_dim3A_1926 = vector.shape_cast %select_n3A_1925 : vector<16xi32> to vector<16x1xi32>
      %gather3A_1927 = vector.shape_cast %broadcast_in_dim3A_1926 : vector<16x1xi32> to vector<16xi32>
      %gather3A_1928 = tpu.dynamic_gather %get3A_1909[%gather3A_1927] in [0] : vector<16xf32>, vector<16xi32> -> vector<16xf32>
      %lt3A_1929 = arith.constant 0 : i32
      %lt3A_1930 = vector.broadcast %lt3A_1929 : i32 to vector<16xi32>
      %lt3A_1931 = arith.cmpi slt, %max3A_6, %lt3A_1930 : vector<16xi32>
      %add3A_1932 = arith.constant 16 : i32
      %add3A_1933 = vector.broadcast %add3A_1932 : i32 to vector<16xi32>
      %add3A_1934 = arith.addi %max3A_6, %add3A_1933 : vector<16xi32>
      %select_n3A_1935 = arith.select %lt3A_1931, %add3A_1934, %max3A_6 : vector<16xi1>, vector<16xi32>
      %broadcast_in_dim3A_1936 = vector.shape_cast %select_n3A_1935 : vector<16xi32> to vector<16x1xi32>
      %gather3A_1937 = vector.shape_cast %broadcast_in_dim3A_1936 : vector<16x1xi32> to vector<16xi32>
      %gather3A_1938 = tpu.dynamic_gather %add3A_1918[%gather3A_1937] in [0] : vector<16xi32>, vector<16xi32> -> vector<16xi32>
      %lt3A_1939 = arith.constant 0 : i32
      %lt3A_1940 = vector.broadcast %lt3A_1939 : i32 to vector<16xi32>
      %lt3A_1941 = arith.cmpi slt, %max3A_6, %lt3A_1940 : vector<16xi32>
      %add3A_1942 = arith.constant 16 : i32
      %add3A_1943 = vector.broadcast %add3A_1942 : i32 to vector<16xi32>
      %add3A_1944 = arith.addi %max3A_6, %add3A_1943 : vector<16xi32>
      %select_n3A_1945 = arith.select %lt3A_1941, %add3A_1944, %max3A_6 : vector<16xi1>, vector<16xi32>
      %broadcast_in_dim3A_1946 = vector.shape_cast %select_n3A_1945 : vector<16xi32> to vector<16x1xi32>
      %gather3A_1947 = vector.shape_cast %broadcast_in_dim3A_1946 : vector<16x1xi32> to vector<16xi32>
      %gather3A_1948 = tpu.dynamic_gather %get3A_1911[%gather3A_1947] in [0] : vector<16xi32>, vector<16xi32> -> vector<16xi32>
      %eq3A_1949 = arith.cmpi eq, %get3A_1911, %gather3A_1948 : vector<16xi32>
      %jit3A_1950 = arith.constant 0xFF800000 : f32
      %broadcast_in_dim3A_1951 = vector.broadcast %jit3A_1950 : f32 to vector<16xf32>
      %select_n3A_1952 = arith.select %eq3A_1949, %gather3A_1928, %broadcast_in_dim3A_1951 : vector<16xi1>, vector<16xf32>
      %ge3A_1953 = arith.cmpf oge, %get3A_1909, %select_n3A_1952 : vector<16xf32>
      %select_n3A_1954 = arith.select %ge3A_1953, %add3A_1918, %gather3A_1938 : vector<16xi1>, vector<16xi32>
      %max3A_1955 = arith.maximumf %get3A_1909, %select_n3A_1952 : vector<16xf32>
      %lt3A_1956 = arith.constant 0 : i32
      %lt3A_1957 = vector.broadcast %lt3A_1956 : i32 to vector<16xi32>
      %lt3A_1958 = arith.cmpi slt, %max3A_12, %lt3A_1957 : vector<16xi32>
      %add3A_1959 = arith.constant 16 : i32
      %add3A_1960 = vector.broadcast %add3A_1959 : i32 to vector<16xi32>
      %add3A_1961 = arith.addi %max3A_12, %add3A_1960 : vector<16xi32>
      %select_n3A_1962 = arith.select %lt3A_1958, %add3A_1961, %max3A_12 : vector<16xi1>, vector<16xi32>
      %broadcast_in_dim3A_1963 = vector.shape_cast %select_n3A_1962 : vector<16xi32> to vector<16x1xi32>
      %gather3A_1964 = vector.shape_cast %broadcast_in_dim3A_1963 : vector<16x1xi32> to vector<16xi32>
      %gather3A_1965 = tpu.dynamic_gather %max3A_1955[%gather3A_1964] in [0] : vector<16xf32>, vector<16xi32> -> vector<16xf32>
      %lt3A_1966 = arith.constant 0 : i32
      %lt3A_1967 = vector.broadcast %lt3A_1966 : i32 to vector<16xi32>
      %lt3A_1968 = arith.cmpi slt, %max3A_12, %lt3A_1967 : vector<16xi32>
      %add3A_1969 = arith.constant 16 : i32
      %add3A_1970 = vector.broadcast %add3A_1969 : i32 to vector<16xi32>
      %add3A_1971 = arith.addi %max3A_12, %add3A_1970 : vector<16xi32>
      %select_n3A_1972 = arith.select %lt3A_1968, %add3A_1971, %max3A_12 : vector<16xi1>, vector<16xi32>
      %broadcast_in_dim3A_1973 = vector.shape_cast %select_n3A_1972 : vector<16xi32> to vector<16x1xi32>
      %gather3A_1974 = vector.shape_cast %broadcast_in_dim3A_1973 : vector<16x1xi32> to vector<16xi32>
      %gather3A_1975 = tpu.dynamic_gather %select_n3A_1954[%gather3A_1974] in [0] : vector<16xi32>, vector<16xi32> -> vector<16xi32>
      %lt3A_1976 = arith.constant 0 : i32
      %lt3A_1977 = vector.broadcast %lt3A_1976 : i32 to vector<16xi32>
      %lt3A_1978 = arith.cmpi slt, %max3A_12, %lt3A_1977 : vector<16xi32>
      %add3A_1979 = arith.constant 16 : i32
      %add3A_1980 = vector.broadcast %add3A_1979 : i32 to vector<16xi32>
      %add3A_1981 = arith.addi %max3A_12, %add3A_1980 : vector<16xi32>
      %select_n3A_1982 = arith.select %lt3A_1978, %add3A_1981, %max3A_12 : vector<16xi1>, vector<16xi32>
      %broadcast_in_dim3A_1983 = vector.shape_cast %select_n3A_1982 : vector<16xi32> to vector<16x1xi32>
      %gather3A_1984 = vector.shape_cast %broadcast_in_dim3A_1983 : vector<16x1xi32> to vector<16xi32>
      %gather3A_1985 = tpu.dynamic_gather %get3A_1911[%gather3A_1984] in [0] : vector<16xi32>, vector<16xi32> -> vector<16xi32>
      %eq3A_1986 = arith.cmpi eq, %get3A_1911, %gather3A_1985 : vector<16xi32>
      %jit3A_1987 = arith.constant 0xFF800000 : f32
      %broadcast_in_dim3A_1988 = vector.broadcast %jit3A_1987 : f32 to vector<16xf32>
      %select_n3A_1989 = arith.select %eq3A_1986, %gather3A_1965, %broadcast_in_dim3A_1988 : vector<16xi1>, vector<16xf32>
      %ge3A_1990 = arith.cmpf oge, %max3A_1955, %select_n3A_1989 : vector<16xf32>
      %select_n3A_1991 = arith.select %ge3A_1990, %select_n3A_1954, %gather3A_1975 : vector<16xi1>, vector<16xi32>
      %max3A_1992 = arith.maximumf %max3A_1955, %select_n3A_1989 : vector<16xf32>
      %lt3A_1993 = arith.constant 0 : i32
      %lt3A_1994 = vector.broadcast %lt3A_1993 : i32 to vector<16xi32>
      %lt3A_1995 = arith.cmpi slt, %max3A_18, %lt3A_1994 : vector<16xi32>
      %add3A_1996 = arith.constant 16 : i32
      %add3A_1997 = vector.broadcast %add3A_1996 : i32 to vector<16xi32>
      %add3A_1998 = arith.addi %max3A_18, %add3A_1997 : vector<16xi32>
      %select_n3A_1999 = arith.select %lt3A_1995, %add3A_1998, %max3A_18 : vector<16xi1>, vector<16xi32>
      %broadcast_in_dim3A_2000 = vector.shape_cast %select_n3A_1999 : vector<16xi32> to vector<16x1xi32>
      %gather3A_2001 = vector.shape_cast %broadcast_in_dim3A_2000 : vector<16x1xi32> to vector<16xi32>
      %gather3A_2002 = tpu.dynamic_gather %max3A_1992[%gather3A_2001] in [0] : vector<16xf32>, vector<16xi32> -> vector<16xf32>
      %lt3A_2003 = arith.constant 0 : i32
      %lt3A_2004 = vector.broadcast %lt3A_2003 : i32 to vector<16xi32>
      %lt3A_2005 = arith.cmpi slt, %max3A_18, %lt3A_2004 : vector<16xi32>
      %add3A_2006 = arith.constant 16 : i32
      %add3A_2007 = vector.broadcast %add3A_2006 : i32 to vector<16xi32>
      %add3A_2008 = arith.addi %max3A_18, %add3A_2007 : vector<16xi32>
      %select_n3A_2009 = arith.select %lt3A_2005, %add3A_2008, %max3A_18 : vector<16xi1>, vector<16xi32>
      %broadcast_in_dim3A_2010 = vector.shape_cast %select_n3A_2009 : vector<16xi32> to vector<16x1xi32>
      %gather3A_2011 = vector.shape_cast %broadcast_in_dim3A_2010 : vector<16x1xi32> to vector<16xi32>
      %gather3A_2012 = tpu.dynamic_gather %select_n3A_1991[%gather3A_2011] in [0] : vector<16xi32>, vector<16xi32> -> vector<16xi32>
      %lt3A_2013 = arith.constant 0 : i32
      %lt3A_2014 = vector.broadcast %lt3A_2013 : i32 to vector<16xi32>
      %lt3A_2015 = arith.cmpi slt, %max3A_18, %lt3A_2014 : vector<16xi32>
      %add3A_2016 = arith.constant 16 : i32
      %add3A_2017 = vector.broadcast %add3A_2016 : i32 to vector<16xi32>
      %add3A_2018 = arith.addi %max3A_18, %add3A_2017 : vector<16xi32>
      %select_n3A_2019 = arith.select %lt3A_2015, %add3A_2018, %max3A_18 : vector<16xi1>, vector<16xi32>
      %broadcast_in_dim3A_2020 = vector.shape_cast %select_n3A_2019 : vector<16xi32> to vector<16x1xi32>
      %gather3A_2021 = vector.shape_cast %broadcast_in_dim3A_2020 : vector<16x1xi32> to vector<16xi32>
      %gather3A_2022 = tpu.dynamic_gather %get3A_1911[%gather3A_2021] in [0] : vector<16xi32>, vector<16xi32> -> vector<16xi32>
      %eq3A_2023 = arith.cmpi eq, %get3A_1911, %gather3A_2022 : vector<16xi32>
      %jit3A_2024 = arith.constant 0xFF800000 : f32
      %broadcast_in_dim3A_2025 = vector.broadcast %jit3A_2024 : f32 to vector<16xf32>
      %select_n3A_2026 = arith.select %eq3A_2023, %gather3A_2002, %broadcast_in_dim3A_2025 : vector<16xi1>, vector<16xf32>
      %ge3A_2027 = arith.cmpf oge, %max3A_1992, %select_n3A_2026 : vector<16xf32>
      %select_n3A_2028 = arith.select %ge3A_2027, %select_n3A_1991, %gather3A_2012 : vector<16xi1>, vector<16xi32>
      %max3A_2029 = arith.maximumf %max3A_1992, %select_n3A_2026 : vector<16xf32>
      %lt3A_2030 = arith.constant 0 : i32
      %lt3A_2031 = vector.broadcast %lt3A_2030 : i32 to vector<16xi32>
      %lt3A_2032 = arith.cmpi slt, %max3A_24, %lt3A_2031 : vector<16xi32>
      %add3A_2033 = arith.constant 16 : i32
      %add3A_2034 = vector.broadcast %add3A_2033 : i32 to vector<16xi32>
      %add3A_2035 = arith.addi %max3A_24, %add3A_2034 : vector<16xi32>
      %select_n3A_2036 = arith.select %lt3A_2032, %add3A_2035, %max3A_24 : vector<16xi1>, vector<16xi32>
      %broadcast_in_dim3A_2037 = vector.shape_cast %select_n3A_2036 : vector<16xi32> to vector<16x1xi32>
      %gather3A_2038 = vector.shape_cast %broadcast_in_dim3A_2037 : vector<16x1xi32> to vector<16xi32>
      %gather3A_2039 = tpu.dynamic_gather %max3A_2029[%gather3A_2038] in [0] : vector<16xf32>, vector<16xi32> -> vector<16xf32>
      %lt3A_2040 = arith.constant 0 : i32
      %lt3A_2041 = vector.broadcast %lt3A_2040 : i32 to vector<16xi32>
      %lt3A_2042 = arith.cmpi slt, %max3A_24, %lt3A_2041 : vector<16xi32>
      %add3A_2043 = arith.constant 16 : i32
      %add3A_2044 = vector.broadcast %add3A_2043 : i32 to vector<16xi32>
      %add3A_2045 = arith.addi %max3A_24, %add3A_2044 : vector<16xi32>
      %select_n3A_2046 = arith.select %lt3A_2042, %add3A_2045, %max3A_24 : vector<16xi1>, vector<16xi32>
      %broadcast_in_dim3A_2047 = vector.shape_cast %select_n3A_2046 : vector<16xi32> to vector<16x1xi32>
      %gather3A_2048 = vector.shape_cast %broadcast_in_dim3A_2047 : vector<16x1xi32> to vector<16xi32>
      %gather3A_2049 = tpu.dynamic_gather %select_n3A_2028[%gather3A_2048] in [0] : vector<16xi32>, vector<16xi32> -> vector<16xi32>
      %lt3A_2050 = arith.constant 0 : i32
      %lt3A_2051 = vector.broadcast %lt3A_2050 : i32 to vector<16xi32>
      %lt3A_2052 = arith.cmpi slt, %max3A_24, %lt3A_2051 : vector<16xi32>
      %add3A_2053 = arith.constant 16 : i32
      %add3A_2054 = vector.broadcast %add3A_2053 : i32 to vector<16xi32>
      %add3A_2055 = arith.addi %max3A_24, %add3A_2054 : vector<16xi32>
      %select_n3A_2056 = arith.select %lt3A_2052, %add3A_2055, %max3A_24 : vector<16xi1>, vector<16xi32>
      %broadcast_in_dim3A_2057 = vector.shape_cast %select_n3A_2056 : vector<16xi32> to vector<16x1xi32>
      %gather3A_2058 = vector.shape_cast %broadcast_in_dim3A_2057 : vector<16x1xi32> to vector<16xi32>
      %gather3A_2059 = tpu.dynamic_gather %get3A_1911[%gather3A_2058] in [0] : vector<16xi32>, vector<16xi32> -> vector<16xi32>
      %eq3A_2060 = arith.cmpi eq, %get3A_1911, %gather3A_2059 : vector<16xi32>
      %jit3A_2061 = arith.constant 0xFF800000 : f32
      %broadcast_in_dim3A_2062 = vector.broadcast %jit3A_2061 : f32 to vector<16xf32>
      %select_n3A_2063 = arith.select %eq3A_2060, %gather3A_2039, %broadcast_in_dim3A_2062 : vector<16xi1>, vector<16xf32>
      %ge3A_2064 = arith.cmpf oge, %max3A_2029, %select_n3A_2063 : vector<16xf32>
      %select_n3A_2065 = arith.select %ge3A_2064, %select_n3A_2028, %gather3A_2049 : vector<16xi1>, vector<16xi32>
      %max3A_2066 = arith.maximumf %max3A_2029, %select_n3A_2063 : vector<16xf32>
      %eq3A_2067 = arith.cmpi eq, %get3A_1911, %gather3A_1884 : vector<16xi32>
      %jit3A_2068 = arith.constant 0xFF800000 : f32
      %broadcast_in_dim3A_2069 = vector.broadcast %jit3A_2068 : f32 to vector<16xf32>
      %select_n3A_2070 = arith.select %eq3A_2067, %gather3A_1894, %broadcast_in_dim3A_2069 : vector<16xi1>, vector<16xf32>
      %ge3A_2071 = arith.cmpf oge, %max3A_2066, %select_n3A_2070 : vector<16xf32>
      %select_n3A_2072 = arith.select %ge3A_2071, %select_n3A_2065, %gather3A_1904 : vector<16xi1>, vector<16xi32>
      %max3A_2073 = arith.maximumf %max3A_2066, %select_n3A_2070 : vector<16xf32>
      %ne3A_2074 = arith.cmpi ne, %get3A_1911, %get3A_1915 : vector<16xi32>
      %jit3A_2075 = arith.constant 1 : i32
      %jit3A_2076 = arith.constant 0 : i32
      %broadcast_in_dim3A_2077 = vector.broadcast %jit3A_2075 : i32 to vector<16xi32>
      %broadcast_in_dim3A_2078 = vector.broadcast %jit3A_2076 : i32 to vector<16xi32>
      %select_n3A_2079 = arith.select %ne3A_2074, %broadcast_in_dim3A_2077, %broadcast_in_dim3A_2078 : vector<16xi1>, vector<16xi32>
      %broadcast_in_dim3A_2080 = arith.constant true
      %broadcast_in_dim3A_2081 = vector.broadcast %broadcast_in_dim3A_2080 : i1 to vector<16xi1>
      %masked_cumsum3A_2082 = tpu.scan <sum>, %select_n3A_2079 masked %broadcast_in_dim3A_2081 : vector<16xi32>, vector<16xi1> -> vector<16xi32>
      %add3A_2083 = vector.broadcast %add3A_1905 : i32 to vector<16xi32>
      %add3A_2084 = arith.addi %add3A_2083, %masked_cumsum3A_2082 : vector<16xi32>
      tpu.vector_store_idx %arg10[%add3A_2084], %select_n3A_2072 masked %ne3A_2074 : memref<4112xi32, #tpu.memory_space<vmem>>[vector<16xi32>], vector<16xi32>, vector<16xi1>
      tpu.vector_store_idx %arg11[%add3A_2084], %max3A_2073 masked %ne3A_2074 : memref<4112xf32, #tpu.memory_space<vmem>>[vector<16xi32>], vector<16xf32>, vector<16xi1>
      %reduce_max3A_2085 = arith.constant true
      %reduce_max3A_2086 = vector.broadcast %reduce_max3A_2085 : i1 to vector<16xi1>
      %reduce_max3A_2087 = arith.constant -2147483648 : i32
      %reduce_max3A_2088 = vector.broadcast %reduce_max3A_2087 : i32 to vector<16xi32>
      %reduce_max3A_2089 = arith.xori %masked_cumsum3A_2082, %reduce_max3A_2088 : vector<16xi32>
      %reduce_max3A_2090 = tpu.scan <max>, %reduce_max3A_2089 masked %reduce_max3A_2086 : vector<16xi32>, vector<16xi1> -> vector<16xi32>
      %reduce_max3A_2091 = arith.xori %reduce_max3A_2090, %reduce_max3A_2088 : vector<16xi32>
      %reduce_max3A_2092 = vector.extract %reduce_max3A_2091[15] : i32 from vector<16xi32>
      %sub3A_2093 = arith.subf %get3A_1909, %get3A_25 : vector<16xf32>
      %max3A_2094 = arith.constant 0.000000e+00 : f32
      %max3A_2095 = vector.broadcast %max3A_2094 : f32 to vector<16xf32>
      %max3A_2096 = arith.maximumf %sub3A_2093, %max3A_2095 : vector<16xf32>
      %swap3A_2097 = arith.index_cast %add3A_1907 : i32 to index
      %swap3A_2098 = tpu.vector_load %arg8[%swap3A_2097] {strides = array<i32>} : memref<32768xf32, #tpu.memory_space<vmem>>, vector<16xf32>,
      tpu.vector_store %arg8[%swap3A_2097], %max3A_2096 {strides = array<i32>} : memref<32768xf32, #tpu.memory_space<vmem>>, vector<16xf32>,
      %lt3A_2099 = arith.constant 0 : i32
      %lt3A_2100 = vector.broadcast %lt3A_2099 : i32 to vector<16xi32>
      %lt3A_2101 = arith.cmpi slt, %broadcast_in_dim3A_2, %lt3A_2100 : vector<16xi32>
      %add3A_2102 = arith.constant 16 : i32
      %add3A_2103 = vector.broadcast %add3A_2102 : i32 to vector<16xi32>
      %add3A_2104 = arith.addi %broadcast_in_dim3A_2, %add3A_2103 : vector<16xi32>
      %select_n3A_2105 = arith.select %lt3A_2101, %add3A_2104, %broadcast_in_dim3A_2 : vector<16xi1>, vector<16xi32>
      %broadcast_in_dim3A_2106 = vector.shape_cast %select_n3A_2105 : vector<16xi32> to vector<16x1xi32>
      %gather3A_2107 = vector.shape_cast %broadcast_in_dim3A_2106 : vector<16x1xi32> to vector<16xi32>
      %gather3A_2108 = tpu.dynamic_gather %get3A_1911[%gather3A_2107] in [0] : vector<16xi32>, vector<16xi32> -> vector<16xi32>
      %lt3A_2109 = arith.constant 0 : i32
      %lt3A_2110 = vector.broadcast %lt3A_2109 : i32 to vector<16xi32>
      %lt3A_2111 = arith.cmpi slt, %broadcast_in_dim3A_2, %lt3A_2110 : vector<16xi32>
      %add3A_2112 = arith.constant 16 : i32
      %add3A_2113 = vector.broadcast %add3A_2112 : i32 to vector<16xi32>
      %add3A_2114 = arith.addi %broadcast_in_dim3A_2, %add3A_2113 : vector<16xi32>
      %select_n3A_2115 = arith.select %lt3A_2111, %add3A_2114, %broadcast_in_dim3A_2 : vector<16xi1>, vector<16xi32>
      %broadcast_in_dim3A_2116 = vector.shape_cast %select_n3A_2115 : vector<16xi32> to vector<16x1xi32>
      %gather3A_2117 = vector.shape_cast %broadcast_in_dim3A_2116 : vector<16x1xi32> to vector<16xi32>
      %gather3A_2118 = tpu.dynamic_gather %max3A_2073[%gather3A_2117] in [0] : vector<16xf32>, vector<16xi32> -> vector<16xf32>
      %lt3A_2119 = arith.constant 0 : i32
      %lt3A_2120 = vector.broadcast %lt3A_2119 : i32 to vector<16xi32>
      %lt3A_2121 = arith.cmpi slt, %broadcast_in_dim3A_2, %lt3A_2120 : vector<16xi32>
      %add3A_2122 = arith.constant 16 : i32
      %add3A_2123 = vector.broadcast %add3A_2122 : i32 to vector<16xi32>
      %add3A_2124 = arith.addi %broadcast_in_dim3A_2, %add3A_2123 : vector<16xi32>
      %select_n3A_2125 = arith.select %lt3A_2121, %add3A_2124, %broadcast_in_dim3A_2 : vector<16xi1>, vector<16xi32>
      %broadcast_in_dim3A_2126 = vector.shape_cast %select_n3A_2125 : vector<16xi32> to vector<16x1xi32>
      %gather3A_2127 = vector.shape_cast %broadcast_in_dim3A_2126 : vector<16x1xi32> to vector<16xi32>
      %gather3A_2128 = tpu.dynamic_gather %select_n3A_2072[%gather3A_2127] in [0] : vector<16xi32>, vector<16xi32> -> vector<16xi32>
      %add3A_2129 = arith.addi %add3A_1905, %reduce_max3A_2092 : i32
      %add3A_2130 = arith.constant 128 : i32
      %add3A_2131 = arith.addi %mul3A_339, %add3A_2130 : i32
      %get3A_2132 = arith.index_cast %add3A_2131 : i32 to index
      %get3A_2133 = tpu.vector_load %arg8[%get3A_2132] {strides = array<i32>} : memref<32768xf32, #tpu.memory_space<vmem>>, vector<16xf32>,
      %get3A_2134 = arith.index_cast %add3A_2131 : i32 to index
      %get3A_2135 = tpu.vector_load %arg9[%get3A_2134] {strides = array<i32>} : memref<32784xi32, #tpu.memory_space<vmem>>, vector<16xi32>,
      %add3A_2136 = arith.constant 1 : i32
      %add3A_2137 = arith.addi %add3A_2131, %add3A_2136 : i32
      %get3A_2138 = arith.index_cast %add3A_2137 : i32 to index
      %get3A_2139 = tpu.vector_load %arg9[%get3A_2138] {strides = array<i32>} : memref<32784xi32, #tpu.memory_space<vmem>>, vector<16xi32>,
      %add3A_2140 = arith.addi %add3A_332, %add3A_2131 : i32
      %add3A_2141 = vector.broadcast %add3A_2140 : i32 to vector<16xi32>
      %add3A_2142 = arith.addi %iota3A, %add3A_2141 : vector<16xi32>
      %lt3A_2143 = arith.constant 0 : i32
      %lt3A_2144 = vector.broadcast %lt3A_2143 : i32 to vector<16xi32>
      %lt3A_2145 = arith.cmpi slt, %max3A_6, %lt3A_2144 : vector<16xi32>
      %add3A_2146 = arith.constant 16 : i32
      %add3A_2147 = vector.broadcast %add3A_2146 : i32 to vector<16xi32>
      %add3A_2148 = arith.addi %max3A_6, %add3A_2147 : vector<16xi32>
      %select_n3A_2149 = arith.select %lt3A_2145, %add3A_2148, %max3A_6 : vector<16xi1>, vector<16xi32>
      %broadcast_in_dim3A_2150 = vector.shape_cast %select_n3A_2149 : vector<16xi32> to vector<16x1xi32>
      %gather3A_2151 = vector.shape_cast %broadcast_in_dim3A_2150 : vector<16x1xi32> to vector<16xi32>
      %gather3A_2152 = tpu.dynamic_gather %get3A_2133[%gather3A_2151] in [0] : vector<16xf32>, vector<16xi32> -> vector<16xf32>
      %lt3A_2153 = arith.constant 0 : i32
      %lt3A_2154 = vector.broadcast %lt3A_2153 : i32 to vector<16xi32>
      %lt3A_2155 = arith.cmpi slt, %max3A_6, %lt3A_2154 : vector<16xi32>
      %add3A_2156 = arith.constant 16 : i32
      %add3A_2157 = vector.broadcast %add3A_2156 : i32 to vector<16xi32>
      %add3A_2158 = arith.addi %max3A_6, %add3A_2157 : vector<16xi32>
      %select_n3A_2159 = arith.select %lt3A_2155, %add3A_2158, %max3A_6 : vector<16xi1>, vector<16xi32>
      %broadcast_in_dim3A_2160 = vector.shape_cast %select_n3A_2159 : vector<16xi32> to vector<16x1xi32>
      %gather3A_2161 = vector.shape_cast %broadcast_in_dim3A_2160 : vector<16x1xi32> to vector<16xi32>
      %gather3A_2162 = tpu.dynamic_gather %add3A_2142[%gather3A_2161] in [0] : vector<16xi32>, vector<16xi32> -> vector<16xi32>
      %lt3A_2163 = arith.constant 0 : i32
      %lt3A_2164 = vector.broadcast %lt3A_2163 : i32 to vector<16xi32>
      %lt3A_2165 = arith.cmpi slt, %max3A_6, %lt3A_2164 : vector<16xi32>
      %add3A_2166 = arith.constant 16 : i32
      %add3A_2167 = vector.broadcast %add3A_2166 : i32 to vector<16xi32>
      %add3A_2168 = arith.addi %max3A_6, %add3A_2167 : vector<16xi32>
      %select_n3A_2169 = arith.select %lt3A_2165, %add3A_2168, %max3A_6 : vector<16xi1>, vector<16xi32>
      %broadcast_in_dim3A_2170 = vector.shape_cast %select_n3A_2169 : vector<16xi32> to vector<16x1xi32>
      %gather3A_2171 = vector.shape_cast %broadcast_in_dim3A_2170 : vector<16x1xi32> to vector<16xi32>
      %gather3A_2172 = tpu.dynamic_gather %get3A_2135[%gather3A_2171] in [0] : vector<16xi32>, vector<16xi32> -> vector<16xi32>
      %eq3A_2173 = arith.cmpi eq, %get3A_2135, %gather3A_2172 : vector<16xi32>
      %jit3A_2174 = arith.constant 0xFF800000 : f32
      %broadcast_in_dim3A_2175 = vector.broadcast %jit3A_2174 : f32 to vector<16xf32>
      %select_n3A_2176 = arith.select %eq3A_2173, %gather3A_2152, %broadcast_in_dim3A_2175 : vector<16xi1>, vector<16xf32>
      %ge3A_2177 = arith.cmpf oge, %get3A_2133, %select_n3A_2176 : vector<16xf32>
      %select_n3A_2178 = arith.select %ge3A_2177, %add3A_2142, %gather3A_2162 : vector<16xi1>, vector<16xi32>
      %max3A_2179 = arith.maximumf %get3A_2133, %select_n3A_2176 : vector<16xf32>
      %lt3A_2180 = arith.constant 0 : i32
      %lt3A_2181 = vector.broadcast %lt3A_2180 : i32 to vector<16xi32>
      %lt3A_2182 = arith.cmpi slt, %max3A_12, %lt3A_2181 : vector<16xi32>
      %add3A_2183 = arith.constant 16 : i32
      %add3A_2184 = vector.broadcast %add3A_2183 : i32 to vector<16xi32>
      %add3A_2185 = arith.addi %max3A_12, %add3A_2184 : vector<16xi32>
      %select_n3A_2186 = arith.select %lt3A_2182, %add3A_2185, %max3A_12 : vector<16xi1>, vector<16xi32>
      %broadcast_in_dim3A_2187 = vector.shape_cast %select_n3A_2186 : vector<16xi32> to vector<16x1xi32>
      %gather3A_2188 = vector.shape_cast %broadcast_in_dim3A_2187 : vector<16x1xi32> to vector<16xi32>
      %gather3A_2189 = tpu.dynamic_gather %max3A_2179[%gather3A_2188] in [0] : vector<16xf32>, vector<16xi32> -> vector<16xf32>
      %lt3A_2190 = arith.constant 0 : i32
      %lt3A_2191 = vector.broadcast %lt3A_2190 : i32 to vector<16xi32>
      %lt3A_2192 = arith.cmpi slt, %max3A_12, %lt3A_2191 : vector<16xi32>
      %add3A_2193 = arith.constant 16 : i32
      %add3A_2194 = vector.broadcast %add3A_2193 : i32 to vector<16xi32>
      %add3A_2195 = arith.addi %max3A_12, %add3A_2194 : vector<16xi32>
      %select_n3A_2196 = arith.select %lt3A_2192, %add3A_2195, %max3A_12 : vector<16xi1>, vector<16xi32>
      %broadcast_in_dim3A_2197 = vector.shape_cast %select_n3A_2196 : vector<16xi32> to vector<16x1xi32>
      %gather3A_2198 = vector.shape_cast %broadcast_in_dim3A_2197 : vector<16x1xi32> to vector<16xi32>
      %gather3A_2199 = tpu.dynamic_gather %select_n3A_2178[%gather3A_2198] in [0] : vector<16xi32>, vector<16xi32> -> vector<16xi32>
      %lt3A_2200 = arith.constant 0 : i32
      %lt3A_2201 = vector.broadcast %lt3A_2200 : i32 to vector<16xi32>
      %lt3A_2202 = arith.cmpi slt, %max3A_12, %lt3A_2201 : vector<16xi32>
      %add3A_2203 = arith.constant 16 : i32
      %add3A_2204 = vector.broadcast %add3A_2203 : i32 to vector<16xi32>
      %add3A_2205 = arith.addi %max3A_12, %add3A_2204 : vector<16xi32>
      %select_n3A_2206 = arith.select %lt3A_2202, %add3A_2205, %max3A_12 : vector<16xi1>, vector<16xi32>
      %broadcast_in_dim3A_2207 = vector.shape_cast %select_n3A_2206 : vector<16xi32> to vector<16x1xi32>
      %gather3A_2208 = vector.shape_cast %broadcast_in_dim3A_2207 : vector<16x1xi32> to vector<16xi32>
      %gather3A_2209 = tpu.dynamic_gather %get3A_2135[%gather3A_2208] in [0] : vector<16xi32>, vector<16xi32> -> vector<16xi32>
      %eq3A_2210 = arith.cmpi eq, %get3A_2135, %gather3A_2209 : vector<16xi32>
      %jit3A_2211 = arith.constant 0xFF800000 : f32
      %broadcast_in_dim3A_2212 = vector.broadcast %jit3A_2211 : f32 to vector<16xf32>
      %select_n3A_2213 = arith.select %eq3A_2210, %gather3A_2189, %broadcast_in_dim3A_2212 : vector<16xi1>, vector<16xf32>
      %ge3A_2214 = arith.cmpf oge, %max3A_2179, %select_n3A_2213 : vector<16xf32>
      %select_n3A_2215 = arith.select %ge3A_2214, %select_n3A_2178, %gather3A_2199 : vector<16xi1>, vector<16xi32>
      %max3A_2216 = arith.maximumf %max3A_2179, %select_n3A_2213 : vector<16xf32>
      %lt3A_2217 = arith.constant 0 : i32
      %lt3A_2218 = vector.broadcast %lt3A_2217 : i32 to vector<16xi32>
      %lt3A_2219 = arith.cmpi slt, %max3A_18, %lt3A_2218 : vector<16xi32>
      %add3A_2220 = arith.constant 16 : i32
      %add3A_2221 = vector.broadcast %add3A_2220 : i32 to vector<16xi32>
      %add3A_2222 = arith.addi %max3A_18, %add3A_2221 : vector<16xi32>
      %select_n3A_2223 = arith.select %lt3A_2219, %add3A_2222, %max3A_18 : vector<16xi1>, vector<16xi32>
      %broadcast_in_dim3A_2224 = vector.shape_cast %select_n3A_2223 : vector<16xi32> to vector<16x1xi32>
      %gather3A_2225 = vector.shape_cast %broadcast_in_dim3A_2224 : vector<16x1xi32> to vector<16xi32>
      %gather3A_2226 = tpu.dynamic_gather %max3A_2216[%gather3A_2225] in [0] : vector<16xf32>, vector<16xi32> -> vector<16xf32>
      %lt3A_2227 = arith.constant 0 : i32
      %lt3A_2228 = vector.broadcast %lt3A_2227 : i32 to vector<16xi32>
      %lt3A_2229 = arith.cmpi slt, %max3A_18, %lt3A_2228 : vector<16xi32>
      %add3A_2230 = arith.constant 16 : i32
      %add3A_2231 = vector.broadcast %add3A_2230 : i32 to vector<16xi32>
      %add3A_2232 = arith.addi %max3A_18, %add3A_2231 : vector<16xi32>
      %select_n3A_2233 = arith.select %lt3A_2229, %add3A_2232, %max3A_18 : vector<16xi1>, vector<16xi32>
      %broadcast_in_dim3A_2234 = vector.shape_cast %select_n3A_2233 : vector<16xi32> to vector<16x1xi32>
      %gather3A_2235 = vector.shape_cast %broadcast_in_dim3A_2234 : vector<16x1xi32> to vector<16xi32>
      %gather3A_2236 = tpu.dynamic_gather %select_n3A_2215[%gather3A_2235] in [0] : vector<16xi32>, vector<16xi32> -> vector<16xi32>
      %lt3A_2237 = arith.constant 0 : i32
      %lt3A_2238 = vector.broadcast %lt3A_2237 : i32 to vector<16xi32>
      %lt3A_2239 = arith.cmpi slt, %max3A_18, %lt3A_2238 : vector<16xi32>
      %add3A_2240 = arith.constant 16 : i32
      %add3A_2241 = vector.broadcast %add3A_2240 : i32 to vector<16xi32>
      %add3A_2242 = arith.addi %max3A_18, %add3A_2241 : vector<16xi32>
      %select_n3A_2243 = arith.select %lt3A_2239, %add3A_2242, %max3A_18 : vector<16xi1>, vector<16xi32>
      %broadcast_in_dim3A_2244 = vector.shape_cast %select_n3A_2243 : vector<16xi32> to vector<16x1xi32>
      %gather3A_2245 = vector.shape_cast %broadcast_in_dim3A_2244 : vector<16x1xi32> to vector<16xi32>
      %gather3A_2246 = tpu.dynamic_gather %get3A_2135[%gather3A_2245] in [0] : vector<16xi32>, vector<16xi32> -> vector<16xi32>
      %eq3A_2247 = arith.cmpi eq, %get3A_2135, %gather3A_2246 : vector<16xi32>
      %jit3A_2248 = arith.constant 0xFF800000 : f32
      %broadcast_in_dim3A_2249 = vector.broadcast %jit3A_2248 : f32 to vector<16xf32>
      %select_n3A_2250 = arith.select %eq3A_2247, %gather3A_2226, %broadcast_in_dim3A_2249 : vector<16xi1>, vector<16xf32>
      %ge3A_2251 = arith.cmpf oge, %max3A_2216, %select_n3A_2250 : vector<16xf32>
      %select_n3A_2252 = arith.select %ge3A_2251, %select_n3A_2215, %gather3A_2236 : vector<16xi1>, vector<16xi32>
      %max3A_2253 = arith.maximumf %max3A_2216, %select_n3A_2250 : vector<16xf32>
      %lt3A_2254 = arith.constant 0 : i32
      %lt3A_2255 = vector.broadcast %lt3A_2254 : i32 to vector<16xi32>
      %lt3A_2256 = arith.cmpi slt, %max3A_24, %lt3A_2255 : vector<16xi32>
      %add3A_2257 = arith.constant 16 : i32
      %add3A_2258 = vector.broadcast %add3A_2257 : i32 to vector<16xi32>
      %add3A_2259 = arith.addi %max3A_24, %add3A_2258 : vector<16xi32>
      %select_n3A_2260 = arith.select %lt3A_2256, %add3A_2259, %max3A_24 : vector<16xi1>, vector<16xi32>
      %broadcast_in_dim3A_2261 = vector.shape_cast %select_n3A_2260 : vector<16xi32> to vector<16x1xi32>
      %gather3A_2262 = vector.shape_cast %broadcast_in_dim3A_2261 : vector<16x1xi32> to vector<16xi32>
      %gather3A_2263 = tpu.dynamic_gather %max3A_2253[%gather3A_2262] in [0] : vector<16xf32>, vector<16xi32> -> vector<16xf32>
      %lt3A_2264 = arith.constant 0 : i32
      %lt3A_2265 = vector.broadcast %lt3A_2264 : i32 to vector<16xi32>
      %lt3A_2266 = arith.cmpi slt, %max3A_24, %lt3A_2265 : vector<16xi32>
      %add3A_2267 = arith.constant 16 : i32
      %add3A_2268 = vector.broadcast %add3A_2267 : i32 to vector<16xi32>
      %add3A_2269 = arith.addi %max3A_24, %add3A_2268 : vector<16xi32>
      %select_n3A_2270 = arith.select %lt3A_2266, %add3A_2269, %max3A_24 : vector<16xi1>, vector<16xi32>
      %broadcast_in_dim3A_2271 = vector.shape_cast %select_n3A_2270 : vector<16xi32> to vector<16x1xi32>
      %gather3A_2272 = vector.shape_cast %broadcast_in_dim3A_2271 : vector<16x1xi32> to vector<16xi32>
      %gather3A_2273 = tpu.dynamic_gather %select_n3A_2252[%gather3A_2272] in [0] : vector<16xi32>, vector<16xi32> -> vector<16xi32>
      %lt3A_2274 = arith.constant 0 : i32
      %lt3A_2275 = vector.broadcast %lt3A_2274 : i32 to vector<16xi32>
      %lt3A_2276 = arith.cmpi slt, %max3A_24, %lt3A_2275 : vector<16xi32>
      %add3A_2277 = arith.constant 16 : i32
      %add3A_2278 = vector.broadcast %add3A_2277 : i32 to vector<16xi32>
      %add3A_2279 = arith.addi %max3A_24, %add3A_2278 : vector<16xi32>
      %select_n3A_2280 = arith.select %lt3A_2276, %add3A_2279, %max3A_24 : vector<16xi1>, vector<16xi32>
      %broadcast_in_dim3A_2281 = vector.shape_cast %select_n3A_2280 : vector<16xi32> to vector<16x1xi32>
      %gather3A_2282 = vector.shape_cast %broadcast_in_dim3A_2281 : vector<16x1xi32> to vector<16xi32>
      %gather3A_2283 = tpu.dynamic_gather %get3A_2135[%gather3A_2282] in [0] : vector<16xi32>, vector<16xi32> -> vector<16xi32>
      %eq3A_2284 = arith.cmpi eq, %get3A_2135, %gather3A_2283 : vector<16xi32>
      %jit3A_2285 = arith.constant 0xFF800000 : f32
      %broadcast_in_dim3A_2286 = vector.broadcast %jit3A_2285 : f32 to vector<16xf32>
      %select_n3A_2287 = arith.select %eq3A_2284, %gather3A_2263, %broadcast_in_dim3A_2286 : vector<16xi1>, vector<16xf32>
      %ge3A_2288 = arith.cmpf oge, %max3A_2253, %select_n3A_2287 : vector<16xf32>
      %select_n3A_2289 = arith.select %ge3A_2288, %select_n3A_2252, %gather3A_2273 : vector<16xi1>, vector<16xi32>
      %max3A_2290 = arith.maximumf %max3A_2253, %select_n3A_2287 : vector<16xf32>
      %eq3A_2291 = arith.cmpi eq, %get3A_2135, %gather3A_2108 : vector<16xi32>
      %jit3A_2292 = arith.constant 0xFF800000 : f32
      %broadcast_in_dim3A_2293 = vector.broadcast %jit3A_2292 : f32 to vector<16xf32>
      %select_n3A_2294 = arith.select %eq3A_2291, %gather3A_2118, %broadcast_in_dim3A_2293 : vector<16xi1>, vector<16xf32>
      %ge3A_2295 = arith.cmpf oge, %max3A_2290, %select_n3A_2294 : vector<16xf32>
      %select_n3A_2296 = arith.select %ge3A_2295, %select_n3A_2289, %gather3A_2128 : vector<16xi1>, vector<16xi32>
      %max3A_2297 = arith.maximumf %max3A_2290, %select_n3A_2294 : vector<16xf32>
      %ne3A_2298 = arith.cmpi ne, %get3A_2135, %get3A_2139 : vector<16xi32>
      %jit3A_2299 = arith.constant 1 : i32
      %jit3A_2300 = arith.constant 0 : i32
      %broadcast_in_dim3A_2301 = vector.broadcast %jit3A_2299 : i32 to vector<16xi32>
      %broadcast_in_dim3A_2302 = vector.broadcast %jit3A_2300 : i32 to vector<16xi32>
      %select_n3A_2303 = arith.select %ne3A_2298, %broadcast_in_dim3A_2301, %broadcast_in_dim3A_2302 : vector<16xi1>, vector<16xi32>
      %broadcast_in_dim3A_2304 = arith.constant true
      %broadcast_in_dim3A_2305 = vector.broadcast %broadcast_in_dim3A_2304 : i1 to vector<16xi1>
      %masked_cumsum3A_2306 = tpu.scan <sum>, %select_n3A_2303 masked %broadcast_in_dim3A_2305 : vector<16xi32>, vector<16xi1> -> vector<16xi32>
      %add3A_2307 = vector.broadcast %add3A_2129 : i32 to vector<16xi32>
      %add3A_2308 = arith.addi %add3A_2307, %masked_cumsum3A_2306 : vector<16xi32>
      tpu.vector_store_idx %arg10[%add3A_2308], %select_n3A_2296 masked %ne3A_2298 : memref<4112xi32, #tpu.memory_space<vmem>>[vector<16xi32>], vector<16xi32>, vector<16xi1>
      tpu.vector_store_idx %arg11[%add3A_2308], %max3A_2297 masked %ne3A_2298 : memref<4112xf32, #tpu.memory_space<vmem>>[vector<16xi32>], vector<16xf32>, vector<16xi1>
      %reduce_max3A_2309 = arith.constant true
      %reduce_max3A_2310 = vector.broadcast %reduce_max3A_2309 : i1 to vector<16xi1>
      %reduce_max3A_2311 = arith.constant -2147483648 : i32
      %reduce_max3A_2312 = vector.broadcast %reduce_max3A_2311 : i32 to vector<16xi32>
      %reduce_max3A_2313 = arith.xori %masked_cumsum3A_2306, %reduce_max3A_2312 : vector<16xi32>
      %reduce_max3A_2314 = tpu.scan <max>, %reduce_max3A_2313 masked %reduce_max3A_2310 : vector<16xi32>, vector<16xi1> -> vector<16xi32>
      %reduce_max3A_2315 = arith.xori %reduce_max3A_2314, %reduce_max3A_2312 : vector<16xi32>
      %reduce_max3A_2316 = vector.extract %reduce_max3A_2315[15] : i32 from vector<16xi32>
      %sub3A_2317 = arith.subf %get3A_2133, %get3A_25 : vector<16xf32>
      %max3A_2318 = arith.constant 0.000000e+00 : f32
      %max3A_2319 = vector.broadcast %max3A_2318 : f32 to vector<16xf32>
      %max3A_2320 = arith.maximumf %sub3A_2317, %max3A_2319 : vector<16xf32>
      %swap3A_2321 = arith.index_cast %add3A_2131 : i32 to index
      %swap3A_2322 = tpu.vector_load %arg8[%swap3A_2321] {strides = array<i32>} : memref<32768xf32, #tpu.memory_space<vmem>>, vector<16xf32>,
      tpu.vector_store %arg8[%swap3A_2321], %max3A_2320 {strides = array<i32>} : memref<32768xf32, #tpu.memory_space<vmem>>, vector<16xf32>,
      %lt3A_2323 = arith.constant 0 : i32
      %lt3A_2324 = vector.broadcast %lt3A_2323 : i32 to vector<16xi32>
      %lt3A_2325 = arith.cmpi slt, %broadcast_in_dim3A_2, %lt3A_2324 : vector<16xi32>
      %add3A_2326 = arith.constant 16 : i32
      %add3A_2327 = vector.broadcast %add3A_2326 : i32 to vector<16xi32>
      %add3A_2328 = arith.addi %broadcast_in_dim3A_2, %add3A_2327 : vector<16xi32>
      %select_n3A_2329 = arith.select %lt3A_2325, %add3A_2328, %broadcast_in_dim3A_2 : vector<16xi1>, vector<16xi32>
      %broadcast_in_dim3A_2330 = vector.shape_cast %select_n3A_2329 : vector<16xi32> to vector<16x1xi32>
      %gather3A_2331 = vector.shape_cast %broadcast_in_dim3A_2330 : vector<16x1xi32> to vector<16xi32>
      %gather3A_2332 = tpu.dynamic_gather %get3A_2135[%gather3A_2331] in [0] : vector<16xi32>, vector<16xi32> -> vector<16xi32>
      %lt3A_2333 = arith.constant 0 : i32
      %lt3A_2334 = vector.broadcast %lt3A_2333 : i32 to vector<16xi32>
      %lt3A_2335 = arith.cmpi slt, %broadcast_in_dim3A_2, %lt3A_2334 : vector<16xi32>
      %add3A_2336 = arith.constant 16 : i32
      %add3A_2337 = vector.broadcast %add3A_2336 : i32 to vector<16xi32>
      %add3A_2338 = arith.addi %broadcast_in_dim3A_2, %add3A_2337 : vector<16xi32>
      %select_n3A_2339 = arith.select %lt3A_2335, %add3A_2338, %broadcast_in_dim3A_2 : vector<16xi1>, vector<16xi32>
      %broadcast_in_dim3A_2340 = vector.shape_cast %select_n3A_2339 : vector<16xi32> to vector<16x1xi32>
      %gather3A_2341 = vector.shape_cast %broadcast_in_dim3A_2340 : vector<16x1xi32> to vector<16xi32>
      %gather3A_2342 = tpu.dynamic_gather %max3A_2297[%gather3A_2341] in [0] : vector<16xf32>, vector<16xi32> -> vector<16xf32>
      %lt3A_2343 = arith.constant 0 : i32
      %lt3A_2344 = vector.broadcast %lt3A_2343 : i32 to vector<16xi32>
      %lt3A_2345 = arith.cmpi slt, %broadcast_in_dim3A_2, %lt3A_2344 : vector<16xi32>
      %add3A_2346 = arith.constant 16 : i32
      %add3A_2347 = vector.broadcast %add3A_2346 : i32 to vector<16xi32>
      %add3A_2348 = arith.addi %broadcast_in_dim3A_2, %add3A_2347 : vector<16xi32>
      %select_n3A_2349 = arith.select %lt3A_2345, %add3A_2348, %broadcast_in_dim3A_2 : vector<16xi1>, vector<16xi32>
      %broadcast_in_dim3A_2350 = vector.shape_cast %select_n3A_2349 : vector<16xi32> to vector<16x1xi32>
      %gather3A_2351 = vector.shape_cast %broadcast_in_dim3A_2350 : vector<16x1xi32> to vector<16xi32>
      %gather3A_2352 = tpu.dynamic_gather %select_n3A_2296[%gather3A_2351] in [0] : vector<16xi32>, vector<16xi32> -> vector<16xi32>
      %add3A_2353 = arith.addi %add3A_2129, %reduce_max3A_2316 : i32
      %add3A_2354 = arith.constant 144 : i32
      %add3A_2355 = arith.addi %mul3A_339, %add3A_2354 : i32
      %get3A_2356 = arith.index_cast %add3A_2355 : i32 to index
      %get3A_2357 = tpu.vector_load %arg8[%get3A_2356] {strides = array<i32>} : memref<32768xf32, #tpu.memory_space<vmem>>, vector<16xf32>,
      %get3A_2358 = arith.index_cast %add3A_2355 : i32 to index
      %get3A_2359 = tpu.vector_load %arg9[%get3A_2358] {strides = array<i32>} : memref<32784xi32, #tpu.memory_space<vmem>>, vector<16xi32>,
      %add3A_2360 = arith.constant 1 : i32
      %add3A_2361 = arith.addi %add3A_2355, %add3A_2360 : i32
      %get3A_2362 = arith.index_cast %add3A_2361 : i32 to index
      %get3A_2363 = tpu.vector_load %arg9[%get3A_2362] {strides = array<i32>} : memref<32784xi32, #tpu.memory_space<vmem>>, vector<16xi32>,
      %add3A_2364 = arith.addi %add3A_332, %add3A_2355 : i32
      %add3A_2365 = vector.broadcast %add3A_2364 : i32 to vector<16xi32>
      %add3A_2366 = arith.addi %iota3A, %add3A_2365 : vector<16xi32>
      %lt3A_2367 = arith.constant 0 : i32
      %lt3A_2368 = vector.broadcast %lt3A_2367 : i32 to vector<16xi32>
      %lt3A_2369 = arith.cmpi slt, %max3A_6, %lt3A_2368 : vector<16xi32>
      %add3A_2370 = arith.constant 16 : i32
      %add3A_2371 = vector.broadcast %add3A_2370 : i32 to vector<16xi32>
      %add3A_2372 = arith.addi %max3A_6, %add3A_2371 : vector<16xi32>
      %select_n3A_2373 = arith.select %lt3A_2369, %add3A_2372, %max3A_6 : vector<16xi1>, vector<16xi32>
      %broadcast_in_dim3A_2374 = vector.shape_cast %select_n3A_2373 : vector<16xi32> to vector<16x1xi32>
      %gather3A_2375 = vector.shape_cast %broadcast_in_dim3A_2374 : vector<16x1xi32> to vector<16xi32>
      %gather3A_2376 = tpu.dynamic_gather %get3A_2357[%gather3A_2375] in [0] : vector<16xf32>, vector<16xi32> -> vector<16xf32>
      %lt3A_2377 = arith.constant 0 : i32
      %lt3A_2378 = vector.broadcast %lt3A_2377 : i32 to vector<16xi32>
      %lt3A_2379 = arith.cmpi slt, %max3A_6, %lt3A_2378 : vector<16xi32>
      %add3A_2380 = arith.constant 16 : i32
      %add3A_2381 = vector.broadcast %add3A_2380 : i32 to vector<16xi32>
      %add3A_2382 = arith.addi %max3A_6, %add3A_2381 : vector<16xi32>
      %select_n3A_2383 = arith.select %lt3A_2379, %add3A_2382, %max3A_6 : vector<16xi1>, vector<16xi32>
      %broadcast_in_dim3A_2384 = vector.shape_cast %select_n3A_2383 : vector<16xi32> to vector<16x1xi32>
      %gather3A_2385 = vector.shape_cast %broadcast_in_dim3A_2384 : vector<16x1xi32> to vector<16xi32>
      %gather3A_2386 = tpu.dynamic_gather %add3A_2366[%gather3A_2385] in [0] : vector<16xi32>, vector<16xi32> -> vector<16xi32>
      %lt3A_2387 = arith.constant 0 : i32
      %lt3A_2388 = vector.broadcast %lt3A_2387 : i32 to vector<16xi32>
      %lt3A_2389 = arith.cmpi slt, %max3A_6, %lt3A_2388 : vector<16xi32>
      %add3A_2390 = arith.constant 16 : i32
      %add3A_2391 = vector.broadcast %add3A_2390 : i32 to vector<16xi32>
      %add3A_2392 = arith.addi %max3A_6, %add3A_2391 : vector<16xi32>
      %select_n3A_2393 = arith.select %lt3A_2389, %add3A_2392, %max3A_6 : vector<16xi1>, vector<16xi32>
      %broadcast_in_dim3A_2394 = vector.shape_cast %select_n3A_2393 : vector<16xi32> to vector<16x1xi32>
      %gather3A_2395 = vector.shape_cast %broadcast_in_dim3A_2394 : vector<16x1xi32> to vector<16xi32>
      %gather3A_2396 = tpu.dynamic_gather %get3A_2359[%gather3A_2395] in [0] : vector<16xi32>, vector<16xi32> -> vector<16xi32>
      %eq3A_2397 = arith.cmpi eq, %get3A_2359, %gather3A_2396 : vector<16xi32>
      %jit3A_2398 = arith.constant 0xFF800000 : f32
      %broadcast_in_dim3A_2399 = vector.broadcast %jit3A_2398 : f32 to vector<16xf32>
      %select_n3A_2400 = arith.select %eq3A_2397, %gather3A_2376, %broadcast_in_dim3A_2399 : vector<16xi1>, vector<16xf32>
      %ge3A_2401 = arith.cmpf oge, %get3A_2357, %select_n3A_2400 : vector<16xf32>
      %select_n3A_2402 = arith.select %ge3A_2401, %add3A_2366, %gather3A_2386 : vector<16xi1>, vector<16xi32>
      %max3A_2403 = arith.maximumf %get3A_2357, %select_n3A_2400 : vector<16xf32>
      %lt3A_2404 = arith.constant 0 : i32
      %lt3A_2405 = vector.broadcast %lt3A_2404 : i32 to vector<16xi32>
      %lt3A_2406 = arith.cmpi slt, %max3A_12, %lt3A_2405 : vector<16xi32>
      %add3A_2407 = arith.constant 16 : i32
      %add3A_2408 = vector.broadcast %add3A_2407 : i32 to vector<16xi32>
      %add3A_2409 = arith.addi %max3A_12, %add3A_2408 : vector<16xi32>
      %select_n3A_2410 = arith.select %lt3A_2406, %add3A_2409, %max3A_12 : vector<16xi1>, vector<16xi32>
      %broadcast_in_dim3A_2411 = vector.shape_cast %select_n3A_2410 : vector<16xi32> to vector<16x1xi32>
      %gather3A_2412 = vector.shape_cast %broadcast_in_dim3A_2411 : vector<16x1xi32> to vector<16xi32>
      %gather3A_2413 = tpu.dynamic_gather %max3A_2403[%gather3A_2412] in [0] : vector<16xf32>, vector<16xi32> -> vector<16xf32>
      %lt3A_2414 = arith.constant 0 : i32
      %lt3A_2415 = vector.broadcast %lt3A_2414 : i32 to vector<16xi32>
      %lt3A_2416 = arith.cmpi slt, %max3A_12, %lt3A_2415 : vector<16xi32>
      %add3A_2417 = arith.constant 16 : i32
      %add3A_2418 = vector.broadcast %add3A_2417 : i32 to vector<16xi32>
      %add3A_2419 = arith.addi %max3A_12, %add3A_2418 : vector<16xi32>
      %select_n3A_2420 = arith.select %lt3A_2416, %add3A_2419, %max3A_12 : vector<16xi1>, vector<16xi32>
      %broadcast_in_dim3A_2421 = vector.shape_cast %select_n3A_2420 : vector<16xi32> to vector<16x1xi32>
      %gather3A_2422 = vector.shape_cast %broadcast_in_dim3A_2421 : vector<16x1xi32> to vector<16xi32>
      %gather3A_2423 = tpu.dynamic_gather %select_n3A_2402[%gather3A_2422] in [0] : vector<16xi32>, vector<16xi32> -> vector<16xi32>
      %lt3A_2424 = arith.constant 0 : i32
      %lt3A_2425 = vector.broadcast %lt3A_2424 : i32 to vector<16xi32>
      %lt3A_2426 = arith.cmpi slt, %max3A_12, %lt3A_2425 : vector<16xi32>
      %add3A_2427 = arith.constant 16 : i32
      %add3A_2428 = vector.broadcast %add3A_2427 : i32 to vector<16xi32>
      %add3A_2429 = arith.addi %max3A_12, %add3A_2428 : vector<16xi32>
      %select_n3A_2430 = arith.select %lt3A_2426, %add3A_2429, %max3A_12 : vector<16xi1>, vector<16xi32>
      %broadcast_in_dim3A_2431 = vector.shape_cast %select_n3A_2430 : vector<16xi32> to vector<16x1xi32>
      %gather3A_2432 = vector.shape_cast %broadcast_in_dim3A_2431 : vector<16x1xi32> to vector<16xi32>
      %gather3A_2433 = tpu.dynamic_gather %get3A_2359[%gather3A_2432] in [0] : vector<16xi32>, vector<16xi32> -> vector<16xi32>
      %eq3A_2434 = arith.cmpi eq, %get3A_2359, %gather3A_2433 : vector<16xi32>
      %jit3A_2435 = arith.constant 0xFF800000 : f32
      %broadcast_in_dim3A_2436 = vector.broadcast %jit3A_2435 : f32 to vector<16xf32>
      %select_n3A_2437 = arith.select %eq3A_2434, %gather3A_2413, %broadcast_in_dim3A_2436 : vector<16xi1>, vector<16xf32>
      %ge3A_2438 = arith.cmpf oge, %max3A_2403, %select_n3A_2437 : vector<16xf32>
      %select_n3A_2439 = arith.select %ge3A_2438, %select_n3A_2402, %gather3A_2423 : vector<16xi1>, vector<16xi32>
      %max3A_2440 = arith.maximumf %max3A_2403, %select_n3A_2437 : vector<16xf32>
      %lt3A_2441 = arith.constant 0 : i32
      %lt3A_2442 = vector.broadcast %lt3A_2441 : i32 to vector<16xi32>
      %lt3A_2443 = arith.cmpi slt, %max3A_18, %lt3A_2442 : vector<16xi32>
      %add3A_2444 = arith.constant 16 : i32
      %add3A_2445 = vector.broadcast %add3A_2444 : i32 to vector<16xi32>
      %add3A_2446 = arith.addi %max3A_18, %add3A_2445 : vector<16xi32>
      %select_n3A_2447 = arith.select %lt3A_2443, %add3A_2446, %max3A_18 : vector<16xi1>, vector<16xi32>
      %broadcast_in_dim3A_2448 = vector.shape_cast %select_n3A_2447 : vector<16xi32> to vector<16x1xi32>
      %gather3A_2449 = vector.shape_cast %broadcast_in_dim3A_2448 : vector<16x1xi32> to vector<16xi32>
      %gather3A_2450 = tpu.dynamic_gather %max3A_2440[%gather3A_2449] in [0] : vector<16xf32>, vector<16xi32> -> vector<16xf32>
      %lt3A_2451 = arith.constant 0 : i32
      %lt3A_2452 = vector.broadcast %lt3A_2451 : i32 to vector<16xi32>
      %lt3A_2453 = arith.cmpi slt, %max3A_18, %lt3A_2452 : vector<16xi32>
      %add3A_2454 = arith.constant 16 : i32
      %add3A_2455 = vector.broadcast %add3A_2454 : i32 to vector<16xi32>
      %add3A_2456 = arith.addi %max3A_18, %add3A_2455 : vector<16xi32>
      %select_n3A_2457 = arith.select %lt3A_2453, %add3A_2456, %max3A_18 : vector<16xi1>, vector<16xi32>
      %broadcast_in_dim3A_2458 = vector.shape_cast %select_n3A_2457 : vector<16xi32> to vector<16x1xi32>
      %gather3A_2459 = vector.shape_cast %broadcast_in_dim3A_2458 : vector<16x1xi32> to vector<16xi32>
      %gather3A_2460 = tpu.dynamic_gather %select_n3A_2439[%gather3A_2459] in [0] : vector<16xi32>, vector<16xi32> -> vector<16xi32>
      %lt3A_2461 = arith.constant 0 : i32
      %lt3A_2462 = vector.broadcast %lt3A_2461 : i32 to vector<16xi32>
      %lt3A_2463 = arith.cmpi slt, %max3A_18, %lt3A_2462 : vector<16xi32>
      %add3A_2464 = arith.constant 16 : i32
      %add3A_2465 = vector.broadcast %add3A_2464 : i32 to vector<16xi32>
      %add3A_2466 = arith.addi %max3A_18, %add3A_2465 : vector<16xi32>
      %select_n3A_2467 = arith.select %lt3A_2463, %add3A_2466, %max3A_18 : vector<16xi1>, vector<16xi32>
      %broadcast_in_dim3A_2468 = vector.shape_cast %select_n3A_2467 : vector<16xi32> to vector<16x1xi32>
      %gather3A_2469 = vector.shape_cast %broadcast_in_dim3A_2468 : vector<16x1xi32> to vector<16xi32>
      %gather3A_2470 = tpu.dynamic_gather %get3A_2359[%gather3A_2469] in [0] : vector<16xi32>, vector<16xi32> -> vector<16xi32>
      %eq3A_2471 = arith.cmpi eq, %get3A_2359, %gather3A_2470 : vector<16xi32>
      %jit3A_2472 = arith.constant 0xFF800000 : f32
      %broadcast_in_dim3A_2473 = vector.broadcast %jit3A_2472 : f32 to vector<16xf32>
      %select_n3A_2474 = arith.select %eq3A_2471, %gather3A_2450, %broadcast_in_dim3A_2473 : vector<16xi1>, vector<16xf32>
      %ge3A_2475 = arith.cmpf oge, %max3A_2440, %select_n3A_2474 : vector<16xf32>
      %select_n3A_2476 = arith.select %ge3A_2475, %select_n3A_2439, %gather3A_2460 : vector<16xi1>, vector<16xi32>
      %max3A_2477 = arith.maximumf %max3A_2440, %select_n3A_2474 : vector<16xf32>
      %lt3A_2478 = arith.constant 0 : i32
      %lt3A_2479 = vector.broadcast %lt3A_2478 : i32 to vector<16xi32>
      %lt3A_2480 = arith.cmpi slt, %max3A_24, %lt3A_2479 : vector<16xi32>
      %add3A_2481 = arith.constant 16 : i32
      %add3A_2482 = vector.broadcast %add3A_2481 : i32 to vector<16xi32>
      %add3A_2483 = arith.addi %max3A_24, %add3A_2482 : vector<16xi32>
      %select_n3A_2484 = arith.select %lt3A_2480, %add3A_2483, %max3A_24 : vector<16xi1>, vector<16xi32>
      %broadcast_in_dim3A_2485 = vector.shape_cast %select_n3A_2484 : vector<16xi32> to vector<16x1xi32>
      %gather3A_2486 = vector.shape_cast %broadcast_in_dim3A_2485 : vector<16x1xi32> to vector<16xi32>
      %gather3A_2487 = tpu.dynamic_gather %max3A_2477[%gather3A_2486] in [0] : vector<16xf32>, vector<16xi32> -> vector<16xf32>
      %lt3A_2488 = arith.constant 0 : i32
      %lt3A_2489 = vector.broadcast %lt3A_2488 : i32 to vector<16xi32>
      %lt3A_2490 = arith.cmpi slt, %max3A_24, %lt3A_2489 : vector<16xi32>
      %add3A_2491 = arith.constant 16 : i32
      %add3A_2492 = vector.broadcast %add3A_2491 : i32 to vector<16xi32>
      %add3A_2493 = arith.addi %max3A_24, %add3A_2492 : vector<16xi32>
      %select_n3A_2494 = arith.select %lt3A_2490, %add3A_2493, %max3A_24 : vector<16xi1>, vector<16xi32>
      %broadcast_in_dim3A_2495 = vector.shape_cast %select_n3A_2494 : vector<16xi32> to vector<16x1xi32>
      %gather3A_2496 = vector.shape_cast %broadcast_in_dim3A_2495 : vector<16x1xi32> to vector<16xi32>
      %gather3A_2497 = tpu.dynamic_gather %select_n3A_2476[%gather3A_2496] in [0] : vector<16xi32>, vector<16xi32> -> vector<16xi32>
      %lt3A_2498 = arith.constant 0 : i32
      %lt3A_2499 = vector.broadcast %lt3A_2498 : i32 to vector<16xi32>
      %lt3A_2500 = arith.cmpi slt, %max3A_24, %lt3A_2499 : vector<16xi32>
      %add3A_2501 = arith.constant 16 : i32
      %add3A_2502 = vector.broadcast %add3A_2501 : i32 to vector<16xi32>
      %add3A_2503 = arith.addi %max3A_24, %add3A_2502 : vector<16xi32>
      %select_n3A_2504 = arith.select %lt3A_2500, %add3A_2503, %max3A_24 : vector<16xi1>, vector<16xi32>
      %broadcast_in_dim3A_2505 = vector.shape_cast %select_n3A_2504 : vector<16xi32> to vector<16x1xi32>
      %gather3A_2506 = vector.shape_cast %broadcast_in_dim3A_2505 : vector<16x1xi32> to vector<16xi32>
      %gather3A_2507 = tpu.dynamic_gather %get3A_2359[%gather3A_2506] in [0] : vector<16xi32>, vector<16xi32> -> vector<16xi32>
      %eq3A_2508 = arith.cmpi eq, %get3A_2359, %gather3A_2507 : vector<16xi32>
      %jit3A_2509 = arith.constant 0xFF800000 : f32
      %broadcast_in_dim3A_2510 = vector.broadcast %jit3A_2509 : f32 to vector<16xf32>
      %select_n3A_2511 = arith.select %eq3A_2508, %gather3A_2487, %broadcast_in_dim3A_2510 : vector<16xi1>, vector<16xf32>
      %ge3A_2512 = arith.cmpf oge, %max3A_2477, %select_n3A_2511 : vector<16xf32>
      %select_n3A_2513 = arith.select %ge3A_2512, %select_n3A_2476, %gather3A_2497 : vector<16xi1>, vector<16xi32>
      %max3A_2514 = arith.maximumf %max3A_2477, %select_n3A_2511 : vector<16xf32>
      %eq3A_2515 = arith.cmpi eq, %get3A_2359, %gather3A_2332 : vector<16xi32>
      %jit3A_2516 = arith.constant 0xFF800000 : f32
      %broadcast_in_dim3A_2517 = vector.broadcast %jit3A_2516 : f32 to vector<16xf32>
      %select_n3A_2518 = arith.select %eq3A_2515, %gather3A_2342, %broadcast_in_dim3A_2517 : vector<16xi1>, vector<16xf32>
      %ge3A_2519 = arith.cmpf oge, %max3A_2514, %select_n3A_2518 : vector<16xf32>
      %select_n3A_2520 = arith.select %ge3A_2519, %select_n3A_2513, %gather3A_2352 : vector<16xi1>, vector<16xi32>
      %max3A_2521 = arith.maximumf %max3A_2514, %select_n3A_2518 : vector<16xf32>
      %ne3A_2522 = arith.cmpi ne, %get3A_2359, %get3A_2363 : vector<16xi32>
      %jit3A_2523 = arith.constant 1 : i32
      %jit3A_2524 = arith.constant 0 : i32
      %broadcast_in_dim3A_2525 = vector.broadcast %jit3A_2523 : i32 to vector<16xi32>
      %broadcast_in_dim3A_2526 = vector.broadcast %jit3A_2524 : i32 to vector<16xi32>
      %select_n3A_2527 = arith.select %ne3A_2522, %broadcast_in_dim3A_2525, %broadcast_in_dim3A_2526 : vector<16xi1>, vector<16xi32>
      %broadcast_in_dim3A_2528 = arith.constant true
      %broadcast_in_dim3A_2529 = vector.broadcast %broadcast_in_dim3A_2528 : i1 to vector<16xi1>
      %masked_cumsum3A_2530 = tpu.scan <sum>, %select_n3A_2527 masked %broadcast_in_dim3A_2529 : vector<16xi32>, vector<16xi1> -> vector<16xi32>
      %add3A_2531 = vector.broadcast %add3A_2353 : i32 to vector<16xi32>
      %add3A_2532 = arith.addi %add3A_2531, %masked_cumsum3A_2530 : vector<16xi32>
      tpu.vector_store_idx %arg10[%add3A_2532], %select_n3A_2520 masked %ne3A_2522 : memref<4112xi32, #tpu.memory_space<vmem>>[vector<16xi32>], vector<16xi32>, vector<16xi1>
      tpu.vector_store_idx %arg11[%add3A_2532], %max3A_2521 masked %ne3A_2522 : memref<4112xf32, #tpu.memory_space<vmem>>[vector<16xi32>], vector<16xf32>, vector<16xi1>
      %reduce_max3A_2533 = arith.constant true
      %reduce_max3A_2534 = vector.broadcast %reduce_max3A_2533 : i1 to vector<16xi1>
      %reduce_max3A_2535 = arith.constant -2147483648 : i32
      %reduce_max3A_2536 = vector.broadcast %reduce_max3A_2535 : i32 to vector<16xi32>
      %reduce_max3A_2537 = arith.xori %masked_cumsum3A_2530, %reduce_max3A_2536 : vector<16xi32>
      %reduce_max3A_2538 = tpu.scan <max>, %reduce_max3A_2537 masked %reduce_max3A_2534 : vector<16xi32>, vector<16xi1> -> vector<16xi32>
      %reduce_max3A_2539 = arith.xori %reduce_max3A_2538, %reduce_max3A_2536 : vector<16xi32>
      %reduce_max3A_2540 = vector.extract %reduce_max3A_2539[15] : i32 from vector<16xi32>
      %sub3A_2541 = arith.subf %get3A_2357, %get3A_25 : vector<16xf32>
      %max3A_2542 = arith.constant 0.000000e+00 : f32
      %max3A_2543 = vector.broadcast %max3A_2542 : f32 to vector<16xf32>
      %max3A_2544 = arith.maximumf %sub3A_2541, %max3A_2543 : vector<16xf32>
      %swap3A_2545 = arith.index_cast %add3A_2355 : i32 to index
      %swap3A_2546 = tpu.vector_load %arg8[%swap3A_2545] {strides = array<i32>} : memref<32768xf32, #tpu.memory_space<vmem>>, vector<16xf32>,
      tpu.vector_store %arg8[%swap3A_2545], %max3A_2544 {strides = array<i32>} : memref<32768xf32, #tpu.memory_space<vmem>>, vector<16xf32>,
      %lt3A_2547 = arith.constant 0 : i32
      %lt3A_2548 = vector.broadcast %lt3A_2547 : i32 to vector<16xi32>
      %lt3A_2549 = arith.cmpi slt, %broadcast_in_dim3A_2, %lt3A_2548 : vector<16xi32>
      %add3A_2550 = arith.constant 16 : i32
      %add3A_2551 = vector.broadcast %add3A_2550 : i32 to vector<16xi32>
      %add3A_2552 = arith.addi %broadcast_in_dim3A_2, %add3A_2551 : vector<16xi32>
      %select_n3A_2553 = arith.select %lt3A_2549, %add3A_2552, %broadcast_in_dim3A_2 : vector<16xi1>, vector<16xi32>
      %broadcast_in_dim3A_2554 = vector.shape_cast %select_n3A_2553 : vector<16xi32> to vector<16x1xi32>
      %gather3A_2555 = vector.shape_cast %broadcast_in_dim3A_2554 : vector<16x1xi32> to vector<16xi32>
      %gather3A_2556 = tpu.dynamic_gather %get3A_2359[%gather3A_2555] in [0] : vector<16xi32>, vector<16xi32> -> vector<16xi32>
      %lt3A_2557 = arith.constant 0 : i32
      %lt3A_2558 = vector.broadcast %lt3A_2557 : i32 to vector<16xi32>
      %lt3A_2559 = arith.cmpi slt, %broadcast_in_dim3A_2, %lt3A_2558 : vector<16xi32>
      %add3A_2560 = arith.constant 16 : i32
      %add3A_2561 = vector.broadcast %add3A_2560 : i32 to vector<16xi32>
      %add3A_2562 = arith.addi %broadcast_in_dim3A_2, %add3A_2561 : vector<16xi32>
      %select_n3A_2563 = arith.select %lt3A_2559, %add3A_2562, %broadcast_in_dim3A_2 : vector<16xi1>, vector<16xi32>
      %broadcast_in_dim3A_2564 = vector.shape_cast %select_n3A_2563 : vector<16xi32> to vector<16x1xi32>
      %gather3A_2565 = vector.shape_cast %broadcast_in_dim3A_2564 : vector<16x1xi32> to vector<16xi32>
      %gather3A_2566 = tpu.dynamic_gather %max3A_2521[%gather3A_2565] in [0] : vector<16xf32>, vector<16xi32> -> vector<16xf32>
      %lt3A_2567 = arith.constant 0 : i32
      %lt3A_2568 = vector.broadcast %lt3A_2567 : i32 to vector<16xi32>
      %lt3A_2569 = arith.cmpi slt, %broadcast_in_dim3A_2, %lt3A_2568 : vector<16xi32>
      %add3A_2570 = arith.constant 16 : i32
      %add3A_2571 = vector.broadcast %add3A_2570 : i32 to vector<16xi32>
      %add3A_2572 = arith.addi %broadcast_in_dim3A_2, %add3A_2571 : vector<16xi32>
      %select_n3A_2573 = arith.select %lt3A_2569, %add3A_2572, %broadcast_in_dim3A_2 : vector<16xi1>, vector<16xi32>
      %broadcast_in_dim3A_2574 = vector.shape_cast %select_n3A_2573 : vector<16xi32> to vector<16x1xi32>
      %gather3A_2575 = vector.shape_cast %broadcast_in_dim3A_2574 : vector<16x1xi32> to vector<16xi32>
      %gather3A_2576 = tpu.dynamic_gather %select_n3A_2520[%gather3A_2575] in [0] : vector<16xi32>, vector<16xi32> -> vector<16xi32>
      %add3A_2577 = arith.addi %add3A_2353, %reduce_max3A_2540 : i32
      %add3A_2578 = arith.constant 160 : i32
      %add3A_2579 = arith.addi %mul3A_339, %add3A_2578 : i32
      %get3A_2580 = arith.index_cast %add3A_2579 : i32 to index
      %get3A_2581 = tpu.vector_load %arg8[%get3A_2580] {strides = array<i32>} : memref<32768xf32, #tpu.memory_space<vmem>>, vector<16xf32>,
      %get3A_2582 = arith.index_cast %add3A_2579 : i32 to index
      %get3A_2583 = tpu.vector_load %arg9[%get3A_2582] {strides = array<i32>} : memref<32784xi32, #tpu.memory_space<vmem>>, vector<16xi32>,
      %add3A_2584 = arith.constant 1 : i32
      %add3A_2585 = arith.addi %add3A_2579, %add3A_2584 : i32
      %get3A_2586 = arith.index_cast %add3A_2585 : i32 to index
      %get3A_2587 = tpu.vector_load %arg9[%get3A_2586] {strides = array<i32>} : memref<32784xi32, #tpu.memory_space<vmem>>, vector<16xi32>,
      %add3A_2588 = arith.addi %add3A_332, %add3A_2579 : i32
      %add3A_2589 = vector.broadcast %add3A_2588 : i32 to vector<16xi32>
      %add3A_2590 = arith.addi %iota3A, %add3A_2589 : vector<16xi32>
      %lt3A_2591 = arith.constant 0 : i32
      %lt3A_2592 = vector.broadcast %lt3A_2591 : i32 to vector<16xi32>
      %lt3A_2593 = arith.cmpi slt, %max3A_6, %lt3A_2592 : vector<16xi32>
      %add3A_2594 = arith.constant 16 : i32
      %add3A_2595 = vector.broadcast %add3A_2594 : i32 to vector<16xi32>
      %add3A_2596 = arith.addi %max3A_6, %add3A_2595 : vector<16xi32>
      %select_n3A_2597 = arith.select %lt3A_2593, %add3A_2596, %max3A_6 : vector<16xi1>, vector<16xi32>
      %broadcast_in_dim3A_2598 = vector.shape_cast %select_n3A_2597 : vector<16xi32> to vector<16x1xi32>
      %gather3A_2599 = vector.shape_cast %broadcast_in_dim3A_2598 : vector<16x1xi32> to vector<16xi32>
      %gather3A_2600 = tpu.dynamic_gather %get3A_2581[%gather3A_2599] in [0] : vector<16xf32>, vector<16xi32> -> vector<16xf32>
      %lt3A_2601 = arith.constant 0 : i32
      %lt3A_2602 = vector.broadcast %lt3A_2601 : i32 to vector<16xi32>
      %lt3A_2603 = arith.cmpi slt, %max3A_6, %lt3A_2602 : vector<16xi32>
      %add3A_2604 = arith.constant 16 : i32
      %add3A_2605 = vector.broadcast %add3A_2604 : i32 to vector<16xi32>
      %add3A_2606 = arith.addi %max3A_6, %add3A_2605 : vector<16xi32>
      %select_n3A_2607 = arith.select %lt3A_2603, %add3A_2606, %max3A_6 : vector<16xi1>, vector<16xi32>
      %broadcast_in_dim3A_2608 = vector.shape_cast %select_n3A_2607 : vector<16xi32> to vector<16x1xi32>
      %gather3A_2609 = vector.shape_cast %broadcast_in_dim3A_2608 : vector<16x1xi32> to vector<16xi32>
      %gather3A_2610 = tpu.dynamic_gather %add3A_2590[%gather3A_2609] in [0] : vector<16xi32>, vector<16xi32> -> vector<16xi32>
      %lt3A_2611 = arith.constant 0 : i32
      %lt3A_2612 = vector.broadcast %lt3A_2611 : i32 to vector<16xi32>
      %lt3A_2613 = arith.cmpi slt, %max3A_6, %lt3A_2612 : vector<16xi32>
      %add3A_2614 = arith.constant 16 : i32
      %add3A_2615 = vector.broadcast %add3A_2614 : i32 to vector<16xi32>
      %add3A_2616 = arith.addi %max3A_6, %add3A_2615 : vector<16xi32>
      %select_n3A_2617 = arith.select %lt3A_2613, %add3A_2616, %max3A_6 : vector<16xi1>, vector<16xi32>
      %broadcast_in_dim3A_2618 = vector.shape_cast %select_n3A_2617 : vector<16xi32> to vector<16x1xi32>
      %gather3A_2619 = vector.shape_cast %broadcast_in_dim3A_2618 : vector<16x1xi32> to vector<16xi32>
      %gather3A_2620 = tpu.dynamic_gather %get3A_2583[%gather3A_2619] in [0] : vector<16xi32>, vector<16xi32> -> vector<16xi32>
      %eq3A_2621 = arith.cmpi eq, %get3A_2583, %gather3A_2620 : vector<16xi32>
      %jit3A_2622 = arith.constant 0xFF800000 : f32
      %broadcast_in_dim3A_2623 = vector.broadcast %jit3A_2622 : f32 to vector<16xf32>
      %select_n3A_2624 = arith.select %eq3A_2621, %gather3A_2600, %broadcast_in_dim3A_2623 : vector<16xi1>, vector<16xf32>
      %ge3A_2625 = arith.cmpf oge, %get3A_2581, %select_n3A_2624 : vector<16xf32>
      %select_n3A_2626 = arith.select %ge3A_2625, %add3A_2590, %gather3A_2610 : vector<16xi1>, vector<16xi32>
      %max3A_2627 = arith.maximumf %get3A_2581, %select_n3A_2624 : vector<16xf32>
      %lt3A_2628 = arith.constant 0 : i32
      %lt3A_2629 = vector.broadcast %lt3A_2628 : i32 to vector<16xi32>
      %lt3A_2630 = arith.cmpi slt, %max3A_12, %lt3A_2629 : vector<16xi32>
      %add3A_2631 = arith.constant 16 : i32
      %add3A_2632 = vector.broadcast %add3A_2631 : i32 to vector<16xi32>
      %add3A_2633 = arith.addi %max3A_12, %add3A_2632 : vector<16xi32>
      %select_n3A_2634 = arith.select %lt3A_2630, %add3A_2633, %max3A_12 : vector<16xi1>, vector<16xi32>
      %broadcast_in_dim3A_2635 = vector.shape_cast %select_n3A_2634 : vector<16xi32> to vector<16x1xi32>
      %gather3A_2636 = vector.shape_cast %broadcast_in_dim3A_2635 : vector<16x1xi32> to vector<16xi32>
      %gather3A_2637 = tpu.dynamic_gather %max3A_2627[%gather3A_2636] in [0] : vector<16xf32>, vector<16xi32> -> vector<16xf32>
      %lt3A_2638 = arith.constant 0 : i32
      %lt3A_2639 = vector.broadcast %lt3A_2638 : i32 to vector<16xi32>
      %lt3A_2640 = arith.cmpi slt, %max3A_12, %lt3A_2639 : vector<16xi32>
      %add3A_2641 = arith.constant 16 : i32
      %add3A_2642 = vector.broadcast %add3A_2641 : i32 to vector<16xi32>
      %add3A_2643 = arith.addi %max3A_12, %add3A_2642 : vector<16xi32>
      %select_n3A_2644 = arith.select %lt3A_2640, %add3A_2643, %max3A_12 : vector<16xi1>, vector<16xi32>
      %broadcast_in_dim3A_2645 = vector.shape_cast %select_n3A_2644 : vector<16xi32> to vector<16x1xi32>
      %gather3A_2646 = vector.shape_cast %broadcast_in_dim3A_2645 : vector<16x1xi32> to vector<16xi32>
      %gather3A_2647 = tpu.dynamic_gather %select_n3A_2626[%gather3A_2646] in [0] : vector<16xi32>, vector<16xi32> -> vector<16xi32>
      %lt3A_2648 = arith.constant 0 : i32
      %lt3A_2649 = vector.broadcast %lt3A_2648 : i32 to vector<16xi32>
      %lt3A_2650 = arith.cmpi slt, %max3A_12, %lt3A_2649 : vector<16xi32>
      %add3A_2651 = arith.constant 16 : i32
      %add3A_2652 = vector.broadcast %add3A_2651 : i32 to vector<16xi32>
      %add3A_2653 = arith.addi %max3A_12, %add3A_2652 : vector<16xi32>
      %select_n3A_2654 = arith.select %lt3A_2650, %add3A_2653, %max3A_12 : vector<16xi1>, vector<16xi32>
      %broadcast_in_dim3A_2655 = vector.shape_cast %select_n3A_2654 : vector<16xi32> to vector<16x1xi32>
      %gather3A_2656 = vector.shape_cast %broadcast_in_dim3A_2655 : vector<16x1xi32> to vector<16xi32>
      %gather3A_2657 = tpu.dynamic_gather %get3A_2583[%gather3A_2656] in [0] : vector<16xi32>, vector<16xi32> -> vector<16xi32>
      %eq3A_2658 = arith.cmpi eq, %get3A_2583, %gather3A_2657 : vector<16xi32>
      %jit3A_2659 = arith.constant 0xFF800000 : f32
      %broadcast_in_dim3A_2660 = vector.broadcast %jit3A_2659 : f32 to vector<16xf32>
      %select_n3A_2661 = arith.select %eq3A_2658, %gather3A_2637, %broadcast_in_dim3A_2660 : vector<16xi1>, vector<16xf32>
      %ge3A_2662 = arith.cmpf oge, %max3A_2627, %select_n3A_2661 : vector<16xf32>
      %select_n3A_2663 = arith.select %ge3A_2662, %select_n3A_2626, %gather3A_2647 : vector<16xi1>, vector<16xi32>
      %max3A_2664 = arith.maximumf %max3A_2627, %select_n3A_2661 : vector<16xf32>
      %lt3A_2665 = arith.constant 0 : i32
      %lt3A_2666 = vector.broadcast %lt3A_2665 : i32 to vector<16xi32>
      %lt3A_2667 = arith.cmpi slt, %max3A_18, %lt3A_2666 : vector<16xi32>
      %add3A_2668 = arith.constant 16 : i32
      %add3A_2669 = vector.broadcast %add3A_2668 : i32 to vector<16xi32>
      %add3A_2670 = arith.addi %max3A_18, %add3A_2669 : vector<16xi32>
      %select_n3A_2671 = arith.select %lt3A_2667, %add3A_2670, %max3A_18 : vector<16xi1>, vector<16xi32>
      %broadcast_in_dim3A_2672 = vector.shape_cast %select_n3A_2671 : vector<16xi32> to vector<16x1xi32>
      %gather3A_2673 = vector.shape_cast %broadcast_in_dim3A_2672 : vector<16x1xi32> to vector<16xi32>
      %gather3A_2674 = tpu.dynamic_gather %max3A_2664[%gather3A_2673] in [0] : vector<16xf32>, vector<16xi32> -> vector<16xf32>
      %lt3A_2675 = arith.constant 0 : i32
      %lt3A_2676 = vector.broadcast %lt3A_2675 : i32 to vector<16xi32>
      %lt3A_2677 = arith.cmpi slt, %max3A_18, %lt3A_2676 : vector<16xi32>
      %add3A_2678 = arith.constant 16 : i32
      %add3A_2679 = vector.broadcast %add3A_2678 : i32 to vector<16xi32>
      %add3A_2680 = arith.addi %max3A_18, %add3A_2679 : vector<16xi32>
      %select_n3A_2681 = arith.select %lt3A_2677, %add3A_2680, %max3A_18 : vector<16xi1>, vector<16xi32>
      %broadcast_in_dim3A_2682 = vector.shape_cast %select_n3A_2681 : vector<16xi32> to vector<16x1xi32>
      %gather3A_2683 = vector.shape_cast %broadcast_in_dim3A_2682 : vector<16x1xi32> to vector<16xi32>
      %gather3A_2684 = tpu.dynamic_gather %select_n3A_2663[%gather3A_2683] in [0] : vector<16xi32>, vector<16xi32> -> vector<16xi32>
      %lt3A_2685 = arith.constant 0 : i32
      %lt3A_2686 = vector.broadcast %lt3A_2685 : i32 to vector<16xi32>
      %lt3A_2687 = arith.cmpi slt, %max3A_18, %lt3A_2686 : vector<16xi32>
      %add3A_2688 = arith.constant 16 : i32
      %add3A_2689 = vector.broadcast %add3A_2688 : i32 to vector<16xi32>
      %add3A_2690 = arith.addi %max3A_18, %add3A_2689 : vector<16xi32>
      %select_n3A_2691 = arith.select %lt3A_2687, %add3A_2690, %max3A_18 : vector<16xi1>, vector<16xi32>
      %broadcast_in_dim3A_2692 = vector.shape_cast %select_n3A_2691 : vector<16xi32> to vector<16x1xi32>
      %gather3A_2693 = vector.shape_cast %broadcast_in_dim3A_2692 : vector<16x1xi32> to vector<16xi32>
      %gather3A_2694 = tpu.dynamic_gather %get3A_2583[%gather3A_2693] in [0] : vector<16xi32>, vector<16xi32> -> vector<16xi32>
      %eq3A_2695 = arith.cmpi eq, %get3A_2583, %gather3A_2694 : vector<16xi32>
      %jit3A_2696 = arith.constant 0xFF800000 : f32
      %broadcast_in_dim3A_2697 = vector.broadcast %jit3A_2696 : f32 to vector<16xf32>
      %select_n3A_2698 = arith.select %eq3A_2695, %gather3A_2674, %broadcast_in_dim3A_2697 : vector<16xi1>, vector<16xf32>
      %ge3A_2699 = arith.cmpf oge, %max3A_2664, %select_n3A_2698 : vector<16xf32>
      %select_n3A_2700 = arith.select %ge3A_2699, %select_n3A_2663, %gather3A_2684 : vector<16xi1>, vector<16xi32>
      %max3A_2701 = arith.maximumf %max3A_2664, %select_n3A_2698 : vector<16xf32>
      %lt3A_2702 = arith.constant 0 : i32
      %lt3A_2703 = vector.broadcast %lt3A_2702 : i32 to vector<16xi32>
      %lt3A_2704 = arith.cmpi slt, %max3A_24, %lt3A_2703 : vector<16xi32>
      %add3A_2705 = arith.constant 16 : i32
      %add3A_2706 = vector.broadcast %add3A_2705 : i32 to vector<16xi32>
      %add3A_2707 = arith.addi %max3A_24, %add3A_2706 : vector<16xi32>
      %select_n3A_2708 = arith.select %lt3A_2704, %add3A_2707, %max3A_24 : vector<16xi1>, vector<16xi32>
      %broadcast_in_dim3A_2709 = vector.shape_cast %select_n3A_2708 : vector<16xi32> to vector<16x1xi32>
      %gather3A_2710 = vector.shape_cast %broadcast_in_dim3A_2709 : vector<16x1xi32> to vector<16xi32>
      %gather3A_2711 = tpu.dynamic_gather %max3A_2701[%gather3A_2710] in [0] : vector<16xf32>, vector<16xi32> -> vector<16xf32>
      %lt3A_2712 = arith.constant 0 : i32
      %lt3A_2713 = vector.broadcast %lt3A_2712 : i32 to vector<16xi32>
      %lt3A_2714 = arith.cmpi slt, %max3A_24, %lt3A_2713 : vector<16xi32>
      %add3A_2715 = arith.constant 16 : i32
      %add3A_2716 = vector.broadcast %add3A_2715 : i32 to vector<16xi32>
      %add3A_2717 = arith.addi %max3A_24, %add3A_2716 : vector<16xi32>
      %select_n3A_2718 = arith.select %lt3A_2714, %add3A_2717, %max3A_24 : vector<16xi1>, vector<16xi32>
      %broadcast_in_dim3A_2719 = vector.shape_cast %select_n3A_2718 : vector<16xi32> to vector<16x1xi32>
      %gather3A_2720 = vector.shape_cast %broadcast_in_dim3A_2719 : vector<16x1xi32> to vector<16xi32>
      %gather3A_2721 = tpu.dynamic_gather %select_n3A_2700[%gather3A_2720] in [0] : vector<16xi32>, vector<16xi32> -> vector<16xi32>
      %lt3A_2722 = arith.constant 0 : i32
      %lt3A_2723 = vector.broadcast %lt3A_2722 : i32 to vector<16xi32>
      %lt3A_2724 = arith.cmpi slt, %max3A_24, %lt3A_2723 : vector<16xi32>
      %add3A_2725 = arith.constant 16 : i32
      %add3A_2726 = vector.broadcast %add3A_2725 : i32 to vector<16xi32>
      %add3A_2727 = arith.addi %max3A_24, %add3A_2726 : vector<16xi32>
      %select_n3A_2728 = arith.select %lt3A_2724, %add3A_2727, %max3A_24 : vector<16xi1>, vector<16xi32>
      %broadcast_in_dim3A_2729 = vector.shape_cast %select_n3A_2728 : vector<16xi32> to vector<16x1xi32>
      %gather3A_2730 = vector.shape_cast %broadcast_in_dim3A_2729 : vector<16x1xi32> to vector<16xi32>
      %gather3A_2731 = tpu.dynamic_gather %get3A_2583[%gather3A_2730] in [0] : vector<16xi32>, vector<16xi32> -> vector<16xi32>
      %eq3A_2732 = arith.cmpi eq, %get3A_2583, %gather3A_2731 : vector<16xi32>
      %jit3A_2733 = arith.constant 0xFF800000 : f32
      %broadcast_in_dim3A_2734 = vector.broadcast %jit3A_2733 : f32 to vector<16xf32>
      %select_n3A_2735 = arith.select %eq3A_2732, %gather3A_2711, %broadcast_in_dim3A_2734 : vector<16xi1>, vector<16xf32>
      %ge3A_2736 = arith.cmpf oge, %max3A_2701, %select_n3A_2735 : vector<16xf32>
      %select_n3A_2737 = arith.select %ge3A_2736, %select_n3A_2700, %gather3A_2721 : vector<16xi1>, vector<16xi32>
      %max3A_2738 = arith.maximumf %max3A_2701, %select_n3A_2735 : vector<16xf32>
      %eq3A_2739 = arith.cmpi eq, %get3A_2583, %gather3A_2556 : vector<16xi32>
      %jit3A_2740 = arith.constant 0xFF800000 : f32
      %broadcast_in_dim3A_2741 = vector.broadcast %jit3A_2740 : f32 to vector<16xf32>
      %select_n3A_2742 = arith.select %eq3A_2739, %gather3A_2566, %broadcast_in_dim3A_2741 : vector<16xi1>, vector<16xf32>
      %ge3A_2743 = arith.cmpf oge, %max3A_2738, %select_n3A_2742 : vector<16xf32>
      %select_n3A_2744 = arith.select %ge3A_2743, %select_n3A_2737, %gather3A_2576 : vector<16xi1>, vector<16xi32>
      %max3A_2745 = arith.maximumf %max3A_2738, %select_n3A_2742 : vector<16xf32>
      %ne3A_2746 = arith.cmpi ne, %get3A_2583, %get3A_2587 : vector<16xi32>
      %jit3A_2747 = arith.constant 1 : i32
      %jit3A_2748 = arith.constant 0 : i32
      %broadcast_in_dim3A_2749 = vector.broadcast %jit3A_2747 : i32 to vector<16xi32>
      %broadcast_in_dim3A_2750 = vector.broadcast %jit3A_2748 : i32 to vector<16xi32>
      %select_n3A_2751 = arith.select %ne3A_2746, %broadcast_in_dim3A_2749, %broadcast_in_dim3A_2750 : vector<16xi1>, vector<16xi32>
      %broadcast_in_dim3A_2752 = arith.constant true
      %broadcast_in_dim3A_2753 = vector.broadcast %broadcast_in_dim3A_2752 : i1 to vector<16xi1>
      %masked_cumsum3A_2754 = tpu.scan <sum>, %select_n3A_2751 masked %broadcast_in_dim3A_2753 : vector<16xi32>, vector<16xi1> -> vector<16xi32>
      %add3A_2755 = vector.broadcast %add3A_2577 : i32 to vector<16xi32>
      %add3A_2756 = arith.addi %add3A_2755, %masked_cumsum3A_2754 : vector<16xi32>
      tpu.vector_store_idx %arg10[%add3A_2756], %select_n3A_2744 masked %ne3A_2746 : memref<4112xi32, #tpu.memory_space<vmem>>[vector<16xi32>], vector<16xi32>, vector<16xi1>
      tpu.vector_store_idx %arg11[%add3A_2756], %max3A_2745 masked %ne3A_2746 : memref<4112xf32, #tpu.memory_space<vmem>>[vector<16xi32>], vector<16xf32>, vector<16xi1>
      %reduce_max3A_2757 = arith.constant true
      %reduce_max3A_2758 = vector.broadcast %reduce_max3A_2757 : i1 to vector<16xi1>
      %reduce_max3A_2759 = arith.constant -2147483648 : i32
      %reduce_max3A_2760 = vector.broadcast %reduce_max3A_2759 : i32 to vector<16xi32>
      %reduce_max3A_2761 = arith.xori %masked_cumsum3A_2754, %reduce_max3A_2760 : vector<16xi32>
      %reduce_max3A_2762 = tpu.scan <max>, %reduce_max3A_2761 masked %reduce_max3A_2758 : vector<16xi32>, vector<16xi1> -> vector<16xi32>
      %reduce_max3A_2763 = arith.xori %reduce_max3A_2762, %reduce_max3A_2760 : vector<16xi32>
      %reduce_max3A_2764 = vector.extract %reduce_max3A_2763[15] : i32 from vector<16xi32>
      %sub3A_2765 = arith.subf %get3A_2581, %get3A_25 : vector<16xf32>
      %max3A_2766 = arith.constant 0.000000e+00 : f32
      %max3A_2767 = vector.broadcast %max3A_2766 : f32 to vector<16xf32>
      %max3A_2768 = arith.maximumf %sub3A_2765, %max3A_2767 : vector<16xf32>
      %swap3A_2769 = arith.index_cast %add3A_2579 : i32 to index
      %swap3A_2770 = tpu.vector_load %arg8[%swap3A_2769] {strides = array<i32>} : memref<32768xf32, #tpu.memory_space<vmem>>, vector<16xf32>,
      tpu.vector_store %arg8[%swap3A_2769], %max3A_2768 {strides = array<i32>} : memref<32768xf32, #tpu.memory_space<vmem>>, vector<16xf32>,
      %lt3A_2771 = arith.constant 0 : i32
      %lt3A_2772 = vector.broadcast %lt3A_2771 : i32 to vector<16xi32>
      %lt3A_2773 = arith.cmpi slt, %broadcast_in_dim3A_2, %lt3A_2772 : vector<16xi32>
      %add3A_2774 = arith.constant 16 : i32
      %add3A_2775 = vector.broadcast %add3A_2774 : i32 to vector<16xi32>
      %add3A_2776 = arith.addi %broadcast_in_dim3A_2, %add3A_2775 : vector<16xi32>
      %select_n3A_2777 = arith.select %lt3A_2773, %add3A_2776, %broadcast_in_dim3A_2 : vector<16xi1>, vector<16xi32>
      %broadcast_in_dim3A_2778 = vector.shape_cast %select_n3A_2777 : vector<16xi32> to vector<16x1xi32>
      %gather3A_2779 = vector.shape_cast %broadcast_in_dim3A_2778 : vector<16x1xi32> to vector<16xi32>
      %gather3A_2780 = tpu.dynamic_gather %get3A_2583[%gather3A_2779] in [0] : vector<16xi32>, vector<16xi32> -> vector<16xi32>
      %lt3A_2781 = arith.constant 0 : i32
      %lt3A_2782 = vector.broadcast %lt3A_2781 : i32 to vector<16xi32>
      %lt3A_2783 = arith.cmpi slt, %broadcast_in_dim3A_2, %lt3A_2782 : vector<16xi32>
      %add3A_2784 = arith.constant 16 : i32
      %add3A_2785 = vector.broadcast %add3A_2784 : i32 to vector<16xi32>
      %add3A_2786 = arith.addi %broadcast_in_dim3A_2, %add3A_2785 : vector<16xi32>
      %select_n3A_2787 = arith.select %lt3A_2783, %add3A_2786, %broadcast_in_dim3A_2 : vector<16xi1>, vector<16xi32>
      %broadcast_in_dim3A_2788 = vector.shape_cast %select_n3A_2787 : vector<16xi32> to vector<16x1xi32>
      %gather3A_2789 = vector.shape_cast %broadcast_in_dim3A_2788 : vector<16x1xi32> to vector<16xi32>
      %gather3A_2790 = tpu.dynamic_gather %max3A_2745[%gather3A_2789] in [0] : vector<16xf32>, vector<16xi32> -> vector<16xf32>
      %lt3A_2791 = arith.constant 0 : i32
      %lt3A_2792 = vector.broadcast %lt3A_2791 : i32 to vector<16xi32>
      %lt3A_2793 = arith.cmpi slt, %broadcast_in_dim3A_2, %lt3A_2792 : vector<16xi32>
      %add3A_2794 = arith.constant 16 : i32
      %add3A_2795 = vector.broadcast %add3A_2794 : i32 to vector<16xi32>
      %add3A_2796 = arith.addi %broadcast_in_dim3A_2, %add3A_2795 : vector<16xi32>
      %select_n3A_2797 = arith.select %lt3A_2793, %add3A_2796, %broadcast_in_dim3A_2 : vector<16xi1>, vector<16xi32>
      %broadcast_in_dim3A_2798 = vector.shape_cast %select_n3A_2797 : vector<16xi32> to vector<16x1xi32>
      %gather3A_2799 = vector.shape_cast %broadcast_in_dim3A_2798 : vector<16x1xi32> to vector<16xi32>
      %gather3A_2800 = tpu.dynamic_gather %select_n3A_2744[%gather3A_2799] in [0] : vector<16xi32>, vector<16xi32> -> vector<16xi32>
      %add3A_2801 = arith.addi %add3A_2577, %reduce_max3A_2764 : i32
      %add3A_2802 = arith.constant 176 : i32
      %add3A_2803 = arith.addi %mul3A_339, %add3A_2802 : i32
      %get3A_2804 = arith.index_cast %add3A_2803 : i32 to index
      %get3A_2805 = tpu.vector_load %arg8[%get3A_2804] {strides = array<i32>} : memref<32768xf32, #tpu.memory_space<vmem>>, vector<16xf32>,
      %get3A_2806 = arith.index_cast %add3A_2803 : i32 to index
      %get3A_2807 = tpu.vector_load %arg9[%get3A_2806] {strides = array<i32>} : memref<32784xi32, #tpu.memory_space<vmem>>, vector<16xi32>,
      %add3A_2808 = arith.constant 1 : i32
      %add3A_2809 = arith.addi %add3A_2803, %add3A_2808 : i32
      %get3A_2810 = arith.index_cast %add3A_2809 : i32 to index
      %get3A_2811 = tpu.vector_load %arg9[%get3A_2810] {strides = array<i32>} : memref<32784xi32, #tpu.memory_space<vmem>>, vector<16xi32>,
      %add3A_2812 = arith.addi %add3A_332, %add3A_2803 : i32
      %add3A_2813 = vector.broadcast %add3A_2812 : i32 to vector<16xi32>
      %add3A_2814 = arith.addi %iota3A, %add3A_2813 : vector<16xi32>
      %lt3A_2815 = arith.constant 0 : i32
      %lt3A_2816 = vector.broadcast %lt3A_2815 : i32 to vector<16xi32>
      %lt3A_2817 = arith.cmpi slt, %max3A_6, %lt3A_2816 : vector<16xi32>
      %add3A_2818 = arith.constant 16 : i32
      %add3A_2819 = vector.broadcast %add3A_2818 : i32 to vector<16xi32>
      %add3A_2820 = arith.addi %max3A_6, %add3A_2819 : vector<16xi32>
      %select_n3A_2821 = arith.select %lt3A_2817, %add3A_2820, %max3A_6 : vector<16xi1>, vector<16xi32>
      %broadcast_in_dim3A_2822 = vector.shape_cast %select_n3A_2821 : vector<16xi32> to vector<16x1xi32>
      %gather3A_2823 = vector.shape_cast %broadcast_in_dim3A_2822 : vector<16x1xi32> to vector<16xi32>
      %gather3A_2824 = tpu.dynamic_gather %get3A_2805[%gather3A_2823] in [0] : vector<16xf32>, vector<16xi32> -> vector<16xf32>
      %lt3A_2825 = arith.constant 0 : i32
      %lt3A_2826 = vector.broadcast %lt3A_2825 : i32 to vector<16xi32>
      %lt3A_2827 = arith.cmpi slt, %max3A_6, %lt3A_2826 : vector<16xi32>
      %add3A_2828 = arith.constant 16 : i32
      %add3A_2829 = vector.broadcast %add3A_2828 : i32 to vector<16xi32>
      %add3A_2830 = arith.addi %max3A_6, %add3A_2829 : vector<16xi32>
      %select_n3A_2831 = arith.select %lt3A_2827, %add3A_2830, %max3A_6 : vector<16xi1>, vector<16xi32>
      %broadcast_in_dim3A_2832 = vector.shape_cast %select_n3A_2831 : vector<16xi32> to vector<16x1xi32>
      %gather3A_2833 = vector.shape_cast %broadcast_in_dim3A_2832 : vector<16x1xi32> to vector<16xi32>
      %gather3A_2834 = tpu.dynamic_gather %add3A_2814[%gather3A_2833] in [0] : vector<16xi32>, vector<16xi32> -> vector<16xi32>
      %lt3A_2835 = arith.constant 0 : i32
      %lt3A_2836 = vector.broadcast %lt3A_2835 : i32 to vector<16xi32>
      %lt3A_2837 = arith.cmpi slt, %max3A_6, %lt3A_2836 : vector<16xi32>
      %add3A_2838 = arith.constant 16 : i32
      %add3A_2839 = vector.broadcast %add3A_2838 : i32 to vector<16xi32>
      %add3A_2840 = arith.addi %max3A_6, %add3A_2839 : vector<16xi32>
      %select_n3A_2841 = arith.select %lt3A_2837, %add3A_2840, %max3A_6 : vector<16xi1>, vector<16xi32>
      %broadcast_in_dim3A_2842 = vector.shape_cast %select_n3A_2841 : vector<16xi32> to vector<16x1xi32>
      %gather3A_2843 = vector.shape_cast %broadcast_in_dim3A_2842 : vector<16x1xi32> to vector<16xi32>
      %gather3A_2844 = tpu.dynamic_gather %get3A_2807[%gather3A_2843] in [0] : vector<16xi32>, vector<16xi32> -> vector<16xi32>
      %eq3A_2845 = arith.cmpi eq, %get3A_2807, %gather3A_2844 : vector<16xi32>
      %jit3A_2846 = arith.constant 0xFF800000 : f32
      %broadcast_in_dim3A_2847 = vector.broadcast %jit3A_2846 : f32 to vector<16xf32>
      %select_n3A_2848 = arith.select %eq3A_2845, %gather3A_2824, %broadcast_in_dim3A_2847 : vector<16xi1>, vector<16xf32>
      %ge3A_2849 = arith.cmpf oge, %get3A_2805, %select_n3A_2848 : vector<16xf32>
      %select_n3A_2850 = arith.select %ge3A_2849, %add3A_2814, %gather3A_2834 : vector<16xi1>, vector<16xi32>
      %max3A_2851 = arith.maximumf %get3A_2805, %select_n3A_2848 : vector<16xf32>
      %lt3A_2852 = arith.constant 0 : i32
      %lt3A_2853 = vector.broadcast %lt3A_2852 : i32 to vector<16xi32>
      %lt3A_2854 = arith.cmpi slt, %max3A_12, %lt3A_2853 : vector<16xi32>
      %add3A_2855 = arith.constant 16 : i32
      %add3A_2856 = vector.broadcast %add3A_2855 : i32 to vector<16xi32>
      %add3A_2857 = arith.addi %max3A_12, %add3A_2856 : vector<16xi32>
      %select_n3A_2858 = arith.select %lt3A_2854, %add3A_2857, %max3A_12 : vector<16xi1>, vector<16xi32>
      %broadcast_in_dim3A_2859 = vector.shape_cast %select_n3A_2858 : vector<16xi32> to vector<16x1xi32>
      %gather3A_2860 = vector.shape_cast %broadcast_in_dim3A_2859 : vector<16x1xi32> to vector<16xi32>
      %gather3A_2861 = tpu.dynamic_gather %max3A_2851[%gather3A_2860] in [0] : vector<16xf32>, vector<16xi32> -> vector<16xf32>
      %lt3A_2862 = arith.constant 0 : i32
      %lt3A_2863 = vector.broadcast %lt3A_2862 : i32 to vector<16xi32>
      %lt3A_2864 = arith.cmpi slt, %max3A_12, %lt3A_2863 : vector<16xi32>
      %add3A_2865 = arith.constant 16 : i32
      %add3A_2866 = vector.broadcast %add3A_2865 : i32 to vector<16xi32>
      %add3A_2867 = arith.addi %max3A_12, %add3A_2866 : vector<16xi32>
      %select_n3A_2868 = arith.select %lt3A_2864, %add3A_2867, %max3A_12 : vector<16xi1>, vector<16xi32>
      %broadcast_in_dim3A_2869 = vector.shape_cast %select_n3A_2868 : vector<16xi32> to vector<16x1xi32>
      %gather3A_2870 = vector.shape_cast %broadcast_in_dim3A_2869 : vector<16x1xi32> to vector<16xi32>
      %gather3A_2871 = tpu.dynamic_gather %select_n3A_2850[%gather3A_2870] in [0] : vector<16xi32>, vector<16xi32> -> vector<16xi32>
      %lt3A_2872 = arith.constant 0 : i32
      %lt3A_2873 = vector.broadcast %lt3A_2872 : i32 to vector<16xi32>
      %lt3A_2874 = arith.cmpi slt, %max3A_12, %lt3A_2873 : vector<16xi32>
      %add3A_2875 = arith.constant 16 : i32
      %add3A_2876 = vector.broadcast %add3A_2875 : i32 to vector<16xi32>
      %add3A_2877 = arith.addi %max3A_12, %add3A_2876 : vector<16xi32>
      %select_n3A_2878 = arith.select %lt3A_2874, %add3A_2877, %max3A_12 : vector<16xi1>, vector<16xi32>
      %broadcast_in_dim3A_2879 = vector.shape_cast %select_n3A_2878 : vector<16xi32> to vector<16x1xi32>
      %gather3A_2880 = vector.shape_cast %broadcast_in_dim3A_2879 : vector<16x1xi32> to vector<16xi32>
      %gather3A_2881 = tpu.dynamic_gather %get3A_2807[%gather3A_2880] in [0] : vector<16xi32>, vector<16xi32> -> vector<16xi32>
      %eq3A_2882 = arith.cmpi eq, %get3A_2807, %gather3A_2881 : vector<16xi32>
      %jit3A_2883 = arith.constant 0xFF800000 : f32
      %broadcast_in_dim3A_2884 = vector.broadcast %jit3A_2883 : f32 to vector<16xf32>
      %select_n3A_2885 = arith.select %eq3A_2882, %gather3A_2861, %broadcast_in_dim3A_2884 : vector<16xi1>, vector<16xf32>
      %ge3A_2886 = arith.cmpf oge, %max3A_2851, %select_n3A_2885 : vector<16xf32>
      %select_n3A_2887 = arith.select %ge3A_2886, %select_n3A_2850, %gather3A_2871 : vector<16xi1>, vector<16xi32>
      %max3A_2888 = arith.maximumf %max3A_2851, %select_n3A_2885 : vector<16xf32>
      %lt3A_2889 = arith.constant 0 : i32
      %lt3A_2890 = vector.broadcast %lt3A_2889 : i32 to vector<16xi32>
      %lt3A_2891 = arith.cmpi slt, %max3A_18, %lt3A_2890 : vector<16xi32>
      %add3A_2892 = arith.constant 16 : i32
      %add3A_2893 = vector.broadcast %add3A_2892 : i32 to vector<16xi32>
      %add3A_2894 = arith.addi %max3A_18, %add3A_2893 : vector<16xi32>
      %select_n3A_2895 = arith.select %lt3A_2891, %add3A_2894, %max3A_18 : vector<16xi1>, vector<16xi32>
      %broadcast_in_dim3A_2896 = vector.shape_cast %select_n3A_2895 : vector<16xi32> to vector<16x1xi32>
      %gather3A_2897 = vector.shape_cast %broadcast_in_dim3A_2896 : vector<16x1xi32> to vector<16xi32>
      %gather3A_2898 = tpu.dynamic_gather %max3A_2888[%gather3A_2897] in [0] : vector<16xf32>, vector<16xi32> -> vector<16xf32>
      %lt3A_2899 = arith.constant 0 : i32
      %lt3A_2900 = vector.broadcast %lt3A_2899 : i32 to vector<16xi32>
      %lt3A_2901 = arith.cmpi slt, %max3A_18, %lt3A_2900 : vector<16xi32>
      %add3A_2902 = arith.constant 16 : i32
      %add3A_2903 = vector.broadcast %add3A_2902 : i32 to vector<16xi32>
      %add3A_2904 = arith.addi %max3A_18, %add3A_2903 : vector<16xi32>
      %select_n3A_2905 = arith.select %lt3A_2901, %add3A_2904, %max3A_18 : vector<16xi1>, vector<16xi32>
      %broadcast_in_dim3A_2906 = vector.shape_cast %select_n3A_2905 : vector<16xi32> to vector<16x1xi32>
      %gather3A_2907 = vector.shape_cast %broadcast_in_dim3A_2906 : vector<16x1xi32> to vector<16xi32>
      %gather3A_2908 = tpu.dynamic_gather %select_n3A_2887[%gather3A_2907] in [0] : vector<16xi32>, vector<16xi32> -> vector<16xi32>
      %lt3A_2909 = arith.constant 0 : i32
      %lt3A_2910 = vector.broadcast %lt3A_2909 : i32 to vector<16xi32>
      %lt3A_2911 = arith.cmpi slt, %max3A_18, %lt3A_2910 : vector<16xi32>
      %add3A_2912 = arith.constant 16 : i32
      %add3A_2913 = vector.broadcast %add3A_2912 : i32 to vector<16xi32>
      %add3A_2914 = arith.addi %max3A_18, %add3A_2913 : vector<16xi32>
      %select_n3A_2915 = arith.select %lt3A_2911, %add3A_2914, %max3A_18 : vector<16xi1>, vector<16xi32>
      %broadcast_in_dim3A_2916 = vector.shape_cast %select_n3A_2915 : vector<16xi32> to vector<16x1xi32>
      %gather3A_2917 = vector.shape_cast %broadcast_in_dim3A_2916 : vector<16x1xi32> to vector<16xi32>
      %gather3A_2918 = tpu.dynamic_gather %get3A_2807[%gather3A_2917] in [0] : vector<16xi32>, vector<16xi32> -> vector<16xi32>
      %eq3A_2919 = arith.cmpi eq, %get3A_2807, %gather3A_2918 : vector<16xi32>
      %jit3A_2920 = arith.constant 0xFF800000 : f32
      %broadcast_in_dim3A_2921 = vector.broadcast %jit3A_2920 : f32 to vector<16xf32>
      %select_n3A_2922 = arith.select %eq3A_2919, %gather3A_2898, %broadcast_in_dim3A_2921 : vector<16xi1>, vector<16xf32>
      %ge3A_2923 = arith.cmpf oge, %max3A_2888, %select_n3A_2922 : vector<16xf32>
      %select_n3A_2924 = arith.select %ge3A_2923, %select_n3A_2887, %gather3A_2908 : vector<16xi1>, vector<16xi32>
      %max3A_2925 = arith.maximumf %max3A_2888, %select_n3A_2922 : vector<16xf32>
      %lt3A_2926 = arith.constant 0 : i32
      %lt3A_2927 = vector.broadcast %lt3A_2926 : i32 to vector<16xi32>
      %lt3A_2928 = arith.cmpi slt, %max3A_24, %lt3A_2927 : vector<16xi32>
      %add3A_2929 = arith.constant 16 : i32
      %add3A_2930 = vector.broadcast %add3A_2929 : i32 to vector<16xi32>
      %add3A_2931 = arith.addi %max3A_24, %add3A_2930 : vector<16xi32>
      %select_n3A_2932 = arith.select %lt3A_2928, %add3A_2931, %max3A_24 : vector<16xi1>, vector<16xi32>
      %broadcast_in_dim3A_2933 = vector.shape_cast %select_n3A_2932 : vector<16xi32> to vector<16x1xi32>
      %gather3A_2934 = vector.shape_cast %broadcast_in_dim3A_2933 : vector<16x1xi32> to vector<16xi32>
      %gather3A_2935 = tpu.dynamic_gather %max3A_2925[%gather3A_2934] in [0] : vector<16xf32>, vector<16xi32> -> vector<16xf32>
      %lt3A_2936 = arith.constant 0 : i32
      %lt3A_2937 = vector.broadcast %lt3A_2936 : i32 to vector<16xi32>
      %lt3A_2938 = arith.cmpi slt, %max3A_24, %lt3A_2937 : vector<16xi32>
      %add3A_2939 = arith.constant 16 : i32
      %add3A_2940 = vector.broadcast %add3A_2939 : i32 to vector<16xi32>
      %add3A_2941 = arith.addi %max3A_24, %add3A_2940 : vector<16xi32>
      %select_n3A_2942 = arith.select %lt3A_2938, %add3A_2941, %max3A_24 : vector<16xi1>, vector<16xi32>
      %broadcast_in_dim3A_2943 = vector.shape_cast %select_n3A_2942 : vector<16xi32> to vector<16x1xi32>
      %gather3A_2944 = vector.shape_cast %broadcast_in_dim3A_2943 : vector<16x1xi32> to vector<16xi32>
      %gather3A_2945 = tpu.dynamic_gather %select_n3A_2924[%gather3A_2944] in [0] : vector<16xi32>, vector<16xi32> -> vector<16xi32>
      %lt3A_2946 = arith.constant 0 : i32
      %lt3A_2947 = vector.broadcast %lt3A_2946 : i32 to vector<16xi32>
      %lt3A_2948 = arith.cmpi slt, %max3A_24, %lt3A_2947 : vector<16xi32>
      %add3A_2949 = arith.constant 16 : i32
      %add3A_2950 = vector.broadcast %add3A_2949 : i32 to vector<16xi32>
      %add3A_2951 = arith.addi %max3A_24, %add3A_2950 : vector<16xi32>
      %select_n3A_2952 = arith.select %lt3A_2948, %add3A_2951, %max3A_24 : vector<16xi1>, vector<16xi32>
      %broadcast_in_dim3A_2953 = vector.shape_cast %select_n3A_2952 : vector<16xi32> to vector<16x1xi32>
      %gather3A_2954 = vector.shape_cast %broadcast_in_dim3A_2953 : vector<16x1xi32> to vector<16xi32>
      %gather3A_2955 = tpu.dynamic_gather %get3A_2807[%gather3A_2954] in [0] : vector<16xi32>, vector<16xi32> -> vector<16xi32>
      %eq3A_2956 = arith.cmpi eq, %get3A_2807, %gather3A_2955 : vector<16xi32>
      %jit3A_2957 = arith.constant 0xFF800000 : f32
      %broadcast_in_dim3A_2958 = vector.broadcast %jit3A_2957 : f32 to vector<16xf32>
      %select_n3A_2959 = arith.select %eq3A_2956, %gather3A_2935, %broadcast_in_dim3A_2958 : vector<16xi1>, vector<16xf32>
      %ge3A_2960 = arith.cmpf oge, %max3A_2925, %select_n3A_2959 : vector<16xf32>
      %select_n3A_2961 = arith.select %ge3A_2960, %select_n3A_2924, %gather3A_2945 : vector<16xi1>, vector<16xi32>
      %max3A_2962 = arith.maximumf %max3A_2925, %select_n3A_2959 : vector<16xf32>
      %eq3A_2963 = arith.cmpi eq, %get3A_2807, %gather3A_2780 : vector<16xi32>
      %jit3A_2964 = arith.constant 0xFF800000 : f32
      %broadcast_in_dim3A_2965 = vector.broadcast %jit3A_2964 : f32 to vector<16xf32>
      %select_n3A_2966 = arith.select %eq3A_2963, %gather3A_2790, %broadcast_in_dim3A_2965 : vector<16xi1>, vector<16xf32>
      %ge3A_2967 = arith.cmpf oge, %max3A_2962, %select_n3A_2966 : vector<16xf32>
      %select_n3A_2968 = arith.select %ge3A_2967, %select_n3A_2961, %gather3A_2800 : vector<16xi1>, vector<16xi32>
      %max3A_2969 = arith.maximumf %max3A_2962, %select_n3A_2966 : vector<16xf32>
      %ne3A_2970 = arith.cmpi ne, %get3A_2807, %get3A_2811 : vector<16xi32>
      %jit3A_2971 = arith.constant 1 : i32
      %jit3A_2972 = arith.constant 0 : i32
      %broadcast_in_dim3A_2973 = vector.broadcast %jit3A_2971 : i32 to vector<16xi32>
      %broadcast_in_dim3A_2974 = vector.broadcast %jit3A_2972 : i32 to vector<16xi32>
      %select_n3A_2975 = arith.select %ne3A_2970, %broadcast_in_dim3A_2973, %broadcast_in_dim3A_2974 : vector<16xi1>, vector<16xi32>
      %broadcast_in_dim3A_2976 = arith.constant true
      %broadcast_in_dim3A_2977 = vector.broadcast %broadcast_in_dim3A_2976 : i1 to vector<16xi1>
      %masked_cumsum3A_2978 = tpu.scan <sum>, %select_n3A_2975 masked %broadcast_in_dim3A_2977 : vector<16xi32>, vector<16xi1> -> vector<16xi32>
      %add3A_2979 = vector.broadcast %add3A_2801 : i32 to vector<16xi32>
      %add3A_2980 = arith.addi %add3A_2979, %masked_cumsum3A_2978 : vector<16xi32>
      tpu.vector_store_idx %arg10[%add3A_2980], %select_n3A_2968 masked %ne3A_2970 : memref<4112xi32, #tpu.memory_space<vmem>>[vector<16xi32>], vector<16xi32>, vector<16xi1>
      tpu.vector_store_idx %arg11[%add3A_2980], %max3A_2969 masked %ne3A_2970 : memref<4112xf32, #tpu.memory_space<vmem>>[vector<16xi32>], vector<16xf32>, vector<16xi1>
      %reduce_max3A_2981 = arith.constant true
      %reduce_max3A_2982 = vector.broadcast %reduce_max3A_2981 : i1 to vector<16xi1>
      %reduce_max3A_2983 = arith.constant -2147483648 : i32
      %reduce_max3A_2984 = vector.broadcast %reduce_max3A_2983 : i32 to vector<16xi32>
      %reduce_max3A_2985 = arith.xori %masked_cumsum3A_2978, %reduce_max3A_2984 : vector<16xi32>
      %reduce_max3A_2986 = tpu.scan <max>, %reduce_max3A_2985 masked %reduce_max3A_2982 : vector<16xi32>, vector<16xi1> -> vector<16xi32>
      %reduce_max3A_2987 = arith.xori %reduce_max3A_2986, %reduce_max3A_2984 : vector<16xi32>
      %reduce_max3A_2988 = vector.extract %reduce_max3A_2987[15] : i32 from vector<16xi32>
      %sub3A_2989 = arith.subf %get3A_2805, %get3A_25 : vector<16xf32>
      %max3A_2990 = arith.constant 0.000000e+00 : f32
      %max3A_2991 = vector.broadcast %max3A_2990 : f32 to vector<16xf32>
      %max3A_2992 = arith.maximumf %sub3A_2989, %max3A_2991 : vector<16xf32>
      %swap3A_2993 = arith.index_cast %add3A_2803 : i32 to index
      %swap3A_2994 = tpu.vector_load %arg8[%swap3A_2993] {strides = array<i32>} : memref<32768xf32, #tpu.memory_space<vmem>>, vector<16xf32>,
      tpu.vector_store %arg8[%swap3A_2993], %max3A_2992 {strides = array<i32>} : memref<32768xf32, #tpu.memory_space<vmem>>, vector<16xf32>,
      %lt3A_2995 = arith.constant 0 : i32
      %lt3A_2996 = vector.broadcast %lt3A_2995 : i32 to vector<16xi32>
      %lt3A_2997 = arith.cmpi slt, %broadcast_in_dim3A_2, %lt3A_2996 : vector<16xi32>
      %add3A_2998 = arith.constant 16 : i32
      %add3A_2999 = vector.broadcast %add3A_2998 : i32 to vector<16xi32>
      %add3A_3000 = arith.addi %broadcast_in_dim3A_2, %add3A_2999 : vector<16xi32>
      %select_n3A_3001 = arith.select %lt3A_2997, %add3A_3000, %broadcast_in_dim3A_2 : vector<16xi1>, vector<16xi32>
      %broadcast_in_dim3A_3002 = vector.shape_cast %select_n3A_3001 : vector<16xi32> to vector<16x1xi32>
      %gather3A_3003 = vector.shape_cast %broadcast_in_dim3A_3002 : vector<16x1xi32> to vector<16xi32>
      %gather3A_3004 = tpu.dynamic_gather %get3A_2807[%gather3A_3003] in [0] : vector<16xi32>, vector<16xi32> -> vector<16xi32>
      %lt3A_3005 = arith.constant 0 : i32
      %lt3A_3006 = vector.broadcast %lt3A_3005 : i32 to vector<16xi32>
      %lt3A_3007 = arith.cmpi slt, %broadcast_in_dim3A_2, %lt3A_3006 : vector<16xi32>
      %add3A_3008 = arith.constant 16 : i32
      %add3A_3009 = vector.broadcast %add3A_3008 : i32 to vector<16xi32>
      %add3A_3010 = arith.addi %broadcast_in_dim3A_2, %add3A_3009 : vector<16xi32>
      %select_n3A_3011 = arith.select %lt3A_3007, %add3A_3010, %broadcast_in_dim3A_2 : vector<16xi1>, vector<16xi32>
      %broadcast_in_dim3A_3012 = vector.shape_cast %select_n3A_3011 : vector<16xi32> to vector<16x1xi32>
      %gather3A_3013 = vector.shape_cast %broadcast_in_dim3A_3012 : vector<16x1xi32> to vector<16xi32>
      %gather3A_3014 = tpu.dynamic_gather %max3A_2969[%gather3A_3013] in [0] : vector<16xf32>, vector<16xi32> -> vector<16xf32>
      %lt3A_3015 = arith.constant 0 : i32
      %lt3A_3016 = vector.broadcast %lt3A_3015 : i32 to vector<16xi32>
      %lt3A_3017 = arith.cmpi slt, %broadcast_in_dim3A_2, %lt3A_3016 : vector<16xi32>
      %add3A_3018 = arith.constant 16 : i32
      %add3A_3019 = vector.broadcast %add3A_3018 : i32 to vector<16xi32>
      %add3A_3020 = arith.addi %broadcast_in_dim3A_2, %add3A_3019 : vector<16xi32>
      %select_n3A_3021 = arith.select %lt3A_3017, %add3A_3020, %broadcast_in_dim3A_2 : vector<16xi1>, vector<16xi32>
      %broadcast_in_dim3A_3022 = vector.shape_cast %select_n3A_3021 : vector<16xi32> to vector<16x1xi32>
      %gather3A_3023 = vector.shape_cast %broadcast_in_dim3A_3022 : vector<16x1xi32> to vector<16xi32>
      %gather3A_3024 = tpu.dynamic_gather %select_n3A_2968[%gather3A_3023] in [0] : vector<16xi32>, vector<16xi32> -> vector<16xi32>
      %add3A_3025 = arith.addi %add3A_2801, %reduce_max3A_2988 : i32
      %add3A_3026 = arith.constant 192 : i32
      %add3A_3027 = arith.addi %mul3A_339, %add3A_3026 : i32
      %get3A_3028 = arith.index_cast %add3A_3027 : i32 to index
      %get3A_3029 = tpu.vector_load %arg8[%get3A_3028] {strides = array<i32>} : memref<32768xf32, #tpu.memory_space<vmem>>, vector<16xf32>,
      %get3A_3030 = arith.index_cast %add3A_3027 : i32 to index
      %get3A_3031 = tpu.vector_load %arg9[%get3A_3030] {strides = array<i32>} : memref<32784xi32, #tpu.memory_space<vmem>>, vector<16xi32>,
      %add3A_3032 = arith.constant 1 : i32
      %add3A_3033 = arith.addi %add3A_3027, %add3A_3032 : i32
      %get3A_3034 = arith.index_cast %add3A_3033 : i32 to index
      %get3A_3035 = tpu.vector_load %arg9[%get3A_3034] {strides = array<i32>} : memref<32784xi32, #tpu.memory_space<vmem>>, vector<16xi32>,
      %add3A_3036 = arith.addi %add3A_332, %add3A_3027 : i32
      %add3A_3037 = vector.broadcast %add3A_3036 : i32 to vector<16xi32>
      %add3A_3038 = arith.addi %iota3A, %add3A_3037 : vector<16xi32>
      %lt3A_3039 = arith.constant 0 : i32
      %lt3A_3040 = vector.broadcast %lt3A_3039 : i32 to vector<16xi32>
      %lt3A_3041 = arith.cmpi slt, %max3A_6, %lt3A_3040 : vector<16xi32>
      %add3A_3042 = arith.constant 16 : i32
      %add3A_3043 = vector.broadcast %add3A_3042 : i32 to vector<16xi32>
      %add3A_3044 = arith.addi %max3A_6, %add3A_3043 : vector<16xi32>
      %select_n3A_3045 = arith.select %lt3A_3041, %add3A_3044, %max3A_6 : vector<16xi1>, vector<16xi32>
      %broadcast_in_dim3A_3046 = vector.shape_cast %select_n3A_3045 : vector<16xi32> to vector<16x1xi32>
      %gather3A_3047 = vector.shape_cast %broadcast_in_dim3A_3046 : vector<16x1xi32> to vector<16xi32>
      %gather3A_3048 = tpu.dynamic_gather %get3A_3029[%gather3A_3047] in [0] : vector<16xf32>, vector<16xi32> -> vector<16xf32>
      %lt3A_3049 = arith.constant 0 : i32
      %lt3A_3050 = vector.broadcast %lt3A_3049 : i32 to vector<16xi32>
      %lt3A_3051 = arith.cmpi slt, %max3A_6, %lt3A_3050 : vector<16xi32>
      %add3A_3052 = arith.constant 16 : i32
      %add3A_3053 = vector.broadcast %add3A_3052 : i32 to vector<16xi32>
      %add3A_3054 = arith.addi %max3A_6, %add3A_3053 : vector<16xi32>
      %select_n3A_3055 = arith.select %lt3A_3051, %add3A_3054, %max3A_6 : vector<16xi1>, vector<16xi32>
      %broadcast_in_dim3A_3056 = vector.shape_cast %select_n3A_3055 : vector<16xi32> to vector<16x1xi32>
      %gather3A_3057 = vector.shape_cast %broadcast_in_dim3A_3056 : vector<16x1xi32> to vector<16xi32>
      %gather3A_3058 = tpu.dynamic_gather %add3A_3038[%gather3A_3057] in [0] : vector<16xi32>, vector<16xi32> -> vector<16xi32>
      %lt3A_3059 = arith.constant 0 : i32
      %lt3A_3060 = vector.broadcast %lt3A_3059 : i32 to vector<16xi32>
      %lt3A_3061 = arith.cmpi slt, %max3A_6, %lt3A_3060 : vector<16xi32>
      %add3A_3062 = arith.constant 16 : i32
      %add3A_3063 = vector.broadcast %add3A_3062 : i32 to vector<16xi32>
      %add3A_3064 = arith.addi %max3A_6, %add3A_3063 : vector<16xi32>
      %select_n3A_3065 = arith.select %lt3A_3061, %add3A_3064, %max3A_6 : vector<16xi1>, vector<16xi32>
      %broadcast_in_dim3A_3066 = vector.shape_cast %select_n3A_3065 : vector<16xi32> to vector<16x1xi32>
      %gather3A_3067 = vector.shape_cast %broadcast_in_dim3A_3066 : vector<16x1xi32> to vector<16xi32>
      %gather3A_3068 = tpu.dynamic_gather %get3A_3031[%gather3A_3067] in [0] : vector<16xi32>, vector<16xi32> -> vector<16xi32>
      %eq3A_3069 = arith.cmpi eq, %get3A_3031, %gather3A_3068 : vector<16xi32>
      %jit3A_3070 = arith.constant 0xFF800000 : f32
      %broadcast_in_dim3A_3071 = vector.broadcast %jit3A_3070 : f32 to vector<16xf32>
      %select_n3A_3072 = arith.select %eq3A_3069, %gather3A_3048, %broadcast_in_dim3A_3071 : vector<16xi1>, vector<16xf32>
      %ge3A_3073 = arith.cmpf oge, %get3A_3029, %select_n3A_3072 : vector<16xf32>
      %select_n3A_3074 = arith.select %ge3A_3073, %add3A_3038, %gather3A_3058 : vector<16xi1>, vector<16xi32>
      %max3A_3075 = arith.maximumf %get3A_3029, %select_n3A_3072 : vector<16xf32>
      %lt3A_3076 = arith.constant 0 : i32
      %lt3A_3077 = vector.broadcast %lt3A_3076 : i32 to vector<16xi32>
      %lt3A_3078 = arith.cmpi slt, %max3A_12, %lt3A_3077 : vector<16xi32>
      %add3A_3079 = arith.constant 16 : i32
      %add3A_3080 = vector.broadcast %add3A_3079 : i32 to vector<16xi32>
      %add3A_3081 = arith.addi %max3A_12, %add3A_3080 : vector<16xi32>
      %select_n3A_3082 = arith.select %lt3A_3078, %add3A_3081, %max3A_12 : vector<16xi1>, vector<16xi32>
      %broadcast_in_dim3A_3083 = vector.shape_cast %select_n3A_3082 : vector<16xi32> to vector<16x1xi32>
      %gather3A_3084 = vector.shape_cast %broadcast_in_dim3A_3083 : vector<16x1xi32> to vector<16xi32>
      %gather3A_3085 = tpu.dynamic_gather %max3A_3075[%gather3A_3084] in [0] : vector<16xf32>, vector<16xi32> -> vector<16xf32>
      %lt3A_3086 = arith.constant 0 : i32
      %lt3A_3087 = vector.broadcast %lt3A_3086 : i32 to vector<16xi32>
      %lt3A_3088 = arith.cmpi slt, %max3A_12, %lt3A_3087 : vector<16xi32>
      %add3A_3089 = arith.constant 16 : i32
      %add3A_3090 = vector.broadcast %add3A_3089 : i32 to vector<16xi32>
      %add3A_3091 = arith.addi %max3A_12, %add3A_3090 : vector<16xi32>
      %select_n3A_3092 = arith.select %lt3A_3088, %add3A_3091, %max3A_12 : vector<16xi1>, vector<16xi32>
      %broadcast_in_dim3A_3093 = vector.shape_cast %select_n3A_3092 : vector<16xi32> to vector<16x1xi32>
      %gather3A_3094 = vector.shape_cast %broadcast_in_dim3A_3093 : vector<16x1xi32> to vector<16xi32>
      %gather3A_3095 = tpu.dynamic_gather %select_n3A_3074[%gather3A_3094] in [0] : vector<16xi32>, vector<16xi32> -> vector<16xi32>
      %lt3A_3096 = arith.constant 0 : i32
      %lt3A_3097 = vector.broadcast %lt3A_3096 : i32 to vector<16xi32>
      %lt3A_3098 = arith.cmpi slt, %max3A_12, %lt3A_3097 : vector<16xi32>
      %add3A_3099 = arith.constant 16 : i32
      %add3A_3100 = vector.broadcast %add3A_3099 : i32 to vector<16xi32>
      %add3A_3101 = arith.addi %max3A_12, %add3A_3100 : vector<16xi32>
      %select_n3A_3102 = arith.select %lt3A_3098, %add3A_3101, %max3A_12 : vector<16xi1>, vector<16xi32>
      %broadcast_in_dim3A_3103 = vector.shape_cast %select_n3A_3102 : vector<16xi32> to vector<16x1xi32>
      %gather3A_3104 = vector.shape_cast %broadcast_in_dim3A_3103 : vector<16x1xi32> to vector<16xi32>
      %gather3A_3105 = tpu.dynamic_gather %get3A_3031[%gather3A_3104] in [0] : vector<16xi32>, vector<16xi32> -> vector<16xi32>
      %eq3A_3106 = arith.cmpi eq, %get3A_3031, %gather3A_3105 : vector<16xi32>
      %jit3A_3107 = arith.constant 0xFF800000 : f32
      %broadcast_in_dim3A_3108 = vector.broadcast %jit3A_3107 : f32 to vector<16xf32>
      %select_n3A_3109 = arith.select %eq3A_3106, %gather3A_3085, %broadcast_in_dim3A_3108 : vector<16xi1>, vector<16xf32>
      %ge3A_3110 = arith.cmpf oge, %max3A_3075, %select_n3A_3109 : vector<16xf32>
      %select_n3A_3111 = arith.select %ge3A_3110, %select_n3A_3074, %gather3A_3095 : vector<16xi1>, vector<16xi32>
      %max3A_3112 = arith.maximumf %max3A_3075, %select_n3A_3109 : vector<16xf32>
      %lt3A_3113 = arith.constant 0 : i32
      %lt3A_3114 = vector.broadcast %lt3A_3113 : i32 to vector<16xi32>
      %lt3A_3115 = arith.cmpi slt, %max3A_18, %lt3A_3114 : vector<16xi32>
      %add3A_3116 = arith.constant 16 : i32
      %add3A_3117 = vector.broadcast %add3A_3116 : i32 to vector<16xi32>
      %add3A_3118 = arith.addi %max3A_18, %add3A_3117 : vector<16xi32>
      %select_n3A_3119 = arith.select %lt3A_3115, %add3A_3118, %max3A_18 : vector<16xi1>, vector<16xi32>
      %broadcast_in_dim3A_3120 = vector.shape_cast %select_n3A_3119 : vector<16xi32> to vector<16x1xi32>
      %gather3A_3121 = vector.shape_cast %broadcast_in_dim3A_3120 : vector<16x1xi32> to vector<16xi32>
      %gather3A_3122 = tpu.dynamic_gather %max3A_3112[%gather3A_3121] in [0] : vector<16xf32>, vector<16xi32> -> vector<16xf32>
      %lt3A_3123 = arith.constant 0 : i32
      %lt3A_3124 = vector.broadcast %lt3A_3123 : i32 to vector<16xi32>
      %lt3A_3125 = arith.cmpi slt, %max3A_18, %lt3A_3124 : vector<16xi32>
      %add3A_3126 = arith.constant 16 : i32
      %add3A_3127 = vector.broadcast %add3A_3126 : i32 to vector<16xi32>
      %add3A_3128 = arith.addi %max3A_18, %add3A_3127 : vector<16xi32>
      %select_n3A_3129 = arith.select %lt3A_3125, %add3A_3128, %max3A_18 : vector<16xi1>, vector<16xi32>
      %broadcast_in_dim3A_3130 = vector.shape_cast %select_n3A_3129 : vector<16xi32> to vector<16x1xi32>
      %gather3A_3131 = vector.shape_cast %broadcast_in_dim3A_3130 : vector<16x1xi32> to vector<16xi32>
      %gather3A_3132 = tpu.dynamic_gather %select_n3A_3111[%gather3A_3131] in [0] : vector<16xi32>, vector<16xi32> -> vector<16xi32>
      %lt3A_3133 = arith.constant 0 : i32
      %lt3A_3134 = vector.broadcast %lt3A_3133 : i32 to vector<16xi32>
      %lt3A_3135 = arith.cmpi slt, %max3A_18, %lt3A_3134 : vector<16xi32>
      %add3A_3136 = arith.constant 16 : i32
      %add3A_3137 = vector.broadcast %add3A_3136 : i32 to vector<16xi32>
      %add3A_3138 = arith.addi %max3A_18, %add3A_3137 : vector<16xi32>
      %select_n3A_3139 = arith.select %lt3A_3135, %add3A_3138, %max3A_18 : vector<16xi1>, vector<16xi32>
      %broadcast_in_dim3A_3140 = vector.shape_cast %select_n3A_3139 : vector<16xi32> to vector<16x1xi32>
      %gather3A_3141 = vector.shape_cast %broadcast_in_dim3A_3140 : vector<16x1xi32> to vector<16xi32>
      %gather3A_3142 = tpu.dynamic_gather %get3A_3031[%gather3A_3141] in [0] : vector<16xi32>, vector<16xi32> -> vector<16xi32>
      %eq3A_3143 = arith.cmpi eq, %get3A_3031, %gather3A_3142 : vector<16xi32>
      %jit3A_3144 = arith.constant 0xFF800000 : f32
      %broadcast_in_dim3A_3145 = vector.broadcast %jit3A_3144 : f32 to vector<16xf32>
      %select_n3A_3146 = arith.select %eq3A_3143, %gather3A_3122, %broadcast_in_dim3A_3145 : vector<16xi1>, vector<16xf32>
      %ge3A_3147 = arith.cmpf oge, %max3A_3112, %select_n3A_3146 : vector<16xf32>
      %select_n3A_3148 = arith.select %ge3A_3147, %select_n3A_3111, %gather3A_3132 : vector<16xi1>, vector<16xi32>
      %max3A_3149 = arith.maximumf %max3A_3112, %select_n3A_3146 : vector<16xf32>
      %lt3A_3150 = arith.constant 0 : i32
      %lt3A_3151 = vector.broadcast %lt3A_3150 : i32 to vector<16xi32>
      %lt3A_3152 = arith.cmpi slt, %max3A_24, %lt3A_3151 : vector<16xi32>
      %add3A_3153 = arith.constant 16 : i32
      %add3A_3154 = vector.broadcast %add3A_3153 : i32 to vector<16xi32>
      %add3A_3155 = arith.addi %max3A_24, %add3A_3154 : vector<16xi32>
      %select_n3A_3156 = arith.select %lt3A_3152, %add3A_3155, %max3A_24 : vector<16xi1>, vector<16xi32>
      %broadcast_in_dim3A_3157 = vector.shape_cast %select_n3A_3156 : vector<16xi32> to vector<16x1xi32>
      %gather3A_3158 = vector.shape_cast %broadcast_in_dim3A_3157 : vector<16x1xi32> to vector<16xi32>
      %gather3A_3159 = tpu.dynamic_gather %max3A_3149[%gather3A_3158] in [0] : vector<16xf32>, vector<16xi32> -> vector<16xf32>
      %lt3A_3160 = arith.constant 0 : i32
      %lt3A_3161 = vector.broadcast %lt3A_3160 : i32 to vector<16xi32>
      %lt3A_3162 = arith.cmpi slt, %max3A_24, %lt3A_3161 : vector<16xi32>
      %add3A_3163 = arith.constant 16 : i32
      %add3A_3164 = vector.broadcast %add3A_3163 : i32 to vector<16xi32>
      %add3A_3165 = arith.addi %max3A_24, %add3A_3164 : vector<16xi32>
      %select_n3A_3166 = arith.select %lt3A_3162, %add3A_3165, %max3A_24 : vector<16xi1>, vector<16xi32>
      %broadcast_in_dim3A_3167 = vector.shape_cast %select_n3A_3166 : vector<16xi32> to vector<16x1xi32>
      %gather3A_3168 = vector.shape_cast %broadcast_in_dim3A_3167 : vector<16x1xi32> to vector<16xi32>
      %gather3A_3169 = tpu.dynamic_gather %select_n3A_3148[%gather3A_3168] in [0] : vector<16xi32>, vector<16xi32> -> vector<16xi32>
      %lt3A_3170 = arith.constant 0 : i32
      %lt3A_3171 = vector.broadcast %lt3A_3170 : i32 to vector<16xi32>
      %lt3A_3172 = arith.cmpi slt, %max3A_24, %lt3A_3171 : vector<16xi32>
      %add3A_3173 = arith.constant 16 : i32
      %add3A_3174 = vector.broadcast %add3A_3173 : i32 to vector<16xi32>
      %add3A_3175 = arith.addi %max3A_24, %add3A_3174 : vector<16xi32>
      %select_n3A_3176 = arith.select %lt3A_3172, %add3A_3175, %max3A_24 : vector<16xi1>, vector<16xi32>
      %broadcast_in_dim3A_3177 = vector.shape_cast %select_n3A_3176 : vector<16xi32> to vector<16x1xi32>
      %gather3A_3178 = vector.shape_cast %broadcast_in_dim3A_3177 : vector<16x1xi32> to vector<16xi32>
      %gather3A_3179 = tpu.dynamic_gather %get3A_3031[%gather3A_3178] in [0] : vector<16xi32>, vector<16xi32> -> vector<16xi32>
      %eq3A_3180 = arith.cmpi eq, %get3A_3031, %gather3A_3179 : vector<16xi32>
      %jit3A_3181 = arith.constant 0xFF800000 : f32
      %broadcast_in_dim3A_3182 = vector.broadcast %jit3A_3181 : f32 to vector<16xf32>
      %select_n3A_3183 = arith.select %eq3A_3180, %gather3A_3159, %broadcast_in_dim3A_3182 : vector<16xi1>, vector<16xf32>
      %ge3A_3184 = arith.cmpf oge, %max3A_3149, %select_n3A_3183 : vector<16xf32>
      %select_n3A_3185 = arith.select %ge3A_3184, %select_n3A_3148, %gather3A_3169 : vector<16xi1>, vector<16xi32>
      %max3A_3186 = arith.maximumf %max3A_3149, %select_n3A_3183 : vector<16xf32>
      %eq3A_3187 = arith.cmpi eq, %get3A_3031, %gather3A_3004 : vector<16xi32>
      %jit3A_3188 = arith.constant 0xFF800000 : f32
      %broadcast_in_dim3A_3189 = vector.broadcast %jit3A_3188 : f32 to vector<16xf32>
      %select_n3A_3190 = arith.select %eq3A_3187, %gather3A_3014, %broadcast_in_dim3A_3189 : vector<16xi1>, vector<16xf32>
      %ge3A_3191 = arith.cmpf oge, %max3A_3186, %select_n3A_3190 : vector<16xf32>
      %select_n3A_3192 = arith.select %ge3A_3191, %select_n3A_3185, %gather3A_3024 : vector<16xi1>, vector<16xi32>
      %max3A_3193 = arith.maximumf %max3A_3186, %select_n3A_3190 : vector<16xf32>
      %ne3A_3194 = arith.cmpi ne, %get3A_3031, %get3A_3035 : vector<16xi32>
      %jit3A_3195 = arith.constant 1 : i32
      %jit3A_3196 = arith.constant 0 : i32
      %broadcast_in_dim3A_3197 = vector.broadcast %jit3A_3195 : i32 to vector<16xi32>
      %broadcast_in_dim3A_3198 = vector.broadcast %jit3A_3196 : i32 to vector<16xi32>
      %select_n3A_3199 = arith.select %ne3A_3194, %broadcast_in_dim3A_3197, %broadcast_in_dim3A_3198 : vector<16xi1>, vector<16xi32>
      %broadcast_in_dim3A_3200 = arith.constant true
      %broadcast_in_dim3A_3201 = vector.broadcast %broadcast_in_dim3A_3200 : i1 to vector<16xi1>
      %masked_cumsum3A_3202 = tpu.scan <sum>, %select_n3A_3199 masked %broadcast_in_dim3A_3201 : vector<16xi32>, vector<16xi1> -> vector<16xi32>
      %add3A_3203 = vector.broadcast %add3A_3025 : i32 to vector<16xi32>
      %add3A_3204 = arith.addi %add3A_3203, %masked_cumsum3A_3202 : vector<16xi32>
      tpu.vector_store_idx %arg10[%add3A_3204], %select_n3A_3192 masked %ne3A_3194 : memref<4112xi32, #tpu.memory_space<vmem>>[vector<16xi32>], vector<16xi32>, vector<16xi1>
      tpu.vector_store_idx %arg11[%add3A_3204], %max3A_3193 masked %ne3A_3194 : memref<4112xf32, #tpu.memory_space<vmem>>[vector<16xi32>], vector<16xf32>, vector<16xi1>
      %reduce_max3A_3205 = arith.constant true
      %reduce_max3A_3206 = vector.broadcast %reduce_max3A_3205 : i1 to vector<16xi1>
      %reduce_max3A_3207 = arith.constant -2147483648 : i32
      %reduce_max3A_3208 = vector.broadcast %reduce_max3A_3207 : i32 to vector<16xi32>
      %reduce_max3A_3209 = arith.xori %masked_cumsum3A_3202, %reduce_max3A_3208 : vector<16xi32>
      %reduce_max3A_3210 = tpu.scan <max>, %reduce_max3A_3209 masked %reduce_max3A_3206 : vector<16xi32>, vector<16xi1> -> vector<16xi32>
      %reduce_max3A_3211 = arith.xori %reduce_max3A_3210, %reduce_max3A_3208 : vector<16xi32>
      %reduce_max3A_3212 = vector.extract %reduce_max3A_3211[15] : i32 from vector<16xi32>
      %sub3A_3213 = arith.subf %get3A_3029, %get3A_25 : vector<16xf32>
      %max3A_3214 = arith.constant 0.000000e+00 : f32
      %max3A_3215 = vector.broadcast %max3A_3214 : f32 to vector<16xf32>
      %max3A_3216 = arith.maximumf %sub3A_3213, %max3A_3215 : vector<16xf32>
      %swap3A_3217 = arith.index_cast %add3A_3027 : i32 to index
      %swap3A_3218 = tpu.vector_load %arg8[%swap3A_3217] {strides = array<i32>} : memref<32768xf32, #tpu.memory_space<vmem>>, vector<16xf32>,
      tpu.vector_store %arg8[%swap3A_3217], %max3A_3216 {strides = array<i32>} : memref<32768xf32, #tpu.memory_space<vmem>>, vector<16xf32>,
      %lt3A_3219 = arith.constant 0 : i32
      %lt3A_3220 = vector.broadcast %lt3A_3219 : i32 to vector<16xi32>
      %lt3A_3221 = arith.cmpi slt, %broadcast_in_dim3A_2, %lt3A_3220 : vector<16xi32>
      %add3A_3222 = arith.constant 16 : i32
      %add3A_3223 = vector.broadcast %add3A_3222 : i32 to vector<16xi32>
      %add3A_3224 = arith.addi %broadcast_in_dim3A_2, %add3A_3223 : vector<16xi32>
      %select_n3A_3225 = arith.select %lt3A_3221, %add3A_3224, %broadcast_in_dim3A_2 : vector<16xi1>, vector<16xi32>
      %broadcast_in_dim3A_3226 = vector.shape_cast %select_n3A_3225 : vector<16xi32> to vector<16x1xi32>
      %gather3A_3227 = vector.shape_cast %broadcast_in_dim3A_3226 : vector<16x1xi32> to vector<16xi32>
      %gather3A_3228 = tpu.dynamic_gather %get3A_3031[%gather3A_3227] in [0] : vector<16xi32>, vector<16xi32> -> vector<16xi32>
      %lt3A_3229 = arith.constant 0 : i32
      %lt3A_3230 = vector.broadcast %lt3A_3229 : i32 to vector<16xi32>
      %lt3A_3231 = arith.cmpi slt, %broadcast_in_dim3A_2, %lt3A_3230 : vector<16xi32>
      %add3A_3232 = arith.constant 16 : i32
      %add3A_3233 = vector.broadcast %add3A_3232 : i32 to vector<16xi32>
      %add3A_3234 = arith.addi %broadcast_in_dim3A_2, %add3A_3233 : vector<16xi32>
      %select_n3A_3235 = arith.select %lt3A_3231, %add3A_3234, %broadcast_in_dim3A_2 : vector<16xi1>, vector<16xi32>
      %broadcast_in_dim3A_3236 = vector.shape_cast %select_n3A_3235 : vector<16xi32> to vector<16x1xi32>
      %gather3A_3237 = vector.shape_cast %broadcast_in_dim3A_3236 : vector<16x1xi32> to vector<16xi32>
      %gather3A_3238 = tpu.dynamic_gather %max3A_3193[%gather3A_3237] in [0] : vector<16xf32>, vector<16xi32> -> vector<16xf32>
      %lt3A_3239 = arith.constant 0 : i32
      %lt3A_3240 = vector.broadcast %lt3A_3239 : i32 to vector<16xi32>
      %lt3A_3241 = arith.cmpi slt, %broadcast_in_dim3A_2, %lt3A_3240 : vector<16xi32>
      %add3A_3242 = arith.constant 16 : i32
      %add3A_3243 = vector.broadcast %add3A_3242 : i32 to vector<16xi32>
      %add3A_3244 = arith.addi %broadcast_in_dim3A_2, %add3A_3243 : vector<16xi32>
      %select_n3A_3245 = arith.select %lt3A_3241, %add3A_3244, %broadcast_in_dim3A_2 : vector<16xi1>, vector<16xi32>
      %broadcast_in_dim3A_3246 = vector.shape_cast %select_n3A_3245 : vector<16xi32> to vector<16x1xi32>
      %gather3A_3247 = vector.shape_cast %broadcast_in_dim3A_3246 : vector<16x1xi32> to vector<16xi32>
      %gather3A_3248 = tpu.dynamic_gather %select_n3A_3192[%gather3A_3247] in [0] : vector<16xi32>, vector<16xi32> -> vector<16xi32>
      %add3A_3249 = arith.addi %add3A_3025, %reduce_max3A_3212 : i32
      %add3A_3250 = arith.constant 208 : i32
      %add3A_3251 = arith.addi %mul3A_339, %add3A_3250 : i32
      %get3A_3252 = arith.index_cast %add3A_3251 : i32 to index
      %get3A_3253 = tpu.vector_load %arg8[%get3A_3252] {strides = array<i32>} : memref<32768xf32, #tpu.memory_space<vmem>>, vector<16xf32>,
      %get3A_3254 = arith.index_cast %add3A_3251 : i32 to index
      %get3A_3255 = tpu.vector_load %arg9[%get3A_3254] {strides = array<i32>} : memref<32784xi32, #tpu.memory_space<vmem>>, vector<16xi32>,
      %add3A_3256 = arith.constant 1 : i32
      %add3A_3257 = arith.addi %add3A_3251, %add3A_3256 : i32
      %get3A_3258 = arith.index_cast %add3A_3257 : i32 to index
      %get3A_3259 = tpu.vector_load %arg9[%get3A_3258] {strides = array<i32>} : memref<32784xi32, #tpu.memory_space<vmem>>, vector<16xi32>,
      %add3A_3260 = arith.addi %add3A_332, %add3A_3251 : i32
      %add3A_3261 = vector.broadcast %add3A_3260 : i32 to vector<16xi32>
      %add3A_3262 = arith.addi %iota3A, %add3A_3261 : vector<16xi32>
      %lt3A_3263 = arith.constant 0 : i32
      %lt3A_3264 = vector.broadcast %lt3A_3263 : i32 to vector<16xi32>
      %lt3A_3265 = arith.cmpi slt, %max3A_6, %lt3A_3264 : vector<16xi32>
      %add3A_3266 = arith.constant 16 : i32
      %add3A_3267 = vector.broadcast %add3A_3266 : i32 to vector<16xi32>
      %add3A_3268 = arith.addi %max3A_6, %add3A_3267 : vector<16xi32>
      %select_n3A_3269 = arith.select %lt3A_3265, %add3A_3268, %max3A_6 : vector<16xi1>, vector<16xi32>
      %broadcast_in_dim3A_3270 = vector.shape_cast %select_n3A_3269 : vector<16xi32> to vector<16x1xi32>
      %gather3A_3271 = vector.shape_cast %broadcast_in_dim3A_3270 : vector<16x1xi32> to vector<16xi32>
      %gather3A_3272 = tpu.dynamic_gather %get3A_3253[%gather3A_3271] in [0] : vector<16xf32>, vector<16xi32> -> vector<16xf32>
      %lt3A_3273 = arith.constant 0 : i32
      %lt3A_3274 = vector.broadcast %lt3A_3273 : i32 to vector<16xi32>
      %lt3A_3275 = arith.cmpi slt, %max3A_6, %lt3A_3274 : vector<16xi32>
      %add3A_3276 = arith.constant 16 : i32
      %add3A_3277 = vector.broadcast %add3A_3276 : i32 to vector<16xi32>
      %add3A_3278 = arith.addi %max3A_6, %add3A_3277 : vector<16xi32>
      %select_n3A_3279 = arith.select %lt3A_3275, %add3A_3278, %max3A_6 : vector<16xi1>, vector<16xi32>
      %broadcast_in_dim3A_3280 = vector.shape_cast %select_n3A_3279 : vector<16xi32> to vector<16x1xi32>
      %gather3A_3281 = vector.shape_cast %broadcast_in_dim3A_3280 : vector<16x1xi32> to vector<16xi32>
      %gather3A_3282 = tpu.dynamic_gather %add3A_3262[%gather3A_3281] in [0] : vector<16xi32>, vector<16xi32> -> vector<16xi32>
      %lt3A_3283 = arith.constant 0 : i32
      %lt3A_3284 = vector.broadcast %lt3A_3283 : i32 to vector<16xi32>
      %lt3A_3285 = arith.cmpi slt, %max3A_6, %lt3A_3284 : vector<16xi32>
      %add3A_3286 = arith.constant 16 : i32
      %add3A_3287 = vector.broadcast %add3A_3286 : i32 to vector<16xi32>
      %add3A_3288 = arith.addi %max3A_6, %add3A_3287 : vector<16xi32>
      %select_n3A_3289 = arith.select %lt3A_3285, %add3A_3288, %max3A_6 : vector<16xi1>, vector<16xi32>
      %broadcast_in_dim3A_3290 = vector.shape_cast %select_n3A_3289 : vector<16xi32> to vector<16x1xi32>
      %gather3A_3291 = vector.shape_cast %broadcast_in_dim3A_3290 : vector<16x1xi32> to vector<16xi32>
      %gather3A_3292 = tpu.dynamic_gather %get3A_3255[%gather3A_3291] in [0] : vector<16xi32>, vector<16xi32> -> vector<16xi32>
      %eq3A_3293 = arith.cmpi eq, %get3A_3255, %gather3A_3292 : vector<16xi32>
      %jit3A_3294 = arith.constant 0xFF800000 : f32
      %broadcast_in_dim3A_3295 = vector.broadcast %jit3A_3294 : f32 to vector<16xf32>
      %select_n3A_3296 = arith.select %eq3A_3293, %gather3A_3272, %broadcast_in_dim3A_3295 : vector<16xi1>, vector<16xf32>
      %ge3A_3297 = arith.cmpf oge, %get3A_3253, %select_n3A_3296 : vector<16xf32>
      %select_n3A_3298 = arith.select %ge3A_3297, %add3A_3262, %gather3A_3282 : vector<16xi1>, vector<16xi32>
      %max3A_3299 = arith.maximumf %get3A_3253, %select_n3A_3296 : vector<16xf32>
      %lt3A_3300 = arith.constant 0 : i32
      %lt3A_3301 = vector.broadcast %lt3A_3300 : i32 to vector<16xi32>
      %lt3A_3302 = arith.cmpi slt, %max3A_12, %lt3A_3301 : vector<16xi32>
      %add3A_3303 = arith.constant 16 : i32
      %add3A_3304 = vector.broadcast %add3A_3303 : i32 to vector<16xi32>
      %add3A_3305 = arith.addi %max3A_12, %add3A_3304 : vector<16xi32>
      %select_n3A_3306 = arith.select %lt3A_3302, %add3A_3305, %max3A_12 : vector<16xi1>, vector<16xi32>
      %broadcast_in_dim3A_3307 = vector.shape_cast %select_n3A_3306 : vector<16xi32> to vector<16x1xi32>
      %gather3A_3308 = vector.shape_cast %broadcast_in_dim3A_3307 : vector<16x1xi32> to vector<16xi32>
      %gather3A_3309 = tpu.dynamic_gather %max3A_3299[%gather3A_3308] in [0] : vector<16xf32>, vector<16xi32> -> vector<16xf32>
      %lt3A_3310 = arith.constant 0 : i32
      %lt3A_3311 = vector.broadcast %lt3A_3310 : i32 to vector<16xi32>
      %lt3A_3312 = arith.cmpi slt, %max3A_12, %lt3A_3311 : vector<16xi32>
      %add3A_3313 = arith.constant 16 : i32
      %add3A_3314 = vector.broadcast %add3A_3313 : i32 to vector<16xi32>
      %add3A_3315 = arith.addi %max3A_12, %add3A_3314 : vector<16xi32>
      %select_n3A_3316 = arith.select %lt3A_3312, %add3A_3315, %max3A_12 : vector<16xi1>, vector<16xi32>
      %broadcast_in_dim3A_3317 = vector.shape_cast %select_n3A_3316 : vector<16xi32> to vector<16x1xi32>
      %gather3A_3318 = vector.shape_cast %broadcast_in_dim3A_3317 : vector<16x1xi32> to vector<16xi32>
      %gather3A_3319 = tpu.dynamic_gather %select_n3A_3298[%gather3A_3318] in [0] : vector<16xi32>, vector<16xi32> -> vector<16xi32>
      %lt3A_3320 = arith.constant 0 : i32
      %lt3A_3321 = vector.broadcast %lt3A_3320 : i32 to vector<16xi32>
      %lt3A_3322 = arith.cmpi slt, %max3A_12, %lt3A_3321 : vector<16xi32>
      %add3A_3323 = arith.constant 16 : i32
      %add3A_3324 = vector.broadcast %add3A_3323 : i32 to vector<16xi32>
      %add3A_3325 = arith.addi %max3A_12, %add3A_3324 : vector<16xi32>
      %select_n3A_3326 = arith.select %lt3A_3322, %add3A_3325, %max3A_12 : vector<16xi1>, vector<16xi32>
      %broadcast_in_dim3A_3327 = vector.shape_cast %select_n3A_3326 : vector<16xi32> to vector<16x1xi32>
      %gather3A_3328 = vector.shape_cast %broadcast_in_dim3A_3327 : vector<16x1xi32> to vector<16xi32>
      %gather3A_3329 = tpu.dynamic_gather %get3A_3255[%gather3A_3328] in [0] : vector<16xi32>, vector<16xi32> -> vector<16xi32>
      %eq3A_3330 = arith.cmpi eq, %get3A_3255, %gather3A_3329 : vector<16xi32>
      %jit3A_3331 = arith.constant 0xFF800000 : f32
      %broadcast_in_dim3A_3332 = vector.broadcast %jit3A_3331 : f32 to vector<16xf32>
      %select_n3A_3333 = arith.select %eq3A_3330, %gather3A_3309, %broadcast_in_dim3A_3332 : vector<16xi1>, vector<16xf32>
      %ge3A_3334 = arith.cmpf oge, %max3A_3299, %select_n3A_3333 : vector<16xf32>
      %select_n3A_3335 = arith.select %ge3A_3334, %select_n3A_3298, %gather3A_3319 : vector<16xi1>, vector<16xi32>
      %max3A_3336 = arith.maximumf %max3A_3299, %select_n3A_3333 : vector<16xf32>
      %lt3A_3337 = arith.constant 0 : i32
      %lt3A_3338 = vector.broadcast %lt3A_3337 : i32 to vector<16xi32>
      %lt3A_3339 = arith.cmpi slt, %max3A_18, %lt3A_3338 : vector<16xi32>
      %add3A_3340 = arith.constant 16 : i32
      %add3A_3341 = vector.broadcast %add3A_3340 : i32 to vector<16xi32>
      %add3A_3342 = arith.addi %max3A_18, %add3A_3341 : vector<16xi32>
      %select_n3A_3343 = arith.select %lt3A_3339, %add3A_3342, %max3A_18 : vector<16xi1>, vector<16xi32>
      %broadcast_in_dim3A_3344 = vector.shape_cast %select_n3A_3343 : vector<16xi32> to vector<16x1xi32>
      %gather3A_3345 = vector.shape_cast %broadcast_in_dim3A_3344 : vector<16x1xi32> to vector<16xi32>
      %gather3A_3346 = tpu.dynamic_gather %max3A_3336[%gather3A_3345] in [0] : vector<16xf32>, vector<16xi32> -> vector<16xf32>
      %lt3A_3347 = arith.constant 0 : i32
      %lt3A_3348 = vector.broadcast %lt3A_3347 : i32 to vector<16xi32>
      %lt3A_3349 = arith.cmpi slt, %max3A_18, %lt3A_3348 : vector<16xi32>
      %add3A_3350 = arith.constant 16 : i32
      %add3A_3351 = vector.broadcast %add3A_3350 : i32 to vector<16xi32>
      %add3A_3352 = arith.addi %max3A_18, %add3A_3351 : vector<16xi32>
      %select_n3A_3353 = arith.select %lt3A_3349, %add3A_3352, %max3A_18 : vector<16xi1>, vector<16xi32>
      %broadcast_in_dim3A_3354 = vector.shape_cast %select_n3A_3353 : vector<16xi32> to vector<16x1xi32>
      %gather3A_3355 = vector.shape_cast %broadcast_in_dim3A_3354 : vector<16x1xi32> to vector<16xi32>
      %gather3A_3356 = tpu.dynamic_gather %select_n3A_3335[%gather3A_3355] in [0] : vector<16xi32>, vector<16xi32> -> vector<16xi32>
      %lt3A_3357 = arith.constant 0 : i32
      %lt3A_3358 = vector.broadcast %lt3A_3357 : i32 to vector<16xi32>
      %lt3A_3359 = arith.cmpi slt, %max3A_18, %lt3A_3358 : vector<16xi32>
      %add3A_3360 = arith.constant 16 : i32
      %add3A_3361 = vector.broadcast %add3A_3360 : i32 to vector<16xi32>
      %add3A_3362 = arith.addi %max3A_18, %add3A_3361 : vector<16xi32>
      %select_n3A_3363 = arith.select %lt3A_3359, %add3A_3362, %max3A_18 : vector<16xi1>, vector<16xi32>
      %broadcast_in_dim3A_3364 = vector.shape_cast %select_n3A_3363 : vector<16xi32> to vector<16x1xi32>
      %gather3A_3365 = vector.shape_cast %broadcast_in_dim3A_3364 : vector<16x1xi32> to vector<16xi32>
      %gather3A_3366 = tpu.dynamic_gather %get3A_3255[%gather3A_3365] in [0] : vector<16xi32>, vector<16xi32> -> vector<16xi32>
      %eq3A_3367 = arith.cmpi eq, %get3A_3255, %gather3A_3366 : vector<16xi32>
      %jit3A_3368 = arith.constant 0xFF800000 : f32
      %broadcast_in_dim3A_3369 = vector.broadcast %jit3A_3368 : f32 to vector<16xf32>
      %select_n3A_3370 = arith.select %eq3A_3367, %gather3A_3346, %broadcast_in_dim3A_3369 : vector<16xi1>, vector<16xf32>
      %ge3A_3371 = arith.cmpf oge, %max3A_3336, %select_n3A_3370 : vector<16xf32>
      %select_n3A_3372 = arith.select %ge3A_3371, %select_n3A_3335, %gather3A_3356 : vector<16xi1>, vector<16xi32>
      %max3A_3373 = arith.maximumf %max3A_3336, %select_n3A_3370 : vector<16xf32>
      %lt3A_3374 = arith.constant 0 : i32
      %lt3A_3375 = vector.broadcast %lt3A_3374 : i32 to vector<16xi32>
      %lt3A_3376 = arith.cmpi slt, %max3A_24, %lt3A_3375 : vector<16xi32>
      %add3A_3377 = arith.constant 16 : i32
      %add3A_3378 = vector.broadcast %add3A_3377 : i32 to vector<16xi32>
      %add3A_3379 = arith.addi %max3A_24, %add3A_3378 : vector<16xi32>
      %select_n3A_3380 = arith.select %lt3A_3376, %add3A_3379, %max3A_24 : vector<16xi1>, vector<16xi32>
      %broadcast_in_dim3A_3381 = vector.shape_cast %select_n3A_3380 : vector<16xi32> to vector<16x1xi32>
      %gather3A_3382 = vector.shape_cast %broadcast_in_dim3A_3381 : vector<16x1xi32> to vector<16xi32>
      %gather3A_3383 = tpu.dynamic_gather %max3A_3373[%gather3A_3382] in [0] : vector<16xf32>, vector<16xi32> -> vector<16xf32>
      %lt3A_3384 = arith.constant 0 : i32
      %lt3A_3385 = vector.broadcast %lt3A_3384 : i32 to vector<16xi32>
      %lt3A_3386 = arith.cmpi slt, %max3A_24, %lt3A_3385 : vector<16xi32>
      %add3A_3387 = arith.constant 16 : i32
      %add3A_3388 = vector.broadcast %add3A_3387 : i32 to vector<16xi32>
      %add3A_3389 = arith.addi %max3A_24, %add3A_3388 : vector<16xi32>
      %select_n3A_3390 = arith.select %lt3A_3386, %add3A_3389, %max3A_24 : vector<16xi1>, vector<16xi32>
      %broadcast_in_dim3A_3391 = vector.shape_cast %select_n3A_3390 : vector<16xi32> to vector<16x1xi32>
      %gather3A_3392 = vector.shape_cast %broadcast_in_dim3A_3391 : vector<16x1xi32> to vector<16xi32>
      %gather3A_3393 = tpu.dynamic_gather %select_n3A_3372[%gather3A_3392] in [0] : vector<16xi32>, vector<16xi32> -> vector<16xi32>
      %lt3A_3394 = arith.constant 0 : i32
      %lt3A_3395 = vector.broadcast %lt3A_3394 : i32 to vector<16xi32>
      %lt3A_3396 = arith.cmpi slt, %max3A_24, %lt3A_3395 : vector<16xi32>
      %add3A_3397 = arith.constant 16 : i32
      %add3A_3398 = vector.broadcast %add3A_3397 : i32 to vector<16xi32>
      %add3A_3399 = arith.addi %max3A_24, %add3A_3398 : vector<16xi32>
      %select_n3A_3400 = arith.select %lt3A_3396, %add3A_3399, %max3A_24 : vector<16xi1>, vector<16xi32>
      %broadcast_in_dim3A_3401 = vector.shape_cast %select_n3A_3400 : vector<16xi32> to vector<16x1xi32>
      %gather3A_3402 = vector.shape_cast %broadcast_in_dim3A_3401 : vector<16x1xi32> to vector<16xi32>
      %gather3A_3403 = tpu.dynamic_gather %get3A_3255[%gather3A_3402] in [0] : vector<16xi32>, vector<16xi32> -> vector<16xi32>
      %eq3A_3404 = arith.cmpi eq, %get3A_3255, %gather3A_3403 : vector<16xi32>
      %jit3A_3405 = arith.constant 0xFF800000 : f32
      %broadcast_in_dim3A_3406 = vector.broadcast %jit3A_3405 : f32 to vector<16xf32>
      %select_n3A_3407 = arith.select %eq3A_3404, %gather3A_3383, %broadcast_in_dim3A_3406 : vector<16xi1>, vector<16xf32>
      %ge3A_3408 = arith.cmpf oge, %max3A_3373, %select_n3A_3407 : vector<16xf32>
      %select_n3A_3409 = arith.select %ge3A_3408, %select_n3A_3372, %gather3A_3393 : vector<16xi1>, vector<16xi32>
      %max3A_3410 = arith.maximumf %max3A_3373, %select_n3A_3407 : vector<16xf32>
      %eq3A_3411 = arith.cmpi eq, %get3A_3255, %gather3A_3228 : vector<16xi32>
      %jit3A_3412 = arith.constant 0xFF800000 : f32
      %broadcast_in_dim3A_3413 = vector.broadcast %jit3A_3412 : f32 to vector<16xf32>
      %select_n3A_3414 = arith.select %eq3A_3411, %gather3A_3238, %broadcast_in_dim3A_3413 : vector<16xi1>, vector<16xf32>
      %ge3A_3415 = arith.cmpf oge, %max3A_3410, %select_n3A_3414 : vector<16xf32>
      %select_n3A_3416 = arith.select %ge3A_3415, %select_n3A_3409, %gather3A_3248 : vector<16xi1>, vector<16xi32>
      %max3A_3417 = arith.maximumf %max3A_3410, %select_n3A_3414 : vector<16xf32>
      %ne3A_3418 = arith.cmpi ne, %get3A_3255, %get3A_3259 : vector<16xi32>
      %jit3A_3419 = arith.constant 1 : i32
      %jit3A_3420 = arith.constant 0 : i32
      %broadcast_in_dim3A_3421 = vector.broadcast %jit3A_3419 : i32 to vector<16xi32>
      %broadcast_in_dim3A_3422 = vector.broadcast %jit3A_3420 : i32 to vector<16xi32>
      %select_n3A_3423 = arith.select %ne3A_3418, %broadcast_in_dim3A_3421, %broadcast_in_dim3A_3422 : vector<16xi1>, vector<16xi32>
      %broadcast_in_dim3A_3424 = arith.constant true
      %broadcast_in_dim3A_3425 = vector.broadcast %broadcast_in_dim3A_3424 : i1 to vector<16xi1>
      %masked_cumsum3A_3426 = tpu.scan <sum>, %select_n3A_3423 masked %broadcast_in_dim3A_3425 : vector<16xi32>, vector<16xi1> -> vector<16xi32>
      %add3A_3427 = vector.broadcast %add3A_3249 : i32 to vector<16xi32>
      %add3A_3428 = arith.addi %add3A_3427, %masked_cumsum3A_3426 : vector<16xi32>
      tpu.vector_store_idx %arg10[%add3A_3428], %select_n3A_3416 masked %ne3A_3418 : memref<4112xi32, #tpu.memory_space<vmem>>[vector<16xi32>], vector<16xi32>, vector<16xi1>
      tpu.vector_store_idx %arg11[%add3A_3428], %max3A_3417 masked %ne3A_3418 : memref<4112xf32, #tpu.memory_space<vmem>>[vector<16xi32>], vector<16xf32>, vector<16xi1>
      %reduce_max3A_3429 = arith.constant true
      %reduce_max3A_3430 = vector.broadcast %reduce_max3A_3429 : i1 to vector<16xi1>
      %reduce_max3A_3431 = arith.constant -2147483648 : i32
      %reduce_max3A_3432 = vector.broadcast %reduce_max3A_3431 : i32 to vector<16xi32>
      %reduce_max3A_3433 = arith.xori %masked_cumsum3A_3426, %reduce_max3A_3432 : vector<16xi32>
      %reduce_max3A_3434 = tpu.scan <max>, %reduce_max3A_3433 masked %reduce_max3A_3430 : vector<16xi32>, vector<16xi1> -> vector<16xi32>
      %reduce_max3A_3435 = arith.xori %reduce_max3A_3434, %reduce_max3A_3432 : vector<16xi32>
      %reduce_max3A_3436 = vector.extract %reduce_max3A_3435[15] : i32 from vector<16xi32>
      %sub3A_3437 = arith.subf %get3A_3253, %get3A_25 : vector<16xf32>
      %max3A_3438 = arith.constant 0.000000e+00 : f32
      %max3A_3439 = vector.broadcast %max3A_3438 : f32 to vector<16xf32>
      %max3A_3440 = arith.maximumf %sub3A_3437, %max3A_3439 : vector<16xf32>
      %swap3A_3441 = arith.index_cast %add3A_3251 : i32 to index
      %swap3A_3442 = tpu.vector_load %arg8[%swap3A_3441] {strides = array<i32>} : memref<32768xf32, #tpu.memory_space<vmem>>, vector<16xf32>,
      tpu.vector_store %arg8[%swap3A_3441], %max3A_3440 {strides = array<i32>} : memref<32768xf32, #tpu.memory_space<vmem>>, vector<16xf32>,
      %lt3A_3443 = arith.constant 0 : i32
      %lt3A_3444 = vector.broadcast %lt3A_3443 : i32 to vector<16xi32>
      %lt3A_3445 = arith.cmpi slt, %broadcast_in_dim3A_2, %lt3A_3444 : vector<16xi32>
      %add3A_3446 = arith.constant 16 : i32
      %add3A_3447 = vector.broadcast %add3A_3446 : i32 to vector<16xi32>
      %add3A_3448 = arith.addi %broadcast_in_dim3A_2, %add3A_3447 : vector<16xi32>
      %select_n3A_3449 = arith.select %lt3A_3445, %add3A_3448, %broadcast_in_dim3A_2 : vector<16xi1>, vector<16xi32>
      %broadcast_in_dim3A_3450 = vector.shape_cast %select_n3A_3449 : vector<16xi32> to vector<16x1xi32>
      %gather3A_3451 = vector.shape_cast %broadcast_in_dim3A_3450 : vector<16x1xi32> to vector<16xi32>
      %gather3A_3452 = tpu.dynamic_gather %get3A_3255[%gather3A_3451] in [0] : vector<16xi32>, vector<16xi32> -> vector<16xi32>
      %lt3A_3453 = arith.constant 0 : i32
      %lt3A_3454 = vector.broadcast %lt3A_3453 : i32 to vector<16xi32>
      %lt3A_3455 = arith.cmpi slt, %broadcast_in_dim3A_2, %lt3A_3454 : vector<16xi32>
      %add3A_3456 = arith.constant 16 : i32
      %add3A_3457 = vector.broadcast %add3A_3456 : i32 to vector<16xi32>
      %add3A_3458 = arith.addi %broadcast_in_dim3A_2, %add3A_3457 : vector<16xi32>
      %select_n3A_3459 = arith.select %lt3A_3455, %add3A_3458, %broadcast_in_dim3A_2 : vector<16xi1>, vector<16xi32>
      %broadcast_in_dim3A_3460 = vector.shape_cast %select_n3A_3459 : vector<16xi32> to vector<16x1xi32>
      %gather3A_3461 = vector.shape_cast %broadcast_in_dim3A_3460 : vector<16x1xi32> to vector<16xi32>
      %gather3A_3462 = tpu.dynamic_gather %max3A_3417[%gather3A_3461] in [0] : vector<16xf32>, vector<16xi32> -> vector<16xf32>
      %lt3A_3463 = arith.constant 0 : i32
      %lt3A_3464 = vector.broadcast %lt3A_3463 : i32 to vector<16xi32>
      %lt3A_3465 = arith.cmpi slt, %broadcast_in_dim3A_2, %lt3A_3464 : vector<16xi32>
      %add3A_3466 = arith.constant 16 : i32
      %add3A_3467 = vector.broadcast %add3A_3466 : i32 to vector<16xi32>
      %add3A_3468 = arith.addi %broadcast_in_dim3A_2, %add3A_3467 : vector<16xi32>
      %select_n3A_3469 = arith.select %lt3A_3465, %add3A_3468, %broadcast_in_dim3A_2 : vector<16xi1>, vector<16xi32>
      %broadcast_in_dim3A_3470 = vector.shape_cast %select_n3A_3469 : vector<16xi32> to vector<16x1xi32>
      %gather3A_3471 = vector.shape_cast %broadcast_in_dim3A_3470 : vector<16x1xi32> to vector<16xi32>
      %gather3A_3472 = tpu.dynamic_gather %select_n3A_3416[%gather3A_3471] in [0] : vector<16xi32>, vector<16xi32> -> vector<16xi32>
      %add3A_3473 = arith.addi %add3A_3249, %reduce_max3A_3436 : i32
      %add3A_3474 = arith.constant 224 : i32
      %add3A_3475 = arith.addi %mul3A_339, %add3A_3474 : i32
      %get3A_3476 = arith.index_cast %add3A_3475 : i32 to index
      %get3A_3477 = tpu.vector_load %arg8[%get3A_3476] {strides = array<i32>} : memref<32768xf32, #tpu.memory_space<vmem>>, vector<16xf32>,
      %get3A_3478 = arith.index_cast %add3A_3475 : i32 to index
      %get3A_3479 = tpu.vector_load %arg9[%get3A_3478] {strides = array<i32>} : memref<32784xi32, #tpu.memory_space<vmem>>, vector<16xi32>,
      %add3A_3480 = arith.constant 1 : i32
      %add3A_3481 = arith.addi %add3A_3475, %add3A_3480 : i32
      %get3A_3482 = arith.index_cast %add3A_3481 : i32 to index
      %get3A_3483 = tpu.vector_load %arg9[%get3A_3482] {strides = array<i32>} : memref<32784xi32, #tpu.memory_space<vmem>>, vector<16xi32>,
      %add3A_3484 = arith.addi %add3A_332, %add3A_3475 : i32
      %add3A_3485 = vector.broadcast %add3A_3484 : i32 to vector<16xi32>
      %add3A_3486 = arith.addi %iota3A, %add3A_3485 : vector<16xi32>
      %lt3A_3487 = arith.constant 0 : i32
      %lt3A_3488 = vector.broadcast %lt3A_3487 : i32 to vector<16xi32>
      %lt3A_3489 = arith.cmpi slt, %max3A_6, %lt3A_3488 : vector<16xi32>
      %add3A_3490 = arith.constant 16 : i32
      %add3A_3491 = vector.broadcast %add3A_3490 : i32 to vector<16xi32>
      %add3A_3492 = arith.addi %max3A_6, %add3A_3491 : vector<16xi32>
      %select_n3A_3493 = arith.select %lt3A_3489, %add3A_3492, %max3A_6 : vector<16xi1>, vector<16xi32>
      %broadcast_in_dim3A_3494 = vector.shape_cast %select_n3A_3493 : vector<16xi32> to vector<16x1xi32>
      %gather3A_3495 = vector.shape_cast %broadcast_in_dim3A_3494 : vector<16x1xi32> to vector<16xi32>
      %gather3A_3496 = tpu.dynamic_gather %get3A_3477[%gather3A_3495] in [0] : vector<16xf32>, vector<16xi32> -> vector<16xf32>
      %lt3A_3497 = arith.constant 0 : i32
      %lt3A_3498 = vector.broadcast %lt3A_3497 : i32 to vector<16xi32>
      %lt3A_3499 = arith.cmpi slt, %max3A_6, %lt3A_3498 : vector<16xi32>
      %add3A_3500 = arith.constant 16 : i32
      %add3A_3501 = vector.broadcast %add3A_3500 : i32 to vector<16xi32>
      %add3A_3502 = arith.addi %max3A_6, %add3A_3501 : vector<16xi32>
      %select_n3A_3503 = arith.select %lt3A_3499, %add3A_3502, %max3A_6 : vector<16xi1>, vector<16xi32>
      %broadcast_in_dim3A_3504 = vector.shape_cast %select_n3A_3503 : vector<16xi32> to vector<16x1xi32>
      %gather3A_3505 = vector.shape_cast %broadcast_in_dim3A_3504 : vector<16x1xi32> to vector<16xi32>
      %gather3A_3506 = tpu.dynamic_gather %add3A_3486[%gather3A_3505] in [0] : vector<16xi32>, vector<16xi32> -> vector<16xi32>
      %lt3A_3507 = arith.constant 0 : i32
      %lt3A_3508 = vector.broadcast %lt3A_3507 : i32 to vector<16xi32>
      %lt3A_3509 = arith.cmpi slt, %max3A_6, %lt3A_3508 : vector<16xi32>
      %add3A_3510 = arith.constant 16 : i32
      %add3A_3511 = vector.broadcast %add3A_3510 : i32 to vector<16xi32>
      %add3A_3512 = arith.addi %max3A_6, %add3A_3511 : vector<16xi32>
      %select_n3A_3513 = arith.select %lt3A_3509, %add3A_3512, %max3A_6 : vector<16xi1>, vector<16xi32>
      %broadcast_in_dim3A_3514 = vector.shape_cast %select_n3A_3513 : vector<16xi32> to vector<16x1xi32>
      %gather3A_3515 = vector.shape_cast %broadcast_in_dim3A_3514 : vector<16x1xi32> to vector<16xi32>
      %gather3A_3516 = tpu.dynamic_gather %get3A_3479[%gather3A_3515] in [0] : vector<16xi32>, vector<16xi32> -> vector<16xi32>
      %eq3A_3517 = arith.cmpi eq, %get3A_3479, %gather3A_3516 : vector<16xi32>
      %jit3A_3518 = arith.constant 0xFF800000 : f32
      %broadcast_in_dim3A_3519 = vector.broadcast %jit3A_3518 : f32 to vector<16xf32>
      %select_n3A_3520 = arith.select %eq3A_3517, %gather3A_3496, %broadcast_in_dim3A_3519 : vector<16xi1>, vector<16xf32>
      %ge3A_3521 = arith.cmpf oge, %get3A_3477, %select_n3A_3520 : vector<16xf32>
      %select_n3A_3522 = arith.select %ge3A_3521, %add3A_3486, %gather3A_3506 : vector<16xi1>, vector<16xi32>
      %max3A_3523 = arith.maximumf %get3A_3477, %select_n3A_3520 : vector<16xf32>
      %lt3A_3524 = arith.constant 0 : i32
      %lt3A_3525 = vector.broadcast %lt3A_3524 : i32 to vector<16xi32>
      %lt3A_3526 = arith.cmpi slt, %max3A_12, %lt3A_3525 : vector<16xi32>
      %add3A_3527 = arith.constant 16 : i32
      %add3A_3528 = vector.broadcast %add3A_3527 : i32 to vector<16xi32>
      %add3A_3529 = arith.addi %max3A_12, %add3A_3528 : vector<16xi32>
      %select_n3A_3530 = arith.select %lt3A_3526, %add3A_3529, %max3A_12 : vector<16xi1>, vector<16xi32>
      %broadcast_in_dim3A_3531 = vector.shape_cast %select_n3A_3530 : vector<16xi32> to vector<16x1xi32>
      %gather3A_3532 = vector.shape_cast %broadcast_in_dim3A_3531 : vector<16x1xi32> to vector<16xi32>
      %gather3A_3533 = tpu.dynamic_gather %max3A_3523[%gather3A_3532] in [0] : vector<16xf32>, vector<16xi32> -> vector<16xf32>
      %lt3A_3534 = arith.constant 0 : i32
      %lt3A_3535 = vector.broadcast %lt3A_3534 : i32 to vector<16xi32>
      %lt3A_3536 = arith.cmpi slt, %max3A_12, %lt3A_3535 : vector<16xi32>
      %add3A_3537 = arith.constant 16 : i32
      %add3A_3538 = vector.broadcast %add3A_3537 : i32 to vector<16xi32>
      %add3A_3539 = arith.addi %max3A_12, %add3A_3538 : vector<16xi32>
      %select_n3A_3540 = arith.select %lt3A_3536, %add3A_3539, %max3A_12 : vector<16xi1>, vector<16xi32>
      %broadcast_in_dim3A_3541 = vector.shape_cast %select_n3A_3540 : vector<16xi32> to vector<16x1xi32>
      %gather3A_3542 = vector.shape_cast %broadcast_in_dim3A_3541 : vector<16x1xi32> to vector<16xi32>
      %gather3A_3543 = tpu.dynamic_gather %select_n3A_3522[%gather3A_3542] in [0] : vector<16xi32>, vector<16xi32> -> vector<16xi32>
      %lt3A_3544 = arith.constant 0 : i32
      %lt3A_3545 = vector.broadcast %lt3A_3544 : i32 to vector<16xi32>
      %lt3A_3546 = arith.cmpi slt, %max3A_12, %lt3A_3545 : vector<16xi32>
      %add3A_3547 = arith.constant 16 : i32
      %add3A_3548 = vector.broadcast %add3A_3547 : i32 to vector<16xi32>
      %add3A_3549 = arith.addi %max3A_12, %add3A_3548 : vector<16xi32>
      %select_n3A_3550 = arith.select %lt3A_3546, %add3A_3549, %max3A_12 : vector<16xi1>, vector<16xi32>
      %broadcast_in_dim3A_3551 = vector.shape_cast %select_n3A_3550 : vector<16xi32> to vector<16x1xi32>
      %gather3A_3552 = vector.shape_cast %broadcast_in_dim3A_3551 : vector<16x1xi32> to vector<16xi32>
      %gather3A_3553 = tpu.dynamic_gather %get3A_3479[%gather3A_3552] in [0] : vector<16xi32>, vector<16xi32> -> vector<16xi32>
      %eq3A_3554 = arith.cmpi eq, %get3A_3479, %gather3A_3553 : vector<16xi32>
      %jit3A_3555 = arith.constant 0xFF800000 : f32
      %broadcast_in_dim3A_3556 = vector.broadcast %jit3A_3555 : f32 to vector<16xf32>
      %select_n3A_3557 = arith.select %eq3A_3554, %gather3A_3533, %broadcast_in_dim3A_3556 : vector<16xi1>, vector<16xf32>
      %ge3A_3558 = arith.cmpf oge, %max3A_3523, %select_n3A_3557 : vector<16xf32>
      %select_n3A_3559 = arith.select %ge3A_3558, %select_n3A_3522, %gather3A_3543 : vector<16xi1>, vector<16xi32>
      %max3A_3560 = arith.maximumf %max3A_3523, %select_n3A_3557 : vector<16xf32>
      %lt3A_3561 = arith.constant 0 : i32
      %lt3A_3562 = vector.broadcast %lt3A_3561 : i32 to vector<16xi32>
      %lt3A_3563 = arith.cmpi slt, %max3A_18, %lt3A_3562 : vector<16xi32>
      %add3A_3564 = arith.constant 16 : i32
      %add3A_3565 = vector.broadcast %add3A_3564 : i32 to vector<16xi32>
      %add3A_3566 = arith.addi %max3A_18, %add3A_3565 : vector<16xi32>
      %select_n3A_3567 = arith.select %lt3A_3563, %add3A_3566, %max3A_18 : vector<16xi1>, vector<16xi32>
      %broadcast_in_dim3A_3568 = vector.shape_cast %select_n3A_3567 : vector<16xi32> to vector<16x1xi32>
      %gather3A_3569 = vector.shape_cast %broadcast_in_dim3A_3568 : vector<16x1xi32> to vector<16xi32>
      %gather3A_3570 = tpu.dynamic_gather %max3A_3560[%gather3A_3569] in [0] : vector<16xf32>, vector<16xi32> -> vector<16xf32>
      %lt3A_3571 = arith.constant 0 : i32
      %lt3A_3572 = vector.broadcast %lt3A_3571 : i32 to vector<16xi32>
      %lt3A_3573 = arith.cmpi slt, %max3A_18, %lt3A_3572 : vector<16xi32>
      %add3A_3574 = arith.constant 16 : i32
      %add3A_3575 = vector.broadcast %add3A_3574 : i32 to vector<16xi32>
      %add3A_3576 = arith.addi %max3A_18, %add3A_3575 : vector<16xi32>
      %select_n3A_3577 = arith.select %lt3A_3573, %add3A_3576, %max3A_18 : vector<16xi1>, vector<16xi32>
      %broadcast_in_dim3A_3578 = vector.shape_cast %select_n3A_3577 : vector<16xi32> to vector<16x1xi32>
      %gather3A_3579 = vector.shape_cast %broadcast_in_dim3A_3578 : vector<16x1xi32> to vector<16xi32>
      %gather3A_3580 = tpu.dynamic_gather %select_n3A_3559[%gather3A_3579] in [0] : vector<16xi32>, vector<16xi32> -> vector<16xi32>
      %lt3A_3581 = arith.constant 0 : i32
      %lt3A_3582 = vector.broadcast %lt3A_3581 : i32 to vector<16xi32>
      %lt3A_3583 = arith.cmpi slt, %max3A_18, %lt3A_3582 : vector<16xi32>
      %add3A_3584 = arith.constant 16 : i32
      %add3A_3585 = vector.broadcast %add3A_3584 : i32 to vector<16xi32>
      %add3A_3586 = arith.addi %max3A_18, %add3A_3585 : vector<16xi32>
      %select_n3A_3587 = arith.select %lt3A_3583, %add3A_3586, %max3A_18 : vector<16xi1>, vector<16xi32>
      %broadcast_in_dim3A_3588 = vector.shape_cast %select_n3A_3587 : vector<16xi32> to vector<16x1xi32>
      %gather3A_3589 = vector.shape_cast %broadcast_in_dim3A_3588 : vector<16x1xi32> to vector<16xi32>
      %gather3A_3590 = tpu.dynamic_gather %get3A_3479[%gather3A_3589] in [0] : vector<16xi32>, vector<16xi32> -> vector<16xi32>
      %eq3A_3591 = arith.cmpi eq, %get3A_3479, %gather3A_3590 : vector<16xi32>
      %jit3A_3592 = arith.constant 0xFF800000 : f32
      %broadcast_in_dim3A_3593 = vector.broadcast %jit3A_3592 : f32 to vector<16xf32>
      %select_n3A_3594 = arith.select %eq3A_3591, %gather3A_3570, %broadcast_in_dim3A_3593 : vector<16xi1>, vector<16xf32>
      %ge3A_3595 = arith.cmpf oge, %max3A_3560, %select_n3A_3594 : vector<16xf32>
      %select_n3A_3596 = arith.select %ge3A_3595, %select_n3A_3559, %gather3A_3580 : vector<16xi1>, vector<16xi32>
      %max3A_3597 = arith.maximumf %max3A_3560, %select_n3A_3594 : vector<16xf32>
      %lt3A_3598 = arith.constant 0 : i32
      %lt3A_3599 = vector.broadcast %lt3A_3598 : i32 to vector<16xi32>
      %lt3A_3600 = arith.cmpi slt, %max3A_24, %lt3A_3599 : vector<16xi32>
      %add3A_3601 = arith.constant 16 : i32
      %add3A_3602 = vector.broadcast %add3A_3601 : i32 to vector<16xi32>
      %add3A_3603 = arith.addi %max3A_24, %add3A_3602 : vector<16xi32>
      %select_n3A_3604 = arith.select %lt3A_3600, %add3A_3603, %max3A_24 : vector<16xi1>, vector<16xi32>
      %broadcast_in_dim3A_3605 = vector.shape_cast %select_n3A_3604 : vector<16xi32> to vector<16x1xi32>
      %gather3A_3606 = vector.shape_cast %broadcast_in_dim3A_3605 : vector<16x1xi32> to vector<16xi32>
      %gather3A_3607 = tpu.dynamic_gather %max3A_3597[%gather3A_3606] in [0] : vector<16xf32>, vector<16xi32> -> vector<16xf32>
      %lt3A_3608 = arith.constant 0 : i32
      %lt3A_3609 = vector.broadcast %lt3A_3608 : i32 to vector<16xi32>
      %lt3A_3610 = arith.cmpi slt, %max3A_24, %lt3A_3609 : vector<16xi32>
      %add3A_3611 = arith.constant 16 : i32
      %add3A_3612 = vector.broadcast %add3A_3611 : i32 to vector<16xi32>
      %add3A_3613 = arith.addi %max3A_24, %add3A_3612 : vector<16xi32>
      %select_n3A_3614 = arith.select %lt3A_3610, %add3A_3613, %max3A_24 : vector<16xi1>, vector<16xi32>
      %broadcast_in_dim3A_3615 = vector.shape_cast %select_n3A_3614 : vector<16xi32> to vector<16x1xi32>
      %gather3A_3616 = vector.shape_cast %broadcast_in_dim3A_3615 : vector<16x1xi32> to vector<16xi32>
      %gather3A_3617 = tpu.dynamic_gather %select_n3A_3596[%gather3A_3616] in [0] : vector<16xi32>, vector<16xi32> -> vector<16xi32>
      %lt3A_3618 = arith.constant 0 : i32
      %lt3A_3619 = vector.broadcast %lt3A_3618 : i32 to vector<16xi32>
      %lt3A_3620 = arith.cmpi slt, %max3A_24, %lt3A_3619 : vector<16xi32>
      %add3A_3621 = arith.constant 16 : i32
      %add3A_3622 = vector.broadcast %add3A_3621 : i32 to vector<16xi32>
      %add3A_3623 = arith.addi %max3A_24, %add3A_3622 : vector<16xi32>
      %select_n3A_3624 = arith.select %lt3A_3620, %add3A_3623, %max3A_24 : vector<16xi1>, vector<16xi32>
      %broadcast_in_dim3A_3625 = vector.shape_cast %select_n3A_3624 : vector<16xi32> to vector<16x1xi32>
      %gather3A_3626 = vector.shape_cast %broadcast_in_dim3A_3625 : vector<16x1xi32> to vector<16xi32>
      %gather3A_3627 = tpu.dynamic_gather %get3A_3479[%gather3A_3626] in [0] : vector<16xi32>, vector<16xi32> -> vector<16xi32>
      %eq3A_3628 = arith.cmpi eq, %get3A_3479, %gather3A_3627 : vector<16xi32>
      %jit3A_3629 = arith.constant 0xFF800000 : f32
      %broadcast_in_dim3A_3630 = vector.broadcast %jit3A_3629 : f32 to vector<16xf32>
      %select_n3A_3631 = arith.select %eq3A_3628, %gather3A_3607, %broadcast_in_dim3A_3630 : vector<16xi1>, vector<16xf32>
      %ge3A_3632 = arith.cmpf oge, %max3A_3597, %select_n3A_3631 : vector<16xf32>
      %select_n3A_3633 = arith.select %ge3A_3632, %select_n3A_3596, %gather3A_3617 : vector<16xi1>, vector<16xi32>
      %max3A_3634 = arith.maximumf %max3A_3597, %select_n3A_3631 : vector<16xf32>
      %eq3A_3635 = arith.cmpi eq, %get3A_3479, %gather3A_3452 : vector<16xi32>
      %jit3A_3636 = arith.constant 0xFF800000 : f32
      %broadcast_in_dim3A_3637 = vector.broadcast %jit3A_3636 : f32 to vector<16xf32>
      %select_n3A_3638 = arith.select %eq3A_3635, %gather3A_3462, %broadcast_in_dim3A_3637 : vector<16xi1>, vector<16xf32>
      %ge3A_3639 = arith.cmpf oge, %max3A_3634, %select_n3A_3638 : vector<16xf32>
      %select_n3A_3640 = arith.select %ge3A_3639, %select_n3A_3633, %gather3A_3472 : vector<16xi1>, vector<16xi32>
      %max3A_3641 = arith.maximumf %max3A_3634, %select_n3A_3638 : vector<16xf32>
      %ne3A_3642 = arith.cmpi ne, %get3A_3479, %get3A_3483 : vector<16xi32>
      %jit3A_3643 = arith.constant 1 : i32
      %jit3A_3644 = arith.constant 0 : i32
      %broadcast_in_dim3A_3645 = vector.broadcast %jit3A_3643 : i32 to vector<16xi32>
      %broadcast_in_dim3A_3646 = vector.broadcast %jit3A_3644 : i32 to vector<16xi32>
      %select_n3A_3647 = arith.select %ne3A_3642, %broadcast_in_dim3A_3645, %broadcast_in_dim3A_3646 : vector<16xi1>, vector<16xi32>
      %broadcast_in_dim3A_3648 = arith.constant true
      %broadcast_in_dim3A_3649 = vector.broadcast %broadcast_in_dim3A_3648 : i1 to vector<16xi1>
      %masked_cumsum3A_3650 = tpu.scan <sum>, %select_n3A_3647 masked %broadcast_in_dim3A_3649 : vector<16xi32>, vector<16xi1> -> vector<16xi32>
      %add3A_3651 = vector.broadcast %add3A_3473 : i32 to vector<16xi32>
      %add3A_3652 = arith.addi %add3A_3651, %masked_cumsum3A_3650 : vector<16xi32>
      tpu.vector_store_idx %arg10[%add3A_3652], %select_n3A_3640 masked %ne3A_3642 : memref<4112xi32, #tpu.memory_space<vmem>>[vector<16xi32>], vector<16xi32>, vector<16xi1>
      tpu.vector_store_idx %arg11[%add3A_3652], %max3A_3641 masked %ne3A_3642 : memref<4112xf32, #tpu.memory_space<vmem>>[vector<16xi32>], vector<16xf32>, vector<16xi1>
      %reduce_max3A_3653 = arith.constant true
      %reduce_max3A_3654 = vector.broadcast %reduce_max3A_3653 : i1 to vector<16xi1>
      %reduce_max3A_3655 = arith.constant -2147483648 : i32
      %reduce_max3A_3656 = vector.broadcast %reduce_max3A_3655 : i32 to vector<16xi32>
      %reduce_max3A_3657 = arith.xori %masked_cumsum3A_3650, %reduce_max3A_3656 : vector<16xi32>
      %reduce_max3A_3658 = tpu.scan <max>, %reduce_max3A_3657 masked %reduce_max3A_3654 : vector<16xi32>, vector<16xi1> -> vector<16xi32>
      %reduce_max3A_3659 = arith.xori %reduce_max3A_3658, %reduce_max3A_3656 : vector<16xi32>
      %reduce_max3A_3660 = vector.extract %reduce_max3A_3659[15] : i32 from vector<16xi32>
      %sub3A_3661 = arith.subf %get3A_3477, %get3A_25 : vector<16xf32>
      %max3A_3662 = arith.constant 0.000000e+00 : f32
      %max3A_3663 = vector.broadcast %max3A_3662 : f32 to vector<16xf32>
      %max3A_3664 = arith.maximumf %sub3A_3661, %max3A_3663 : vector<16xf32>
      %swap3A_3665 = arith.index_cast %add3A_3475 : i32 to index
      %swap3A_3666 = tpu.vector_load %arg8[%swap3A_3665] {strides = array<i32>} : memref<32768xf32, #tpu.memory_space<vmem>>, vector<16xf32>,
      tpu.vector_store %arg8[%swap3A_3665], %max3A_3664 {strides = array<i32>} : memref<32768xf32, #tpu.memory_space<vmem>>, vector<16xf32>,
      %lt3A_3667 = arith.constant 0 : i32
      %lt3A_3668 = vector.broadcast %lt3A_3667 : i32 to vector<16xi32>
      %lt3A_3669 = arith.cmpi slt, %broadcast_in_dim3A_2, %lt3A_3668 : vector<16xi32>
      %add3A_3670 = arith.constant 16 : i32
      %add3A_3671 = vector.broadcast %add3A_3670 : i32 to vector<16xi32>
      %add3A_3672 = arith.addi %broadcast_in_dim3A_2, %add3A_3671 : vector<16xi32>
      %select_n3A_3673 = arith.select %lt3A_3669, %add3A_3672, %broadcast_in_dim3A_2 : vector<16xi1>, vector<16xi32>
      %broadcast_in_dim3A_3674 = vector.shape_cast %select_n3A_3673 : vector<16xi32> to vector<16x1xi32>
      %gather3A_3675 = vector.shape_cast %broadcast_in_dim3A_3674 : vector<16x1xi32> to vector<16xi32>
      %gather3A_3676 = tpu.dynamic_gather %get3A_3479[%gather3A_3675] in [0] : vector<16xi32>, vector<16xi32> -> vector<16xi32>
      %lt3A_3677 = arith.constant 0 : i32
      %lt3A_3678 = vector.broadcast %lt3A_3677 : i32 to vector<16xi32>
      %lt3A_3679 = arith.cmpi slt, %broadcast_in_dim3A_2, %lt3A_3678 : vector<16xi32>
      %add3A_3680 = arith.constant 16 : i32
      %add3A_3681 = vector.broadcast %add3A_3680 : i32 to vector<16xi32>
      %add3A_3682 = arith.addi %broadcast_in_dim3A_2, %add3A_3681 : vector<16xi32>
      %select_n3A_3683 = arith.select %lt3A_3679, %add3A_3682, %broadcast_in_dim3A_2 : vector<16xi1>, vector<16xi32>
      %broadcast_in_dim3A_3684 = vector.shape_cast %select_n3A_3683 : vector<16xi32> to vector<16x1xi32>
      %gather3A_3685 = vector.shape_cast %broadcast_in_dim3A_3684 : vector<16x1xi32> to vector<16xi32>
      %gather3A_3686 = tpu.dynamic_gather %max3A_3641[%gather3A_3685] in [0] : vector<16xf32>, vector<16xi32> -> vector<16xf32>
      %lt3A_3687 = arith.constant 0 : i32
      %lt3A_3688 = vector.broadcast %lt3A_3687 : i32 to vector<16xi32>
      %lt3A_3689 = arith.cmpi slt, %broadcast_in_dim3A_2, %lt3A_3688 : vector<16xi32>
      %add3A_3690 = arith.constant 16 : i32
      %add3A_3691 = vector.broadcast %add3A_3690 : i32 to vector<16xi32>
      %add3A_3692 = arith.addi %broadcast_in_dim3A_2, %add3A_3691 : vector<16xi32>
      %select_n3A_3693 = arith.select %lt3A_3689, %add3A_3692, %broadcast_in_dim3A_2 : vector<16xi1>, vector<16xi32>
      %broadcast_in_dim3A_3694 = vector.shape_cast %select_n3A_3693 : vector<16xi32> to vector<16x1xi32>
      %gather3A_3695 = vector.shape_cast %broadcast_in_dim3A_3694 : vector<16x1xi32> to vector<16xi32>
      %gather3A_3696 = tpu.dynamic_gather %select_n3A_3640[%gather3A_3695] in [0] : vector<16xi32>, vector<16xi32> -> vector<16xi32>
      %add3A_3697 = arith.addi %add3A_3473, %reduce_max3A_3660 : i32
      %add3A_3698 = arith.constant 240 : i32
      %add3A_3699 = arith.addi %mul3A_339, %add3A_3698 : i32
      %get3A_3700 = arith.index_cast %add3A_3699 : i32 to index
      %get3A_3701 = tpu.vector_load %arg8[%get3A_3700] {strides = array<i32>} : memref<32768xf32, #tpu.memory_space<vmem>>, vector<16xf32>,
      %get3A_3702 = arith.index_cast %add3A_3699 : i32 to index
      %get3A_3703 = tpu.vector_load %arg9[%get3A_3702] {strides = array<i32>} : memref<32784xi32, #tpu.memory_space<vmem>>, vector<16xi32>,
      %add3A_3704 = arith.constant 1 : i32
      %add3A_3705 = arith.addi %add3A_3699, %add3A_3704 : i32
      %get3A_3706 = arith.index_cast %add3A_3705 : i32 to index
      %get3A_3707 = tpu.vector_load %arg9[%get3A_3706] {strides = array<i32>} : memref<32784xi32, #tpu.memory_space<vmem>>, vector<16xi32>,
      %add3A_3708 = arith.addi %add3A_332, %add3A_3699 : i32
      %add3A_3709 = vector.broadcast %add3A_3708 : i32 to vector<16xi32>
      %add3A_3710 = arith.addi %iota3A, %add3A_3709 : vector<16xi32>
      %lt3A_3711 = arith.constant 0 : i32
      %lt3A_3712 = vector.broadcast %lt3A_3711 : i32 to vector<16xi32>
      %lt3A_3713 = arith.cmpi slt, %max3A_6, %lt3A_3712 : vector<16xi32>
      %add3A_3714 = arith.constant 16 : i32
      %add3A_3715 = vector.broadcast %add3A_3714 : i32 to vector<16xi32>
      %add3A_3716 = arith.addi %max3A_6, %add3A_3715 : vector<16xi32>
      %select_n3A_3717 = arith.select %lt3A_3713, %add3A_3716, %max3A_6 : vector<16xi1>, vector<16xi32>
      %broadcast_in_dim3A_3718 = vector.shape_cast %select_n3A_3717 : vector<16xi32> to vector<16x1xi32>
      %gather3A_3719 = vector.shape_cast %broadcast_in_dim3A_3718 : vector<16x1xi32> to vector<16xi32>
      %gather3A_3720 = tpu.dynamic_gather %get3A_3701[%gather3A_3719] in [0] : vector<16xf32>, vector<16xi32> -> vector<16xf32>
      %lt3A_3721 = arith.constant 0 : i32
      %lt3A_3722 = vector.broadcast %lt3A_3721 : i32 to vector<16xi32>
      %lt3A_3723 = arith.cmpi slt, %max3A_6, %lt3A_3722 : vector<16xi32>
      %add3A_3724 = arith.constant 16 : i32
      %add3A_3725 = vector.broadcast %add3A_3724 : i32 to vector<16xi32>
      %add3A_3726 = arith.addi %max3A_6, %add3A_3725 : vector<16xi32>
      %select_n3A_3727 = arith.select %lt3A_3723, %add3A_3726, %max3A_6 : vector<16xi1>, vector<16xi32>
      %broadcast_in_dim3A_3728 = vector.shape_cast %select_n3A_3727 : vector<16xi32> to vector<16x1xi32>
      %gather3A_3729 = vector.shape_cast %broadcast_in_dim3A_3728 : vector<16x1xi32> to vector<16xi32>
      %gather3A_3730 = tpu.dynamic_gather %add3A_3710[%gather3A_3729] in [0] : vector<16xi32>, vector<16xi32> -> vector<16xi32>
      %lt3A_3731 = arith.constant 0 : i32
      %lt3A_3732 = vector.broadcast %lt3A_3731 : i32 to vector<16xi32>
      %lt3A_3733 = arith.cmpi slt, %max3A_6, %lt3A_3732 : vector<16xi32>
      %add3A_3734 = arith.constant 16 : i32
      %add3A_3735 = vector.broadcast %add3A_3734 : i32 to vector<16xi32>
      %add3A_3736 = arith.addi %max3A_6, %add3A_3735 : vector<16xi32>
      %select_n3A_3737 = arith.select %lt3A_3733, %add3A_3736, %max3A_6 : vector<16xi1>, vector<16xi32>
      %broadcast_in_dim3A_3738 = vector.shape_cast %select_n3A_3737 : vector<16xi32> to vector<16x1xi32>
      %gather3A_3739 = vector.shape_cast %broadcast_in_dim3A_3738 : vector<16x1xi32> to vector<16xi32>
      %gather3A_3740 = tpu.dynamic_gather %get3A_3703[%gather3A_3739] in [0] : vector<16xi32>, vector<16xi32> -> vector<16xi32>
      %eq3A_3741 = arith.cmpi eq, %get3A_3703, %gather3A_3740 : vector<16xi32>
      %jit3A_3742 = arith.constant 0xFF800000 : f32
      %broadcast_in_dim3A_3743 = vector.broadcast %jit3A_3742 : f32 to vector<16xf32>
      %select_n3A_3744 = arith.select %eq3A_3741, %gather3A_3720, %broadcast_in_dim3A_3743 : vector<16xi1>, vector<16xf32>
      %ge3A_3745 = arith.cmpf oge, %get3A_3701, %select_n3A_3744 : vector<16xf32>
      %select_n3A_3746 = arith.select %ge3A_3745, %add3A_3710, %gather3A_3730 : vector<16xi1>, vector<16xi32>
      %max3A_3747 = arith.maximumf %get3A_3701, %select_n3A_3744 : vector<16xf32>
      %lt3A_3748 = arith.constant 0 : i32
      %lt3A_3749 = vector.broadcast %lt3A_3748 : i32 to vector<16xi32>
      %lt3A_3750 = arith.cmpi slt, %max3A_12, %lt3A_3749 : vector<16xi32>
      %add3A_3751 = arith.constant 16 : i32
      %add3A_3752 = vector.broadcast %add3A_3751 : i32 to vector<16xi32>
      %add3A_3753 = arith.addi %max3A_12, %add3A_3752 : vector<16xi32>
      %select_n3A_3754 = arith.select %lt3A_3750, %add3A_3753, %max3A_12 : vector<16xi1>, vector<16xi32>
      %broadcast_in_dim3A_3755 = vector.shape_cast %select_n3A_3754 : vector<16xi32> to vector<16x1xi32>
      %gather3A_3756 = vector.shape_cast %broadcast_in_dim3A_3755 : vector<16x1xi32> to vector<16xi32>
      %gather3A_3757 = tpu.dynamic_gather %max3A_3747[%gather3A_3756] in [0] : vector<16xf32>, vector<16xi32> -> vector<16xf32>
      %lt3A_3758 = arith.constant 0 : i32
      %lt3A_3759 = vector.broadcast %lt3A_3758 : i32 to vector<16xi32>
      %lt3A_3760 = arith.cmpi slt, %max3A_12, %lt3A_3759 : vector<16xi32>
      %add3A_3761 = arith.constant 16 : i32
      %add3A_3762 = vector.broadcast %add3A_3761 : i32 to vector<16xi32>
      %add3A_3763 = arith.addi %max3A_12, %add3A_3762 : vector<16xi32>
      %select_n3A_3764 = arith.select %lt3A_3760, %add3A_3763, %max3A_12 : vector<16xi1>, vector<16xi32>
      %broadcast_in_dim3A_3765 = vector.shape_cast %select_n3A_3764 : vector<16xi32> to vector<16x1xi32>
      %gather3A_3766 = vector.shape_cast %broadcast_in_dim3A_3765 : vector<16x1xi32> to vector<16xi32>
      %gather3A_3767 = tpu.dynamic_gather %select_n3A_3746[%gather3A_3766] in [0] : vector<16xi32>, vector<16xi32> -> vector<16xi32>
      %lt3A_3768 = arith.constant 0 : i32
      %lt3A_3769 = vector.broadcast %lt3A_3768 : i32 to vector<16xi32>
      %lt3A_3770 = arith.cmpi slt, %max3A_12, %lt3A_3769 : vector<16xi32>
      %add3A_3771 = arith.constant 16 : i32
      %add3A_3772 = vector.broadcast %add3A_3771 : i32 to vector<16xi32>
      %add3A_3773 = arith.addi %max3A_12, %add3A_3772 : vector<16xi32>
      %select_n3A_3774 = arith.select %lt3A_3770, %add3A_3773, %max3A_12 : vector<16xi1>, vector<16xi32>
      %broadcast_in_dim3A_3775 = vector.shape_cast %select_n3A_3774 : vector<16xi32> to vector<16x1xi32>
      %gather3A_3776 = vector.shape_cast %broadcast_in_dim3A_3775 : vector<16x1xi32> to vector<16xi32>
      %gather3A_3777 = tpu.dynamic_gather %get3A_3703[%gather3A_3776] in [0] : vector<16xi32>, vector<16xi32> -> vector<16xi32>
      %eq3A_3778 = arith.cmpi eq, %get3A_3703, %gather3A_3777 : vector<16xi32>
      %jit3A_3779 = arith.constant 0xFF800000 : f32
      %broadcast_in_dim3A_3780 = vector.broadcast %jit3A_3779 : f32 to vector<16xf32>
      %select_n3A_3781 = arith.select %eq3A_3778, %gather3A_3757, %broadcast_in_dim3A_3780 : vector<16xi1>, vector<16xf32>
      %ge3A_3782 = arith.cmpf oge, %max3A_3747, %select_n3A_3781 : vector<16xf32>
      %select_n3A_3783 = arith.select %ge3A_3782, %select_n3A_3746, %gather3A_3767 : vector<16xi1>, vector<16xi32>
      %max3A_3784 = arith.maximumf %max3A_3747, %select_n3A_3781 : vector<16xf32>
      %lt3A_3785 = arith.constant 0 : i32
      %lt3A_3786 = vector.broadcast %lt3A_3785 : i32 to vector<16xi32>
      %lt3A_3787 = arith.cmpi slt, %max3A_18, %lt3A_3786 : vector<16xi32>
      %add3A_3788 = arith.constant 16 : i32
      %add3A_3789 = vector.broadcast %add3A_3788 : i32 to vector<16xi32>
      %add3A_3790 = arith.addi %max3A_18, %add3A_3789 : vector<16xi32>
      %select_n3A_3791 = arith.select %lt3A_3787, %add3A_3790, %max3A_18 : vector<16xi1>, vector<16xi32>
      %broadcast_in_dim3A_3792 = vector.shape_cast %select_n3A_3791 : vector<16xi32> to vector<16x1xi32>
      %gather3A_3793 = vector.shape_cast %broadcast_in_dim3A_3792 : vector<16x1xi32> to vector<16xi32>
      %gather3A_3794 = tpu.dynamic_gather %max3A_3784[%gather3A_3793] in [0] : vector<16xf32>, vector<16xi32> -> vector<16xf32>
      %lt3A_3795 = arith.constant 0 : i32
      %lt3A_3796 = vector.broadcast %lt3A_3795 : i32 to vector<16xi32>
      %lt3A_3797 = arith.cmpi slt, %max3A_18, %lt3A_3796 : vector<16xi32>
      %add3A_3798 = arith.constant 16 : i32
      %add3A_3799 = vector.broadcast %add3A_3798 : i32 to vector<16xi32>
      %add3A_3800 = arith.addi %max3A_18, %add3A_3799 : vector<16xi32>
      %select_n3A_3801 = arith.select %lt3A_3797, %add3A_3800, %max3A_18 : vector<16xi1>, vector<16xi32>
      %broadcast_in_dim3A_3802 = vector.shape_cast %select_n3A_3801 : vector<16xi32> to vector<16x1xi32>
      %gather3A_3803 = vector.shape_cast %broadcast_in_dim3A_3802 : vector<16x1xi32> to vector<16xi32>
      %gather3A_3804 = tpu.dynamic_gather %select_n3A_3783[%gather3A_3803] in [0] : vector<16xi32>, vector<16xi32> -> vector<16xi32>
      %lt3A_3805 = arith.constant 0 : i32
      %lt3A_3806 = vector.broadcast %lt3A_3805 : i32 to vector<16xi32>
      %lt3A_3807 = arith.cmpi slt, %max3A_18, %lt3A_3806 : vector<16xi32>
      %add3A_3808 = arith.constant 16 : i32
      %add3A_3809 = vector.broadcast %add3A_3808 : i32 to vector<16xi32>
      %add3A_3810 = arith.addi %max3A_18, %add3A_3809 : vector<16xi32>
      %select_n3A_3811 = arith.select %lt3A_3807, %add3A_3810, %max3A_18 : vector<16xi1>, vector<16xi32>
      %broadcast_in_dim3A_3812 = vector.shape_cast %select_n3A_3811 : vector<16xi32> to vector<16x1xi32>
      %gather3A_3813 = vector.shape_cast %broadcast_in_dim3A_3812 : vector<16x1xi32> to vector<16xi32>
      %gather3A_3814 = tpu.dynamic_gather %get3A_3703[%gather3A_3813] in [0] : vector<16xi32>, vector<16xi32> -> vector<16xi32>
      %eq3A_3815 = arith.cmpi eq, %get3A_3703, %gather3A_3814 : vector<16xi32>
      %jit3A_3816 = arith.constant 0xFF800000 : f32
      %broadcast_in_dim3A_3817 = vector.broadcast %jit3A_3816 : f32 to vector<16xf32>
      %select_n3A_3818 = arith.select %eq3A_3815, %gather3A_3794, %broadcast_in_dim3A_3817 : vector<16xi1>, vector<16xf32>
      %ge3A_3819 = arith.cmpf oge, %max3A_3784, %select_n3A_3818 : vector<16xf32>
      %select_n3A_3820 = arith.select %ge3A_3819, %select_n3A_3783, %gather3A_3804 : vector<16xi1>, vector<16xi32>
      %max3A_3821 = arith.maximumf %max3A_3784, %select_n3A_3818 : vector<16xf32>
      %lt3A_3822 = arith.constant 0 : i32
      %lt3A_3823 = vector.broadcast %lt3A_3822 : i32 to vector<16xi32>
      %lt3A_3824 = arith.cmpi slt, %max3A_24, %lt3A_3823 : vector<16xi32>
      %add3A_3825 = arith.constant 16 : i32
      %add3A_3826 = vector.broadcast %add3A_3825 : i32 to vector<16xi32>
      %add3A_3827 = arith.addi %max3A_24, %add3A_3826 : vector<16xi32>
      %select_n3A_3828 = arith.select %lt3A_3824, %add3A_3827, %max3A_24 : vector<16xi1>, vector<16xi32>
      %broadcast_in_dim3A_3829 = vector.shape_cast %select_n3A_3828 : vector<16xi32> to vector<16x1xi32>
      %gather3A_3830 = vector.shape_cast %broadcast_in_dim3A_3829 : vector<16x1xi32> to vector<16xi32>
      %gather3A_3831 = tpu.dynamic_gather %max3A_3821[%gather3A_3830] in [0] : vector<16xf32>, vector<16xi32> -> vector<16xf32>
      %lt3A_3832 = arith.constant 0 : i32
      %lt3A_3833 = vector.broadcast %lt3A_3832 : i32 to vector<16xi32>
      %lt3A_3834 = arith.cmpi slt, %max3A_24, %lt3A_3833 : vector<16xi32>
      %add3A_3835 = arith.constant 16 : i32
      %add3A_3836 = vector.broadcast %add3A_3835 : i32 to vector<16xi32>
      %add3A_3837 = arith.addi %max3A_24, %add3A_3836 : vector<16xi32>
      %select_n3A_3838 = arith.select %lt3A_3834, %add3A_3837, %max3A_24 : vector<16xi1>, vector<16xi32>
      %broadcast_in_dim3A_3839 = vector.shape_cast %select_n3A_3838 : vector<16xi32> to vector<16x1xi32>
      %gather3A_3840 = vector.shape_cast %broadcast_in_dim3A_3839 : vector<16x1xi32> to vector<16xi32>
      %gather3A_3841 = tpu.dynamic_gather %select_n3A_3820[%gather3A_3840] in [0] : vector<16xi32>, vector<16xi32> -> vector<16xi32>
      %lt3A_3842 = arith.constant 0 : i32
      %lt3A_3843 = vector.broadcast %lt3A_3842 : i32 to vector<16xi32>
      %lt3A_3844 = arith.cmpi slt, %max3A_24, %lt3A_3843 : vector<16xi32>
      %add3A_3845 = arith.constant 16 : i32
      %add3A_3846 = vector.broadcast %add3A_3845 : i32 to vector<16xi32>
      %add3A_3847 = arith.addi %max3A_24, %add3A_3846 : vector<16xi32>
      %select_n3A_3848 = arith.select %lt3A_3844, %add3A_3847, %max3A_24 : vector<16xi1>, vector<16xi32>
      %broadcast_in_dim3A_3849 = vector.shape_cast %select_n3A_3848 : vector<16xi32> to vector<16x1xi32>
      %gather3A_3850 = vector.shape_cast %broadcast_in_dim3A_3849 : vector<16x1xi32> to vector<16xi32>
      %gather3A_3851 = tpu.dynamic_gather %get3A_3703[%gather3A_3850] in [0] : vector<16xi32>, vector<16xi32> -> vector<16xi32>
      %eq3A_3852 = arith.cmpi eq, %get3A_3703, %gather3A_3851 : vector<16xi32>
      %jit3A_3853 = arith.constant 0xFF800000 : f32
      %broadcast_in_dim3A_3854 = vector.broadcast %jit3A_3853 : f32 to vector<16xf32>
      %select_n3A_3855 = arith.select %eq3A_3852, %gather3A_3831, %broadcast_in_dim3A_3854 : vector<16xi1>, vector<16xf32>
      %ge3A_3856 = arith.cmpf oge, %max3A_3821, %select_n3A_3855 : vector<16xf32>
      %select_n3A_3857 = arith.select %ge3A_3856, %select_n3A_3820, %gather3A_3841 : vector<16xi1>, vector<16xi32>
      %max3A_3858 = arith.maximumf %max3A_3821, %select_n3A_3855 : vector<16xf32>
      %eq3A_3859 = arith.cmpi eq, %get3A_3703, %gather3A_3676 : vector<16xi32>
      %jit3A_3860 = arith.constant 0xFF800000 : f32
      %broadcast_in_dim3A_3861 = vector.broadcast %jit3A_3860 : f32 to vector<16xf32>
      %select_n3A_3862 = arith.select %eq3A_3859, %gather3A_3686, %broadcast_in_dim3A_3861 : vector<16xi1>, vector<16xf32>
      %ge3A_3863 = arith.cmpf oge, %max3A_3858, %select_n3A_3862 : vector<16xf32>
      %select_n3A_3864 = arith.select %ge3A_3863, %select_n3A_3857, %gather3A_3696 : vector<16xi1>, vector<16xi32>
      %max3A_3865 = arith.maximumf %max3A_3858, %select_n3A_3862 : vector<16xf32>
      %ne3A_3866 = arith.cmpi ne, %get3A_3703, %get3A_3707 : vector<16xi32>
      %jit3A_3867 = arith.constant 1 : i32
      %jit3A_3868 = arith.constant 0 : i32
      %broadcast_in_dim3A_3869 = vector.broadcast %jit3A_3867 : i32 to vector<16xi32>
      %broadcast_in_dim3A_3870 = vector.broadcast %jit3A_3868 : i32 to vector<16xi32>
      %select_n3A_3871 = arith.select %ne3A_3866, %broadcast_in_dim3A_3869, %broadcast_in_dim3A_3870 : vector<16xi1>, vector<16xi32>
      %broadcast_in_dim3A_3872 = arith.constant true
      %broadcast_in_dim3A_3873 = vector.broadcast %broadcast_in_dim3A_3872 : i1 to vector<16xi1>
      %masked_cumsum3A_3874 = tpu.scan <sum>, %select_n3A_3871 masked %broadcast_in_dim3A_3873 : vector<16xi32>, vector<16xi1> -> vector<16xi32>
      %add3A_3875 = vector.broadcast %add3A_3697 : i32 to vector<16xi32>
      %add3A_3876 = arith.addi %add3A_3875, %masked_cumsum3A_3874 : vector<16xi32>
      tpu.vector_store_idx %arg10[%add3A_3876], %select_n3A_3864 masked %ne3A_3866 : memref<4112xi32, #tpu.memory_space<vmem>>[vector<16xi32>], vector<16xi32>, vector<16xi1>
      tpu.vector_store_idx %arg11[%add3A_3876], %max3A_3865 masked %ne3A_3866 : memref<4112xf32, #tpu.memory_space<vmem>>[vector<16xi32>], vector<16xf32>, vector<16xi1>
      %reduce_max3A_3877 = arith.constant true
      %reduce_max3A_3878 = vector.broadcast %reduce_max3A_3877 : i1 to vector<16xi1>
      %reduce_max3A_3879 = arith.constant -2147483648 : i32
      %reduce_max3A_3880 = vector.broadcast %reduce_max3A_3879 : i32 to vector<16xi32>
      %reduce_max3A_3881 = arith.xori %masked_cumsum3A_3874, %reduce_max3A_3880 : vector<16xi32>
      %reduce_max3A_3882 = tpu.scan <max>, %reduce_max3A_3881 masked %reduce_max3A_3878 : vector<16xi32>, vector<16xi1> -> vector<16xi32>
      %reduce_max3A_3883 = arith.xori %reduce_max3A_3882, %reduce_max3A_3880 : vector<16xi32>
      %reduce_max3A_3884 = vector.extract %reduce_max3A_3883[15] : i32 from vector<16xi32>
      %sub3A_3885 = arith.subf %get3A_3701, %get3A_25 : vector<16xf32>
      %max3A_3886 = arith.constant 0.000000e+00 : f32
      %max3A_3887 = vector.broadcast %max3A_3886 : f32 to vector<16xf32>
      %max3A_3888 = arith.maximumf %sub3A_3885, %max3A_3887 : vector<16xf32>
      %swap3A_3889 = arith.index_cast %add3A_3699 : i32 to index
      %swap3A_3890 = tpu.vector_load %arg8[%swap3A_3889] {strides = array<i32>} : memref<32768xf32, #tpu.memory_space<vmem>>, vector<16xf32>,
      tpu.vector_store %arg8[%swap3A_3889], %max3A_3888 {strides = array<i32>} : memref<32768xf32, #tpu.memory_space<vmem>>, vector<16xf32>,
      %lt3A_3891 = arith.constant 0 : i32
      %lt3A_3892 = vector.broadcast %lt3A_3891 : i32 to vector<16xi32>
      %lt3A_3893 = arith.cmpi slt, %broadcast_in_dim3A_2, %lt3A_3892 : vector<16xi32>
      %add3A_3894 = arith.constant 16 : i32
      %add3A_3895 = vector.broadcast %add3A_3894 : i32 to vector<16xi32>
      %add3A_3896 = arith.addi %broadcast_in_dim3A_2, %add3A_3895 : vector<16xi32>
      %select_n3A_3897 = arith.select %lt3A_3893, %add3A_3896, %broadcast_in_dim3A_2 : vector<16xi1>, vector<16xi32>
      %broadcast_in_dim3A_3898 = vector.shape_cast %select_n3A_3897 : vector<16xi32> to vector<16x1xi32>
      %gather3A_3899 = vector.shape_cast %broadcast_in_dim3A_3898 : vector<16x1xi32> to vector<16xi32>
      %gather3A_3900 = tpu.dynamic_gather %get3A_3703[%gather3A_3899] in [0] : vector<16xi32>, vector<16xi32> -> vector<16xi32>
      %lt3A_3901 = arith.constant 0 : i32
      %lt3A_3902 = vector.broadcast %lt3A_3901 : i32 to vector<16xi32>
      %lt3A_3903 = arith.cmpi slt, %broadcast_in_dim3A_2, %lt3A_3902 : vector<16xi32>
      %add3A_3904 = arith.constant 16 : i32
      %add3A_3905 = vector.broadcast %add3A_3904 : i32 to vector<16xi32>
      %add3A_3906 = arith.addi %broadcast_in_dim3A_2, %add3A_3905 : vector<16xi32>
      %select_n3A_3907 = arith.select %lt3A_3903, %add3A_3906, %broadcast_in_dim3A_2 : vector<16xi1>, vector<16xi32>
      %broadcast_in_dim3A_3908 = vector.shape_cast %select_n3A_3907 : vector<16xi32> to vector<16x1xi32>
      %gather3A_3909 = vector.shape_cast %broadcast_in_dim3A_3908 : vector<16x1xi32> to vector<16xi32>
      %gather3A_3910 = tpu.dynamic_gather %max3A_3865[%gather3A_3909] in [0] : vector<16xf32>, vector<16xi32> -> vector<16xf32>
      %lt3A_3911 = arith.constant 0 : i32
      %lt3A_3912 = vector.broadcast %lt3A_3911 : i32 to vector<16xi32>
      %lt3A_3913 = arith.cmpi slt, %broadcast_in_dim3A_2, %lt3A_3912 : vector<16xi32>
      %add3A_3914 = arith.constant 16 : i32
      %add3A_3915 = vector.broadcast %add3A_3914 : i32 to vector<16xi32>
      %add3A_3916 = arith.addi %broadcast_in_dim3A_2, %add3A_3915 : vector<16xi32>
      %select_n3A_3917 = arith.select %lt3A_3913, %add3A_3916, %broadcast_in_dim3A_2 : vector<16xi1>, vector<16xi32>
      %broadcast_in_dim3A_3918 = vector.shape_cast %select_n3A_3917 : vector<16xi32> to vector<16x1xi32>
      %gather3A_3919 = vector.shape_cast %broadcast_in_dim3A_3918 : vector<16x1xi32> to vector<16xi32>
      %gather3A_3920 = tpu.dynamic_gather %select_n3A_3864[%gather3A_3919] in [0] : vector<16xi32>, vector<16xi32> -> vector<16xi32>
      %add3A_3921 = arith.addi %add3A_3697, %reduce_max3A_3884 : i32
      %eq3A_3922 = arith.constant 127 : i32
      %eq3A_3923 = arith.cmpi eq, %sub3A_327, %eq3A_3922 : i32
      %convert_element_type3A_3924 = arith.extui %eq3A_3923 : i1 to i32
      %cond3A_3925 = arith.constant 0 : i32
      %cond3A_3926 = arith.cmpi ne, %convert_element_type3A_3924, %cond3A_3925 : i32
      scf.if %cond3A_3926 {
        "tpu.region"() ({
          %run_scoped3A = tpu.sem_alloc : memref<!tpu.dma_semaphore, #tpu.memory_space<semaphore_mem>>
          %dma_start3A = arith.constant 0 : i32
          %dma_start3A_3927 = tpu.memref_slice %arg8[%dma_start3A] : memref<32768xf32, #tpu.memory_space<vmem>> -> memref<32768xf32, #tpu.memory_space<vmem>>
          %dma_start3A_3928 = tpu.memref_slice %arg5[%add3A_332] : memref<1048576xf32, #tpu.memory_space<hbm>> -> memref<32768xf32, #tpu.memory_space<hbm>>
          %dma_start3A_3929 = tpu.memref_slice %arg5[%add3A_332] : memref<1048576xf32, #tpu.memory_space<hbm>> -> memref<32768xf32, #tpu.memory_space<hbm>>
          %dma_start3A_3930 = arith.constant 0 : i32
          %dma_start3A_3931 = tpu.memref_slice %arg8[%dma_start3A_3930] : memref<32768xf32, #tpu.memory_space<vmem>> -> memref<32768xf32, #tpu.memory_space<vmem>>
          tpu.enqueue_dma source(%dma_start3A_3931 : memref<32768xf32, #tpu.memory_space<vmem>>) target(%dma_start3A_3929 : memref<32768xf32, #tpu.memory_space<hbm>>) target_semaphore(%run_scoped3A : memref<!tpu.dma_semaphore, #tpu.memory_space<semaphore_mem>>)
          %dma_wait3A = arith.constant 0 : i32
          %dma_wait3A_3932 = tpu.memref_slice %arg8[%dma_wait3A] : memref<32768xf32, #tpu.memory_space<vmem>> -> memref<32768xf32, #tpu.memory_space<vmem>>
          %dma_wait3A_3933 = tpu.memref_slice %arg5[%add3A_332] : memref<1048576xf32, #tpu.memory_space<hbm>> -> memref<32768xf32, #tpu.memory_space<hbm>>
          %dma_wait3A_3934 = tpu.memref_slice %arg5[%add3A_332] : memref<1048576xf32, #tpu.memory_space<hbm>> -> memref<32768xf32, #tpu.memory_space<hbm>>
          %dma_wait3A_3935 = arith.constant 0 : i32
          %dma_wait3A_3936 = tpu.memref_slice %arg8[%dma_wait3A_3935] : memref<32768xf32, #tpu.memory_space<vmem>> -> memref<32768xf32, #tpu.memory_space<vmem>>
          tpu.wait_dma2 semaphore(%run_scoped3A : memref<!tpu.dma_semaphore, #tpu.memory_space<semaphore_mem>>) src(%dma_wait3A_3936 : memref<32768xf32, #tpu.memory_space<vmem>>) dst(%dma_wait3A_3934 : memref<32768xf32, #tpu.memory_space<hbm>>)
          tpu.yield
        }) : () -> ()
      } else {
      }
      scf.yield %gather3A_3900, %gather3A_3910, %gather3A_3920, %add3A_3921 : vector<16xi32>, vector<16xf32>, vector<16xi32>, i32
    }
    %scan3A_37 = arith.constant 256 : i32
    %add3A = arith.constant 1 : i32
    %add3A_38 = arith.addi %scan3A_36#3, %add3A : i32
    %mul3A = arith.constant 65536 : i32
    %mul3A_39 = arith.muli %arg1, %mul3A : i32
    "tpu.region"() ({
      %run_scoped3A = tpu.sem_alloc : memref<!tpu.dma_semaphore, #tpu.memory_space<semaphore_mem>>
      %dma_start3A = arith.constant 0 : i32
      %dma_start3A_296 = tpu.memref_slice %arg9[%dma_start3A] : memref<32784xi32, #tpu.memory_space<vmem>> -> memref<16xi32, #tpu.memory_space<vmem>>
      %dma_start3A_297 = tpu.memref_slice %arg3[%mul3A_39] : memref<1048576xi32, #tpu.memory_space<hbm>> -> memref<16xi32, #tpu.memory_space<hbm>>
      %dma_start3A_298 = arith.constant 0 : i32
      %dma_start3A_299 = tpu.memref_slice %arg9[%dma_start3A_298] : memref<32784xi32, #tpu.memory_space<vmem>> -> memref<16xi32, #tpu.memory_space<vmem>>
      %dma_start3A_300 = tpu.memref_slice %arg3[%mul3A_39] : memref<1048576xi32, #tpu.memory_space<hbm>> -> memref<16xi32, #tpu.memory_space<hbm>>
      tpu.enqueue_dma source(%dma_start3A_300 : memref<16xi32, #tpu.memory_space<hbm>>) target(%dma_start3A_299 : memref<16xi32, #tpu.memory_space<vmem>>) target_semaphore(%run_scoped3A : memref<!tpu.dma_semaphore, #tpu.memory_space<semaphore_mem>>)
      %dma_wait3A = arith.constant 0 : i32
      %dma_wait3A_301 = tpu.memref_slice %arg9[%dma_wait3A] : memref<32784xi32, #tpu.memory_space<vmem>> -> memref<16xi32, #tpu.memory_space<vmem>>
      %dma_wait3A_302 = tpu.memref_slice %arg3[%mul3A_39] : memref<1048576xi32, #tpu.memory_space<hbm>> -> memref<16xi32, #tpu.memory_space<hbm>>
      %dma_wait3A_303 = arith.constant 0 : i32
      %dma_wait3A_304 = tpu.memref_slice %arg9[%dma_wait3A_303] : memref<32784xi32, #tpu.memory_space<vmem>> -> memref<16xi32, #tpu.memory_space<vmem>>
      %dma_wait3A_305 = tpu.memref_slice %arg3[%mul3A_39] : memref<1048576xi32, #tpu.memory_space<hbm>> -> memref<16xi32, #tpu.memory_space<hbm>>
      tpu.wait_dma2 semaphore(%run_scoped3A : memref<!tpu.dma_semaphore, #tpu.memory_space<semaphore_mem>>) src(%dma_wait3A_305 : memref<16xi32, #tpu.memory_space<hbm>>) dst(%dma_wait3A_304 : memref<16xi32, #tpu.memory_space<vmem>>)
      tpu.yield
    }) : () -> ()
    %get3A_40 = arith.constant 0 : index
    %get3A_41 = tpu.vector_load %arg9[%get3A_40] {strides = array<i32>} : memref<32784xi32, #tpu.memory_space<vmem>>, vector<16xi32>,
    %lt3A = arith.constant 0 : i32
    %lt3A_42 = vector.broadcast %lt3A : i32 to vector<16xi32>
    %lt3A_43 = arith.cmpi slt, %broadcast_in_dim3A_0, %lt3A_42 : vector<16xi32>
    %add3A_44 = arith.constant 16 : i32
    %add3A_45 = vector.broadcast %add3A_44 : i32 to vector<16xi32>
    %add3A_46 = arith.addi %broadcast_in_dim3A_0, %add3A_45 : vector<16xi32>
    %select_n3A = arith.select %lt3A_43, %add3A_46, %broadcast_in_dim3A_0 : vector<16xi1>, vector<16xi32>
    %broadcast_in_dim3A_47 = vector.shape_cast %select_n3A : vector<16xi32> to vector<16x1xi32>
    %gather3A = vector.shape_cast %broadcast_in_dim3A_47 : vector<16x1xi32> to vector<16xi32>
    %gather3A_48 = tpu.dynamic_gather %get3A_41[%gather3A] in [0] : vector<16xi32>, vector<16xi32> -> vector<16xi32>
    %add3A_49 = arith.constant 1 : i32
    %add3A_50 = arith.addi %arg1, %add3A_49 : i32
    %mul3A_51 = arith.constant 65536 : i32
    %mul3A_52 = arith.muli %add3A_50, %mul3A_51 : i32
    %sub3A_53 = arith.constant 16 : i32
    %sub3A_54 = arith.subi %mul3A_52, %sub3A_53 : i32
    "tpu.region"() ({
      %run_scoped3A = tpu.sem_alloc : memref<!tpu.dma_semaphore, #tpu.memory_space<semaphore_mem>>
      %dma_start3A = arith.constant 16 : i32
      %dma_start3A_296 = tpu.memref_slice %arg9[%dma_start3A] : memref<32784xi32, #tpu.memory_space<vmem>> -> memref<16xi32, #tpu.memory_space<vmem>>
      %dma_start3A_297 = tpu.memref_slice %arg3[%sub3A_54] : memref<1048576xi32, #tpu.memory_space<hbm>> -> memref<16xi32, #tpu.memory_space<hbm>>
      %dma_start3A_298 = arith.constant 16 : i32
      %dma_start3A_299 = tpu.memref_slice %arg9[%dma_start3A_298] : memref<32784xi32, #tpu.memory_space<vmem>> -> memref<16xi32, #tpu.memory_space<vmem>>
      %dma_start3A_300 = tpu.memref_slice %arg3[%sub3A_54] : memref<1048576xi32, #tpu.memory_space<hbm>> -> memref<16xi32, #tpu.memory_space<hbm>>
      tpu.enqueue_dma source(%dma_start3A_300 : memref<16xi32, #tpu.memory_space<hbm>>) target(%dma_start3A_299 : memref<16xi32, #tpu.memory_space<vmem>>) target_semaphore(%run_scoped3A : memref<!tpu.dma_semaphore, #tpu.memory_space<semaphore_mem>>)
      %dma_wait3A = arith.constant 16 : i32
      %dma_wait3A_301 = tpu.memref_slice %arg9[%dma_wait3A] : memref<32784xi32, #tpu.memory_space<vmem>> -> memref<16xi32, #tpu.memory_space<vmem>>
      %dma_wait3A_302 = tpu.memref_slice %arg3[%sub3A_54] : memref<1048576xi32, #tpu.memory_space<hbm>> -> memref<16xi32, #tpu.memory_space<hbm>>
      %dma_wait3A_303 = arith.constant 16 : i32
      %dma_wait3A_304 = tpu.memref_slice %arg9[%dma_wait3A_303] : memref<32784xi32, #tpu.memory_space<vmem>> -> memref<16xi32, #tpu.memory_space<vmem>>
      %dma_wait3A_305 = tpu.memref_slice %arg3[%sub3A_54] : memref<1048576xi32, #tpu.memory_space<hbm>> -> memref<16xi32, #tpu.memory_space<hbm>>
      tpu.wait_dma2 semaphore(%run_scoped3A : memref<!tpu.dma_semaphore, #tpu.memory_space<semaphore_mem>>) src(%dma_wait3A_305 : memref<16xi32, #tpu.memory_space<hbm>>) dst(%dma_wait3A_304 : memref<16xi32, #tpu.memory_space<vmem>>)
      tpu.yield
    }) : () -> ()
    %get3A_55 = arith.constant 16 : index
    %get3A_56 = tpu.vector_load %arg9[%get3A_55] {strides = array<i32>} : memref<32784xi32, #tpu.memory_space<vmem>>, vector<16xi32>,
    %lt3A_57 = arith.constant 0 : i32
    %lt3A_58 = vector.broadcast %lt3A_57 : i32 to vector<16xi32>
    %lt3A_59 = arith.cmpi slt, %broadcast_in_dim3A_2, %lt3A_58 : vector<16xi32>
    %add3A_60 = arith.constant 16 : i32
    %add3A_61 = vector.broadcast %add3A_60 : i32 to vector<16xi32>
    %add3A_62 = arith.addi %broadcast_in_dim3A_2, %add3A_61 : vector<16xi32>
    %select_n3A_63 = arith.select %lt3A_59, %add3A_62, %broadcast_in_dim3A_2 : vector<16xi1>, vector<16xi32>
    %broadcast_in_dim3A_64 = vector.shape_cast %select_n3A_63 : vector<16xi32> to vector<16x1xi32>
    %gather3A_65 = vector.shape_cast %broadcast_in_dim3A_64 : vector<16x1xi32> to vector<16xi32>
    %gather3A_66 = tpu.dynamic_gather %get3A_56[%gather3A_65] in [0] : vector<16xi32>, vector<16xi32> -> vector<16xi32>
    %eq3A = arith.constant 15 : i32
    %eq3A_67 = arith.cmpi eq, %arg1, %eq3A : i32
    %add3A_68 = arith.constant 1 : i32
    %add3A_69 = arith.addi %arg1, %add3A_68 : i32
    %mul3A_70 = arith.constant 65536 : i32
    %mul3A_71 = arith.muli %add3A_69, %mul3A_70 : i32
    %jit3A = arith.constant 0 : i32
    %select_n3A_72 = arith.select %eq3A_67, %jit3A, %mul3A_71 : i32
    "tpu.region"() ({
      %run_scoped3A = tpu.sem_alloc : memref<!tpu.dma_semaphore, #tpu.memory_space<semaphore_mem>>
      %dma_start3A = arith.constant 32 : i32
      %dma_start3A_296 = tpu.memref_slice %arg9[%dma_start3A] : memref<32784xi32, #tpu.memory_space<vmem>> -> memref<16xi32, #tpu.memory_space<vmem>>
      %dma_start3A_297 = tpu.memref_slice %arg3[%select_n3A_72] : memref<1048576xi32, #tpu.memory_space<hbm>> -> memref<16xi32, #tpu.memory_space<hbm>>
      %dma_start3A_298 = arith.constant 32 : i32
      %dma_start3A_299 = tpu.memref_slice %arg9[%dma_start3A_298] : memref<32784xi32, #tpu.memory_space<vmem>> -> memref<16xi32, #tpu.memory_space<vmem>>
      %dma_start3A_300 = tpu.memref_slice %arg3[%select_n3A_72] : memref<1048576xi32, #tpu.memory_space<hbm>> -> memref<16xi32, #tpu.memory_space<hbm>>
      tpu.enqueue_dma source(%dma_start3A_300 : memref<16xi32, #tpu.memory_space<hbm>>) target(%dma_start3A_299 : memref<16xi32, #tpu.memory_space<vmem>>) target_semaphore(%run_scoped3A : memref<!tpu.dma_semaphore, #tpu.memory_space<semaphore_mem>>)
      %dma_wait3A = arith.constant 32 : i32
      %dma_wait3A_301 = tpu.memref_slice %arg9[%dma_wait3A] : memref<32784xi32, #tpu.memory_space<vmem>> -> memref<16xi32, #tpu.memory_space<vmem>>
      %dma_wait3A_302 = tpu.memref_slice %arg3[%select_n3A_72] : memref<1048576xi32, #tpu.memory_space<hbm>> -> memref<16xi32, #tpu.memory_space<hbm>>
      %dma_wait3A_303 = arith.constant 32 : i32
      %dma_wait3A_304 = tpu.memref_slice %arg9[%dma_wait3A_303] : memref<32784xi32, #tpu.memory_space<vmem>> -> memref<16xi32, #tpu.memory_space<vmem>>
      %dma_wait3A_305 = tpu.memref_slice %arg3[%select_n3A_72] : memref<1048576xi32, #tpu.memory_space<hbm>> -> memref<16xi32, #tpu.memory_space<hbm>>
      tpu.wait_dma2 semaphore(%run_scoped3A : memref<!tpu.dma_semaphore, #tpu.memory_space<semaphore_mem>>) src(%dma_wait3A_305 : memref<16xi32, #tpu.memory_space<hbm>>) dst(%dma_wait3A_304 : memref<16xi32, #tpu.memory_space<vmem>>)
      tpu.yield
    }) : () -> ()
    %get3A_73 = arith.constant 32 : index
    %get3A_74 = tpu.vector_load %arg9[%get3A_73] {strides = array<i32>} : memref<32784xi32, #tpu.memory_space<vmem>>, vector<16xi32>,
    %lt3A_75 = arith.constant 0 : i32
    %lt3A_76 = vector.broadcast %lt3A_75 : i32 to vector<16xi32>
    %lt3A_77 = arith.cmpi slt, %broadcast_in_dim3A_0, %lt3A_76 : vector<16xi32>
    %add3A_78 = arith.constant 16 : i32
    %add3A_79 = vector.broadcast %add3A_78 : i32 to vector<16xi32>
    %add3A_80 = arith.addi %broadcast_in_dim3A_0, %add3A_79 : vector<16xi32>
    %select_n3A_81 = arith.select %lt3A_77, %add3A_80, %broadcast_in_dim3A_0 : vector<16xi1>, vector<16xi32>
    %broadcast_in_dim3A_82 = vector.shape_cast %select_n3A_81 : vector<16xi32> to vector<16x1xi32>
    %gather3A_83 = vector.shape_cast %broadcast_in_dim3A_82 : vector<16x1xi32> to vector<16xi32>
    %gather3A_84 = tpu.dynamic_gather %get3A_74[%gather3A_83] in [0] : vector<16xi32>, vector<16xi32> -> vector<16xi32>
    %sub3A_85 = arith.constant 1 : i32
    %sub3A_86 = arith.subi %add3A_38, %sub3A_85 : i32
    %broadcast_in_dim3A_87 = vector.broadcast %sub3A_86 : i32 to vector<16xi32>
    %gather3A_88 = tpu.vector_load_idx %arg11[%broadcast_in_dim3A_87] : memref<4112xf32, #tpu.memory_space<vmem>>[vector<16xi32>], vector<16xf32>,
    %gather3A_89 = tpu.vector_load_idx %arg10[%broadcast_in_dim3A_87] : memref<4112xi32, #tpu.memory_space<vmem>>[vector<16xi32>], vector<16xi32>,
    %get3A_90 = arith.constant 0 : index
    %get3A_91 = tpu.vector_load %arg11[%get3A_90] {strides = array<i32>} : memref<4112xf32, #tpu.memory_space<vmem>>, vector<16xf32>,
    %lt3A_92 = arith.constant 0 : i32
    %lt3A_93 = vector.broadcast %lt3A_92 : i32 to vector<16xi32>
    %lt3A_94 = arith.cmpi slt, %broadcast_in_dim3A_0, %lt3A_93 : vector<16xi32>
    %add3A_95 = arith.constant 16 : i32
    %add3A_96 = vector.broadcast %add3A_95 : i32 to vector<16xi32>
    %add3A_97 = arith.addi %broadcast_in_dim3A_0, %add3A_96 : vector<16xi32>
    %select_n3A_98 = arith.select %lt3A_94, %add3A_97, %broadcast_in_dim3A_0 : vector<16xi1>, vector<16xi32>
    %broadcast_in_dim3A_99 = vector.shape_cast %select_n3A_98 : vector<16xi32> to vector<16x1xi32>
    %gather3A_100 = vector.shape_cast %broadcast_in_dim3A_99 : vector<16x1xi32> to vector<16xi32>
    %gather3A_101 = tpu.dynamic_gather %get3A_91[%gather3A_100] in [0] : vector<16xf32>, vector<16xi32> -> vector<16xf32>
    %broadcast_in_dim3A_102 = vector.broadcast %add3A_38 : i32 to vector<16xi32>
    %broadcast_in_dim3A_103 = arith.constant 0xFF800000 : f32
    %broadcast_in_dim3A_104 = vector.broadcast %broadcast_in_dim3A_103 : f32 to vector<16xf32>
    %swap3A = arith.constant 0 : index
    %swap3A_105 = tpu.vector_load %arg16[%swap3A] {strides = array<i32>} : memref<16xf32, #tpu.memory_space<vmem>>, vector<16xf32>,
    tpu.vector_store %arg16[%swap3A], %broadcast_in_dim3A_104 {strides = array<i32>} : memref<16xf32, #tpu.memory_space<vmem>>, vector<16xf32>,
    %add3A_106 = arith.constant 15 : i32
    %add3A_107 = arith.addi %add3A_38, %add3A_106 : i32
    %jit3A_108 = arith.constant 16 : i32
    %div3A = arith.divsi %add3A_107, %jit3A_108 : i32
    %sign3A = arith.constant 0 : i32
    %sign3A_109 = arith.cmpi sgt, %add3A_107, %sign3A : i32
    %sign3A_110 = arith.extui %sign3A_109 : i1 to i32
    %sign3A_111 = arith.constant 0 : i32
    %sign3A_112 = arith.cmpi slt, %add3A_107, %sign3A_111 : i32
    %sign3A_113 = arith.extui %sign3A_112 : i1 to i32
    %sign3A_114 = arith.subi %sign3A_110, %sign3A_113 : i32
    %sign3A_115 = arith.constant 0 : i32
    %sign3A_116 = arith.cmpi sgt, %jit3A_108, %sign3A_115 : i32
    %sign3A_117 = arith.extui %sign3A_116 : i1 to i32
    %sign3A_118 = arith.constant 0 : i32
    %sign3A_119 = arith.cmpi slt, %jit3A_108, %sign3A_118 : i32
    %sign3A_120 = arith.extui %sign3A_119 : i1 to i32
    %sign3A_121 = arith.subi %sign3A_117, %sign3A_120 : i32
    %ne3A = arith.cmpi ne, %sign3A_114, %sign3A_121 : i32
    %rem3A = arith.remsi %add3A_107, %jit3A_108 : i32
    %ne3A_122 = arith.constant 0 : i32
    %ne3A_123 = arith.cmpi ne, %rem3A, %ne3A_122 : i32
    %and3A = arith.andi %ne3A, %ne3A_123 : i1
    %sub3A_124 = arith.constant 1 : i32
    %sub3A_125 = arith.subi %div3A, %sub3A_124 : i32
    %select_n3A_126 = arith.select %and3A, %sub3A_125, %div3A : i32
    %while3A = arith.constant 0 : i32
    %while3A_127 = arith.constant 0 : i32
    %while3A_128 = arith.subi %select_n3A_126, %while3A : i32
    %while3A_129 = arith.addi %while3A, %while3A_128 : i32
    %while3A_130 = arith.constant 1 : i32
    %while3A_131 = arith.divsi %while3A_128, %while3A_130 : i32
    %while3A_132 = arith.muli %while3A_131, %while3A_130 : i32
    %while3A_133 = arith.addi %while3A, %while3A_132 : i32
    %while3A_134 = arith.constant 1 : i32
    %while3A_135 = scf.for %while3A_296 = %while3A to %while3A_133 step %while3A_134 iter_args(%while3A_297 = %while3A_127) -> (i32)  : i32 {
      %mul3A_298 = arith.constant 16 : i32
      %mul3A_299 = arith.muli %while3A_296, %mul3A_298 : i32
      %get3A_300 = arith.index_cast %mul3A_299 : i32 to index
      %get3A_301 = tpu.vector_load %arg11[%get3A_300] {strides = array<i32>} : memref<4112xf32, #tpu.memory_space<vmem>>, vector<16xf32>,
      %add3A_302 = vector.broadcast %mul3A_299 : i32 to vector<16xi32>
      %add3A_303 = arith.addi %iota3A, %add3A_302 : vector<16xi32>
      %lt3A_304 = arith.cmpi slt, %add3A_303, %broadcast_in_dim3A_102 : vector<16xi32>
      %get3A_305 = arith.constant 0 : index
      %get3A_306 = tpu.vector_load %arg16[%get3A_305] {strides = array<i32>} : memref<16xf32, #tpu.memory_space<vmem>>, vector<16xf32>,
      %jit3A_307 = arith.constant 0xFF800000 : f32
      %broadcast_in_dim3A_308 = vector.broadcast %jit3A_307 : f32 to vector<16xf32>
      %select_n3A_309 = arith.select %lt3A_304, %get3A_301, %broadcast_in_dim3A_308 : vector<16xi1>, vector<16xf32>
      %max3A_310 = arith.maximumf %get3A_306, %select_n3A_309 : vector<16xf32>
      %swap3A_311 = arith.constant 0 : index
      %swap3A_312 = tpu.vector_load %arg16[%swap3A_311] {strides = array<i32>} : memref<16xf32, #tpu.memory_space<vmem>>, vector<16xf32>,
      tpu.vector_store %arg16[%swap3A_311], %max3A_310 {strides = array<i32>} : memref<16xf32, #tpu.memory_space<vmem>>, vector<16xf32>,
      %while3A_313 = arith.constant 0 : i32
      scf.yield %while3A_313 : i32
    }
    %while3A_136 = arith.constant 1 : i32
    %while3A_137 = scf.for %while3A_296 = %while3A_133 to %while3A_129 step %while3A_136 iter_args(%while3A_297 = %while3A_135) -> (i32)  : i32 {
      %mul3A_298 = arith.constant 16 : i32
      %mul3A_299 = arith.muli %while3A_296, %mul3A_298 : i32
      %get3A_300 = arith.index_cast %mul3A_299 : i32 to index
      %get3A_301 = tpu.vector_load %arg11[%get3A_300] {strides = array<i32>} : memref<4112xf32, #tpu.memory_space<vmem>>, vector<16xf32>,
      %add3A_302 = vector.broadcast %mul3A_299 : i32 to vector<16xi32>
      %add3A_303 = arith.addi %iota3A, %add3A_302 : vector<16xi32>
      %lt3A_304 = arith.cmpi slt, %add3A_303, %broadcast_in_dim3A_102 : vector<16xi32>
      %get3A_305 = arith.constant 0 : index
      %get3A_306 = tpu.vector_load %arg16[%get3A_305] {strides = array<i32>} : memref<16xf32, #tpu.memory_space<vmem>>, vector<16xf32>,
      %jit3A_307 = arith.constant 0xFF800000 : f32
      %broadcast_in_dim3A_308 = vector.broadcast %jit3A_307 : f32 to vector<16xf32>
      %select_n3A_309 = arith.select %lt3A_304, %get3A_301, %broadcast_in_dim3A_308 : vector<16xi1>, vector<16xf32>
      %max3A_310 = arith.maximumf %get3A_306, %select_n3A_309 : vector<16xf32>
      %swap3A_311 = arith.constant 0 : index
      %swap3A_312 = tpu.vector_load %arg16[%swap3A_311] {strides = array<i32>} : memref<16xf32, #tpu.memory_space<vmem>>, vector<16xf32>,
      tpu.vector_store %arg16[%swap3A_311], %max3A_310 {strides = array<i32>} : memref<16xf32, #tpu.memory_space<vmem>>, vector<16xf32>,
      %while3A_313 = arith.constant 0 : i32
      scf.yield %while3A_313 : i32
    }
    %get3A_138 = arith.constant 0 : index
    %get3A_139 = tpu.vector_load %arg16[%get3A_138] {strides = array<i32>} : memref<16xf32, #tpu.memory_space<vmem>>, vector<16xf32>,
    %reduce_max3A = arith.constant true
    %reduce_max3A_140 = vector.broadcast %reduce_max3A : i1 to vector<16xi1>
    %reduce_max3A_141 = tpu.scan <max>, %get3A_139 masked %reduce_max3A_140 : vector<16xf32>, vector<16xi1> -> vector<16xf32>
    %reduce_max3A_142 = vector.extract %reduce_max3A_141[15] : f32 from vector<16xf32>
    %broadcast_in_dim3A_143 = vector.broadcast %reduce_max3A_142 : f32 to vector<16xf32>
    %broadcast_in_dim3A_144 = vector.broadcast %add3A_38 : i32 to vector<16xi32>
    %eq3A_145 = arith.constant 0 : i32
    %eq3A_146 = vector.broadcast %eq3A_145 : i32 to vector<16xi32>
    %eq3A_147 = arith.cmpi eq, %iota3A, %eq3A_146 : vector<16xi32>
    %eq3A_148 = arith.constant 1 : i32
    %eq3A_149 = vector.broadcast %eq3A_148 : i32 to vector<16xi32>
    %eq3A_150 = arith.cmpi eq, %iota3A, %eq3A_149 : vector<16xi32>
    %eq3A_151 = arith.constant 2 : i32
    %eq3A_152 = vector.broadcast %eq3A_151 : i32 to vector<16xi32>
    %eq3A_153 = arith.cmpi eq, %iota3A, %eq3A_152 : vector<16xi32>
    %select_n3A_154 = arith.select %eq3A_153, %gather3A_89, %broadcast_in_dim3A_144 : vector<16xi1>, vector<16xi32>
    %select_n3A_155 = arith.select %eq3A_150, %gather3A_66, %select_n3A_154 : vector<16xi1>, vector<16xi32>
    %select_n3A_156 = arith.select %eq3A_147, %gather3A_48, %select_n3A_155 : vector<16xi1>, vector<16xi32>
    %eq3A_157 = arith.constant 0 : i32
    %eq3A_158 = vector.broadcast %eq3A_157 : i32 to vector<16xi32>
    %eq3A_159 = arith.cmpi eq, %iota3A, %eq3A_158 : vector<16xi32>
    %eq3A_160 = arith.constant 1 : i32
    %eq3A_161 = vector.broadcast %eq3A_160 : i32 to vector<16xi32>
    %eq3A_162 = arith.cmpi eq, %iota3A, %eq3A_161 : vector<16xi32>
    %select_n3A_163 = arith.select %eq3A_162, %broadcast_in_dim3A_143, %gather3A_101 : vector<16xi1>, vector<16xf32>
    %select_n3A_164 = arith.select %eq3A_159, %gather3A_88, %select_n3A_163 : vector<16xi1>, vector<16xf32>
    %swap3A_165 = arith.constant 0 : index
    %swap3A_166 = tpu.vector_load %arg13[%swap3A_165] {strides = array<i32>} : memref<16xf32, #tpu.memory_space<vmem>>, vector<16xf32>,
    tpu.vector_store %arg13[%swap3A_165], %select_n3A_164 {strides = array<i32>} : memref<16xf32, #tpu.memory_space<vmem>>, vector<16xf32>,
    %bitcast3A = vector.bitcast %select_n3A_156 : vector<16xi32> to vector<16xf32>
    %swap3A_167 = arith.constant 0 : index
    %swap3A_168 = tpu.vector_load %arg14[%swap3A_167] {strides = array<i32>} : memref<16xf32, #tpu.memory_space<vmem>>, vector<16xf32>,
    tpu.vector_store %arg14[%swap3A_167], %bitcast3A {strides = array<i32>} : memref<16xf32, #tpu.memory_space<vmem>>, vector<16xf32>,
    %barrier3A = arith.constant 0 : index
    tpu.barrier barrier_id(%barrier3A)
    "tpu.region"() ({
      %run_scoped3A = tpu.sem_alloc : memref<!tpu.dma_semaphore, #tpu.memory_space<semaphore_mem>>
      %dma_start3A = arith.constant 0 : i32
      %dma_start3A_296 = tpu.memref_slice %arg6[%arg1, %dma_start3A] : memref<16x16xf32, #tpu.memory_space<hbm>> -> memref<1x16xf32, #tpu.memory_space<hbm>>
      %dma_start3A_297 = tpu.memref_squeeze %dma_start3A_296 : memref<1x16xf32, #tpu.memory_space<hbm>> -> memref<16xf32, #tpu.memory_space<hbm>>
      %dma_start3A_298 = arith.constant 0 : i32
      %dma_start3A_299 = tpu.memref_slice %arg6[%arg1, %dma_start3A_298] : memref<16x16xf32, #tpu.memory_space<hbm>> -> memref<1x16xf32, #tpu.memory_space<hbm>>
      %dma_start3A_300 = tpu.memref_squeeze %dma_start3A_299 : memref<1x16xf32, #tpu.memory_space<hbm>> -> memref<16xf32, #tpu.memory_space<hbm>>
      tpu.enqueue_dma source(%arg13 : memref<16xf32, #tpu.memory_space<vmem>>) target(%dma_start3A_300 : memref<16xf32, #tpu.memory_space<hbm>>) target_semaphore(%run_scoped3A : memref<!tpu.dma_semaphore, #tpu.memory_space<semaphore_mem>>)
      %dma_wait3A = arith.constant 0 : i32
      %dma_wait3A_301 = tpu.memref_slice %arg6[%arg1, %dma_wait3A] : memref<16x16xf32, #tpu.memory_space<hbm>> -> memref<1x16xf32, #tpu.memory_space<hbm>>
      %dma_wait3A_302 = tpu.memref_squeeze %dma_wait3A_301 : memref<1x16xf32, #tpu.memory_space<hbm>> -> memref<16xf32, #tpu.memory_space<hbm>>
      %dma_wait3A_303 = arith.constant 0 : i32
      %dma_wait3A_304 = tpu.memref_slice %arg6[%arg1, %dma_wait3A_303] : memref<16x16xf32, #tpu.memory_space<hbm>> -> memref<1x16xf32, #tpu.memory_space<hbm>>
      %dma_wait3A_305 = tpu.memref_squeeze %dma_wait3A_304 : memref<1x16xf32, #tpu.memory_space<hbm>> -> memref<16xf32, #tpu.memory_space<hbm>>
      tpu.wait_dma2 semaphore(%run_scoped3A : memref<!tpu.dma_semaphore, #tpu.memory_space<semaphore_mem>>) src(%arg13 : memref<16xf32, #tpu.memory_space<vmem>>) dst(%dma_wait3A_305 : memref<16xf32, #tpu.memory_space<hbm>>)
      tpu.yield
    }) : () -> ()
    "tpu.region"() ({
      %run_scoped3A = tpu.sem_alloc : memref<!tpu.dma_semaphore, #tpu.memory_space<semaphore_mem>>
      %dma_start3A = arith.constant 0 : i32
      %dma_start3A_296 = tpu.memref_slice %arg7[%arg1, %dma_start3A] : memref<16x16xf32, #tpu.memory_space<hbm>> -> memref<1x16xf32, #tpu.memory_space<hbm>>
      %dma_start3A_297 = tpu.memref_squeeze %dma_start3A_296 : memref<1x16xf32, #tpu.memory_space<hbm>> -> memref<16xf32, #tpu.memory_space<hbm>>
      %dma_start3A_298 = arith.constant 0 : i32
      %dma_start3A_299 = tpu.memref_slice %arg7[%arg1, %dma_start3A_298] : memref<16x16xf32, #tpu.memory_space<hbm>> -> memref<1x16xf32, #tpu.memory_space<hbm>>
      %dma_start3A_300 = tpu.memref_squeeze %dma_start3A_299 : memref<1x16xf32, #tpu.memory_space<hbm>> -> memref<16xf32, #tpu.memory_space<hbm>>
      tpu.enqueue_dma source(%arg14 : memref<16xf32, #tpu.memory_space<vmem>>) target(%dma_start3A_300 : memref<16xf32, #tpu.memory_space<hbm>>) target_semaphore(%run_scoped3A : memref<!tpu.dma_semaphore, #tpu.memory_space<semaphore_mem>>)
      %dma_wait3A = arith.constant 0 : i32
      %dma_wait3A_301 = tpu.memref_slice %arg7[%arg1, %dma_wait3A] : memref<16x16xf32, #tpu.memory_space<hbm>> -> memref<1x16xf32, #tpu.memory_space<hbm>>
      %dma_wait3A_302 = tpu.memref_squeeze %dma_wait3A_301 : memref<1x16xf32, #tpu.memory_space<hbm>> -> memref<16xf32, #tpu.memory_space<hbm>>
      %dma_wait3A_303 = arith.constant 0 : i32
      %dma_wait3A_304 = tpu.memref_slice %arg7[%arg1, %dma_wait3A_303] : memref<16x16xf32, #tpu.memory_space<hbm>> -> memref<1x16xf32, #tpu.memory_space<hbm>>
      %dma_wait3A_305 = tpu.memref_squeeze %dma_wait3A_304 : memref<1x16xf32, #tpu.memory_space<hbm>> -> memref<16xf32, #tpu.memory_space<hbm>>
      tpu.wait_dma2 semaphore(%run_scoped3A : memref<!tpu.dma_semaphore, #tpu.memory_space<semaphore_mem>>) src(%arg14 : memref<16xf32, #tpu.memory_space<vmem>>) dst(%dma_wait3A_305 : memref<16xf32, #tpu.memory_space<hbm>>)
      tpu.yield
    }) : () -> ()
    %barrier3A_169 = arith.constant 0 : index
    tpu.barrier barrier_id(%barrier3A_169)
    "tpu.region"() ({
      %run_scoped3A = tpu.sem_alloc : memref<!tpu.dma_semaphore, #tpu.memory_space<semaphore_mem>>
      tpu.enqueue_dma source(%arg7 : memref<16x16xf32, #tpu.memory_space<hbm>>) target(%arg17 : memref<16x16xf32, #tpu.memory_space<vmem>>) target_semaphore(%run_scoped3A : memref<!tpu.dma_semaphore, #tpu.memory_space<semaphore_mem>>)
      tpu.wait_dma2 semaphore(%run_scoped3A : memref<!tpu.dma_semaphore, #tpu.memory_space<semaphore_mem>>) src(%arg7 : memref<16x16xf32, #tpu.memory_space<hbm>>) dst(%arg17 : memref<16x16xf32, #tpu.memory_space<vmem>>)
      tpu.yield
    }) : () -> ()
    "tpu.region"() ({
      %run_scoped3A = tpu.sem_alloc : memref<!tpu.dma_semaphore, #tpu.memory_space<semaphore_mem>>
      tpu.enqueue_dma source(%arg6 : memref<16x16xf32, #tpu.memory_space<hbm>>) target(%arg18 : memref<16x16xf32, #tpu.memory_space<vmem>>) target_semaphore(%run_scoped3A : memref<!tpu.dma_semaphore, #tpu.memory_space<semaphore_mem>>)
      tpu.wait_dma2 semaphore(%run_scoped3A : memref<!tpu.dma_semaphore, #tpu.memory_space<semaphore_mem>>) src(%arg6 : memref<16x16xf32, #tpu.memory_space<hbm>>) dst(%arg18 : memref<16x16xf32, #tpu.memory_space<vmem>>)
      tpu.yield
    }) : () -> ()
    %broadcast_in_dim3A_170 = arith.constant 1 : i32
    %broadcast_in_dim3A_171 = vector.broadcast %broadcast_in_dim3A_170 : i32 to vector<16xi32>
    %gather3A_172 = tpu.vector_load_idx %arg17[%iota3A, %broadcast_in_dim3A_171] : memref<16x16xf32, #tpu.memory_space<vmem>>[vector<16xi32>, vector<16xi32>], vector<16xf32>,
    %bitcast3A_173 = vector.bitcast %gather3A_172 : vector<16xf32> to vector<16xi32>
    %broadcast_in_dim3A_174 = arith.constant 2 : i32
    %broadcast_in_dim3A_175 = vector.broadcast %broadcast_in_dim3A_174 : i32 to vector<16xi32>
    %gather3A_176 = tpu.vector_load_idx %arg17[%iota3A, %broadcast_in_dim3A_175] : memref<16x16xf32, #tpu.memory_space<vmem>>[vector<16xi32>, vector<16xi32>], vector<16xf32>,
    %bitcast3A_177 = vector.bitcast %gather3A_176 : vector<16xf32> to vector<16xi32>
    %gather3A_178 = tpu.vector_load_idx %arg18[%iota3A, %broadcast_in_dim3A_0] : memref<16x16xf32, #tpu.memory_space<vmem>>[vector<16xi32>, vector<16xi32>], vector<16xf32>,
    %broadcast_in_dim3A_179 = arith.constant 1 : i32
    %broadcast_in_dim3A_180 = vector.broadcast %broadcast_in_dim3A_179 : i32 to vector<16xi32>
    %gather3A_181 = tpu.vector_load_idx %arg18[%iota3A, %broadcast_in_dim3A_180] : memref<16x16xf32, #tpu.memory_space<vmem>>[vector<16xi32>, vector<16xi32>], vector<16xf32>,
    %reduce_max3A_182 = arith.constant true
    %reduce_max3A_183 = vector.broadcast %reduce_max3A_182 : i1 to vector<16xi1>
    %reduce_max3A_184 = tpu.scan <max>, %gather3A_181 masked %reduce_max3A_183 : vector<16xf32>, vector<16xi1> -> vector<16xf32>
    %reduce_max3A_185 = vector.extract %reduce_max3A_184[15] : f32 from vector<16xf32>
    %get3A_186 = arith.constant 0 : index
    %get3A_187 = tpu.vector_load %arg12[%get3A_186] {strides = array<i32>} : memref<16xf32, #tpu.memory_space<vmem>>, vector<16xf32>,
    %reduce_max3A_188 = arith.constant true
    %reduce_max3A_189 = vector.broadcast %reduce_max3A_188 : i1 to vector<16xi1>
    %reduce_max3A_190 = tpu.scan <max>, %get3A_187 masked %reduce_max3A_189 : vector<16xf32>, vector<16xi1> -> vector<16xf32>
    %reduce_max3A_191 = vector.extract %reduce_max3A_190[15] : f32 from vector<16xf32>
    %sub3A_192 = arith.subf %reduce_max3A_185, %reduce_max3A_191 : f32
    %max3A_193 = arith.constant 0.000000e+00 : f32
    %max3A_194 = arith.maximumf %sub3A_192, %max3A_193 : f32
    %max3A_195 = arith.constant 1.000000e+00 : f32
    %max3A_196 = arith.maximumf %max3A_194, %max3A_195 : f32
    %broadcast_in_dim3A_197 = vector.broadcast %max3A_196 : f32 to vector<16xf32>
    %swap3A_198 = arith.constant 0 : index
    %swap3A_199 = tpu.vector_load %arg15[%swap3A_198] {strides = array<i32>} : memref<16xf32, #tpu.memory_space<vmem>>, vector<16xf32>,
    tpu.vector_store %arg15[%swap3A_198], %broadcast_in_dim3A_197 {strides = array<i32>} : memref<16xf32, #tpu.memory_space<vmem>>, vector<16xf32>,
    %eq3A_200 = arith.constant 15 : i32
    %eq3A_201 = arith.cmpi eq, %arg1, %eq3A_200 : i32
    %reduce_max3A_202 = arith.constant true
    %reduce_max3A_203 = vector.broadcast %reduce_max3A_202 : i1 to vector<16xi1>
    %reduce_max3A_204 = arith.constant -2147483648 : i32
    %reduce_max3A_205 = vector.broadcast %reduce_max3A_204 : i32 to vector<16xi32>
    %reduce_max3A_206 = arith.xori %gather3A_66, %reduce_max3A_205 : vector<16xi32>
    %reduce_max3A_207 = tpu.scan <max>, %reduce_max3A_206 masked %reduce_max3A_203 : vector<16xi32>, vector<16xi1> -> vector<16xi32>
    %reduce_max3A_208 = arith.xori %reduce_max3A_207, %reduce_max3A_205 : vector<16xi32>
    %reduce_max3A_209 = vector.extract %reduce_max3A_208[15] : i32 from vector<16xi32>
    %reduce_max3A_210 = arith.constant true
    %reduce_max3A_211 = vector.broadcast %reduce_max3A_210 : i1 to vector<16xi1>
    %reduce_max3A_212 = arith.constant -2147483648 : i32
    %reduce_max3A_213 = vector.broadcast %reduce_max3A_212 : i32 to vector<16xi32>
    %reduce_max3A_214 = arith.xori %gather3A_84, %reduce_max3A_213 : vector<16xi32>
    %reduce_max3A_215 = tpu.scan <max>, %reduce_max3A_214 masked %reduce_max3A_211 : vector<16xi32>, vector<16xi1> -> vector<16xi32>
    %reduce_max3A_216 = arith.xori %reduce_max3A_215, %reduce_max3A_213 : vector<16xi32>
    %reduce_max3A_217 = vector.extract %reduce_max3A_216[15] : i32 from vector<16xi32>
    %ne3A_218 = arith.cmpi ne, %reduce_max3A_209, %reduce_max3A_217 : i32
    %or3A = arith.ori %eq3A_201, %ne3A_218 : i1
    %sub3A_219 = arith.constant 1 : i32
    %sub3A_220 = arith.subi %add3A_38, %sub3A_219 : i32
    %jit3A_221 = arith.constant 1 : i32
    %jit3A_222 = arith.constant 0 : i32
    %select_n3A_223 = arith.select %or3A, %jit3A_221, %jit3A_222 : i32
    %add3A_224 = arith.addi %sub3A_220, %select_n3A_223 : i32
    %eq3A_225 = arith.cmpi eq, %bitcast3A_173, %gather3A_48 : vector<16xi32>
    %lt3A_226 = vector.broadcast %arg1 : i32 to vector<16xi32>
    %lt3A_227 = arith.cmpi slt, %iota3A, %lt3A_226 : vector<16xi32>
    %and3A_228 = arith.andi %eq3A_225, %lt3A_227 : vector<16xi1>
    %jit3A_229 = arith.constant 0xFF800000 : f32
    %broadcast_in_dim3A_230 = vector.broadcast %jit3A_229 : f32 to vector<16xf32>
    %select_n3A_231 = arith.select %and3A_228, %gather3A_178, %broadcast_in_dim3A_230 : vector<16xi1>, vector<16xf32>
    %reduce_max3A_232 = arith.constant true
    %reduce_max3A_233 = vector.broadcast %reduce_max3A_232 : i1 to vector<16xi1>
    %reduce_max3A_234 = tpu.scan <max>, %select_n3A_231 masked %reduce_max3A_233 : vector<16xf32>, vector<16xi1> -> vector<16xf32>
    %reduce_max3A_235 = vector.extract %reduce_max3A_234[15] : f32 from vector<16xf32>
    %eq3A_236 = vector.broadcast %reduce_max3A_235 : f32 to vector<16xf32>
    %eq3A_237 = arith.cmpf oeq, %gather3A_178, %eq3A_236 : vector<16xf32>
    %and3A_238 = arith.andi %and3A_228, %eq3A_237 : vector<16xi1>
    %jit3A_239 = arith.constant -1 : i32
    %broadcast_in_dim3A_240 = vector.broadcast %jit3A_239 : i32 to vector<16xi32>
    %select_n3A_241 = arith.select %and3A_238, %bitcast3A_177, %broadcast_in_dim3A_240 : vector<16xi1>, vector<16xi32>
    %reduce_max3A_242 = arith.constant true
    %reduce_max3A_243 = vector.broadcast %reduce_max3A_242 : i1 to vector<16xi1>
    %reduce_max3A_244 = arith.constant -2147483648 : i32
    %reduce_max3A_245 = vector.broadcast %reduce_max3A_244 : i32 to vector<16xi32>
    %reduce_max3A_246 = arith.xori %select_n3A_241, %reduce_max3A_245 : vector<16xi32>
    %reduce_max3A_247 = tpu.scan <max>, %reduce_max3A_246 masked %reduce_max3A_243 : vector<16xi32>, vector<16xi1> -> vector<16xi32>
    %reduce_max3A_248 = arith.xori %reduce_max3A_247, %reduce_max3A_245 : vector<16xi32>
    %reduce_max3A_249 = vector.extract %reduce_max3A_248[15] : i32 from vector<16xi32>
    %reduce_max3A_250 = arith.constant true
    %reduce_max3A_251 = vector.broadcast %reduce_max3A_250 : i1 to vector<16xi1>
    %reduce_max3A_252 = tpu.scan <max>, %gather3A_101 masked %reduce_max3A_251 : vector<16xf32>, vector<16xi1> -> vector<16xf32>
    %reduce_max3A_253 = vector.extract %reduce_max3A_252[15] : f32 from vector<16xf32>
    %gt3A = arith.constant 0 : i32
    %gt3A_254 = arith.cmpi sgt, %add3A_224, %gt3A : i32
    %gt3A_255 = arith.cmpf ogt, %reduce_max3A_235, %reduce_max3A_253 : f32
    %and3A_256 = arith.andi %gt3A_254, %gt3A_255 : i1
    %convert_element_type3A = arith.extui %and3A_256 : i1 to i32
    %cond3A = arith.constant 0 : i32
    %cond3A_257 = arith.cmpi ne, %convert_element_type3A, %cond3A : i32
    scf.if %cond3A_257 {
      %get3A_296 = arith.constant 0 : index
      %get3A_297 = tpu.vector_load %arg10[%get3A_296] {strides = array<i32>} : memref<4112xi32, #tpu.memory_space<vmem>>, vector<16xi32>,
      %eq3A_298 = arith.constant 0 : i32
      %eq3A_299 = vector.broadcast %eq3A_298 : i32 to vector<16xi32>
      %eq3A_300 = arith.cmpi eq, %iota3A, %eq3A_299 : vector<16xi32>
      %broadcast_in_dim3A_301 = vector.broadcast %reduce_max3A_249 : i32 to vector<16xi32>
      %select_n3A_302 = arith.select %eq3A_300, %broadcast_in_dim3A_301, %get3A_297 : vector<16xi1>, vector<16xi32>
      %swap3A_303 = arith.constant 0 : index
      %swap3A_304 = tpu.vector_load %arg10[%swap3A_303] {strides = array<i32>} : memref<4112xi32, #tpu.memory_space<vmem>>, vector<16xi32>,
      tpu.vector_store %arg10[%swap3A_303], %select_n3A_302 {strides = array<i32>} : memref<4112xi32, #tpu.memory_space<vmem>>, vector<16xi32>,
    } else {
    }
    %add3A_258 = arith.constant 15 : i32
    %add3A_259 = arith.addi %add3A_224, %add3A_258 : i32
    %jit3A_260 = arith.constant 16 : i32
    %div3A_261 = arith.divsi %add3A_259, %jit3A_260 : i32
    %sign3A_262 = arith.constant 0 : i32
    %sign3A_263 = arith.cmpi sgt, %add3A_259, %sign3A_262 : i32
    %sign3A_264 = arith.extui %sign3A_263 : i1 to i32
    %sign3A_265 = arith.constant 0 : i32
    %sign3A_266 = arith.cmpi slt, %add3A_259, %sign3A_265 : i32
    %sign3A_267 = arith.extui %sign3A_266 : i1 to i32
    %sign3A_268 = arith.subi %sign3A_264, %sign3A_267 : i32
    %sign3A_269 = arith.constant 0 : i32
    %sign3A_270 = arith.cmpi sgt, %jit3A_260, %sign3A_269 : i32
    %sign3A_271 = arith.extui %sign3A_270 : i1 to i32
    %sign3A_272 = arith.constant 0 : i32
    %sign3A_273 = arith.cmpi slt, %jit3A_260, %sign3A_272 : i32
    %sign3A_274 = arith.extui %sign3A_273 : i1 to i32
    %sign3A_275 = arith.subi %sign3A_271, %sign3A_274 : i32
    %ne3A_276 = arith.cmpi ne, %sign3A_268, %sign3A_275 : i32
    %rem3A_277 = arith.remsi %add3A_259, %jit3A_260 : i32
    %ne3A_278 = arith.constant 0 : i32
    %ne3A_279 = arith.cmpi ne, %rem3A_277, %ne3A_278 : i32
    %and3A_280 = arith.andi %ne3A_276, %ne3A_279 : i1
    %sub3A_281 = arith.constant 1 : i32
    %sub3A_282 = arith.subi %div3A_261, %sub3A_281 : i32
    %select_n3A_283 = arith.select %and3A_280, %sub3A_282, %div3A_261 : i32
    %while3A_284 = arith.constant 0 : i32
    %while3A_285 = arith.constant 0 : i32
    %while3A_286 = arith.subi %select_n3A_283, %while3A_284 : i32
    %while3A_287 = arith.addi %while3A_284, %while3A_286 : i32
    %while3A_288 = arith.constant 1 : i32
    %while3A_289 = arith.divsi %while3A_286, %while3A_288 : i32
    %while3A_290 = arith.muli %while3A_289, %while3A_288 : i32
    %while3A_291 = arith.addi %while3A_284, %while3A_290 : i32
    %while3A_292 = arith.constant 1 : i32
    %while3A_293 = scf.for %while3A_296 = %while3A_284 to %while3A_291 step %while3A_292 iter_args(%while3A_297 = %while3A_285) -> (i32)  : i32 {
      %mul3A_298 = arith.constant 16 : i32
      %mul3A_299 = arith.muli %while3A_296, %mul3A_298 : i32
      %get3A_300 = arith.index_cast %mul3A_299 : i32 to index
      %get3A_301 = tpu.vector_load %arg10[%get3A_300] {strides = array<i32>} : memref<4112xi32, #tpu.memory_space<vmem>>, vector<16xi32>,
      %sub3A_302 = arith.subi %add3A_224, %mul3A_299 : i32
      %sub3A_303 = arith.constant 1 : i32
      %sub3A_304 = arith.subi %sub3A_302, %sub3A_303 : i32
      %min3A = vector.broadcast %sub3A_304 : i32 to vector<16xi32>
      %min3A_305 = arith.minsi %iota3A, %min3A : vector<16xi32>
      %lt3A_306 = arith.constant 0 : i32
      %lt3A_307 = vector.broadcast %lt3A_306 : i32 to vector<16xi32>
      %lt3A_308 = arith.cmpi slt, %min3A_305, %lt3A_307 : vector<16xi32>
      %add3A_309 = arith.constant 16 : i32
      %add3A_310 = vector.broadcast %add3A_309 : i32 to vector<16xi32>
      %add3A_311 = arith.addi %min3A_305, %add3A_310 : vector<16xi32>
      %select_n3A_312 = arith.select %lt3A_308, %add3A_311, %min3A_305 : vector<16xi1>, vector<16xi32>
      %broadcast_in_dim3A_313 = vector.shape_cast %select_n3A_312 : vector<16xi32> to vector<16x1xi32>
      %gather3A_314 = vector.shape_cast %broadcast_in_dim3A_313 : vector<16x1xi32> to vector<16xi32>
      %gather3A_315 = tpu.dynamic_gather %get3A_301[%gather3A_314] in [0] : vector<16xi32>, vector<16xi32> -> vector<16xi32>
      %dma_start3A = arith.constant 0 : i32
      %dma_start3A_316 = tpu.memref_slice %arg5[%dma_start3A] : memref<1048576xf32, #tpu.memory_space<hbm>> -> memref<1048576xf32, #tpu.memory_space<hbm>>
      tpu.enqueue_indirect_dma source(%arg15 : memref<16xf32, #tpu.memory_space<vmem>>) target(%dma_start3A_316 : memref<1048576xf32, #tpu.memory_space<hbm>>) offsets(%gather3A_315 : vector<16xi32>) semaphore(%arg19 : memref<!tpu.dma_semaphore, #tpu.memory_space<semaphore_mem>>)
      %dma_wait3A = arith.constant 0 : i32
      %dma_wait3A_317 = tpu.memref_slice %arg5[%dma_wait3A] : memref<1048576xf32, #tpu.memory_space<hbm>> -> memref<1048576xf32, #tpu.memory_space<hbm>>
      tpu.wait_indirect_dma semaphore(%arg19 : memref<!tpu.dma_semaphore, #tpu.memory_space<semaphore_mem>>) src(%arg15 : memref<16xf32, #tpu.memory_space<vmem>>) dst(%dma_wait3A_317 : memref<1048576xf32, #tpu.memory_space<hbm>>)
      %while3A_318 = arith.constant 0 : i32
      scf.yield %while3A_318 : i32
    }
    %while3A_294 = arith.constant 1 : i32
    %while3A_295 = scf.for %while3A_296 = %while3A_291 to %while3A_287 step %while3A_294 iter_args(%while3A_297 = %while3A_293) -> (i32)  : i32 {
      %mul3A_298 = arith.constant 16 : i32
      %mul3A_299 = arith.muli %while3A_296, %mul3A_298 : i32
      %get3A_300 = arith.index_cast %mul3A_299 : i32 to index
      %get3A_301 = tpu.vector_load %arg10[%get3A_300] {strides = array<i32>} : memref<4112xi32, #tpu.memory_space<vmem>>, vector<16xi32>,
      %sub3A_302 = arith.subi %add3A_224, %mul3A_299 : i32
      %sub3A_303 = arith.constant 1 : i32
      %sub3A_304 = arith.subi %sub3A_302, %sub3A_303 : i32
      %min3A = vector.broadcast %sub3A_304 : i32 to vector<16xi32>
      %min3A_305 = arith.minsi %iota3A, %min3A : vector<16xi32>
      %lt3A_306 = arith.constant 0 : i32
      %lt3A_307 = vector.broadcast %lt3A_306 : i32 to vector<16xi32>
      %lt3A_308 = arith.cmpi slt, %min3A_305, %lt3A_307 : vector<16xi32>
      %add3A_309 = arith.constant 16 : i32
      %add3A_310 = vector.broadcast %add3A_309 : i32 to vector<16xi32>
      %add3A_311 = arith.addi %min3A_305, %add3A_310 : vector<16xi32>
      %select_n3A_312 = arith.select %lt3A_308, %add3A_311, %min3A_305 : vector<16xi1>, vector<16xi32>
      %broadcast_in_dim3A_313 = vector.shape_cast %select_n3A_312 : vector<16xi32> to vector<16x1xi32>
      %gather3A_314 = vector.shape_cast %broadcast_in_dim3A_313 : vector<16x1xi32> to vector<16xi32>
      %gather3A_315 = tpu.dynamic_gather %get3A_301[%gather3A_314] in [0] : vector<16xi32>, vector<16xi32> -> vector<16xi32>
      %dma_start3A = arith.constant 0 : i32
      %dma_start3A_316 = tpu.memref_slice %arg5[%dma_start3A] : memref<1048576xf32, #tpu.memory_space<hbm>> -> memref<1048576xf32, #tpu.memory_space<hbm>>
      tpu.enqueue_indirect_dma source(%arg15 : memref<16xf32, #tpu.memory_space<vmem>>) target(%dma_start3A_316 : memref<1048576xf32, #tpu.memory_space<hbm>>) offsets(%gather3A_315 : vector<16xi32>) semaphore(%arg19 : memref<!tpu.dma_semaphore, #tpu.memory_space<semaphore_mem>>)
      %dma_wait3A = arith.constant 0 : i32
      %dma_wait3A_317 = tpu.memref_slice %arg5[%dma_wait3A] : memref<1048576xf32, #tpu.memory_space<hbm>> -> memref<1048576xf32, #tpu.memory_space<hbm>>
      tpu.wait_indirect_dma semaphore(%arg19 : memref<!tpu.dma_semaphore, #tpu.memory_space<semaphore_mem>>) src(%arg15 : memref<16xf32, #tpu.memory_space<vmem>>) dst(%dma_wait3A_317 : memref<1048576xf32, #tpu.memory_space<hbm>>)
      %while3A_318 = arith.constant 0 : i32
      scf.yield %while3A_318 : i32
    }
    return
  }
}

</mosaic_0001>

<sc_bundles>
// kernel: kernel.3.cloned.1.call-start
scs
__scs_entry_jumppad:
0x0: {  	(pc) =	sbr.rel $0x88, $3  }
0x1: {  	(tag) =	ssettag $0x0;
	lr =	simm.s32 $0x1  }
0x2: {  	[smem:$0x3F9E] =	sst lr;
	_ =	strace $0xD0000000  }
0x3: {  	_ = 	snop  }
0x4: {  	_ = 	snop  }
0x5: {  	_ = 	snop  }
0x6: {  	_ = 	snop  }
0x7: {  	_ = 	snop  }
__scs_overlays_trampoline_lowered:
0x8: {  	[smem:$0x3FAD] =	sst s0  }
0x9: {  	[smem:$0x3FAE] =	sst s1  }
0xa: {  	[smem:$0x3FAF] =	sst s2  }
0xb: {  	[smem:$0x3FB0] =	sst s3  }
0xc: {  	[smem:$0x3FB1] =	sst s4  }
0xd: {  	[smem:$0x3FB2] =	sst s5  }
0xe: {  	[smem:$0x3FB3] =	sst s6  }
0xf: {  	[smem:$0x3FB4] =	sst s7  }
0x10: {  	[smem:$0x3FB5] =	sst s8  }
0x11: {  	[smem:$0x3FB6] =	sst s9;
	s0 =	simm.s32 @!p0 $0x0  }
0x12: {  	s1 =	sld [smem:$0x3F9C];
	s0 =	simm.s32 @p0 $0x1  }
0x13: {  	[smem:$0x3FB7] =	sst s0;
	s0 =	simm.s32 @!p1 $0x0  }
0x14: {  	s2 =	sld [smem:$0x3F9B];
	s0 =	simm.s32 @p1 $0x1  }
0x15: {  	[smem:$0x3FB8] =	sst s0;
	s0 =	simm.s32 @!p2 $0x0  }
0x16: {  	s3 =	sld [smem:$0x3FDB];
	s0 =	simm.s32 @p2 $0x1  }
0x17: {  	s4 =	simm.s32 $0x1BF5;
	[smem:$0x3FBA] =	sst s0  }
0x18: {  	s0 =	sld [smem:$0x3F9D];
	_ =	swait.ge [sflag:s4], $0x0  }
0x19: {  	s7 =	sld [smem:$0x3F9E]  }
0x1a: {  	s8 =	sadd.s32 $0xFFFFE003, lr  }
0x1b: {  	s9 =	sadd.s32 $0xFFFFFEF7, lr;
	s5 =	simm.s32 $0xFFFFFFFF;
	p2 =	slt.u32 s8, $0xFFFFF086  }
0x1c: {  	p1 =	slt.u32 s9, $0xF7A;
	s5 =	simm.s32 @!p2 $0x0  }
0x1d: {  	s5 =	simm.s32 @p1 $0x1;
	p0 =	seq.s32 s7, s2  }
0x1e: {  	s7 =	smul.u32 @!p0 $0xF7A, s2;
	p2 =	seq.s32 @!p0 s5, $0x0  }
0x1f: {  	s9 =	smul.u32 $0xF7A, s1;
	s8 =	simm.s32 @!p0 $0x1BF5;
	p2 =	por !p2, p0  }
0x20: {  	[sflag:s8] =	ssyncset.s32 @!p0 $0xFFFFF086;
	s6 =	sadd.s32 @!p0 s3, s7;
	s7 =	simm.s32 @!p0 $0x108  }
0x21: {  	s3 =	sadd.s32 s3, s9;
	s6 =	sadd.s32 @!p0 $0x88, s6;
	s7 =	simm.s32 @p2 $0x1082  }
0x22: {  	[simem:s7], [sflag:s8] =	dma.local @!p0 [hbm:s6], $0xF7A  }
0x23: {  	s9 =	sor.u32 $0xD0000000, s2;
	s6 =	simm.s32 $0x108;
	_ =	swait.ge @!p0 [sflag:s8], $0x0  }
0x24: {  	s3 =	sadd.s32 $0x88, s3;
	s6 =	simm.s32 @!p1 $0x1082;
	[sflag:s4] =	ssyncset.s32 $0xFFFFF086  }
0x25: {  	[simem:s6], [sflag:s4] =	dma.local [hbm:s3], $0xF7A  }
0x26: {  	[smem:$0x3F9E] =	sst s1;
	(tag) =	ssettag s2;
	_ =	strace s9  }
0x27: {  	s1 =	sld [smem:$0x3FAE]  }
0x28: {  	s2 =	sld [smem:$0x3FAF]  }
0x29: {  	s4 =	sld [smem:$0x3FB1]  }
0x2a: {  	p0 =	seq.s32 s5, $0x0;
	s5 =	sld [smem:$0x3FB2]  }
0x2b: {  	s6 =	sld [smem:$0x3FB3]  }
0x2c: {  	s7 =	sld [smem:$0x3FB4]  }
0x2d: {  	s3 =	simm.s32 $0x108;
	s8 =	sld [smem:$0x3FB5]  }
0x2e: {  	s3 =	simm.s32 @!p0 $0x1082;
	s9 =	sld [smem:$0x3FB6]  }
0x2f: {  	lr =	sadd.s32 s0, s3;
	s0 =	sld [smem:$0x3FAD]  }
0x30: {  	s3 =	sld [smem:$0x3FB0]  }
0x31: {  	[smem:$0x3FB9] =	sst s10  }
0x32: {  	s10 =	sld [smem:$0x3FB7];
	_ =	sdelay $0x3  }
0x33: {  	p0 =	seq.s32 s10, $0x1;
	s10 =	sld [smem:$0x3FB9];
	_ =	sdelay $0x3  }
0x34: {  	[smem:$0x3FB9] =	sst s10  }
0x35: {  	s10 =	sld [smem:$0x3FB8];
	_ =	sdelay $0x3  }
0x36: {  	p1 =	seq.s32 s10, $0x1;
	s10 =	sld [smem:$0x3FB9];
	_ =	sdelay $0x3  }
0x37: {  	[smem:$0x3FB9] =	sst s10  }
0x38: {  	s10 =	sld [smem:$0x3FBA]  }
0x39: {  	_ = 	snop;
	(pc) =	sbr.ind lr, $3  }
0x3a: {  	_ = 	snop  }
0x3b: {  	_ = 	snop  }
0x3c: {  	p2 =	seq.s32 s10, $0x1;
	s10 =	sld [smem:$0x3FB9]  }
0x3d: {  	_ =	shalt  }
0x3e: {  	_ =	shalt  }
0x3f: {  	_ =	shalt  }
0x40: {  	_ =	shalt  }
0x41: {  	_ =	shalt  }
0x42: {  	_ =	shalt  }
0x43: {  	_ =	shalt  }
0x44: {  	_ =	shalt  }
0x45: {  	_ =	shalt  }
0x46: {  	_ =	shalt  }
0x47: {  	_ =	shalt  }
0x48: {  	_ =	shalt  }
0x49: {  	_ =	shalt  }
0x4a: {  	_ =	shalt  }
0x4b: {  	_ =	shalt  }
0x4c: {  	_ =	shalt  }
0x4d: {  	_ =	shalt  }
0x4e: {  	_ =	shalt  }
0x4f: {  	_ =	shalt  }
0x50: {  	_ =	shalt  }
0x51: {  	_ =	shalt  }
0x52: {  	_ =	shalt  }
0x53: {  	_ =	shalt  }
0x54: {  	_ =	shalt  }
0x55: {  	_ =	shalt  }
0x56: {  	_ =	shalt  }
0x57: {  	_ =	shalt  }
0x58: {  	_ =	shalt  }
0x59: {  	_ =	shalt  }
0x5a: {  	_ =	shalt  }
0x5b: {  	_ =	shalt  }
0x5c: {  	_ =	shalt  }
0x5d: {  	_ =	shalt  }
0x5e: {  	_ =	shalt  }
0x5f: {  	_ =	shalt  }
0x60: {  	_ =	shalt  }
0x61: {  	_ =	shalt  }
0x62: {  	_ =	shalt  }
0x63: {  	_ =	shalt  }
0x64: {  	_ =	shalt  }
0x65: {  	_ =	shalt  }
0x66: {  	_ =	shalt  }
0x67: {  	_ =	shalt  }
0x68: {  	_ =	shalt  }
0x69: {  	_ =	shalt  }
0x6a: {  	_ =	shalt  }
0x6b: {  	_ =	shalt  }
0x6c: {  	_ =	shalt  }
0x6d: {  	_ =	shalt  }
0x6e: {  	_ =	shalt  }
0x6f: {  	_ =	shalt  }
0x70: {  	_ =	shalt  }
0x71: {  	_ =	shalt  }
0x72: {  	_ =	shalt  }
0x73: {  	_ =	shalt  }
0x74: {  	_ =	shalt  }
0x75: {  	_ =	shalt  }
0x76: {  	_ =	shalt  }
0x77: {  	_ =	shalt  }
0x78: {  	_ =	shalt  }
0x79: {  	_ =	shalt  }
0x7a: {  	_ =	shalt  }
0x7b: {  	_ =	shalt  }
0x7c: {  	_ =	shalt  }
0x7d: {  	_ =	shalt  }
0x7e: {  	_ =	shalt  }
0x7f: {  	_ =	shalt  }
0x80: {  	_ =	shalt  }
0x81: {  	_ =	shalt  }
0x82: {  	_ =	shalt  }
0x83: {  	_ =	shalt  }
0x84: {  	_ =	shalt  }
0x85: {  	_ =	shalt  }
0x86: {  	_ =	shalt  }
0x87: {  	_ =	shalt  }
.Lfunc_end0:
.L_simem_size_0:
called_computation_lowered:
.L_overlay_start_0:
0x88: {  	s0 =	sld [smem:$0x3FD9]  }
0x89: {  	s1 =	sld [smem:$0x3FFE];
	_ =	sdelay $0x3  }
0x8a: {  	s0 =	sadd.s32 s1, s0  }
0x8b: {  	[smem:$0x3FC5] =	sst s0  }
0x8c: {  	_ = 	snop  }
0x8d: {  	s0 =	sld [smem:$0x3FC9]  }
0x8e: {  	s16 =	sld [smem:$0x3FC8]  }
0x8f: {  	s2 =	sld [smem:$0x3FD0];
	(tm) =	ssettm $0x1  }
0x90: {  	s3 =	sld [smem:$0x3FFB];
	_ =	sdelay $0x3  }
0x91: {  	_ =	strace s3  }
0x92: {  	s3 =	sld [smem:$0x3FFC];
	_ =	sdelay $0x3  }
0x93: {  	_ =	strace s3  }
0x94: {  	s3 =	sld [smem:$0x3FFD];
	_ =	sdelay $0x3  }
0x95: {  	_ =	strace s3  }
0x96: {  	_ =	strace $0x8FFFFFFF  }
0x97: {  	s17 =	sld [smem:$0x3FDB];
	_ =	sdelay $0x1  }
0x98: {  	s4 =	simm.s32 $_scs_section_size  }
0x99: {  	s5 =	simm.s32 $_size__tile_overlayer_lowered;
	s6 =	simm.s32 $_tile_overlayer_lowered  }
0x9a: {  	s20 =	simm.s32 $0x1BFF;
	s19 =	sshll.u32 s6, $0x1;
	s3 =	sadd.s32 s4, s17  }
0x9b: {  	s7 =	simm.s32 $0x0;
	s18 =	sshll.u32 s5, $0x1;
	s5 =	sadd.s32 s19, s3  }
0x9c: {  	[timem:s7], [sflag:s20] =	dma.local [hbm:s5], s18  }
0x9d: {  	_ =	swait.ge [sflag:s20], s18  }
0x9e: {  	s4 =	ssub.s32 $0x0, s18;
	[sflag:s20] =	ssyncset.done $0x0  }
0x9f: {  	[sflag:s20] =	ssyncadd.s32 s4;
	_ =	sdelay $0x1  }
0xa0: {  	s21 =	simm.s32 $0x1B8B  }
0xa1: {  	_ =	swait.ge [sflag:s21], $0x1  }
0xa2: {  	[sflag:s21] =	ssyncset.done $0x0  }
0xa3: {  	s23 =	simm.s32 $0x1B8E;
	s22 =	sld [smem:$0x3FFE];
	[sflag:s21] =	ssyncadd.s32 $0xFFFFFFFF  }
0xa4: {  	s24 =	simm.s32 $execute0_lowered;
	[smem:$0x3FD2] =	sst s23  }
0xa5: {  	s5 =	sshll.u32 s24, $0x1;
	_ =	strace $0x80000046;
	[dreg:$0x1] =	wrdreg $0xFFFFFFFF  }
0xa6: {  	s25 =	simm.s32 $_size_execute0_lowered;
	s3 =	sadd.s32 s3, s5;
	[dreg:$0x0] =	wrdreg $0x0  }
0xa7: {  	s5 =	sshll.u32 s25, $0x1;
	[dreg:$0x2] =	wrdreg s3  }
0xa8: {  	[dreg:$0x3] =	wrdreg s5  }
0xa9: {  	[dreg:$0x4] =	wrdreg $0xC0  }
0xaa: {  	_ =	task [dreg:s7], $0x5FFFF  }
0xab: {  	[dreg:$0x1] =	wrdreg $0xFFFFFFFF  }
0xac: {  	[dreg:$0x0] =	wrdreg $0x60  }
0xad: {  	[dreg:$0x2] =	wrdreg s0  }
0xae: {  	[dreg:$0x3] =	wrdreg s16  }
0xaf: {  	[dreg:$0x4] =	wrdreg s22  }
0xb0: {  	[dreg:$0x5] =	wrdreg s2  }
0xb1: {  	[dreg:$0x6] =	wrdreg $0x9  }
0xb2: {  	_ =	task.clear_ibuf [dreg:s7], $0x7FFFF;
	_ =	strace $0x90000046  }
0xb3: {  	s26 =	simm.s32 $0x9;
	_ =	strace $0x80000048  }
0xb4: {  	_ =	swait.ge [sflag:s26], $0x1  }
0xb5: {  	[sflag:s26] =	ssyncadd.s32 $0xFFFFFFFF  }
0xb6: {  	_ =	strace $0x90000048  }
0xb7: {  	_ =	sfence  }
0xb8: {  	s28 =	sld [smem:$0x0];
	_ =	sdelay $0x1  }
0xb9: {  	s29 =	srdreg.scid  }
0xba: {  	s30 =	sshll.u32 s29, $0xD;
	s31 =	sshrl.u32 s29, $0x2  }
0xbb: {  	s1 =	sand.u32 $0x1, s29;
	s2 =	sand.u32 $0x4000, s30;
	s0 =	sadd.s32 s31, s28  }
0xbc: {  	s1 =	sor.u32 s2, s1;
	s0 =	sshll.u32 s0, $0x11  }
0xbd: {  	s0 =	sor.u32 s0, s1  }
0xbe: {  	s0 =	sadd.s32 $0x8F2B, s0  }
0xbf: {  	[sflag:s0] =	ssyncadd.remote.s32 $0x1  }
0xc0: {  	_ =	sfence.sel $0xFFFF  }
0xc1: {  	[dreg:$0x0] =	wrdreg $0xFFFFFFFF;
	(pc) =	sbr.abs _section_cstart, $3  }
0xc2: {  	[dreg:$0x1] =	wrdreg $0xFFFFFFFF  }
0xc3: {  	_ =	task.clear_ibuf [dreg:s7], $0x2FFFF;
	_ =	strace $0x9FFFFFFF  }
0xc4: {  	(tm) =	ssettm $0x7FFFFFFF  }
0xc5: {  	_ =	shalt  }
tec
execute0_lowered:
.L_overlay_start_1:
0x0: {  	(tag) =	ssettag $0x1  }
0x1: {  	v0 =	vimm.s32 $0xEDCBA987  }
0x2: {  	v1 =	vimm.s32 $0x65432100;
	v0 =	vunpack.c.l.s4.s8 v0  }
0x3: {  	v1 =	vunpack.c.l.s4.s8 v1  }
0x4: {  	s0 =	rddreg [dreg:$0x0];
	v0 =	vunpack.c.0.s8.s32 v0  }
0x5: {  	s7 =	rddreg [dreg:$0x1];
	v1 =	vunpack.c.0.s8.s32 v1  }
0x6: {  	s3 =	rddreg [dreg:$0x2];
	v9 =	vimm.f32 $-Inf;
	v8 =	vimm.s32 $0xFFFFFFFF;
	v2 =	vand.u32 $0xF, v0  }
0x7: {  	s1 =	rddreg [dreg:$0x3];
	v3 =	vimm.s32 $0x54321000;
	v1 =	vcombine.low v1, v2;
	v2 =	vimm.s32 $0xE40000  }
0x8: {  	s9 =	simm.s32 $0x0;
	v4 =	vimm.s32 $0xDCBA9876;
	v5 =	vimm.s32 $0xBA987654;
	[dreg:$0x6] =	wrdreg s0;
	v2 =	vunpack.c.l.s2.s4 v2  }
0x9: {  	s2 =	stileid.u32;
	s6 =	simm.s32 $0x12180;
	v6 =	vimm.s32 $0x32100000;
	v7 =	vimm.s32 $0x7060504;
	vm0 =	vcmask $0x3F30;
	s0 =	rddreg [dreg:$0x4]  }
0xa: {  	s31 =	simm.s32 $0x2;
	[smem:$0x7FF] =	sst s9;
	v4 =	vunpack.c.l.s4.s8 v4;
	s5 =	sshll.u32 s2, $0x10;
	v5 =	vunpack.c.l.s4.s8 v5;
	v2 =	vunpack.c.l.s4.s8 v2  }
0xb: {  	v3 =	vunpack.c.l.s4.s8 v3;
	s4 =	sadd.s32 $0x800, s3;
	v6 =	vunpack.c.l.s4.s8 v6;
	v7 =	vunpack.c.0.s8.s32 v7;
	_ =	strace $0x80000047;
	[dreg:$0x5] =	wrdreg s5  }
0xc: {  	[tilespmem:s6], [sflag:$0x2] =	stream.linear.gather [hbm4b:s4+s9], $0x80, $0x38;
	v4 =	vunpack.c.0.s8.s32 v4;
	v5 =	vunpack.c.0.s8.s32 v5;
	v2 =	vunpack.c.0.s8.s32 v2;
	[tilespmem:$0x13400] =	vst v63  }
0xd: {  	v3 =	vunpack.c.0.s8.s32 v3;
	v6 =	vunpack.c.0.s8.s32 v6;
	_ =	swait.ge [sflag:s31], $0x80;
	v0 =	vlaneseq.u32  }
0xe: {  	v4 =	vand.u32 $0xF, v4;
	[sflag:s31] =	ssyncset.done $0x0;
	v5 =	vand.u32 $0xF, v5;
	v10 =	vand.u32 $0x3, v2  }
0xf: {  	s29 =	simm.s32 $0xFFFFFFFF;
	s10 =	simm.s32 $0x10080;
	[sflag:s31] =	ssyncadd.s32 $0xFFFFFF80;
	v2 =	vcombine.low v3, v4;
	v3 =	vcombine.low v6, v5;
	v6 =	vimm.s32 $0x0  }
0x10: {  	s11 =	simm.s32 $0x11100;
	s5 =	sadd.s32 $0xC00, s3;
	s4 =	sadd.s32 $0xA00, s3;
	v5 =	vld [tilespmem:$0x12180];
	v4 =	vsel vm0, v7, v10;
	v7 =	vimm.s32 $0xF;
	v10 =	vimm.s32 $0xFFFFFFFF  }
.LBB2_1:
0x11: {  	s6 =	sshrl.u32 s9, $0x7  }
0x12: {  	s3 =	rddreg [dreg:$0x5];
	s13 =	sand.u32 $0x7F, s9;
	s8 =	sshll.u32 s6, $0xF  }
0x13: {  	p0 =	sne.s32 s13, $0x0;
	s14 =	sadd.s32 s3, s8  }
0x14: {  	s12 =	rddreg [dreg:$0x6];
	s3 =	sshrl.u32 @!p0 s14, $0x3  }
0x15: {  	s8 =	sadd.s32 @!p0 s12, s3;
	s12 =	simm.s32 @!p0 $0x0  }
0x16: {  	[tilespmem:s12], [sflag:$0x3] =	stream.linear.gather @!p0 [hbm4b:s8+s12], $0x8000, $0x38;
	[tilespmem:$0x13400] =	vst v63  }
0x17: {  	s8 =	simm.s32 @!p0 $0x3  }
0x18: {  	_ =	swait.ge @!p0 [sflag:s8], $0x8000  }
0x19: {  	s15 =	simm.s32 @!p0 $0x8000;
	p1 =	sne.s32 @!p0 s6, $0x1;
	[sflag:s8] =	ssyncset.done @!p0 $0x0  }
0x1a: {  	p2 =	por !p1, p0;
	s3 =	sadd.s32 @!p0 s7, s3;
	[sflag:s8] =	ssyncadd.s32 @!p0 $0xFFFF8000  }
0x1b: {  	[tilespmem:s15], [sflag:$0x3] =	stream.linear.gather @!p0 [hbm4b:s3+s12], $0x8000, $0x38;
	[tilespmem:$0x13400] =	vst v63  }
0x1c: {  	s3 =	sshrl.u32 @!p2 s14, $0x3;
	_ =	swait.ge @!p0 [sflag:s8], $0x8000  }
0x1d: {  	s6 =	simm.s32 @!p2 $0x0;
	s3 =	sadd.s32 @!p2 s7, s3;
	[sflag:s8] =	ssyncset.done @!p0 $0x0  }
0x1e: {  	s3 =	sadd.s32 @!p2 $0x1000, s3;
	[sflag:s8] =	ssyncadd.s32 @!p0 $0xFFFF8000;
	s8 =	simm.s32 @!p2 $0x10000  }
0x1f: {  	[tilespmem:s8], [sflag:$0x3] =	stream.linear.gather @!p2 [hbm4b:s3+s6], $0x10, $0x38;
	[tilespmem:$0x13400] =	vst v63  }
0x20: {  	s3 =	simm.s32 @!p2 $0x3  }
0x21: {  	_ =	swait.ge @!p2 [sflag:s3], $0x10  }
0x22: {  	p0 =	por p1, p0;
	[sflag:s3] =	ssyncset.done @!p2 $0x0  }
0x23: {  	s15 =	sshll.u32 s13, $0x8;
	v11 =	vimm.s32 @!p0 $0xFFFFFFFF;
	[sflag:s3] =	ssyncadd.s32 @!p2 $0xFFFFFFF0  }
0x24: {  	[tilespmem:$0x10000] =	vst @!p0 v11;
	v11 =	vld [tilespmem:s15+$0x8000]  }
0x25: {  	v12 =	vld [tilespmem:s15+$0x0];
	_ =	sdelay $0x3  }
0x26: {  	v13 =	vld [tilespmem:s15+$0x8001];
	v14 =	vperm.xlane v11, v1  }
0x27: {  	v15 =	vperm.xlane v12, v1  }
0x28: {  	vm0 =	veq.s32 v11, v14  }
0x29: {  	v14 =	vnsel vm0, $0xFF800000, v15  }
0x2a: {  	s6 =	sor.u32 s15, s14;
	v17 =	vperm.xlane v11, v2;
	v16 =	vmax.f32 v12, v14  }
0x2b: {  	v33 =	vor.u32 s6, v0;
	vm6 =	vne.s32 v11, v13;
	v19 =	vperm.xlane v16, v2  }
0x2c: {  	v18 =	vperm.xlane v33, v1;
	vm2 =	veq.s32 v11, v17;
	v13 =	vsel vm6, $0x1, v6  }
0x2d: {  	(xrf0) =	vadd.scan.msk.s32 $0xffff, v13;
	vm1 =	vge.f32 v12, v14;
	v34 =	vnsel vm2, $0xFF800000, v19  }
0x2e: {  	v37 =	vperm.xlane v11, v3;
	v14 =	vsel vm1, v33, v18;
	v36 =	vmax.f32 v16, v34  }
0x2f: {  	v35 =	vperm.xlane v14, v2;
	v38 =	vperm.xlane v36, v3  }
0x30: {  	vm8 =	veq.s32 v11, v37;
	vm7 =	vge.f32 v16, v34  }
0x31: {  	v39 =	vperm.xlane v11, v4;
	v13 =	vsel vm7, v14, v35;
	v15 =	vnsel vm8, $0xFF800000, v38  }
0x32: {  	v14 =	vperm.xlane v13, v3;
	vm1 =	vge.f32 v36, v15;
	v15 =	vmax.f32 v36, v15  }
0x33: {  	vm9 =	veq.s32 v11, v39;
	v41, _, _ =	vpop (xrf0);
	v40 =	vperm.xlane v15, v4  }
0x34: {  	v42 =	vadd.s32 s29, v41;
	v17 =	vxor.u32 $0x80000000, v41;
	v13 =	vsel vm1, v13, v14  }
0x35: {  	vm10 =	veq.s32 v11, v10;
	(xrf0) =	vmax.scan.msk.u32 $0xffff, v17;
	v43 =	vperm.xlane v13, v4;
	v14 =	vnsel vm9, $0xFF800000, v40  }
0x36: {  	v9 =	vnsel vm10, $0xFF800000, v9;
	vm11 =	vge.f32 v15, v14;
	v10 =	vmax.f32 v15, v14  }
0x37: {  	v13 =	vsel vm11, v13, v43;
	vm1 =	vge.f32 v10, v9  }
0x38: {  	v8 =	vsel vm1, v13, v8  }
0x39: {  	v9 =	vmax.f32 v10, v9;
	[tilespmem:v42+s10+$0x0] =	vst.idx.msk vm6, v8  }
0x3a: {  	[tilespmem:v42+s11+$0x0] =	vst.idx.msk vm6, v9  }
0x3b: {  	v10, _, _ =	vpop (xrf0);
	v44 =	vld [tilespmem:s15+$0x8010]  }
0x3c: {  	(v2sf) =	vpush v10, $0xF;
	v10 =	vld [tilespmem:s15+$0x10];
	_ =	sdelay $0x3  }
0x3d: {  	v45 =	vld [tilespmem:s15+$0x8011];
	v46 =	vperm.xlane v44, v1  }
0x3e: {  	v47 =	vperm.xlane v10, v1  }
0x3f: {  	vm12 =	veq.s32 v44, v46  }
0x40: {  	s8 =	sor.u32 $0x10, s15;
	v15 =	vnsel vm12, $0xFF800000, v47  }
0x41: {  	s6 =	sor.u32 s8, s14;
	v50 =	vperm.xlane v44, v2;
	v49 =	vmax.f32 v10, v15  }
0x42: {  	v48 =	vor.u32 s6, v0;
	vm13 =	vne.s32 v44, v45;
	v20 =	vperm.xlane v49, v2  }
0x43: {  	v51 =	vperm.xlane v48, v1;
	v14 =	vsel vm13, $0x1, v6;
	vm15 =	veq.s32 v44, v50  }
0x44: {  	v11 =	vperm.xlane v11, v7;
	(xrf0) =	vadd.scan.msk.s32 $0xffff, v14;
	vm14 =	vge.f32 v10, v15;
	v52 =	vnsel vm15, $0xFF800000, v20  }
0x45: {  	v55 =	vperm.xlane v44, v3;
	v15 =	vsel vm14, v48, v51;
	v54 =	vmax.f32 v49, v52  }
0x46: {  	v12 =	vsub.f32 v12, v5;
	v53 =	vperm.xlane v15, v2;
	v56 =	vperm.xlane v54, v3  }
0x47: {  	v8 =	vperm.xlane v8, v7;
	vm5 =	veq.s32 v44, v55;
	vm4 =	vge.f32 v49, v52  }
0x48: {  	v57 =	vperm.xlane v44, v4;
	v14 =	vsel vm4, v15, v53;
	s6 =	spop (v2sf);
	v16 =	vnsel vm5, $0xFF800000, v56  }
0x49: {  	v15 =	vperm.xlane v14, v3;
	s12 =	sadd.s32 s6, s29;
	vm1 =	vge.f32 v54, v16;
	v16 =	vmax.f32 v54, v16  }
0x4a: {  	v9 =	vperm.xlane v9, v7;
	vm6 =	veq.s32 v44, v57;
	v59, _, _ =	vpop (xrf0);
	s16 =	sadd.s32 $0x80000000, s12;
	v58 =	vperm.xlane v16, v4  }
0x4b: {  	v18 =	vxor.u32 $0x80000000, v59;
	v60 =	vadd.s32 s16, v59;
	v14 =	vsel vm1, v14, v15  }
0x4c: {  	vm7 =	veq.s32 v44, v11;
	(xrf0) =	vmax.scan.msk.u32 $0xffff, v18;
	v61 =	vperm.xlane v14, v4;
	v15 =	vnsel vm6, $0xFF800000, v58  }
0x4d: {  	v9 =	vnsel vm7, $0xFF800000, v9;
	vm8 =	vge.f32 v16, v15;
	v11 =	vmax.f32 v16, v15  }
0x4e: {  	v12 =	vmax.f32 v12, $0.0e+00;
	v14 =	vsel vm8, v14, v61;
	vm1 =	vge.f32 v11, v9  }
0x4f: {  	[tilespmem:s15+$0x0] =	vst v12;
	v8 =	vsel vm1, v14, v8  }
0x50: {  	v9 =	vmax.f32 v11, v9;
	[tilespmem:v60+s10+$0x0] =	vst.idx.msk vm13, v8  }
0x51: {  	[tilespmem:v60+s11+$0x0] =	vst.idx.msk vm13, v9  }
0x52: {  	v11, _, _ =	vpop (xrf0);
	v62 =	vld [tilespmem:s15+$0x8020]  }
0x53: {  	(v2sf) =	vpush v11, $0xF;
	v11 =	vld [tilespmem:s15+$0x20];
	_ =	sdelay $0x3  }
0x54: {  	v63 =	vld [tilespmem:s15+$0x8021];
	v24 =	vperm.xlane v62, v1  }
0x55: {  	v25 =	vperm.xlane v11, v1  }
0x56: {  	vm9 =	veq.s32 v62, v24  }
0x57: {  	s17 =	sor.u32 $0x20, s15;
	v15 =	vnsel vm9, $0xFF800000, v25  }
0x58: {  	s8 =	sor.u32 s17, s14;
	v28 =	vperm.xlane v62, v2;
	v27 =	vmax.f32 v11, v15  }
0x59: {  	v26 =	vor.u32 s8, v0;
	vm10 =	vne.s32 v62, v63;
	v30 =	vperm.xlane v27, v2  }
0x5a: {  	v29 =	vperm.xlane v26, v1;
	v14 =	vsel vm10, $0x1, v6;
	vm12 =	veq.s32 v62, v28  }
0x5b: {  	v13 =	vperm.xlane v44, v7;
	(xrf0) =	vadd.scan.msk.s32 $0xffff, v14;
	vm11 =	vge.f32 v11, v15;
	v31 =	vnsel vm12, $0xFF800000, v30  }
0x5c: {  	v34 =	vperm.xlane v62, v3;
	v15 =	vsel vm11, v26, v29;
	v33 =	vmax.f32 v27, v31  }
0x5d: {  	v10 =	vsub.f32 v10, v5;
	v32 =	vperm.xlane v15, v2;
	v35 =	vperm.xlane v33, v3  }
0x5e: {  	v8 =	vperm.xlane v8, v7;
	vm14 =	veq.s32 v62, v34;
	vm13 =	vge.f32 v27, v31  }
0x5f: {  	v36 =	vperm.xlane v62, v4;
	v14 =	vsel vm13, v15, v32;
	s8 =	spop (v2sf);
	v16 =	vnsel vm14, $0xFF800000, v35  }
0x60: {  	v15 =	vperm.xlane v14, v3;
	s12 =	sadd.s32 s8, s16;
	vm1 =	vge.f32 v33, v16;
	v16 =	vmax.f32 v33, v16  }
0x61: {  	v9 =	vperm.xlane v9, v7;
	vm15 =	veq.s32 v62, v36;
	v38, _, _ =	vpop (xrf0);
	s16 =	sadd.s32 $0x80000000, s12;
	v37 =	vperm.xlane v16, v4  }
0x62: {  	v18 =	vxor.u32 $0x80000000, v38;
	v39 =	vadd.s32 s16, v38;
	v14 =	vsel vm1, v14, v15  }
0x63: {  	vm4 =	veq.s32 v62, v13;
	(xrf0) =	vmax.scan.msk.u32 $0xffff, v18;
	v40 =	vperm.xlane v14, v4;
	v15 =	vnsel vm15, $0xFF800000, v37  }
0x64: {  	v9 =	vnsel vm4, $0xFF800000, v9;
	vm5 =	vge.f32 v16, v15;
	v41 =	vmax.f32 v16, v15  }
0x65: {  	v10 =	vmax.f32 v10, $0.0e+00;
	v14 =	vsel vm5, v14, v40;
	vm1 =	vge.f32 v41, v9  }
0x66: {  	[tilespmem:s15+$0x10] =	vst v10;
	v8 =	vsel vm1, v14, v8  }
0x67: {  	v9 =	vmax.f32 v41, v9;
	[tilespmem:v39+s10+$0x0] =	vst.idx.msk vm10, v8  }
0x68: {  	[tilespmem:v39+s11+$0x0] =	vst.idx.msk vm10, v9  }
0x69: {  	v10, _, _ =	vpop (xrf0);
	v42 =	vld [tilespmem:s15+$0x8030]  }
0x6a: {  	(v2sf) =	vpush v10, $0xF;
	v10 =	vld [tilespmem:s15+$0x30];
	_ =	sdelay $0x3  }
0x6b: {  	v43 =	vld [tilespmem:s15+$0x8031];
	v44 =	vperm.xlane v42, v1  }
0x6c: {  	v45 =	vperm.xlane v10, v1  }
0x6d: {  	vm6 =	veq.s32 v42, v44  }
0x6e: {  	s18 =	sor.u32 $0x30, s15;
	v15 =	vnsel vm6, $0xFF800000, v45  }
0x6f: {  	s12 =	sor.u32 s18, s14;
	v48 =	vperm.xlane v42, v2;
	v47 =	vmax.f32 v10, v15  }
0x70: {  	v46 =	vor.u32 s12, v0;
	vm7 =	vne.s32 v42, v43;
	v50 =	vperm.xlane v47, v2  }
0x71: {  	v49 =	vperm.xlane v46, v1;
	v14 =	vsel vm7, $0x1, v6;
	vm9 =	veq.s32 v42, v48  }
0x72: {  	v12 =	vperm.xlane v62, v7;
	(xrf0) =	vadd.scan.msk.s32 $0xffff, v14;
	vm8 =	vge.f32 v10, v15;
	v51 =	vnsel vm9, $0xFF800000, v50  }
0x73: {  	v54 =	vperm.xlane v42, v3;
	v15 =	vsel vm8, v46, v49;
	v53 =	vmax.f32 v47, v51  }
0x74: {  	v11 =	vsub.f32 v11, v5;
	v52 =	vperm.xlane v15, v2;
	v55 =	vperm.xlane v53, v3  }
0x75: {  	v8 =	vperm.xlane v8, v7;
	vm11 =	veq.s32 v42, v54;
	vm10 =	vge.f32 v47, v51  }
0x76: {  	v56 =	vperm.xlane v42, v4;
	s12 =	spop (v2sf);
	v14 =	vsel vm10, v15, v52;
	v16 =	vnsel vm11, $0xFF800000, v55  }
0x77: {  	s16 =	sadd.s32 s12, s16;
	v15 =	vperm.xlane v14, v3;
	vm1 =	vge.f32 v53, v16;
	v16 =	vmax.f32 v53, v16  }
0x78: {  	v9 =	vperm.xlane v9, v7;
	vm12 =	veq.s32 v42, v56;
	s17 =	sadd.s32 $0x80000000, s16;
	v58, _, _ =	vpop (xrf0);
	v57 =	vperm.xlane v16, v4  }
0x79: {  	v59 =	vadd.s32 s17, v58;
	v18 =	vxor.u32 $0x80000000, v58;
	v14 =	vsel vm1, v14, v15  }
0x7a: {  	vm13 =	veq.s32 v42, v12;
	(xrf0) =	vmax.scan.msk.u32 $0xffff, v18;
	v60 =	vperm.xlane v14, v4;
	v15 =	vnsel vm12, $0xFF800000, v57  }
0x7b: {  	v9 =	vnsel vm13, $0xFF800000, v9;
	vm14 =	vge.f32 v16, v15;
	v61 =	vmax.f32 v16, v15  }
0x7c: {  	v11 =	vmax.f32 v11, $0.0e+00;
	v14 =	vsel vm14, v14, v60;
	vm1 =	vge.f32 v61, v9  }
0x7d: {  	[tilespmem:s15+$0x20] =	vst v11;
	v8 =	vsel vm1, v14, v8  }
0x7e: {  	v9 =	vmax.f32 v61, v9;
	[tilespmem:v59+s10+$0x0] =	vst.idx.msk vm7, v8  }
0x7f: {  	[tilespmem:v59+s11+$0x0] =	vst.idx.msk vm7, v9  }
0x80: {  	v11, _, _ =	vpop (xrf0);
	v62 =	vld [tilespmem:s15+$0x8040]  }
0x81: {  	(v2sf) =	vpush v11, $0xF;
	v11 =	vld [tilespmem:s15+$0x40];
	_ =	sdelay $0x3  }
0x82: {  	v63 =	vld [tilespmem:s15+$0x8041];
	v24 =	vperm.xlane v62, v1  }
0x83: {  	v25 =	vperm.xlane v11, v1  }
0x84: {  	vm15 =	veq.s32 v62, v24  }
0x85: {  	s19 =	sor.u32 $0x40, s15;
	v15 =	vnsel vm15, $0xFF800000, v25  }
0x86: {  	s16 =	sor.u32 s19, s14;
	v28 =	vperm.xlane v62, v2;
	v27 =	vmax.f32 v11, v15  }
0x87: {  	v26 =	vor.u32 s16, v0;
	vm4 =	vne.s32 v62, v63;
	v30 =	vperm.xlane v27, v2  }
0x88: {  	v29 =	vperm.xlane v26, v1;
	v14 =	vsel vm4, $0x1, v6;
	vm6 =	veq.s32 v62, v28  }
0x89: {  	v13 =	vperm.xlane v42, v7;
	(xrf0) =	vadd.scan.msk.s32 $0xffff, v14;
	vm5 =	vge.f32 v11, v15;
	v31 =	vnsel vm6, $0xFF800000, v30  }
0x8a: {  	v34 =	vperm.xlane v62, v3;
	v15 =	vsel vm5, v26, v29;
	v33 =	vmax.f32 v27, v31  }
0x8b: {  	v10 =	vsub.f32 v10, v5;
	v32 =	vperm.xlane v15, v2;
	v35 =	vperm.xlane v33, v3  }
0x8c: {  	v8 =	vperm.xlane v8, v7;
	vm8 =	veq.s32 v62, v34;
	vm7 =	vge.f32 v27, v31  }
0x8d: {  	v36 =	vperm.xlane v62, v4;
	s16 =	spop (v2sf);
	v14 =	vsel vm7, v15, v32;
	v16 =	vnsel vm8, $0xFF800000, v35  }
0x8e: {  	s17 =	sadd.s32 s16, s17;
	v15 =	vperm.xlane v14, v3;
	vm1 =	vge.f32 v33, v16;
	v16 =	vmax.f32 v33, v16  }
0x8f: {  	v9 =	vperm.xlane v9, v7;
	vm9 =	veq.s32 v62, v36;
	s18 =	sadd.s32 $0x80000000, s17;
	v38, _, _ =	vpop (xrf0);
	v37 =	vperm.xlane v16, v4  }
0x90: {  	v39 =	vadd.s32 s18, v38;
	v18 =	vxor.u32 $0x80000000, v38;
	v14 =	vsel vm1, v14, v15  }
0x91: {  	vm10 =	veq.s32 v62, v13;
	(xrf0) =	vmax.scan.msk.u32 $0xffff, v18;
	v40 =	vperm.xlane v14, v4;
	v15 =	vnsel vm9, $0xFF800000, v37  }
0x92: {  	v9 =	vnsel vm10, $0xFF800000, v9;
	vm11 =	vge.f32 v16, v15;
	v41 =	vmax.f32 v16, v15  }
0x93: {  	v10 =	vmax.f32 v10, $0.0e+00;
	v14 =	vsel vm11, v14, v40;
	vm1 =	vge.f32 v41, v9  }
0x94: {  	[tilespmem:s15+$0x30] =	vst v10;
	v8 =	vsel vm1, v14, v8  }
0x95: {  	v9 =	vmax.f32 v41, v9;
	[tilespmem:v39+s10+$0x0] =	vst.idx.msk vm4, v8  }
0x96: {  	[tilespmem:v39+s11+$0x0] =	vst.idx.msk vm4, v9  }
0x97: {  	v10, _, _ =	vpop (xrf0);
	v42 =	vld [tilespmem:s15+$0x8050]  }
0x98: {  	(v2sf) =	vpush v10, $0xF;
	v10 =	vld [tilespmem:s15+$0x50];
	_ =	sdelay $0x3  }
0x99: {  	v43 =	vld [tilespmem:s15+$0x8051];
	v44 =	vperm.xlane v42, v1  }
0x9a: {  	v45 =	vperm.xlane v10, v1  }
0x9b: {  	vm12 =	veq.s32 v42, v44  }
0x9c: {  	s20 =	sor.u32 $0x50, s15;
	v15 =	vnsel vm12, $0xFF800000, v45  }
0x9d: {  	s17 =	sor.u32 s20, s14;
	v48 =	vperm.xlane v42, v2;
	v47 =	vmax.f32 v10, v15  }
0x9e: {  	v46 =	vor.u32 s17, v0;
	vm13 =	vne.s32 v42, v43;
	v50 =	vperm.xlane v47, v2  }
0x9f: {  	v49 =	vperm.xlane v46, v1;
	v14 =	vsel vm13, $0x1, v6;
	vm15 =	veq.s32 v42, v48  }
0xa0: {  	v12 =	vperm.xlane v62, v7;
	(xrf0) =	vadd.scan.msk.s32 $0xffff, v14;
	vm14 =	vge.f32 v10, v15;
	v51 =	vnsel vm15, $0xFF800000, v50  }
0xa1: {  	v54 =	vperm.xlane v42, v3;
	v15 =	vsel vm14, v46, v49;
	v53 =	vmax.f32 v47, v51  }
0xa2: {  	v11 =	vsub.f32 v11, v5;
	v52 =	vperm.xlane v15, v2;
	v55 =	vperm.xlane v53, v3  }
0xa3: {  	v8 =	vperm.xlane v8, v7;
	vm5 =	veq.s32 v42, v54;
	vm4 =	vge.f32 v47, v51  }
0xa4: {  	v56 =	vperm.xlane v42, v4;
	s17 =	spop (v2sf);
	v14 =	vsel vm4, v15, v52;
	v16 =	vnsel vm5, $0xFF800000, v55  }
0xa5: {  	s18 =	sadd.s32 s17, s18;
	v15 =	vperm.xlane v14, v3;
	vm1 =	vge.f32 v53, v16;
	v16 =	vmax.f32 v53, v16  }
0xa6: {  	v9 =	vperm.xlane v9, v7;
	vm6 =	veq.s32 v42, v56;
	s19 =	sadd.s32 $0x80000000, s18;
	v58, _, _ =	vpop (xrf0);
	v57 =	vperm.xlane v16, v4  }
0xa7: {  	v59 =	vadd.s32 s19, v58;
	v18 =	vxor.u32 $0x80000000, v58;
	v14 =	vsel vm1, v14, v15  }
0xa8: {  	vm7 =	veq.s32 v42, v12;
	(xrf0) =	vmax.scan.msk.u32 $0xffff, v18;
	v60 =	vperm.xlane v14, v4;
	v15 =	vnsel vm6, $0xFF800000, v57  }
0xa9: {  	v9 =	vnsel vm7, $0xFF800000, v9;
	vm8 =	vge.f32 v16, v15;
	v61 =	vmax.f32 v16, v15  }
0xaa: {  	v11 =	vmax.f32 v11, $0.0e+00;
	v14 =	vsel vm8, v14, v60;
	vm1 =	vge.f32 v61, v9  }
0xab: {  	[tilespmem:s15+$0x40] =	vst v11;
	v8 =	vsel vm1, v14, v8  }
0xac: {  	v9 =	vmax.f32 v61, v9;
	[tilespmem:v59+s10+$0x0] =	vst.idx.msk vm13, v8  }
0xad: {  	[tilespmem:v59+s11+$0x0] =	vst.idx.msk vm13, v9  }
0xae: {  	v11, _, _ =	vpop (xrf0);
	v62 =	vld [tilespmem:s15+$0x8060]  }
0xaf: {  	(v2sf) =	vpush v11, $0xF;
	v11 =	vld [tilespmem:s15+$0x60];
	_ =	sdelay $0x3  }
0xb0: {  	v63 =	vld [tilespmem:s15+$0x8061];
	v24 =	vperm.xlane v62, v1  }
0xb1: {  	v25 =	vperm.xlane v11, v1  }
0xb2: {  	vm9 =	veq.s32 v62, v24  }
0xb3: {  	s21 =	sor.u32 $0x60, s15;
	v15 =	vnsel vm9, $0xFF800000, v25  }
0xb4: {  	s18 =	sor.u32 s21, s14;
	v28 =	vperm.xlane v62, v2;
	v27 =	vmax.f32 v11, v15  }
0xb5: {  	v26 =	vor.u32 s18, v0;
	vm10 =	vne.s32 v62, v63;
	v30 =	vperm.xlane v27, v2  }
0xb6: {  	v29 =	vperm.xlane v26, v1;
	v14 =	vsel vm10, $0x1, v6;
	vm12 =	veq.s32 v62, v28  }
0xb7: {  	v13 =	vperm.xlane v42, v7;
	(xrf0) =	vadd.scan.msk.s32 $0xffff, v14;
	vm11 =	vge.f32 v11, v15;
	v31 =	vnsel vm12, $0xFF800000, v30  }
0xb8: {  	v34 =	vperm.xlane v62, v3;
	v15 =	vsel vm11, v26, v29;
	v33 =	vmax.f32 v27, v31  }
0xb9: {  	v10 =	vsub.f32 v10, v5;
	v32 =	vperm.xlane v15, v2;
	v35 =	vperm.xlane v33, v3  }
0xba: {  	v8 =	vperm.xlane v8, v7;
	vm14 =	veq.s32 v62, v34;
	vm13 =	vge.f32 v27, v31  }
0xbb: {  	v36 =	vperm.xlane v62, v4;
	s18 =	spop (v2sf);
	v14 =	vsel vm13, v15, v32;
	v16 =	vnsel vm14, $0xFF800000, v35  }
0xbc: {  	s19 =	sadd.s32 s18, s19;
	v15 =	vperm.xlane v14, v3;
	vm1 =	vge.f32 v33, v16;
	v16 =	vmax.f32 v33, v16  }
0xbd: {  	v9 =	vperm.xlane v9, v7;
	vm15 =	veq.s32 v62, v36;
	s20 =	sadd.s32 $0x80000000, s19;
	v38, _, _ =	vpop (xrf0);
	v37 =	vperm.xlane v16, v4  }
0xbe: {  	v39 =	vadd.s32 s20, v38;
	v18 =	vxor.u32 $0x80000000, v38;
	v14 =	vsel vm1, v14, v15  }
0xbf: {  	vm4 =	veq.s32 v62, v13;
	(xrf0) =	vmax.scan.msk.u32 $0xffff, v18;
	v40 =	vperm.xlane v14, v4;
	v15 =	vnsel vm15, $0xFF800000, v37  }
0xc0: {  	v9 =	vnsel vm4, $0xFF800000, v9;
	vm5 =	vge.f32 v16, v15;
	v41 =	vmax.f32 v16, v15  }
0xc1: {  	v10 =	vmax.f32 v10, $0.0e+00;
	v14 =	vsel vm5, v14, v40;
	vm1 =	vge.f32 v41, v9  }
0xc2: {  	[tilespmem:s15+$0x50] =	vst v10;
	v8 =	vsel vm1, v14, v8  }
0xc3: {  	v9 =	vmax.f32 v41, v9;
	[tilespmem:v39+s10+$0x0] =	vst.idx.msk vm10, v8  }
0xc4: {  	[tilespmem:v39+s11+$0x0] =	vst.idx.msk vm10, v9  }
0xc5: {  	v10, _, _ =	vpop (xrf0);
	v42 =	vld [tilespmem:s15+$0x8070]  }
0xc6: {  	(v2sf) =	vpush v10, $0xF;
	v10 =	vld [tilespmem:s15+$0x70];
	_ =	sdelay $0x3  }
0xc7: {  	v43 =	vld [tilespmem:s15+$0x8071];
	v44 =	vperm.xlane v42, v1  }
0xc8: {  	v45 =	vperm.xlane v10, v1  }
0xc9: {  	vm6 =	veq.s32 v42, v44  }
0xca: {  	s22 =	sor.u32 $0x70, s15;
	v15 =	vnsel vm6, $0xFF800000, v45  }
0xcb: {  	s19 =	sor.u32 s22, s14;
	v48 =	vperm.xlane v42, v2;
	v47 =	vmax.f32 v10, v15  }
0xcc: {  	v46 =	vor.u32 s19, v0;
	vm7 =	vne.s32 v42, v43;
	v50 =	vperm.xlane v47, v2  }
0xcd: {  	v49 =	vperm.xlane v46, v1;
	v14 =	vsel vm7, $0x1, v6;
	vm9 =	veq.s32 v42, v48  }
0xce: {  	v12 =	vperm.xlane v62, v7;
	(xrf0) =	vadd.scan.msk.s32 $0xffff, v14;
	vm8 =	vge.f32 v10, v15;
	v51 =	vnsel vm9, $0xFF800000, v50  }
0xcf: {  	v54 =	vperm.xlane v42, v3;
	v15 =	vsel vm8, v46, v49;
	v53 =	vmax.f32 v47, v51  }
0xd0: {  	v11 =	vsub.f32 v11, v5;
	v52 =	vperm.xlane v15, v2;
	v55 =	vperm.xlane v53, v3  }
0xd1: {  	v8 =	vperm.xlane v8, v7;
	vm11 =	veq.s32 v42, v54;
	vm10 =	vge.f32 v47, v51  }
0xd2: {  	v56 =	vperm.xlane v42, v4;
	s19 =	spop (v2sf);
	v14 =	vsel vm10, v15, v52;
	v16 =	vnsel vm11, $0xFF800000, v55  }
0xd3: {  	s20 =	sadd.s32 s19, s20;
	v15 =	vperm.xlane v14, v3;
	vm1 =	vge.f32 v53, v16;
	v16 =	vmax.f32 v53, v16  }
0xd4: {  	v9 =	vperm.xlane v9, v7;
	vm12 =	veq.s32 v42, v56;
	s21 =	sadd.s32 $0x80000000, s20;
	v58, _, _ =	vpop (xrf0);
	v57 =	vperm.xlane v16, v4  }
0xd5: {  	v59 =	vadd.s32 s21, v58;
	v18 =	vxor.u32 $0x80000000, v58;
	v14 =	vsel vm1, v14, v15  }
0xd6: {  	vm13 =	veq.s32 v42, v12;
	(xrf0) =	vmax.scan.msk.u32 $0xffff, v18;
	v60 =	vperm.xlane v14, v4;
	v15 =	vnsel vm12, $0xFF800000, v57  }
0xd7: {  	v9 =	vnsel vm13, $0xFF800000, v9;
	vm14 =	vge.f32 v16, v15;
	v61 =	vmax.f32 v16, v15  }
0xd8: {  	v11 =	vmax.f32 v11, $0.0e+00;
	v14 =	vsel vm14, v14, v60;
	vm1 =	vge.f32 v61, v9  }
0xd9: {  	[tilespmem:s15+$0x60] =	vst v11;
	v8 =	vsel vm1, v14, v8  }
0xda: {  	v9 =	vmax.f32 v61, v9;
	[tilespmem:v59+s10+$0x0] =	vst.idx.msk vm7, v8  }
0xdb: {  	[tilespmem:v59+s11+$0x0] =	vst.idx.msk vm7, v9  }
0xdc: {  	v11, _, _ =	vpop (xrf0);
	v62 =	vld [tilespmem:s15+$0x8080]  }
0xdd: {  	(v2sf) =	vpush v11, $0xF;
	v11 =	vld [tilespmem:s15+$0x80];
	_ =	sdelay $0x3  }
0xde: {  	v63 =	vld [tilespmem:s15+$0x8081];
	v24 =	vperm.xlane v62, v1  }
0xdf: {  	v25 =	vperm.xlane v11, v1  }
0xe0: {  	vm15 =	veq.s32 v62, v24  }
0xe1: {  	s23 =	sor.u32 $0x80, s15;
	v15 =	vnsel vm15, $0xFF800000, v25  }
0xe2: {  	s20 =	sor.u32 s23, s14;
	v28 =	vperm.xlane v62, v2;
	v27 =	vmax.f32 v11, v15  }
0xe3: {  	v26 =	vor.u32 s20, v0;
	vm4 =	vne.s32 v62, v63;
	v30 =	vperm.xlane v27, v2  }
0xe4: {  	v29 =	vperm.xlane v26, v1;
	v14 =	vsel vm4, $0x1, v6;
	vm6 =	veq.s32 v62, v28  }
0xe5: {  	v13 =	vperm.xlane v42, v7;
	(xrf0) =	vadd.scan.msk.s32 $0xffff, v14;
	vm5 =	vge.f32 v11, v15;
	v31 =	vnsel vm6, $0xFF800000, v30  }
0xe6: {  	v34 =	vperm.xlane v62, v3;
	v15 =	vsel vm5, v26, v29;
	v33 =	vmax.f32 v27, v31  }
0xe7: {  	v10 =	vsub.f32 v10, v5;
	v32 =	vperm.xlane v15, v2;
	v35 =	vperm.xlane v33, v3  }
0xe8: {  	v8 =	vperm.xlane v8, v7;
	vm8 =	veq.s32 v62, v34;
	vm7 =	vge.f32 v27, v31  }
0xe9: {  	v36 =	vperm.xlane v62, v4;
	s20 =	spop (v2sf);
	v14 =	vsel vm7, v15, v32;
	v16 =	vnsel vm8, $0xFF800000, v35  }
0xea: {  	s21 =	sadd.s32 s20, s21;
	v15 =	vperm.xlane v14, v3;
	vm1 =	vge.f32 v33, v16;
	v16 =	vmax.f32 v33, v16  }
0xeb: {  	v9 =	vperm.xlane v9, v7;
	vm9 =	veq.s32 v62, v36;
	s22 =	sadd.s32 $0x80000000, s21;
	v38, _, _ =	vpop (xrf0);
	v37 =	vperm.xlane v16, v4  }
0xec: {  	v39 =	vadd.s32 s22, v38;
	v18 =	vxor.u32 $0x80000000, v38;
	v14 =	vsel vm1, v14, v15  }
0xed: {  	vm10 =	veq.s32 v62, v13;
	(xrf0) =	vmax.scan.msk.u32 $0xffff, v18;
	v40 =	vperm.xlane v14, v4;
	v15 =	vnsel vm9, $0xFF800000, v37  }
0xee: {  	v9 =	vnsel vm10, $0xFF800000, v9;
	vm11 =	vge.f32 v16, v15;
	v41 =	vmax.f32 v16, v15  }
0xef: {  	v10 =	vmax.f32 v10, $0.0e+00;
	v14 =	vsel vm11, v14, v40;
	vm1 =	vge.f32 v41, v9  }
0xf0: {  	[tilespmem:s15+$0x70] =	vst v10;
	v8 =	vsel vm1, v14, v8  }
0xf1: {  	v9 =	vmax.f32 v41, v9;
	[tilespmem:v39+s10+$0x0] =	vst.idx.msk vm4, v8  }
0xf2: {  	[tilespmem:v39+s11+$0x0] =	vst.idx.msk vm4, v9  }
0xf3: {  	v10, _, _ =	vpop (xrf0);
	v42 =	vld [tilespmem:s15+$0x8090]  }
0xf4: {  	(v2sf) =	vpush v10, $0xF;
	v10 =	vld [tilespmem:s15+$0x90];
	_ =	sdelay $0x3  }
0xf5: {  	v43 =	vld [tilespmem:s15+$0x8091];
	v44 =	vperm.xlane v42, v1  }
0xf6: {  	v45 =	vperm.xlane v10, v1  }
0xf7: {  	vm12 =	veq.s32 v42, v44  }
0xf8: {  	s24 =	sor.u32 $0x90, s15;
	v15 =	vnsel vm12, $0xFF800000, v45  }
0xf9: {  	s21 =	sor.u32 s24, s14;
	v48 =	vperm.xlane v42, v2;
	v47 =	vmax.f32 v10, v15  }
0xfa: {  	v46 =	vor.u32 s21, v0;
	vm13 =	vne.s32 v42, v43;
	v50 =	vperm.xlane v47, v2  }
0xfb: {  	v49 =	vperm.xlane v46, v1;
	v14 =	vsel vm13, $0x1, v6;
	vm15 =	veq.s32 v42, v48  }
0xfc: {  	v12 =	vperm.xlane v62, v7;
	(xrf0) =	vadd.scan.msk.s32 $0xffff, v14;
	vm14 =	vge.f32 v10, v15;
	v51 =	vnsel vm15, $0xFF800000, v50  }
0xfd: {  	v54 =	vperm.xlane v42, v3;
	v15 =	vsel vm14, v46, v49;
	v53 =	vmax.f32 v47, v51  }
0xfe: {  	v11 =	vsub.f32 v11, v5;
	v52 =	vperm.xlane v15, v2;
	v55 =	vperm.xlane v53, v3  }
0xff: {  	v8 =	vperm.xlane v8, v7;
	vm5 =	veq.s32 v42, v54;
	vm4 =	vge.f32 v47, v51  }
0x100: {  	v56 =	vperm.xlane v42, v4;
	s21 =	spop (v2sf);
	v14 =	vsel vm4, v15, v52;
	v16 =	vnsel vm5, $0xFF800000, v55  }
0x101: {  	s22 =	sadd.s32 s21, s22;
	v15 =	vperm.xlane v14, v3;
	vm1 =	vge.f32 v53, v16;
	v16 =	vmax.f32 v53, v16  }
0x102: {  	v9 =	vperm.xlane v9, v7;
	vm6 =	veq.s32 v42, v56;
	s23 =	sadd.s32 $0x80000000, s22;
	v58, _, _ =	vpop (xrf0);
	v57 =	vperm.xlane v16, v4  }
0x103: {  	v59 =	vadd.s32 s23, v58;
	v18 =	vxor.u32 $0x80000000, v58;
	v14 =	vsel vm1, v14, v15  }
0x104: {  	vm7 =	veq.s32 v42, v12;
	(xrf0) =	vmax.scan.msk.u32 $0xffff, v18;
	v60 =	vperm.xlane v14, v4;
	v15 =	vnsel vm6, $0xFF800000, v57  }
0x105: {  	v9 =	vnsel vm7, $0xFF800000, v9;
	vm8 =	vge.f32 v16, v15;
	v61 =	vmax.f32 v16, v15  }
0x106: {  	v11 =	vmax.f32 v11, $0.0e+00;
	v14 =	vsel vm8, v14, v60;
	vm1 =	vge.f32 v61, v9  }
0x107: {  	[tilespmem:s15+$0x80] =	vst v11;
	v8 =	vsel vm1, v14, v8  }
0x108: {  	v9 =	vmax.f32 v61, v9;
	[tilespmem:v59+s10+$0x0] =	vst.idx.msk vm13, v8  }
0x109: {  	[tilespmem:v59+s11+$0x0] =	vst.idx.msk vm13, v9  }
0x10a: {  	v11, _, _ =	vpop (xrf0);
	v62 =	vld [tilespmem:s15+$0x80A0]  }
0x10b: {  	(v2sf) =	vpush v11, $0xF;
	v11 =	vld [tilespmem:s15+$0xA0];
	_ =	sdelay $0x3  }
0x10c: {  	v63 =	vld [tilespmem:s15+$0x80A1];
	v24 =	vperm.xlane v62, v1  }
0x10d: {  	v25 =	vperm.xlane v11, v1  }
0x10e: {  	vm9 =	veq.s32 v62, v24  }
0x10f: {  	s25 =	sor.u32 $0xA0, s15;
	v15 =	vnsel vm9, $0xFF800000, v25  }
0x110: {  	s22 =	sor.u32 s25, s14;
	v28 =	vperm.xlane v62, v2;
	v27 =	vmax.f32 v11, v15  }
0x111: {  	v26 =	vor.u32 s22, v0;
	vm10 =	vne.s32 v62, v63;
	v30 =	vperm.xlane v27, v2  }
0x112: {  	v29 =	vperm.xlane v26, v1;
	v14 =	vsel vm10, $0x1, v6;
	vm12 =	veq.s32 v62, v28  }
0x113: {  	v13 =	vperm.xlane v42, v7;
	(xrf0) =	vadd.scan.msk.s32 $0xffff, v14;
	vm11 =	vge.f32 v11, v15;
	v31 =	vnsel vm12, $0xFF800000, v30  }
0x114: {  	v34 =	vperm.xlane v62, v3;
	v15 =	vsel vm11, v26, v29;
	v33 =	vmax.f32 v27, v31  }
0x115: {  	v10 =	vsub.f32 v10, v5;
	v32 =	vperm.xlane v15, v2;
	v35 =	vperm.xlane v33, v3  }
0x116: {  	v8 =	vperm.xlane v8, v7;
	vm14 =	veq.s32 v62, v34;
	vm13 =	vge.f32 v27, v31  }
0x117: {  	v36 =	vperm.xlane v62, v4;
	s22 =	spop (v2sf);
	v14 =	vsel vm13, v15, v32;
	v16 =	vnsel vm14, $0xFF800000, v35  }
0x118: {  	s23 =	sadd.s32 s22, s23;
	v15 =	vperm.xlane v14, v3;
	vm1 =	vge.f32 v33, v16;
	v16 =	vmax.f32 v33, v16  }
0x119: {  	v9 =	vperm.xlane v9, v7;
	vm15 =	veq.s32 v62, v36;
	s24 =	sadd.s32 $0x80000000, s23;
	v38, _, _ =	vpop (xrf0);
	v37 =	vperm.xlane v16, v4  }
0x11a: {  	v39 =	vadd.s32 s24, v38;
	v18 =	vxor.u32 $0x80000000, v38;
	v14 =	vsel vm1, v14, v15  }
0x11b: {  	vm4 =	veq.s32 v62, v13;
	(xrf0) =	vmax.scan.msk.u32 $0xffff, v18;
	v40 =	vperm.xlane v14, v4;
	v15 =	vnsel vm15, $0xFF800000, v37  }
0x11c: {  	v9 =	vnsel vm4, $0xFF800000, v9;
	vm5 =	vge.f32 v16, v15;
	v41 =	vmax.f32 v16, v15  }
0x11d: {  	v10 =	vmax.f32 v10, $0.0e+00;
	v14 =	vsel vm5, v14, v40;
	vm1 =	vge.f32 v41, v9  }
0x11e: {  	[tilespmem:s15+$0x90] =	vst v10;
	v8 =	vsel vm1, v14, v8  }
0x11f: {  	v9 =	vmax.f32 v41, v9;
	[tilespmem:v39+s10+$0x0] =	vst.idx.msk vm10, v8  }
0x120: {  	[tilespmem:v39+s11+$0x0] =	vst.idx.msk vm10, v9  }
0x121: {  	v10, _, _ =	vpop (xrf0);
	v42 =	vld [tilespmem:s15+$0x80B0]  }
0x122: {  	(v2sf) =	vpush v10, $0xF;
	v10 =	vld [tilespmem:s15+$0xB0];
	_ =	sdelay $0x3  }
0x123: {  	v43 =	vld [tilespmem:s15+$0x80B1];
	v44 =	vperm.xlane v42, v1  }
0x124: {  	v45 =	vperm.xlane v10, v1  }
0x125: {  	vm6 =	veq.s32 v42, v44  }
0x126: {  	s26 =	sor.u32 $0xB0, s15;
	v15 =	vnsel vm6, $0xFF800000, v45  }
0x127: {  	s23 =	sor.u32 s26, s14;
	v48 =	vperm.xlane v42, v2;
	v47 =	vmax.f32 v10, v15  }
0x128: {  	v46 =	vor.u32 s23, v0;
	vm7 =	vne.s32 v42, v43;
	v50 =	vperm.xlane v47, v2  }
0x129: {  	v49 =	vperm.xlane v46, v1;
	v14 =	vsel vm7, $0x1, v6;
	vm9 =	veq.s32 v42, v48  }
0x12a: {  	v12 =	vperm.xlane v62, v7;
	(xrf0) =	vadd.scan.msk.s32 $0xffff, v14;
	vm8 =	vge.f32 v10, v15;
	v51 =	vnsel vm9, $0xFF800000, v50  }
0x12b: {  	v54 =	vperm.xlane v42, v3;
	v15 =	vsel vm8, v46, v49;
	v53 =	vmax.f32 v47, v51  }
0x12c: {  	v11 =	vsub.f32 v11, v5;
	v52 =	vperm.xlane v15, v2;
	v55 =	vperm.xlane v53, v3  }
0x12d: {  	v8 =	vperm.xlane v8, v7;
	vm11 =	veq.s32 v42, v54;
	vm10 =	vge.f32 v47, v51  }
0x12e: {  	v56 =	vperm.xlane v42, v4;
	s23 =	spop (v2sf);
	v14 =	vsel vm10, v15, v52;
	v16 =	vnsel vm11, $0xFF800000, v55  }
0x12f: {  	s24 =	sadd.s32 s23, s24;
	v15 =	vperm.xlane v14, v3;
	vm1 =	vge.f32 v53, v16;
	v16 =	vmax.f32 v53, v16  }
0x130: {  	v9 =	vperm.xlane v9, v7;
	vm12 =	veq.s32 v42, v56;
	s25 =	sadd.s32 $0x80000000, s24;
	v58, _, _ =	vpop (xrf0);
	v57 =	vperm.xlane v16, v4  }
0x131: {  	v59 =	vadd.s32 s25, v58;
	v18 =	vxor.u32 $0x80000000, v58;
	v14 =	vsel vm1, v14, v15  }
0x132: {  	vm13 =	veq.s32 v42, v12;
	(xrf0) =	vmax.scan.msk.u32 $0xffff, v18;
	v60 =	vperm.xlane v14, v4;
	v15 =	vnsel vm12, $0xFF800000, v57  }
0x133: {  	v9 =	vnsel vm13, $0xFF800000, v9;
	vm14 =	vge.f32 v16, v15;
	v61 =	vmax.f32 v16, v15  }
0x134: {  	v11 =	vmax.f32 v11, $0.0e+00;
	v14 =	vsel vm14, v14, v60;
	vm1 =	vge.f32 v61, v9  }
0x135: {  	[tilespmem:s15+$0xA0] =	vst v11;
	v8 =	vsel vm1, v14, v8  }
0x136: {  	v9 =	vmax.f32 v61, v9;
	[tilespmem:v59+s10+$0x0] =	vst.idx.msk vm7, v8  }
0x137: {  	[tilespmem:v59+s11+$0x0] =	vst.idx.msk vm7, v9  }
0x138: {  	v11, _, _ =	vpop (xrf0);
	v62 =	vld [tilespmem:s15+$0x80C0]  }
0x139: {  	(v2sf) =	vpush v11, $0xF;
	v11 =	vld [tilespmem:s15+$0xC0];
	_ =	sdelay $0x3  }
0x13a: {  	v63 =	vld [tilespmem:s15+$0x80C1];
	v23 =	vperm.xlane v62, v1  }
0x13b: {  	v24 =	vperm.xlane v11, v1  }
0x13c: {  	vm15 =	veq.s32 v62, v23  }
0x13d: {  	s30 =	sor.u32 $0xC0, s15;
	v15 =	vnsel vm15, $0xFF800000, v24  }
0x13e: {  	s24 =	sor.u32 s30, s14;
	v27 =	vperm.xlane v62, v2;
	v26 =	vmax.f32 v11, v15  }
0x13f: {  	v25 =	vor.u32 s24, v0;
	vm4 =	vne.s32 v62, v63;
	v29 =	vperm.xlane v26, v2  }
0x140: {  	v28 =	vperm.xlane v25, v1;
	v14 =	vsel vm4, $0x1, v6;
	vm6 =	veq.s32 v62, v27  }
0x141: {  	v13 =	vperm.xlane v42, v7;
	(xrf0) =	vadd.scan.msk.s32 $0xffff, v14;
	vm5 =	vge.f32 v11, v15;
	v30 =	vnsel vm6, $0xFF800000, v29  }
0x142: {  	v33 =	vperm.xlane v62, v3;
	v15 =	vsel vm5, v25, v28;
	v32 =	vmax.f32 v26, v30  }
0x143: {  	v10 =	vsub.f32 v10, v5;
	v31 =	vperm.xlane v15, v2;
	v34 =	vperm.xlane v32, v3  }
0x144: {  	v8 =	vperm.xlane v8, v7;
	vm8 =	veq.s32 v62, v33;
	vm7 =	vge.f32 v26, v30  }
0x145: {  	v35 =	vperm.xlane v62, v4;
	s24 =	spop (v2sf);
	v14 =	vsel vm7, v15, v31;
	v16 =	vnsel vm8, $0xFF800000, v34  }
0x146: {  	s25 =	sadd.s32 s24, s25;
	v15 =	vperm.xlane v14, v3;
	vm1 =	vge.f32 v32, v16;
	v16 =	vmax.f32 v32, v16  }
0x147: {  	v9 =	vperm.xlane v9, v7;
	vm9 =	veq.s32 v62, v35;
	s26 =	sadd.s32 $0x80000000, s25;
	v37, _, _ =	vpop (xrf0);
	v36 =	vperm.xlane v16, v4  }
0x148: {  	v38 =	vadd.s32 s26, v37;
	v18 =	vxor.u32 $0x80000000, v37;
	v14 =	vsel vm1, v14, v15  }
0x149: {  	vm10 =	veq.s32 v62, v13;
	(xrf0) =	vmax.scan.msk.u32 $0xffff, v18;
	v39 =	vperm.xlane v14, v4;
	v15 =	vnsel vm9, $0xFF800000, v36  }
0x14a: {  	v9 =	vnsel vm10, $0xFF800000, v9;
	vm11 =	vge.f32 v16, v15;
	v40 =	vmax.f32 v16, v15  }
0x14b: {  	v10 =	vmax.f32 v10, $0.0e+00;
	v14 =	vsel vm11, v14, v39;
	vm1 =	vge.f32 v40, v9  }
0x14c: {  	[tilespmem:s15+$0xB0] =	vst v10;
	v8 =	vsel vm1, v14, v8  }
0x14d: {  	v9 =	vmax.f32 v40, v9;
	[tilespmem:v38+s10+$0x0] =	vst.idx.msk vm4, v8  }
0x14e: {  	[tilespmem:v38+s11+$0x0] =	vst.idx.msk vm4, v9  }
0x14f: {  	v10, _, _ =	vpop (xrf0);
	v41 =	vld [tilespmem:s15+$0x80D0]  }
0x150: {  	(v2sf) =	vpush v10, $0xF;
	v10 =	vld [tilespmem:s15+$0xD0];
	_ =	sdelay $0x3  }
0x151: {  	v42 =	vld [tilespmem:s15+$0x80D1];
	v43 =	vperm.xlane v41, v1  }
0x152: {  	v44 =	vperm.xlane v10, v1  }
0x153: {  	vm12 =	veq.s32 v41, v43  }
0x154: {  	s31 =	sor.u32 $0xD0, s15;
	v15 =	vnsel vm12, $0xFF800000, v44  }
0x155: {  	s25 =	sor.u32 s31, s14;
	v47 =	vperm.xlane v41, v2;
	v46 =	vmax.f32 v10, v15  }
0x156: {  	v45 =	vor.u32 s25, v0;
	vm13 =	vne.s32 v41, v42;
	v49 =	vperm.xlane v46, v2  }
0x157: {  	v48 =	vperm.xlane v45, v1;
	v14 =	vsel vm13, $0x1, v6;
	vm15 =	veq.s32 v41, v47  }
0x158: {  	v12 =	vperm.xlane v62, v7;
	(xrf0) =	vadd.scan.msk.s32 $0xffff, v14;
	vm14 =	vge.f32 v10, v15;
	v50 =	vnsel vm15, $0xFF800000, v49  }
0x159: {  	v53 =	vperm.xlane v41, v3;
	v15 =	vsel vm14, v45, v48;
	v52 =	vmax.f32 v46, v50  }
0x15a: {  	v11 =	vsub.f32 v11, v5;
	v51 =	vperm.xlane v15, v2;
	v54 =	vperm.xlane v52, v3  }
0x15b: {  	v8 =	vperm.xlane v8, v7;
	vm5 =	veq.s32 v41, v53;
	vm4 =	vge.f32 v46, v50  }
0x15c: {  	v55 =	vperm.xlane v41, v4;
	s25 =	spop (v2sf);
	v14 =	vsel vm4, v15, v51;
	v16 =	vnsel vm5, $0xFF800000, v54  }
0x15d: {  	s26 =	sadd.s32 s25, s26;
	v15 =	vperm.xlane v14, v3;
	vm1 =	vge.f32 v52, v16;
	v16 =	vmax.f32 v52, v16  }
0x15e: {  	v9 =	vperm.xlane v9, v7;
	vm6 =	veq.s32 v41, v55;
	s28 =	sadd.s32 $0x80000000, s26;
	v57, _, _ =	vpop (xrf0);
	v56 =	vperm.xlane v16, v4  }
0x15f: {  	v58 =	vadd.s32 s28, v57;
	v18 =	vxor.u32 $0x80000000, v57;
	v14 =	vsel vm1, v14, v15  }
0x160: {  	vm7 =	veq.s32 v41, v12;
	(xrf0) =	vmax.scan.msk.u32 $0xffff, v18;
	v59 =	vperm.xlane v14, v4;
	v15 =	vnsel vm6, $0xFF800000, v56  }
0x161: {  	v9 =	vnsel vm7, $0xFF800000, v9;
	vm8 =	vge.f32 v16, v15;
	v60 =	vmax.f32 v16, v15  }
0x162: {  	v11 =	vmax.f32 v11, $0.0e+00;
	v14 =	vsel vm8, v14, v59;
	vm1 =	vge.f32 v60, v9  }
0x163: {  	[tilespmem:s15+$0xC0] =	vst v11;
	v8 =	vsel vm1, v14, v8  }
0x164: {  	v9 =	vmax.f32 v60, v9;
	[tilespmem:v58+s10+$0x0] =	vst.idx.msk vm13, v8  }
0x165: {  	[tilespmem:v58+s11+$0x0] =	vst.idx.msk vm13, v9  }
0x166: {  	v11, _, _ =	vpop (xrf0);
	v61 =	vld [tilespmem:s15+$0x80E0]  }
0x167: {  	(v2sf) =	vpush v11, $0xF;
	v11 =	vld [tilespmem:s15+$0xE0];
	_ =	sdelay $0x3  }
0x168: {  	v62 =	vld [tilespmem:s15+$0x80E1];
	v63 =	vperm.xlane v61, v1  }
0x169: {  	v20 =	vperm.xlane v11, v1  }
0x16a: {  	vm9 =	veq.s32 v61, v63  }
0x16b: {  	s30 =	sor.u32 $0xE0, s15;
	v15 =	vnsel vm9, $0xFF800000, v20  }
0x16c: {  	s26 =	sor.u32 s30, s14;
	v21 =	vperm.xlane v61, v2;
	v16 =	vmax.f32 v11, v15  }
0x16d: {  	v22 =	vor.u32 s26, v0;
	vm10 =	vne.s32 v61, v62;
	v23 =	vperm.xlane v16, v2  }
0x16e: {  	v24 =	vperm.xlane v22, v1;
	v25 =	vsel vm10, $0x1, v6;
	vm11 =	veq.s32 v61, v21  }
0x16f: {  	v13 =	vperm.xlane v41, v7;
	(xrf0) =	vadd.scan.msk.s32 $0xffff, v25;
	vm12 =	vge.f32 v11, v15;
	v26 =	vnsel vm11, $0xFF800000, v23  }
0x170: {  	v28 =	vperm.xlane v61, v3;
	v14 =	vsel vm12, v22, v24;
	v27 =	vmax.f32 v16, v26  }
0x171: {  	v29 =	vperm.xlane v14, v2;
	v30 =	vperm.xlane v27, v3  }
0x172: {  	v10 =	vsub.f32 v10, v5;
	vm13 =	veq.s32 v61, v28;
	vm1 =	vge.f32 v16, v26  }
0x173: {  	v8 =	vperm.xlane v8, v7;
	s26 =	spop (v2sf);
	v14 =	vsel vm1, v14, v29;
	v31 =	vnsel vm13, $0xFF800000, v30  }
0x174: {  	v34 =	vperm.xlane v61, v4;
	s28 =	sadd.s32 s26, s28;
	v32 =	vperm.xlane v14, v3;
	v33 =	vmax.f32 v27, v31  }
0x175: {  	s3 =	smov.u32 s29;
	v9 =	vperm.xlane v9, v7;
	s29 =	sadd.s32 $0x80000000, s28;
	v36, _, _ =	vpop (xrf0);
	vm14 =	vge.f32 v27, v31;
	v35 =	vperm.xlane v33, v4  }
0x176: {  	vm15 =	veq.s32 v61, v34;
	v37 =	vadd.s32 s29, v36;
	v14 =	vsel vm14, v14, v32  }
0x177: {  	vm4 =	veq.s32 v61, v13;
	v38 =	vperm.xlane v14, v4;
	v15 =	vnsel vm15, $0xFF800000, v35  }
0x178: {  	v9 =	vnsel vm4, $0xFF800000, v9;
	vm5 =	vge.f32 v33, v15;
	v39 =	vmax.f32 v33, v15  }
0x179: {  	v10 =	vmax.f32 v10, $0.0e+00;
	v14 =	vsel vm5, v14, v38;
	vm1 =	vge.f32 v39, v9  }
0x17a: {  	[tilespmem:s15+$0xD0] =	vst v10;
	v8 =	vsel vm1, v14, v8  }
0x17b: {  	v9 =	vmax.f32 v39, v9;
	[tilespmem:v37+s10+$0x0] =	vst.idx.msk vm10, v8  }
0x17c: {  	[tilespmem:v37+s11+$0x0] =	vst.idx.msk vm10, v9  }
0x17d: {  	v10 =	vld [tilespmem:s15+$0x80F0]  }
0x17e: {  	v40 =	vld [tilespmem:s15+$0x80F1]  }
0x17f: {  	v41 =	vxor.u32 $0x80000000, v36  }
0x180: {  	(xrf0) =	vmax.scan.msk.u32 $0xffff, v41;
	_ =	sdelay $0x2  }
0x181: {  	vm6 =	vne.s32 v10, v40  }
0x182: {  	v13 =	vsel vm6, $0x1, v6  }
0x183: {  	(xrf0) =	vadd.scan.msk.s32 $0xffff, v13  }
0x184: {  	v42, _, _ =	vpop (xrf0)  }
0x185: {  	(v2sf) =	vpush v42, $0xF;
	v43 =	vld [tilespmem:s15+$0xF0];
	_ =	sdelay $0x3  }
0x186: {  	v44 =	vperm.xlane v10, v1;
	v45, _, _ =	vpop (xrf0)  }
0x187: {  	v46 =	vperm.xlane v43, v1;
	v47 =	vxor.u32 $0x80000000, v45  }
0x188: {  	vm7 =	veq.s32 v10, v44;
	(xrf0) =	vmax.scan.msk.u32 $0xffff, v47  }
0x189: {  	s28 =	sor.u32 $0xF0, s15;
	v13 =	vnsel vm7, $0xFF800000, v46  }
0x18a: {  	s28 =	sor.u32 s28, s14;
	v48 =	vperm.xlane v10, v2;
	v16 =	vmax.f32 v43, v13  }
0x18b: {  	v49 =	vor.u32 s28, v0;
	v50 =	vperm.xlane v16, v2  }
0x18c: {  	v51 =	vperm.xlane v49, v1;
	vm8 =	veq.s32 v10, v48  }
0x18d: {  	v12 =	vperm.xlane v61, v7;
	vm9 =	vge.f32 v43, v13;
	v52 =	vnsel vm8, $0xFF800000, v50  }
0x18e: {  	v55 =	vperm.xlane v10, v3;
	v53 =	vsel vm9, v49, v51;
	v54 =	vmax.f32 v16, v52;
	v56, _, _ =	vpop (xrf0)  }
0x18f: {  	v21 =	vperm.xlane v53, v2;
	v57 =	vperm.xlane v54, v3;
	(v2sf) =	vpush v56, $0xF  }
0x190: {  	v11 =	vsub.f32 v11, v5;
	vm10 =	veq.s32 v10, v55;
	vm1 =	vge.f32 v16, v52  }
0x191: {  	v8 =	vperm.xlane v8, v7;
	s28 =	spop (v2sf);
	v13 =	vsel vm1, v53, v21;
	v58 =	vnsel vm10, $0xFF800000, v57  }
0x192: {  	v60 =	vperm.xlane v10, v4;
	s29 =	sadd.s32 s28, s29;
	v17 =	vperm.xlane v13, v3;
	v59 =	vmax.f32 v54, v58  }
0x193: {  	v9 =	vperm.xlane v9, v7;
	s29 =	sadd.s32 $0x80000000, s29;
	vm11 =	vge.f32 v54, v58;
	v61 =	vperm.xlane v59, v4  }
0x194: {  	vm12 =	veq.s32 v10, v60;
	v62 =	vadd.s32 s29, v45;
	v13 =	vsel vm11, v13, v17  }
0x195: {  	vm13 =	veq.s32 v10, v12;
	v63 =	vperm.xlane v13, v4;
	v16 =	vnsel vm12, $0xFF800000, v61  }
0x196: {  	v9 =	vnsel vm13, $0xFF800000, v9;
	vm14 =	vge.f32 v59, v16;
	v16 =	vmax.f32 v59, v16  }
0x197: {  	v11 =	vmax.f32 v11, $0.0e+00;
	v13 =	vsel vm14, v13, v63;
	vm15 =	vge.f32 v16, v9  }
0x198: {  	[tilespmem:s15+$0xE0] =	vst v11;
	v11 =	vsub.f32 v43, v5;
	v8 =	vsel vm15, v13, v8  }
0x199: {  	p0 =	sne.s32 s13, $0x7F;
	v9 =	vmax.f32 v16, v9;
	[tilespmem:v62+s10+$0x0] =	vst.idx.msk vm6, v8  }
0x19a: {  	s9 =	sadd.s32 $0x1, s9;
	s13 =	sshrl.u32 @!p0 s14, $0x3;
	v11 =	vmax.f32 v11, $0.0e+00;
	[tilespmem:v62+s11+$0x0] =	vst.idx.msk vm6, v9  }
0x19b: {  	p1 =	sne.s32 s9, $0x100;
	s13 =	sadd.s32 @!p0 s1, s13;
	s14 =	simm.s32 @!p0 $0x0;
	[tilespmem:s15+$0xF0] =	vst v11  }
0x19c: {  	[hbm4b:s13+s14] =	stream.linear.scatter @!p0 [tilespmem:s14], [sflag:$0x2], $0x8000, $0x38;
	[tilespmem:$0x13400] =	vst v63  }
.Ltmp0:
0x19d: {  	_ = 	snop;
	(pc) =	sbr.rel @p1 .LBB2_1-.Ltmp0, $4  }
0x19e: {  	s14 =	simm.s32 @!p0 $0x2;
	s13 =	spop (v2sf)  }
0x19f: {  	_ =	swait.ge @!p0 [sflag:s14], $0x8000  }
0x1a0: {  	v10 =	vperm.xlane v10, v7;
	s31 =	sadd.s32 s13, s29;
	[sflag:s14] =	ssyncset.done @!p0 $0x0  }
0x1a1: {  	v8 =	vperm.xlane v8, v7;
	v9 =	vperm.xlane v9, v7;
	s29 =	sadd.s32 $0x80000000, s31;
	[sflag:s14] =	ssyncadd.s32 @!p0 $0xFFFF8000  }
0x1a2: {  	s11 =	sshll.u32 s2, $0xD  }
0x1a3: {  	s9 =	simm.s32 $0x0;
	s10 =	simm.s32 $0x8000;
	s14 =	sadd.s32 s7, s11  }
0x1a4: {  	[tilespmem:s10], [sflag:$0x2] =	stream.linear.gather [hbm4b:s14+s9], $0x10, $0x38;
	[tilespmem:$0x13400] =	vst v63  }
0x1a5: {  	s10 =	simm.s32 $0x2  }
0x1a6: {  	_ =	swait.ge [sflag:s10], $0x10  }
0x1a7: {  	s15 =	simm.s32 $0x8010;
	p0 =	seq.s32 s2, $0xF;
	[sflag:s10] =	ssyncset.done $0x0  }
0x1a8: {  	s11 =	sadd.s32 $0x2000, s11;
	s14 =	sadd.s32 $0x1FFE, s14;
	[sflag:s10] =	ssyncadd.s32 $0xFFFFFFF0  }
0x1a9: {  	v2 =	vld [tilespmem:$0x8000];
	[tilespmem:s15], [sflag:$0x2] =	stream.linear.gather [hbm4b:s14+s9], $0x10, $0x38  }
0x1aa: {  	s31 =	simm.s32 $0x8020;
	s11 =	simm.s32 @p0 $0x0;
	_ =	swait.ge [sflag:s10], $0x10  }
0x1ab: {  	s15 =	sadd.s32 s7, s11;
	s7 =	sadd.s32 $0x10, s29;
	[sflag:s10] =	ssyncset.done $0x0  }
0x1ac: {  	s14 =	sand.u32 $0xF, s29;
	s11 =	simm.s32 $0x1;
	[sflag:s10] =	ssyncadd.s32 $0xFFFFFFF0  }
0x1ad: {  	v4 =	vld [tilespmem:$0x8010];
	[tilespmem:s31], [sflag:$0x2] =	stream.linear.gather [hbm4b:s15+s9], $0x10, $0x38  }
0x1ae: {  	p1 =	slt.s32 s7, $0x1;
	p2 =	sne.s32 s14, $0x0;
	s15 =	sshra.s32 s7, $0x1F  }
0x1af: {  	p1 =	por !p1, !p2;
	_ =	swait.ge [sflag:s10], $0x10;
	s31 =	sshrl.u32 s15, $0x1C  }
0x1b0: {  	p1 =	por !p1, !p1;
	[sflag:s10] =	ssyncset.done $0x0;
	s7 =	sadd.s32 s31, s7  }
0x1b1: {  	s11 =	simm.s32 @!p1 $0x0;
	[sflag:s10] =	ssyncadd.s32 $0xFFFFFFF0;
	s7 =	sshra.s32 s7, $0x4  }
0x1b2: {  	v5 =	vmov s29;
	v8 =	vld [tilespmem:$0x8020];
	s30 =	ssub.s32 s7, s11  }
0x1b3: {  	v9 =	vld [tilespmem:$0x11100];
	p1 =	slt.s32 s30, $0x1  }
.Ltmp1:
0x1b4: {  	_ = 	snop;
	(pc) =	sbr.rel @p1 .LBB2_9-.Ltmp1, $4  }
0x1b5: {  	_ = 	snop  }
0x1b6: {  	v1 =	vmov s2;
	v10 =	vimm.s32 $0x0;
	v6 =	vimm.s32 $0xF;
	s15 =	simm.s32 $0x11100  }
0x1b7: {  	v7 =	vimm.f32 $-Inf;
	s14 =	simm.s32 $0x10080;
	v3 =	vperm.xlane v2, v10;
	s31 =	sadd.s32 $0x1, s29;
	v0 =	vld.idx.msk [tilespmem:v5+s15+$0x0], $0xffff;
	s11 =	sshll.u32 s2, $0x4;
	v4 =	vperm.xlane v4, v6  }
0x1b8: {  	s7 =	simm.s32 $0x1;
	v6 =	vld.idx.msk [tilespmem:v5+s14+$0x0], $0xffff;
	s14 =	sadd.s32 s4, s11;
	s11 =	sadd.s32 s5, s11;
	[tilespmem:$0x12380] =	vst v7;
	v5 =	vperm.xlane v8, v10;
	v2 =	vperm.xlane v9, v10;
	v8 =	vmov s31  }
0x1b9: {  	p2 =	sne.s32 s30, $0x1  }
.Ltmp2:
0x1ba: {  	_ = 	snop;
	(pc) =	sbr.rel @!p2 .LBB2_4-.Ltmp2, $2  }
0x1bb: {  	_ =	sdelay $0x2  }
0x1bc: {  	v9 =	vlaneseq.u32;
	v10 =	vld [tilespmem:s15+$0x0];
	s15 =	sadd.s32 $0xFFFFFFFF, s30;
	p1 =	por $0x0, $0x0  }
0x1bd: {  	_ =	sdelay $0x1  }
0x1be: {  	p2 =	sne.s32 s15, $0x1  }
.Ltmp3:
0x1bf: {  	v11 =	vor.u32 s9, v9;
	(pc) =	sbr.rel @!p2 .LBB2_6-.Ltmp3, $4  }
0x1c0: {  	vm0 =	vlt.s32 v11, v8;
	v10 =	vmax.f32 v7, v10  }
0x1c1: {  	v7 =	vsel vm0, v10, v7  }
0x1c2: {  	s30 =	simm.s32 $0x11110;
	[tilespmem:$0x12380] =	vst v7  }
0x1c3: {  	s31 =	sadd.s32 $0xFFFFFFFF, s15;
	p1 =	por $0x1, $0x1;
	s15 =	simm.s32 $0x0;
	v10 =	vld [tilespmem:s30+$0x0]  }
.LBB2_7:
0x1c4: {  	p2 =	sne.s32 s31, $0x1;
	_ =	sdelay $0x1  }
0x1c5: {  	s15 =	sadd.s32 $0x10, s15  }
.Ltmp4:
0x1c6: {  	v11 =	vor.u32 s15, v9;
	(pc) =	sbr.rel @p2 .LBB2_7-.Ltmp4, $4  }
0x1c7: {  	vm0 =	vlt.s32 v11, v8;
	v10 =	vmax.f32 v7, v10  }
0x1c8: {  	v7 =	vsel vm0, v10, v7  }
0x1c9: {  	s30 =	sadd.s32 $0x10, s30;
	[tilespmem:$0x12380] =	vst v7  }
0x1ca: {  	s31 =	sadd.s32 $0xFFFFFFFF, s31;
	v10 =	vld [tilespmem:s30+$0x0]  }
.LBB2_8:
0x1cb: {  	_ = 	snop  }
0x1cc: {  	s15 =	sadd.s32 @p1 $0x10, s15  }
0x1cd: {  	s9 =	smov.u32 @p1 s15  }
0x1ce: {  	v9 =	vor.u32 s9, v9  }
0x1cf: {  	vm0 =	vlt.s32 v9, v8;
	v9 =	vmax.f32 v7, v10  }
0x1d0: {  	v7 =	vsel vm0, v9, v7  }
0x1d1: {  	[tilespmem:$0x12380] =	vst v7  }
.LBB2_9:
0x1d2: {  	(xrf0) =	vmax.scan.msk.f32 $0xffff, v7;
	_ =	sdelay $0x5  }
0x1d3: {  	vm0 =	vcmask $0x3F0C;
	v7, _, _ =	vpop (xrf0)  }
0x1d4: {  	vm1 =	vcmask $0x3F08;
	v6 =	vsel vm0, v8, v6;
	v7 =	vbroadcast v7, $0xF  }
0x1d5: {  	vm13 =	vcmask $0x704;
	vm2 =	vmmov $0x1;
	v6 =	vsel vm1, v6, v4  }
0x1d6: {  	v6 =	vsel vm2, v3, v6;
	v7 =	vsel vm13, v7, v2  }
0x1d7: {  	[tilespmem:$0x12280] =	vst v6;
	v0 =	vsel vm2, v0, v7  }
0x1d8: {  	[tilespmem:$0x12200] =	vst v0  }
0x1d9: {  	s9 =	simm.s32 $0x0;
	s15 =	simm.s32 $0x12200;
	[bflag:$0x0] =	sbarrier.arrive $0xFFFF  }
0x1da: {  	[hbm4b:s14+s9] =	stream.linear.scatter [tilespmem:s15], [sflag:$0x2], $0x80, $0x38;
	[tilespmem:$0x13400] =	vst v63  }
0x1db: {  	_ =	swait.ge [sflag:s10], $0x80  }
0x1dc: {  	[sflag:s10] =	ssyncset.done $0x0  }
0x1dd: {  	s31 =	simm.s32 $0x12280;
	[sflag:s10] =	ssyncadd.s32 $0xFFFFFF80  }
0x1de: {  	[hbm4b:s11+s9] =	stream.linear.scatter [tilespmem:s31], [sflag:$0x2], $0x80, $0x38;
	[tilespmem:$0x13400] =	vst v63  }
0x1df: {  	_ =	swait.ge [sflag:s10], $0x80  }
0x1e0: {  	[sflag:s10] =	ssyncset.done $0x0  }
0x1e1: {  	[sflag:s10] =	ssyncadd.s32 $0xFFFFFF80  }
0x1e2: {  	s11 =	simm.s32 $0x12400;
	[bflag:$0x0] =	sbarrier.arrive $0xFFFF  }
0x1e3: {  	v0 =	vlaneseq.u32;
	[tilespmem:s11], [sflag:$0x2] =	stream.linear.gather [hbm4b:s5+s9], $0x800, $0x38;
	[tilespmem:$0x13400] =	vst v63  }
0x1e4: {  	v59 =	vmul.u32 $0x80, v0;
	_ =	swait.ge [sflag:s10], $0x800  }
0x1e5: {  	[sflag:s10] =	ssyncset.done $0x0  }
0x1e6: {  	s14 =	simm.s32 $0x12C00;
	v60 =	vor.u32 $0x1, v59;
	[sflag:s10] =	ssyncadd.s32 $0xFFFFF800  }
0x1e7: {  	[tilespmem:s14], [sflag:$0x2] =	stream.linear.gather [hbm4b:s4+s9], $0x800, $0x38;
	[tilespmem:$0x13400] =	vst v63  }
0x1e8: {  	_ =	swait.ge [sflag:s10], $0x800  }
0x1e9: {  	[sflag:s10] =	ssyncset.done $0x0  }
0x1ea: {  	[sflag:s10] =	ssyncadd.s32 $0xFFFFF800  }
0x1eb: {  	v61 =	vld.idx.msk [tilespmem:v60+s14+$0x0], $0xffff  }
0x1ec: {  	v9 =	vld [tilespmem:$0x12180];
	_ =	sdelay $0x2  }
0x1ed: {  	v7 =	vld.idx.msk [tilespmem:v60+s11+$0x0], $0xffff  }
0x1ee: {  	(xrf0) =	vmax.scan.msk.f32 $0xffff, v61  }
0x1ef: {  	v62 =	vxor.u32 $0x80000000, v4;
	v8 =	vld.idx.msk [tilespmem:v59+s14+$0x0], $0xffff;
	(xrf0) =	vmax.scan.msk.f32 $0xffff, v9  }
0x1f0: {  	v63 =	vxor.u32 $0x80000000, v5;
	(xrf0) =	vmax.scan.msk.u32 $0xffff, v62  }
0x1f1: {  	(xrf0) =	vmax.scan.msk.u32 $0xffff, v63  }
0x1f2: {  	vm14 =	vgt.u32 v1, v0;
	vm15 =	veq.s32 v3, v7  }
0x1f3: {  	vm0 =	vmand vm14, vm15  }
0x1f4: {  	v3 =	vnsel vm0, $0xFF800000, v8;
	v1, _, _ =	vpop (xrf0)  }
0x1f5: {  	(xrf0) =	vmax.scan.msk.f32 $0xffff, v3;
	(v2sf) =	vpush v1, $0xF;
	v1, _, _ =	vpop (xrf0)  }
0x1f6: {  	(xrf0) =	vmax.scan.msk.f32 $0xffff, v2;
	(v2sf) =	vpush v1, $0xF;
	v1, _, _ =	vpop (xrf0)  }
0x1f7: {  	v2, _, _ =	vpop (xrf0);
	(v2sf) =	vpush v1, $0xF  }
0x1f8: {  	(v2sf) =	vpush v2, $0xF;
	_ =	sdelay $0x2  }
0x1f9: {  	v1, _, _ =	vpop (xrf0)  }
0x1fa: {  	(v2sf) =	vpush v1, $0xF;
	v2, _, _ =	vpop (xrf0)  }
0x1fb: {  	(v2sf) =	vpush v2, $0xF;
	_ =	sdelay $0x6  }
0x1fc: {  	s5 =	spop (v2sf)  }
0x1fd: {  	s10 =	spop (v2sf)  }
0x1fe: {  	s15 =	spop (v2sf)  }
0x1ff: {  	s30 =	spop (v2sf)  }
0x200: {  	p1 =	sne.s32 s15, s30  }
0x201: {  	s4 =	simm.s32 $0x1;
	v2 =	vor.u32 $0x2, v59;
	p0 =	por p0, p1  }
0x202: {  	s4 =	simm.s32 @!p0 $0x0  }
0x203: {  	s14 =	spop (v2sf);
	s31 =	sadd.s32 s4, s29  }
0x204: {  	s29 =	spop (v2sf);
	p0 =	slt.s32 s31, $0x1  }
0x205: {  	p1 =	sgt.f32 @!p0 s14, s29  }
0x206: {  	v2 =	vld.idx.msk [tilespmem:v2+s11+$0x0], $0xffff  }
0x207: {  	p0 =	por !p1, p0  }
0x208: {  	v1 =	vbroadcast @!p0 v1, $0xF;
	_ =	sdelay $0x1  }
0x209: {  	vm1 =	veq.f32 @!p0 v8, v1  }
0x20a: {  	v1 =	vxor.u32 @!p0 $0x80000000, v2;
	vm0 =	vmand @!p0 vm0, vm1  }
0x20b: {  	v1 =	vnsel @!p0 vm0, $0x7FFFFFFF, v1  }
0x20c: {  	(xrf0) =	vmax.scan.msk.u32 @!p0 $0xffff, v1;
	_ =	sdelay $0x5  }
0x20d: {  	v1, _, _ =	vpop @!p0 (xrf0)  }
0x20e: {  	(v2sf) =	vpush @!p0 v1, $0xF;
	_ =	sdelay $0x5  }
0x20f: {  	s15 =	sadd.s32 $0xF, s31  }
0x210: {  	s29 =	sand.u32 $0xF, s15  }
0x211: {  	s30 =	sshra.s32 s15, $0x1F;
	p6 =	slt.s32 s15, $0x1;
	p2 =	sne.s32 s29, $0x0  }
0x212: {  	s31 =	sshrl.u32 s30, $0x1C;
	p1 =	por !p6, !p2  }
0x213: {  	s5 =	ssub.f32 s5, s10;
	s10 =	sadd.s32 s31, s15;
	p1 =	por !p1, !p1  }
0x214: {  	s10 =	sshra.s32 s10, $0x4;
	s7 =	simm.s32 @!p1 $0x0  }
0x215: {  	s7 =	ssub.s32 s10, s7;
	v1 =	vld @!p0 [tilespmem:$0x10080]  }
0x216: {  	p1 =	slt.s32 s7, $0x1  }
.Ltmp5:
0x217: {  	_ = 	snop;
	(pc) =	sbr.rel @p1 .LBB2_13-.Ltmp5, $4  }
0x218: {  	s5 =	smax.f32 s5, $1.000000000e+00;
	v2 =	vlaneseq.u32 @!p0;
	s11 =	spop @!p0 (v2sf)  }
0x219: {  	v3 =	vmov s5;
	vm0 =	veq.s32 @!p0 v2, $0x0;
	s5 =	sxor.u32 @!p0 $0x80000000, s11  }
0x21a: {  	[tilespmem:$0x12300] =	vst v3;
	v1 =	vsel @!p0 vm0, s5, v1  }
0x21b: {  	[tilespmem:$0x10080] =	vst @!p0 v1  }
0x21c: {  	s4 =	sadd.s32 s6, s4  }
0x21d: {  	s4 =	sadd.s32 s8, s4  }
0x21e: {  	s4 =	sadd.s32 s12, s4  }
0x21f: {  	s4 =	sadd.s32 s16, s4  }
0x220: {  	s4 =	sadd.s32 s17, s4  }
0x221: {  	s4 =	sadd.s32 s18, s4  }
0x222: {  	s4 =	sadd.s32 s19, s4  }
0x223: {  	s4 =	sadd.s32 s20, s4  }
0x224: {  	s4 =	sadd.s32 s21, s4  }
0x225: {  	s4 =	sadd.s32 s22, s4  }
0x226: {  	s4 =	sadd.s32 s23, s4  }
0x227: {  	s4 =	sadd.s32 s24, s4  }
0x228: {  	s4 =	sadd.s32 s25, s4  }
0x229: {  	s4 =	sadd.s32 s26, s4  }
0x22a: {  	s4 =	sadd.s32 s28, s4  }
0x22b: {  	s5 =	sadd.s32 s13, s4;
	s4 =	simm.s32 $0x10080  }
0x22c: {  	s3 =	sadd.s32 s3, s5;
	v1 =	vld [tilespmem:s4+$0x0]  }
0x22d: {  	s3 =	sadd.s32 $0xFFFFFFFF, s3  }
0x22e: {  	v2 =	vmov s3  }
0x22f: {  	vm0 =	vlt.s32 v2, v0  }
0x230: {  	v2 =	vsel vm0, s3, v0  }
0x231: {  	v1 =	vperm.xlane v1, v2;
	_ =	sdelay $0x2  }
0x232: {  	p0 =	sne.s32 s7, $0x1  }
.Ltmp6:
0x233: {  	_ = 	snop;
	(pc) =	sbr.rel @!p0 .LBB2_12-.Ltmp6, $4  }
0x234: {  	s6 =	simm.s32 $0x12300;
	s5 =	simm.s32 $0x1;
	vm0 =	vmmov $0xffff  }
0x235: {  	[hbm4b:s1+s9] =	stream.indirect_vreg.scatter [tilespmem:s6], [sflag:$0x1], $0x1, v1, vm0, $0xb8;
	[tilespmem:$0x13400] =	vst v63  }
0x236: {  	_ =	swait.ge [sflag:s5], $0x10  }
0x237: {  	s7 =	sadd.s32 $0xFFFFFFFF, s7;
	[sflag:s5] =	ssyncset.done $0x0  }
.LBB2_11:
0x238: {  	[sflag:s5] =	ssyncadd.s32 $0xFFFFFFF0;
	s3 =	sadd.s32 $0xFFFFFFF0, s3;
	s4 =	sadd.s32 $0x10, s4  }
0x239: {  	p0 =	sne.s32 s7, $0x1;
	s7 =	sadd.s32 $0xFFFFFFFF, s7;
	v1 =	vld [tilespmem:s4+$0x0];
	_ =	sdelay $0x1  }
0x23a: {  	v2 =	vmov s3  }
0x23b: {  	vm1 =	vlt.s32 v2, v0  }
0x23c: {  	v2 =	vsel vm1, s3, v0  }
0x23d: {  	v1 =	vperm.xlane v1, v2;
	_ =	sdelay $0x3  }
.Ltmp7:
0x23e: {  	(pc) =	sbr.rel @p0 .LBB2_11-.Ltmp7, $4  }
0x23f: {  	_ = 	snop  }
0x240: {  	[hbm4b:s1+s9] =	stream.indirect_vreg.scatter [tilespmem:s6], [sflag:$0x1], $0x1, v1, vm0, $0xb8;
	[tilespmem:$0x13400] =	vst v63  }
0x241: {  	_ =	swait.ge [sflag:s5], $0x10  }
0x242: {  	[sflag:s5] =	ssyncset.done $0x0  }
.LBB2_12:
0x243: {  	[sflag:s5] =	ssyncadd.s32 $0xFFFFFFF0  }
.LBB2_13:
0x244: {  	_ =	sfence.sel $0x180000  }
0x245: {  	[bflag:$0x0] =	sbarrier.arrive $0xFFFF  }
0x246: {  	p0 =	sne.s32 s2, $0x0;
	_ =	strace $0x90000047  }
0x247: {  	s0 =	sadd.s32 @!p0 $0x100000, s0;
	[bflag:$0x2] =	sbarrier.arrive $0xFFFF  }
0x248: {  	[sflag:s0] =	ssyncadd.tile.s32 @!p0 $0x1;
	_ =	shalt  }
.LBB2_4:
.Ltmp8:
0x249: {  	(pc) =	sbr.rel .LBB2_8-.Ltmp8, $2  }
0x24a: {  	_ =	sdelay $0x2  }
0x24b: {  	s15 =	simm.s32 $0x0  }
.LBB2_6:
.Ltmp9:
0x24c: {  	(pc) =	sbr.rel .LBB2_8-.Ltmp9, $2  }
0x24d: {  	_ =	sdelay $0x2  }
0x24e: {  	s15 =	simm.s32 $0x0  }
.Lfunc_end2:
_tile_overlayer_lowered:
.L_overlay_start_2:
0x24f: {  	(tag) =	ssettag $0x2  }
0x250: {  	s0 =	rddreg [dreg:$0x0];
	s2 =	stileid.u32  }
0x251: {  	s1 =	rddreg [dreg:$0x1];
	p0 =	sne.s32 s2, $0x0  }
0x252: {  	s3 =	rddreg [dreg:$0x2];
	[bflag:$0x3] =	sbarrier.arrive $0xFFFF;
	s2 =	simm.s32 @!p0 $0x1C02  }
0x253: {  	[timem:s3], [sflag:s2] =	dma.local @!p0 [hbm:s0], s1  }
0x254: {  	s0 =	simm.s32 @!p0 $0x2  }
0x255: {  	_ =	swait.ge @!p0 [sflag:s0], s1  }
0x256: {  	s1 =	ssub.s32 @!p0 $0x0, s1;
	[sflag:s0] =	ssyncset.done @!p0 $0x0  }
0x257: {  	[sflag:s0] =	ssyncadd.s32 @!p0 s1  }
0x258: {  	[bflag:$0x3] =	sbarrier.arrive $0xFFFF  }
0x259: {  	_ =	shalt  }

</sc_bundles>
